<compile_context>
chip_gen: v7x
topology: tpu7x:2x2x1
jax: 0.10.2.dev20260603
libtpu: 0.0.44.dev20260713+nightly
codegen_flags: <defaults>
</compile_context>

<pallas_src>
import functools

import jax
import jax.numpy as jnp
from jax import lax
from jax.experimental import pallas as pl
from jax.experimental.pallas import tpu as pltpu
from jax.experimental.pallas import tpu_sc as plsc

GROUPS = 32
EPS = 1e-5


_NW = 32


_QR = 4


def _make_sc_sample(B, C, L, T):
    QC = C // _QR
    quads = B * QC
    quads_per = quads // _NW
    NV = T // 16
    mesh = plsc.VectorSubcoreMesh(core_axis_name="c", subcore_axis_name="s")

    @functools.partial(
        pl.kernel,
        mesh=mesh,
        out_type=jax.ShapeDtypeStruct((B, C, T), jnp.float32),
        scratch_types=[
            pltpu.VMEM((L,), jnp.int32),
            pltpu.VMEM((T,), jnp.int32),
            pltpu.VMEM((T,), jnp.int32),
            pltpu.VMEM((_QR * L,), jnp.float32),
            pltpu.VMEM((_QR * L,), jnp.float32),
            pltpu.VMEM((_QR * T,), jnp.float32),
            pltpu.VMEM((_QR * T,), jnp.float32),
            pltpu.SemaphoreType.DMA,
            pltpu.SemaphoreType.DMA,
            pltpu.SemaphoreType.DMA,
            pltpu.SemaphoreType.DMA,
        ],
        compiler_params=pltpu.CompilerParams(needs_layout_passes=False),
    )
    def samp(tab_hbm, cdf_hbm, out_hbm, c_v, cnt_v, idx_v,
             rvA, rvB, ovA, ovB, isA, isB, osA, osB):
        wid = lax.axis_index("s") * 2 + lax.axis_index("c")
        base = wid * quads_per

        def row_src(q, r):
            return tab_hbm.at[q // QC, (q % QC) * _QR + r]

        def row_dst(q, r):
            return out_hbm.at[q // QC, (q % QC) * _QR + r]

        def start_in(q, rv, isem):
            for r in range(_QR):
                pltpu.async_copy(row_src(q, r), rv.at[pl.ds(r * L, L)], isem)

        def start_out(q, ov, osem):
            for r in range(_QR):
                pltpu.async_copy(ov.at[pl.ds(r * T, T)], row_dst(q, r), osem)

        def wait_in(rv, isem):
            for r in range(_QR):
                pltpu.make_async_copy(row_src(base, 0),
                                      rv.at[pl.ds(r * L, L)], isem).wait()

        def wait_out(ov, osem):
            for r in range(_QR):
                pltpu.make_async_copy(ov.at[pl.ds(r * T, T)],
                                      row_dst(base, 0), osem).wait()

        start_in(base, rvA, isA)
        start_in(base + 1, rvB, isB)
        pltpu.sync_copy(cdf_hbm, c_v)

        lane = lax.iota(jnp.int32, 16)

        @plsc.parallel_loop(0, NV, unroll=2)
        def _build_cnt(g):
            tv = g * 16 + lane
            cnt = jnp.zeros((16,), jnp.int32)
            step = L
            while step >= 1:
                cand = jnp.minimum(cnt + step, L)
                probe = plsc.load_gather(c_v, [cand - 1])
                cnt = jnp.where(probe <= tv, cand, cnt)
                step //= 2
            cnt_v[pl.ds(g * 16, 16)] = cnt

        @plsc.parallel_loop(0, NV, unroll=2)
        def _resolve(g):
            ii = g * 16 + lane
            k = cnt_v[pl.ds(g * 16, 16)]
            a = plsc.load_gather(c_v, [jnp.maximum(k - 1, 0)])
            bv = plsc.load_gather(c_v, [jnp.minimum(k, L - 1)])
            fa = plsc.load_gather(cnt_v, [jnp.maximum(a - 1, 0)])
            fa = jnp.where(a == 0, 0, fa)
            take_a = (k == L) | ((ii - a) <= (bv - ii))
            idx_v[pl.ds(g * 16, 16)] = jnp.where(
                k == 0, 0, jnp.where(take_a, fa, k))

        bufs = ((rvA, ovA, isA, osA), (rvB, ovB, isB, osB))

        def outer(g, carry):
            for b, (rv, ov, isem, osem) in enumerate(bufs):
                q = base + 2 * g + b
                wait_in(rv, isem)

                @pl.when(2 * g + b >= 2)
                def _drain():
                    wait_out(ov, osem)

                @plsc.parallel_loop(0, NV, unroll=8)
                def _chunk(k):
                    kk = k * 16
                    iv = idx_v[pl.ds(kk, 16)]
                    for r in range(_QR):
                        src = [iv + r * L] if r else [iv]
                        ov[pl.ds(r * T + kk, 16)] = plsc.load_gather(rv, src)

                start_out(q, ov, osem)
                nxt = jnp.minimum(q + 2, base + quads_per - 1)
                start_in(nxt, rv, isem)
            return carry

        lax.fori_loop(0, quads_per // 2, outer, 0)
        for rv, ov, isem, osem in bufs:
            wait_in(rv, isem)
            wait_out(ov, osem)

    return samp



_TT = 2048


def _group_masks(P, cg, dtype=jnp.float32):
    g = lax.broadcasted_iota(jnp.int32, (GROUPS, P), 0)
    c = lax.broadcasted_iota(jnp.int32, (GROUPS, P), 1)
    m = (c // cg == g).astype(dtype)
    gT = lax.broadcasted_iota(jnp.int32, (P, GROUPS), 1)
    cT = lax.broadcasted_iota(jnp.int32, (P, GROUPS), 0)
    mT = (cT // cg == gT).astype(dtype)
    return m, mT


def _stats_kernel(T, x_ref, w1_ref, b1_ref, w2_ref, b2_ref, stats_ref, gx, sx):
    t = pl.program_id(1)
    nt = pl.num_programs(1)
    x = x_ref[0]

    @pl.when(t == 0)
    def _init():
        gx[...] = jnp.zeros_like(gx)
        sx[...] = jnp.zeros_like(sx)

    xb = x.astype(jnp.bfloat16)
    gx[...] += lax.dot_general(xb, xb, (((1,), (1,)), ((), ())),
                               preferred_element_type=jnp.float32)
    sx[...] += jnp.sum(x, axis=1, keepdims=True)

    @pl.when(t == nt - 1)
    def _finish():
        Gx = gx[...]
        sxv = sx[...]

        def layer_stats(W, b, cg):
            P = W.shape[0]
            WG = jnp.dot(W, Gx, preferred_element_type=jnp.float32)
            q = jnp.sum(WG * W, axis=1, keepdims=True)
            u = jnp.dot(W, sxv, preferred_element_type=jnp.float32)
            sum_y = u + T * b
            sum_y2 = q + 2.0 * b * u + T * (b * b)
            mask, _ = _group_masks(P, cg)
            Sg = jnp.dot(mask, sum_y, preferred_element_type=jnp.float32)
            Qg = jnp.dot(mask, sum_y2, preferred_element_type=jnp.float32)
            n = cg * T
            mean = Sg / n
            var = Qg / n - mean * mean
            return mean, lax.rsqrt(var + EPS)

        m1, i1 = layer_stats(w1_ref[...], b1_ref[...], 256 // GROUPS)
        m2, i2 = layer_stats(w2_ref[...], b2_ref[...], 512 // GROUPS)
        stats_ref[0, 0:32] = m1
        stats_ref[0, 32:64] = i1
        stats_ref[0, 64:96] = m2
        stats_ref[0, 96:128] = i2


def _blockb_kernel(x_ref, smp_ref, stats_ref, w1_ref, b1_ref, g1_ref, be1_ref,
                   w2_ref, b2_ref, g2_ref, be2_ref, w3_ref, b3_ref,
                   feat_ref, y3_ref, s3_ref):
    t = pl.program_id(1)
    x = x_ref[0]
    smp = smp_ref[0]
    st = stats_ref[0]

    _, mT8 = _group_masks(256, 8)
    _, mT16 = _group_masks(512, 16)
    mask8, _ = _group_masks(256, 8)

    y1 = jnp.dot(w1_ref[...], x, preferred_element_type=jnp.float32) + b1_ref[...]
    m1e = jnp.dot(mT8, st[0:32], preferred_element_type=jnp.float32)
    i1e = jnp.dot(mT8, st[32:64], preferred_element_type=jnp.float32)
    h1 = jnp.maximum((y1 - m1e) * i1e * g1_ref[...] + be1_ref[...], 0.0)

    y2 = jnp.dot(w2_ref[...], x, preferred_element_type=jnp.float32) + b2_ref[...]
    m2e = jnp.dot(mT16, st[64:96], preferred_element_type=jnp.float32)
    i2e = jnp.dot(mT16, st[96:128], preferred_element_type=jnp.float32)
    h2 = jnp.maximum((y2 - m2e) * i2e * g2_ref[...] + be2_ref[...], 0.0)
    feat_ref[0] = h2

    w3 = w3_ref[...].astype(jnp.bfloat16)
    y3 = (jnp.dot(w3[:, 0:256], smp.astype(jnp.bfloat16),
                  preferred_element_type=jnp.float32)
          + jnp.dot(w3[:, 256:768], h2.astype(jnp.bfloat16),
                    preferred_element_type=jnp.float32)
          + jnp.dot(w3[:, 768:1024], h1.astype(jnp.bfloat16),
                    preferred_element_type=jnp.float32)
          + b3_ref[...])
    y3_ref[0] = y3.astype(jnp.bfloat16)

    ssum = jnp.dot(mask8, jnp.sum(y3, axis=1, keepdims=True),
                   preferred_element_type=jnp.float32)
    ssq = jnp.dot(mask8, jnp.sum(y3 * y3, axis=1, keepdims=True),
                  preferred_element_type=jnp.float32)

    @pl.when(t == 0)
    def _init():
        s3_ref[...] = jnp.zeros_like(s3_ref)

    s3_ref[0, 0:32] += ssum
    s3_ref[0, 32:64] += ssq


def _normc_kernel(N3, y3_ref, s3_ref, g3_ref, be3_ref, out_ref):
    y = y3_ref[0].astype(jnp.float32)
    st = s3_ref[0]
    m3 = st[0:32] / N3
    v3 = st[32:64] / N3 - m3 * m3
    i3 = lax.rsqrt(v3 + EPS)
    _, mT8 = _group_masks(256, 8)
    me = jnp.dot(mT8, m3, preferred_element_type=jnp.float32)
    ie = jnp.dot(mT8, i3, preferred_element_type=jnp.float32)
    out_ref[0] = jnp.maximum((y - me) * ie * g3_ref[...] + be3_ref[...], 0.0)




def kernel(feature, frame_level_feature, W1, b1, g1, be1, W2, b2, g2, be2,
           W3, b3, g3, be3):
    B, C, T = feature.shape
    L = frame_level_feature.shape[2]
    P1 = W1.shape[0]
    P2 = W2.shape[0]
    nt = T // _TT

    mean_values = jnp.mean(frame_level_feature[0:1], axis=1)[0]
    mean_values = mean_values / jnp.sum(mean_values)
    cdf_values = jnp.cumsum(mean_values)
    cdf_int = (lax.stop_gradient(cdf_values) * T).astype(jnp.int32)
    cdf_int = jnp.minimum(cdf_int, T - 1)

    sampled = _make_sc_sample(B, C, L, T)(frame_level_feature, cdf_int)

    b1c = b1.reshape(P1, 1)
    b2c = b2.reshape(P2, 1)
    b3c = b3.reshape(P1, 1)
    tts = 4096
    stats = pl.pallas_call(
        functools.partial(_stats_kernel, float(T)),
        grid=(B, T // tts),
        in_specs=[
            pl.BlockSpec((1, C, tts), lambda b, t: (b, 0, t)),
            pl.BlockSpec((P1, C), lambda b, t: (0, 0)),
            pl.BlockSpec((P1, 1), lambda b, t: (0, 0)),
            pl.BlockSpec((P2, C), lambda b, t: (0, 0)),
            pl.BlockSpec((P2, 1), lambda b, t: (0, 0)),
        ],
        out_specs=pl.BlockSpec((1, 128, 1), lambda b, t: (b, 0, 0)),
        out_shape=jax.ShapeDtypeStruct((B, 128, 1), jnp.float32),
        scratch_shapes=[
            pltpu.VMEM((C, C), jnp.float32),
            pltpu.VMEM((C, 1), jnp.float32),
        ],
    )(feature, W1, b1c, W2, b2c)

    feat, y3raw, s3 = pl.pallas_call(
        _blockb_kernel,
        grid=(B, nt),
        in_specs=[
            pl.BlockSpec((1, C, _TT), lambda b, t: (b, 0, t)),
            pl.BlockSpec((1, C, _TT), lambda b, t: (b, 0, t)),
            pl.BlockSpec((1, 128, 1), lambda b, t: (b, 0, 0)),
            pl.BlockSpec((P1, C), lambda b, t: (0, 0)),
            pl.BlockSpec((P1, 1), lambda b, t: (0, 0)),
            pl.BlockSpec((P1, 1), lambda b, t: (0, 0)),
            pl.BlockSpec((P1, 1), lambda b, t: (0, 0)),
            pl.BlockSpec((P2, C), lambda b, t: (0, 0)),
            pl.BlockSpec((P2, 1), lambda b, t: (0, 0)),
            pl.BlockSpec((P2, 1), lambda b, t: (0, 0)),
            pl.BlockSpec((P2, 1), lambda b, t: (0, 0)),
            pl.BlockSpec((P1, 4 * P1), lambda b, t: (0, 0)),
            pl.BlockSpec((P1, 1), lambda b, t: (0, 0)),
        ],
        out_specs=[
            pl.BlockSpec((1, P2, _TT), lambda b, t: (b, 0, t)),
            pl.BlockSpec((1, P1, _TT), lambda b, t: (b, 0, t)),
            pl.BlockSpec((1, 64, 1), lambda b, t: (b, 0, 0)),
        ],
        out_shape=[
            jax.ShapeDtypeStruct((B, P2, T), jnp.float32),
            jax.ShapeDtypeStruct((B, P1, T), jnp.bfloat16),
            jax.ShapeDtypeStruct((B, 64, 1), jnp.float32),
        ],
    )(feature, sampled, stats, W1, b1c, g1.reshape(P1, 1), be1.reshape(P1, 1),
      W2, b2c, g2.reshape(P2, 1), be2.reshape(P2, 1), W3, b3c)

    mixed = pl.pallas_call(
        functools.partial(_normc_kernel, float((P1 // GROUPS) * T)),
        grid=(B, nt),
        in_specs=[
            pl.BlockSpec((1, P1, _TT), lambda b, t: (b, 0, t)),
            pl.BlockSpec((1, 64, 1), lambda b, t: (b, 0, 0)),
            pl.BlockSpec((P1, 1), lambda b, t: (0, 0)),
            pl.BlockSpec((P1, 1), lambda b, t: (0, 0)),
        ],
        out_specs=pl.BlockSpec((1, P1, _TT), lambda b, t: (b, 0, t)),
        out_shape=jax.ShapeDtypeStruct((B, P1, T), jnp.float32),
    )(y3raw, s3, g3.reshape(P1, 1), be3.reshape(P1, 1))

    return (mixed, feat)

# --- scband reference (transcript-rebuilt; emitter-appended) ---
"""Pipeline reference for scband-mixup-branch-29102698397869 (READ-ONLY COPY).

The authoritative reference and input builder live on the scoring server;
editing this copy changes nothing except your own understanding.
"""

import jax, jax.numpy as jnp
import numpy as np

GROUPS = 32
EPS = 1e-5

def conv1x1(x, W, b):
    # x: (B, Cin, T), W: (Cout, Cin), b: (Cout,)
    return jnp.einsum('oi,bit->bot', W, x) + b[None, :, None]

def group_norm(x, gamma, beta):
    B, C, T = x.shape
    xg = x.reshape(B, GROUPS, C // GROUPS, T)
    mean = xg.mean(axis=(2, 3), keepdims=True)
    var = xg.var(axis=(2, 3), keepdims=True)
    xg = (xg - mean) / jnp.sqrt(var + EPS)
    x = xg.reshape(B, C, T)
    return x * gamma[None, :, None] + beta[None, :, None]

def setup_inputs(seed: int = 0):
    key = jax.random.key(seed)
    ks = jax.random.split(key, 8)
    B, C, T, L = 8, 256, 4096, 8192
    P = 256
    feature = jax.random.normal(ks[0], (B, C, T), dtype=jnp.float32)
    frame_level_feature = jax.random.uniform(ks[1], (B, C, L), dtype=jnp.float32)
    W1 = jax.random.normal(ks[2], (P, C), dtype=jnp.float32) * 0.02
    b1 = jnp.zeros((P,), dtype=jnp.float32)
    g1 = jnp.ones((P,), dtype=jnp.float32)
    be1 = jnp.zeros((P,), dtype=jnp.float32)
    W2 = jax.random.normal(ks[3], (2 * P, C), dtype=jnp.float32) * 0.02
    b2 = jnp.zeros((2 * P,), dtype=jnp.float32)
    g2 = jnp.ones((2 * P,), dtype=jnp.float32)
    be2 = jnp.zeros((2 * P,), dtype=jnp.float32)
    W3 = jax.random.normal(ks[4], (C, 4 * P), dtype=jnp.float32) * 0.02
    b3 = jnp.zeros((C,), dtype=jnp.float32)
    g3 = jnp.ones((C,), dtype=jnp.float32)
    be3 = jnp.zeros((C,), dtype=jnp.float32)
    return {"feature": feature, "frame_level_feature": frame_level_feature,
            "W1": W1, "b1": b1, "g1": g1, "be1": be1,
            "W2": W2, "b2": b2, "g2": g2, "be2": be2,
            "W3": W3, "b3": b3, "g3": g3, "be3": be3}

def reference(feature, frame_level_feature, W1, b1, g1, be1, W2, b2, g2, be2, W3, b3, g3, be3):
    fm_short = jax.nn.relu(group_norm(conv1x1(feature, W1, b1), g1, be1))
    feat = jax.nn.relu(group_norm(conv1x1(feature, W2, b2), g2, be2))
    t = feat.shape[2]
    # inverse CDF sampling (indices are non-differentiable, as in torch .int().tolist())
    mean_values = jnp.mean(frame_level_feature, axis=1)[0]
    mean_values = mean_values / jnp.sum(mean_values)
    cdf_values = jnp.cumsum(mean_values)
    cdf_int = (jax.lax.stop_gradient(cdf_values) * t).astype(jnp.int32)
    cdf_int = jnp.minimum(cdf_int, t - 1)
    ii = jnp.arange(t, dtype=jnp.int32)
    # findNearNum: first index of value closest to i (argmin = first occurrence)
    idxs = jnp.argmin(jnp.abs(cdf_int[None, :] - ii[:, None]), axis=1)
    sampled_feature = jnp.take(frame_level_feature, idxs, axis=2)
    mixed_feature = jnp.concatenate([sampled_feature, feat, fm_short], axis=1)
    mixed_feature = jax.nn.relu(group_norm(conv1x1(mixed_feature, W3, b3), g3, be3))
    return (mixed_feature, feat)

if __name__ == "__main__":
    import jax
    _d = setup_inputs()
    print(jax.jit(kernel)(*tuple(_d.values())))

</pallas_src>

<mosaic_0001>
#map = affine_map<(d0, d1) -> (0, 0, 0)>
#map1 = affine_map<(d0, d1) -> (0)>
module attributes {stable_mosaic.version = 14 : i64} {
  func.func @samp(%arg0: i32, %arg1: i32, %arg2: memref<8x256x8192xf32, #tpu.memory_space<hbm>>, %arg3: memref<8192xi32, #tpu.memory_space<hbm>>, %arg4: memref<8x256x4096xf32, #tpu.memory_space<hbm>>, %arg5: memref<8192xi32, #tpu.memory_space<vmem>>, %arg6: memref<4096xi32, #tpu.memory_space<vmem>>, %arg7: memref<4096xi32, #tpu.memory_space<vmem>>, %arg8: memref<32768xf32, #tpu.memory_space<vmem>>, %arg9: memref<32768xf32, #tpu.memory_space<vmem>>, %arg10: memref<16384xf32, #tpu.memory_space<vmem>>, %arg11: memref<16384xf32, #tpu.memory_space<vmem>>, %arg12: memref<!tpu.dma_semaphore, #tpu.memory_space<semaphore_mem>>, %arg13: memref<!tpu.dma_semaphore, #tpu.memory_space<semaphore_mem>>, %arg14: memref<!tpu.dma_semaphore, #tpu.memory_space<semaphore_mem>>, %arg15: memref<!tpu.dma_semaphore, #tpu.memory_space<semaphore_mem>>) attributes {dimension_semantics = [#tpu.dimension_semantics<core_parallel>, #tpu.dimension_semantics<subcore_parallel>], iteration_bounds = array<i64: 2, 16>, scalar_prefetch = 0 : i64, scratch_operands = 11 : i64, tpu.core_type = #tpu.core_type<sc_vector_subcore>, window_params = [{transform_indices = #map}, {transform_indices = #map1}, {transform_indices = #map}]} {
    %mul3A = arith.constant 2 : i32
    %mul3A_0 = arith.muli %arg1, %mul3A : i32
    %add3A = arith.addi %mul3A_0, %arg0 : i32
    %mul3A_1 = arith.constant 16 : i32
    %mul3A_2 = arith.muli %add3A, %mul3A_1 : i32
    %jit3A = arith.constant 64 : i32
    %div3A = arith.divsi %mul3A_2, %jit3A : i32
    %sign3A = arith.constant 0 : i32
    %sign3A_3 = arith.cmpi sgt, %mul3A_2, %sign3A : i32
    %sign3A_4 = arith.extui %sign3A_3 : i1 to i32
    %sign3A_5 = arith.constant 0 : i32
    %sign3A_6 = arith.cmpi slt, %mul3A_2, %sign3A_5 : i32
    %sign3A_7 = arith.extui %sign3A_6 : i1 to i32
    %sign3A_8 = arith.subi %sign3A_4, %sign3A_7 : i32
    %sign3A_9 = arith.constant 0 : i32
    %sign3A_10 = arith.cmpi sgt, %jit3A, %sign3A_9 : i32
    %sign3A_11 = arith.extui %sign3A_10 : i1 to i32
    %sign3A_12 = arith.constant 0 : i32
    %sign3A_13 = arith.cmpi slt, %jit3A, %sign3A_12 : i32
    %sign3A_14 = arith.extui %sign3A_13 : i1 to i32
    %sign3A_15 = arith.subi %sign3A_11, %sign3A_14 : i32
    %ne3A = arith.cmpi ne, %sign3A_8, %sign3A_15 : i32
    %rem3A = arith.remsi %mul3A_2, %jit3A : i32
    %ne3A_16 = arith.constant 0 : i32
    %ne3A_17 = arith.cmpi ne, %rem3A, %ne3A_16 : i32
    %and3A = arith.andi %ne3A, %ne3A_17 : i1
    %sub3A = arith.constant 1 : i32
    %sub3A_18 = arith.subi %div3A, %sub3A : i32
    %select_n3A = arith.select %and3A, %sub3A_18, %div3A : i32
    %jit3A_19 = arith.constant 64 : i32
    %eq3A = arith.constant 0 : i32
    %eq3A_20 = arith.cmpi eq, %jit3A_19, %eq3A : i32
    %jit3A_21 = arith.constant 1 : i32
    %select_n3A_22 = arith.select %eq3A_20, %jit3A_21, %jit3A_19 : i32
    %rem3A_23 = arith.remsi %mul3A_2, %select_n3A_22 : i32
    %ne3A_24 = arith.constant 0 : i32
    %ne3A_25 = arith.cmpi ne, %rem3A_23, %ne3A_24 : i32
    %lt3A = arith.constant 0 : i32
    %lt3A_26 = arith.cmpi slt, %rem3A_23, %lt3A : i32
    %lt3A_27 = arith.constant 0 : i32
    %lt3A_28 = arith.cmpi slt, %select_n3A_22, %lt3A_27 : i32
    %ne3A_29 = arith.xori %lt3A_26, %lt3A_28 : i1
    %and3A_30 = arith.andi %ne3A_29, %ne3A_25 : i1
    %add3A_31 = arith.addi %rem3A_23, %select_n3A_22 : i32
    %select_n3A_32 = arith.select %and3A_30, %add3A_31, %rem3A_23 : i32
    %mul3A_33 = arith.constant 4 : i32
    %mul3A_34 = arith.muli %select_n3A_32, %mul3A_33 : i32
    %add3A_35 = arith.constant 0 : i32
    %add3A_36 = arith.addi %mul3A_34, %add3A_35 : i32
    %dma_start3A = arith.constant 0 : i32
    %dma_start3A_37 = tpu.memref_slice %arg8[%dma_start3A] : memref<32768xf32, #tpu.memory_space<vmem>> -> memref<8192xf32, #tpu.memory_space<vmem>>
    %dma_start3A_38 = arith.constant 0 : i32
    %dma_start3A_39 = tpu.memref_slice %arg2[%select_n3A, %add3A_36, %dma_start3A_38] : memref<8x256x8192xf32, #tpu.memory_space<hbm>> -> memref<1x1x8192xf32, #tpu.memory_space<hbm>>
    %dma_start3A_40 = tpu.memref_squeeze %dma_start3A_39 : memref<1x1x8192xf32, #tpu.memory_space<hbm>> -> memref<8192xf32, #tpu.memory_space<hbm>>
    %dma_start3A_41 = arith.constant 0 : i32
    %dma_start3A_42 = tpu.memref_slice %arg8[%dma_start3A_41] : memref<32768xf32, #tpu.memory_space<vmem>> -> memref<8192xf32, #tpu.memory_space<vmem>>
    %dma_start3A_43 = arith.constant 0 : i32
    %dma_start3A_44 = tpu.memref_slice %arg2[%select_n3A, %add3A_36, %dma_start3A_43] : memref<8x256x8192xf32, #tpu.memory_space<hbm>> -> memref<1x1x8192xf32, #tpu.memory_space<hbm>>
    %dma_start3A_45 = tpu.memref_squeeze %dma_start3A_44 : memref<1x1x8192xf32, #tpu.memory_space<hbm>> -> memref<8192xf32, #tpu.memory_space<hbm>>
    tpu.enqueue_dma source(%dma_start3A_45 : memref<8192xf32, #tpu.memory_space<hbm>>) target(%dma_start3A_42 : memref<8192xf32, #tpu.memory_space<vmem>>) target_semaphore(%arg12 : memref<!tpu.dma_semaphore, #tpu.memory_space<semaphore_mem>>)
    %jit3A_46 = arith.constant 64 : i32
    %div3A_47 = arith.divsi %mul3A_2, %jit3A_46 : i32
    %sign3A_48 = arith.constant 0 : i32
    %sign3A_49 = arith.cmpi sgt, %mul3A_2, %sign3A_48 : i32
    %sign3A_50 = arith.extui %sign3A_49 : i1 to i32
    %sign3A_51 = arith.constant 0 : i32
    %sign3A_52 = arith.cmpi slt, %mul3A_2, %sign3A_51 : i32
    %sign3A_53 = arith.extui %sign3A_52 : i1 to i32
    %sign3A_54 = arith.subi %sign3A_50, %sign3A_53 : i32
    %sign3A_55 = arith.constant 0 : i32
    %sign3A_56 = arith.cmpi sgt, %jit3A_46, %sign3A_55 : i32
    %sign3A_57 = arith.extui %sign3A_56 : i1 to i32
    %sign3A_58 = arith.constant 0 : i32
    %sign3A_59 = arith.cmpi slt, %jit3A_46, %sign3A_58 : i32
    %sign3A_60 = arith.extui %sign3A_59 : i1 to i32
    %sign3A_61 = arith.subi %sign3A_57, %sign3A_60 : i32
    %ne3A_62 = arith.cmpi ne, %sign3A_54, %sign3A_61 : i32
    %rem3A_63 = arith.remsi %mul3A_2, %jit3A_46 : i32
    %ne3A_64 = arith.constant 0 : i32
    %ne3A_65 = arith.cmpi ne, %rem3A_63, %ne3A_64 : i32
    %and3A_66 = arith.andi %ne3A_62, %ne3A_65 : i1
    %sub3A_67 = arith.constant 1 : i32
    %sub3A_68 = arith.subi %div3A_47, %sub3A_67 : i32
    %select_n3A_69 = arith.select %and3A_66, %sub3A_68, %div3A_47 : i32
    %jit3A_70 = arith.constant 64 : i32
    %eq3A_71 = arith.constant 0 : i32
    %eq3A_72 = arith.cmpi eq, %jit3A_70, %eq3A_71 : i32
    %jit3A_73 = arith.constant 1 : i32
    %select_n3A_74 = arith.select %eq3A_72, %jit3A_73, %jit3A_70 : i32
    %rem3A_75 = arith.remsi %mul3A_2, %select_n3A_74 : i32
    %ne3A_76 = arith.constant 0 : i32
    %ne3A_77 = arith.cmpi ne, %rem3A_75, %ne3A_76 : i32
    %lt3A_78 = arith.constant 0 : i32
    %lt3A_79 = arith.cmpi slt, %rem3A_75, %lt3A_78 : i32
    %lt3A_80 = arith.constant 0 : i32
    %lt3A_81 = arith.cmpi slt, %select_n3A_74, %lt3A_80 : i32
    %ne3A_82 = arith.xori %lt3A_79, %lt3A_81 : i1
    %and3A_83 = arith.andi %ne3A_82, %ne3A_77 : i1
    %add3A_84 = arith.addi %rem3A_75, %select_n3A_74 : i32
    %select_n3A_85 = arith.select %and3A_83, %add3A_84, %rem3A_75 : i32
    %mul3A_86 = arith.constant 4 : i32
    %mul3A_87 = arith.muli %select_n3A_85, %mul3A_86 : i32
    %add3A_88 = arith.constant 1 : i32
    %add3A_89 = arith.addi %mul3A_87, %add3A_88 : i32
    %dma_start3A_90 = arith.constant 8192 : i32
    %dma_start3A_91 = tpu.memref_slice %arg8[%dma_start3A_90] : memref<32768xf32, #tpu.memory_space<vmem>> -> memref<8192xf32, #tpu.memory_space<vmem>>
    %dma_start3A_92 = arith.constant 0 : i32
    %dma_start3A_93 = tpu.memref_slice %arg2[%select_n3A_69, %add3A_89, %dma_start3A_92] : memref<8x256x8192xf32, #tpu.memory_space<hbm>> -> memref<1x1x8192xf32, #tpu.memory_space<hbm>>
    %dma_start3A_94 = tpu.memref_squeeze %dma_start3A_93 : memref<1x1x8192xf32, #tpu.memory_space<hbm>> -> memref<8192xf32, #tpu.memory_space<hbm>>
    %dma_start3A_95 = arith.constant 8192 : i32
    %dma_start3A_96 = tpu.memref_slice %arg8[%dma_start3A_95] : memref<32768xf32, #tpu.memory_space<vmem>> -> memref<8192xf32, #tpu.memory_space<vmem>>
    %dma_start3A_97 = arith.constant 0 : i32
    %dma_start3A_98 = tpu.memref_slice %arg2[%select_n3A_69, %add3A_89, %dma_start3A_97] : memref<8x256x8192xf32, #tpu.memory_space<hbm>> -> memref<1x1x8192xf32, #tpu.memory_space<hbm>>
    %dma_start3A_99 = tpu.memref_squeeze %dma_start3A_98 : memref<1x1x8192xf32, #tpu.memory_space<hbm>> -> memref<8192xf32, #tpu.memory_space<hbm>>
    tpu.enqueue_dma source(%dma_start3A_99 : memref<8192xf32, #tpu.memory_space<hbm>>) target(%dma_start3A_96 : memref<8192xf32, #tpu.memory_space<vmem>>) target_semaphore(%arg12 : memref<!tpu.dma_semaphore, #tpu.memory_space<semaphore_mem>>)
    %jit3A_100 = arith.constant 64 : i32
    %div3A_101 = arith.divsi %mul3A_2, %jit3A_100 : i32
    %sign3A_102 = arith.constant 0 : i32
    %sign3A_103 = arith.cmpi sgt, %mul3A_2, %sign3A_102 : i32
    %sign3A_104 = arith.extui %sign3A_103 : i1 to i32
    %sign3A_105 = arith.constant 0 : i32
    %sign3A_106 = arith.cmpi slt, %mul3A_2, %sign3A_105 : i32
    %sign3A_107 = arith.extui %sign3A_106 : i1 to i32
    %sign3A_108 = arith.subi %sign3A_104, %sign3A_107 : i32
    %sign3A_109 = arith.constant 0 : i32
    %sign3A_110 = arith.cmpi sgt, %jit3A_100, %sign3A_109 : i32
    %sign3A_111 = arith.extui %sign3A_110 : i1 to i32
    %sign3A_112 = arith.constant 0 : i32
    %sign3A_113 = arith.cmpi slt, %jit3A_100, %sign3A_112 : i32
    %sign3A_114 = arith.extui %sign3A_113 : i1 to i32
    %sign3A_115 = arith.subi %sign3A_111, %sign3A_114 : i32
    %ne3A_116 = arith.cmpi ne, %sign3A_108, %sign3A_115 : i32
    %rem3A_117 = arith.remsi %mul3A_2, %jit3A_100 : i32
    %ne3A_118 = arith.constant 0 : i32
    %ne3A_119 = arith.cmpi ne, %rem3A_117, %ne3A_118 : i32
    %and3A_120 = arith.andi %ne3A_116, %ne3A_119 : i1
    %sub3A_121 = arith.constant 1 : i32
    %sub3A_122 = arith.subi %div3A_101, %sub3A_121 : i32
    %select_n3A_123 = arith.select %and3A_120, %sub3A_122, %div3A_101 : i32
    %jit3A_124 = arith.constant 64 : i32
    %eq3A_125 = arith.constant 0 : i32
    %eq3A_126 = arith.cmpi eq, %jit3A_124, %eq3A_125 : i32
    %jit3A_127 = arith.constant 1 : i32
    %select_n3A_128 = arith.select %eq3A_126, %jit3A_127, %jit3A_124 : i32
    %rem3A_129 = arith.remsi %mul3A_2, %select_n3A_128 : i32
    %ne3A_130 = arith.constant 0 : i32
    %ne3A_131 = arith.cmpi ne, %rem3A_129, %ne3A_130 : i32
    %lt3A_132 = arith.constant 0 : i32
    %lt3A_133 = arith.cmpi slt, %rem3A_129, %lt3A_132 : i32
    %lt3A_134 = arith.constant 0 : i32
    %lt3A_135 = arith.cmpi slt, %select_n3A_128, %lt3A_134 : i32
    %ne3A_136 = arith.xori %lt3A_133, %lt3A_135 : i1
    %and3A_137 = arith.andi %ne3A_136, %ne3A_131 : i1
    %add3A_138 = arith.addi %rem3A_129, %select_n3A_128 : i32
    %select_n3A_139 = arith.select %and3A_137, %add3A_138, %rem3A_129 : i32
    %mul3A_140 = arith.constant 4 : i32
    %mul3A_141 = arith.muli %select_n3A_139, %mul3A_140 : i32
    %add3A_142 = arith.constant 2 : i32
    %add3A_143 = arith.addi %mul3A_141, %add3A_142 : i32
    %dma_start3A_144 = arith.constant 16384 : i32
    %dma_start3A_145 = tpu.memref_slice %arg8[%dma_start3A_144] : memref<32768xf32, #tpu.memory_space<vmem>> -> memref<8192xf32, #tpu.memory_space<vmem>>
    %dma_start3A_146 = arith.constant 0 : i32
    %dma_start3A_147 = tpu.memref_slice %arg2[%select_n3A_123, %add3A_143, %dma_start3A_146] : memref<8x256x8192xf32, #tpu.memory_space<hbm>> -> memref<1x1x8192xf32, #tpu.memory_space<hbm>>
    %dma_start3A_148 = tpu.memref_squeeze %dma_start3A_147 : memref<1x1x8192xf32, #tpu.memory_space<hbm>> -> memref<8192xf32, #tpu.memory_space<hbm>>
    %dma_start3A_149 = arith.constant 16384 : i32
    %dma_start3A_150 = tpu.memref_slice %arg8[%dma_start3A_149] : memref<32768xf32, #tpu.memory_space<vmem>> -> memref<8192xf32, #tpu.memory_space<vmem>>
    %dma_start3A_151 = arith.constant 0 : i32
    %dma_start3A_152 = tpu.memref_slice %arg2[%select_n3A_123, %add3A_143, %dma_start3A_151] : memref<8x256x8192xf32, #tpu.memory_space<hbm>> -> memref<1x1x8192xf32, #tpu.memory_space<hbm>>
    %dma_start3A_153 = tpu.memref_squeeze %dma_start3A_152 : memref<1x1x8192xf32, #tpu.memory_space<hbm>> -> memref<8192xf32, #tpu.memory_space<hbm>>
    tpu.enqueue_dma source(%dma_start3A_153 : memref<8192xf32, #tpu.memory_space<hbm>>) target(%dma_start3A_150 : memref<8192xf32, #tpu.memory_space<vmem>>) target_semaphore(%arg12 : memref<!tpu.dma_semaphore, #tpu.memory_space<semaphore_mem>>)
    %jit3A_154 = arith.constant 64 : i32
    %div3A_155 = arith.divsi %mul3A_2, %jit3A_154 : i32
    %sign3A_156 = arith.constant 0 : i32
    %sign3A_157 = arith.cmpi sgt, %mul3A_2, %sign3A_156 : i32
    %sign3A_158 = arith.extui %sign3A_157 : i1 to i32
    %sign3A_159 = arith.constant 0 : i32
    %sign3A_160 = arith.cmpi slt, %mul3A_2, %sign3A_159 : i32
    %sign3A_161 = arith.extui %sign3A_160 : i1 to i32
    %sign3A_162 = arith.subi %sign3A_158, %sign3A_161 : i32
    %sign3A_163 = arith.constant 0 : i32
    %sign3A_164 = arith.cmpi sgt, %jit3A_154, %sign3A_163 : i32
    %sign3A_165 = arith.extui %sign3A_164 : i1 to i32
    %sign3A_166 = arith.constant 0 : i32
    %sign3A_167 = arith.cmpi slt, %jit3A_154, %sign3A_166 : i32
    %sign3A_168 = arith.extui %sign3A_167 : i1 to i32
    %sign3A_169 = arith.subi %sign3A_165, %sign3A_168 : i32
    %ne3A_170 = arith.cmpi ne, %sign3A_162, %sign3A_169 : i32
    %rem3A_171 = arith.remsi %mul3A_2, %jit3A_154 : i32
    %ne3A_172 = arith.constant 0 : i32
    %ne3A_173 = arith.cmpi ne, %rem3A_171, %ne3A_172 : i32
    %and3A_174 = arith.andi %ne3A_170, %ne3A_173 : i1
    %sub3A_175 = arith.constant 1 : i32
    %sub3A_176 = arith.subi %div3A_155, %sub3A_175 : i32
    %select_n3A_177 = arith.select %and3A_174, %sub3A_176, %div3A_155 : i32
    %jit3A_178 = arith.constant 64 : i32
    %eq3A_179 = arith.constant 0 : i32
    %eq3A_180 = arith.cmpi eq, %jit3A_178, %eq3A_179 : i32
    %jit3A_181 = arith.constant 1 : i32
    %select_n3A_182 = arith.select %eq3A_180, %jit3A_181, %jit3A_178 : i32
    %rem3A_183 = arith.remsi %mul3A_2, %select_n3A_182 : i32
    %ne3A_184 = arith.constant 0 : i32
    %ne3A_185 = arith.cmpi ne, %rem3A_183, %ne3A_184 : i32
    %lt3A_186 = arith.constant 0 : i32
    %lt3A_187 = arith.cmpi slt, %rem3A_183, %lt3A_186 : i32
    %lt3A_188 = arith.constant 0 : i32
    %lt3A_189 = arith.cmpi slt, %select_n3A_182, %lt3A_188 : i32
    %ne3A_190 = arith.xori %lt3A_187, %lt3A_189 : i1
    %and3A_191 = arith.andi %ne3A_190, %ne3A_185 : i1
    %add3A_192 = arith.addi %rem3A_183, %select_n3A_182 : i32
    %select_n3A_193 = arith.select %and3A_191, %add3A_192, %rem3A_183 : i32
    %mul3A_194 = arith.constant 4 : i32
    %mul3A_195 = arith.muli %select_n3A_193, %mul3A_194 : i32
    %add3A_196 = arith.constant 3 : i32
    %add3A_197 = arith.addi %mul3A_195, %add3A_196 : i32
    %dma_start3A_198 = arith.constant 24576 : i32
    %dma_start3A_199 = tpu.memref_slice %arg8[%dma_start3A_198] : memref<32768xf32, #tpu.memory_space<vmem>> -> memref<8192xf32, #tpu.memory_space<vmem>>
    %dma_start3A_200 = arith.constant 0 : i32
    %dma_start3A_201 = tpu.memref_slice %arg2[%select_n3A_177, %add3A_197, %dma_start3A_200] : memref<8x256x8192xf32, #tpu.memory_space<hbm>> -> memref<1x1x8192xf32, #tpu.memory_space<hbm>>
    %dma_start3A_202 = tpu.memref_squeeze %dma_start3A_201 : memref<1x1x8192xf32, #tpu.memory_space<hbm>> -> memref<8192xf32, #tpu.memory_space<hbm>>
    %dma_start3A_203 = arith.constant 24576 : i32
    %dma_start3A_204 = tpu.memref_slice %arg8[%dma_start3A_203] : memref<32768xf32, #tpu.memory_space<vmem>> -> memref<8192xf32, #tpu.memory_space<vmem>>
    %dma_start3A_205 = arith.constant 0 : i32
    %dma_start3A_206 = tpu.memref_slice %arg2[%select_n3A_177, %add3A_197, %dma_start3A_205] : memref<8x256x8192xf32, #tpu.memory_space<hbm>> -> memref<1x1x8192xf32, #tpu.memory_space<hbm>>
    %dma_start3A_207 = tpu.memref_squeeze %dma_start3A_206 : memref<1x1x8192xf32, #tpu.memory_space<hbm>> -> memref<8192xf32, #tpu.memory_space<hbm>>
    tpu.enqueue_dma source(%dma_start3A_207 : memref<8192xf32, #tpu.memory_space<hbm>>) target(%dma_start3A_204 : memref<8192xf32, #tpu.memory_space<vmem>>) target_semaphore(%arg12 : memref<!tpu.dma_semaphore, #tpu.memory_space<semaphore_mem>>)
    %add3A_208 = arith.constant 1 : i32
    %add3A_209 = arith.addi %mul3A_2, %add3A_208 : i32
    %jit3A_210 = arith.constant 64 : i32
    %div3A_211 = arith.divsi %add3A_209, %jit3A_210 : i32
    %sign3A_212 = arith.constant 0 : i32
    %sign3A_213 = arith.cmpi sgt, %add3A_209, %sign3A_212 : i32
    %sign3A_214 = arith.extui %sign3A_213 : i1 to i32
    %sign3A_215 = arith.constant 0 : i32
    %sign3A_216 = arith.cmpi slt, %add3A_209, %sign3A_215 : i32
    %sign3A_217 = arith.extui %sign3A_216 : i1 to i32
    %sign3A_218 = arith.subi %sign3A_214, %sign3A_217 : i32
    %sign3A_219 = arith.constant 0 : i32
    %sign3A_220 = arith.cmpi sgt, %jit3A_210, %sign3A_219 : i32
    %sign3A_221 = arith.extui %sign3A_220 : i1 to i32
    %sign3A_222 = arith.constant 0 : i32
    %sign3A_223 = arith.cmpi slt, %jit3A_210, %sign3A_222 : i32
    %sign3A_224 = arith.extui %sign3A_223 : i1 to i32
    %sign3A_225 = arith.subi %sign3A_221, %sign3A_224 : i32
    %ne3A_226 = arith.cmpi ne, %sign3A_218, %sign3A_225 : i32
    %rem3A_227 = arith.remsi %add3A_209, %jit3A_210 : i32
    %ne3A_228 = arith.constant 0 : i32
    %ne3A_229 = arith.cmpi ne, %rem3A_227, %ne3A_228 : i32
    %and3A_230 = arith.andi %ne3A_226, %ne3A_229 : i1
    %sub3A_231 = arith.constant 1 : i32
    %sub3A_232 = arith.subi %div3A_211, %sub3A_231 : i32
    %select_n3A_233 = arith.select %and3A_230, %sub3A_232, %div3A_211 : i32
    %jit3A_234 = arith.constant 64 : i32
    %eq3A_235 = arith.constant 0 : i32
    %eq3A_236 = arith.cmpi eq, %jit3A_234, %eq3A_235 : i32
    %jit3A_237 = arith.constant 1 : i32
    %select_n3A_238 = arith.select %eq3A_236, %jit3A_237, %jit3A_234 : i32
    %rem3A_239 = arith.remsi %add3A_209, %select_n3A_238 : i32
    %ne3A_240 = arith.constant 0 : i32
    %ne3A_241 = arith.cmpi ne, %rem3A_239, %ne3A_240 : i32
    %lt3A_242 = arith.constant 0 : i32
    %lt3A_243 = arith.cmpi slt, %rem3A_239, %lt3A_242 : i32
    %lt3A_244 = arith.constant 0 : i32
    %lt3A_245 = arith.cmpi slt, %select_n3A_238, %lt3A_244 : i32
    %ne3A_246 = arith.xori %lt3A_243, %lt3A_245 : i1
    %and3A_247 = arith.andi %ne3A_246, %ne3A_241 : i1
    %add3A_248 = arith.addi %rem3A_239, %select_n3A_238 : i32
    %select_n3A_249 = arith.select %and3A_247, %add3A_248, %rem3A_239 : i32
    %mul3A_250 = arith.constant 4 : i32
    %mul3A_251 = arith.muli %select_n3A_249, %mul3A_250 : i32
    %add3A_252 = arith.constant 0 : i32
    %add3A_253 = arith.addi %mul3A_251, %add3A_252 : i32
    %dma_start3A_254 = arith.constant 0 : i32
    %dma_start3A_255 = tpu.memref_slice %arg9[%dma_start3A_254] : memref<32768xf32, #tpu.memory_space<vmem>> -> memref<8192xf32, #tpu.memory_space<vmem>>
    %dma_start3A_256 = arith.constant 0 : i32
    %dma_start3A_257 = tpu.memref_slice %arg2[%select_n3A_233, %add3A_253, %dma_start3A_256] : memref<8x256x8192xf32, #tpu.memory_space<hbm>> -> memref<1x1x8192xf32, #tpu.memory_space<hbm>>
    %dma_start3A_258 = tpu.memref_squeeze %dma_start3A_257 : memref<1x1x8192xf32, #tpu.memory_space<hbm>> -> memref<8192xf32, #tpu.memory_space<hbm>>
    %dma_start3A_259 = arith.constant 0 : i32
    %dma_start3A_260 = tpu.memref_slice %arg9[%dma_start3A_259] : memref<32768xf32, #tpu.memory_space<vmem>> -> memref<8192xf32, #tpu.memory_space<vmem>>
    %dma_start3A_261 = arith.constant 0 : i32
    %dma_start3A_262 = tpu.memref_slice %arg2[%select_n3A_233, %add3A_253, %dma_start3A_261] : memref<8x256x8192xf32, #tpu.memory_space<hbm>> -> memref<1x1x8192xf32, #tpu.memory_space<hbm>>
    %dma_start3A_263 = tpu.memref_squeeze %dma_start3A_262 : memref<1x1x8192xf32, #tpu.memory_space<hbm>> -> memref<8192xf32, #tpu.memory_space<hbm>>
    tpu.enqueue_dma source(%dma_start3A_263 : memref<8192xf32, #tpu.memory_space<hbm>>) target(%dma_start3A_260 : memref<8192xf32, #tpu.memory_space<vmem>>) target_semaphore(%arg13 : memref<!tpu.dma_semaphore, #tpu.memory_space<semaphore_mem>>)
    %jit3A_264 = arith.constant 64 : i32
    %div3A_265 = arith.divsi %add3A_209, %jit3A_264 : i32
    %sign3A_266 = arith.constant 0 : i32
    %sign3A_267 = arith.cmpi sgt, %add3A_209, %sign3A_266 : i32
    %sign3A_268 = arith.extui %sign3A_267 : i1 to i32
    %sign3A_269 = arith.constant 0 : i32
    %sign3A_270 = arith.cmpi slt, %add3A_209, %sign3A_269 : i32
    %sign3A_271 = arith.extui %sign3A_270 : i1 to i32
    %sign3A_272 = arith.subi %sign3A_268, %sign3A_271 : i32
    %sign3A_273 = arith.constant 0 : i32
    %sign3A_274 = arith.cmpi sgt, %jit3A_264, %sign3A_273 : i32
    %sign3A_275 = arith.extui %sign3A_274 : i1 to i32
    %sign3A_276 = arith.constant 0 : i32
    %sign3A_277 = arith.cmpi slt, %jit3A_264, %sign3A_276 : i32
    %sign3A_278 = arith.extui %sign3A_277 : i1 to i32
    %sign3A_279 = arith.subi %sign3A_275, %sign3A_278 : i32
    %ne3A_280 = arith.cmpi ne, %sign3A_272, %sign3A_279 : i32
    %rem3A_281 = arith.remsi %add3A_209, %jit3A_264 : i32
    %ne3A_282 = arith.constant 0 : i32
    %ne3A_283 = arith.cmpi ne, %rem3A_281, %ne3A_282 : i32
    %and3A_284 = arith.andi %ne3A_280, %ne3A_283 : i1
    %sub3A_285 = arith.constant 1 : i32
    %sub3A_286 = arith.subi %div3A_265, %sub3A_285 : i32
    %select_n3A_287 = arith.select %and3A_284, %sub3A_286, %div3A_265 : i32
    %jit3A_288 = arith.constant 64 : i32
    %eq3A_289 = arith.constant 0 : i32
    %eq3A_290 = arith.cmpi eq, %jit3A_288, %eq3A_289 : i32
    %jit3A_291 = arith.constant 1 : i32
    %select_n3A_292 = arith.select %eq3A_290, %jit3A_291, %jit3A_288 : i32
    %rem3A_293 = arith.remsi %add3A_209, %select_n3A_292 : i32
    %ne3A_294 = arith.constant 0 : i32
    %ne3A_295 = arith.cmpi ne, %rem3A_293, %ne3A_294 : i32
    %lt3A_296 = arith.constant 0 : i32
    %lt3A_297 = arith.cmpi slt, %rem3A_293, %lt3A_296 : i32
    %lt3A_298 = arith.constant 0 : i32
    %lt3A_299 = arith.cmpi slt, %select_n3A_292, %lt3A_298 : i32
    %ne3A_300 = arith.xori %lt3A_297, %lt3A_299 : i1
    %and3A_301 = arith.andi %ne3A_300, %ne3A_295 : i1
    %add3A_302 = arith.addi %rem3A_293, %select_n3A_292 : i32
    %select_n3A_303 = arith.select %and3A_301, %add3A_302, %rem3A_293 : i32
    %mul3A_304 = arith.constant 4 : i32
    %mul3A_305 = arith.muli %select_n3A_303, %mul3A_304 : i32
    %add3A_306 = arith.constant 1 : i32
    %add3A_307 = arith.addi %mul3A_305, %add3A_306 : i32
    %dma_start3A_308 = arith.constant 8192 : i32
    %dma_start3A_309 = tpu.memref_slice %arg9[%dma_start3A_308] : memref<32768xf32, #tpu.memory_space<vmem>> -> memref<8192xf32, #tpu.memory_space<vmem>>
    %dma_start3A_310 = arith.constant 0 : i32
    %dma_start3A_311 = tpu.memref_slice %arg2[%select_n3A_287, %add3A_307, %dma_start3A_310] : memref<8x256x8192xf32, #tpu.memory_space<hbm>> -> memref<1x1x8192xf32, #tpu.memory_space<hbm>>
    %dma_start3A_312 = tpu.memref_squeeze %dma_start3A_311 : memref<1x1x8192xf32, #tpu.memory_space<hbm>> -> memref<8192xf32, #tpu.memory_space<hbm>>
    %dma_start3A_313 = arith.constant 8192 : i32
    %dma_start3A_314 = tpu.memref_slice %arg9[%dma_start3A_313] : memref<32768xf32, #tpu.memory_space<vmem>> -> memref<8192xf32, #tpu.memory_space<vmem>>
    %dma_start3A_315 = arith.constant 0 : i32
    %dma_start3A_316 = tpu.memref_slice %arg2[%select_n3A_287, %add3A_307, %dma_start3A_315] : memref<8x256x8192xf32, #tpu.memory_space<hbm>> -> memref<1x1x8192xf32, #tpu.memory_space<hbm>>
    %dma_start3A_317 = tpu.memref_squeeze %dma_start3A_316 : memref<1x1x8192xf32, #tpu.memory_space<hbm>> -> memref<8192xf32, #tpu.memory_space<hbm>>
    tpu.enqueue_dma source(%dma_start3A_317 : memref<8192xf32, #tpu.memory_space<hbm>>) target(%dma_start3A_314 : memref<8192xf32, #tpu.memory_space<vmem>>) target_semaphore(%arg13 : memref<!tpu.dma_semaphore, #tpu.memory_space<semaphore_mem>>)
    %jit3A_318 = arith.constant 64 : i32
    %div3A_319 = arith.divsi %add3A_209, %jit3A_318 : i32
    %sign3A_320 = arith.constant 0 : i32
    %sign3A_321 = arith.cmpi sgt, %add3A_209, %sign3A_320 : i32
    %sign3A_322 = arith.extui %sign3A_321 : i1 to i32
    %sign3A_323 = arith.constant 0 : i32
    %sign3A_324 = arith.cmpi slt, %add3A_209, %sign3A_323 : i32
    %sign3A_325 = arith.extui %sign3A_324 : i1 to i32
    %sign3A_326 = arith.subi %sign3A_322, %sign3A_325 : i32
    %sign3A_327 = arith.constant 0 : i32
    %sign3A_328 = arith.cmpi sgt, %jit3A_318, %sign3A_327 : i32
    %sign3A_329 = arith.extui %sign3A_328 : i1 to i32
    %sign3A_330 = arith.constant 0 : i32
    %sign3A_331 = arith.cmpi slt, %jit3A_318, %sign3A_330 : i32
    %sign3A_332 = arith.extui %sign3A_331 : i1 to i32
    %sign3A_333 = arith.subi %sign3A_329, %sign3A_332 : i32
    %ne3A_334 = arith.cmpi ne, %sign3A_326, %sign3A_333 : i32
    %rem3A_335 = arith.remsi %add3A_209, %jit3A_318 : i32
    %ne3A_336 = arith.constant 0 : i32
    %ne3A_337 = arith.cmpi ne, %rem3A_335, %ne3A_336 : i32
    %and3A_338 = arith.andi %ne3A_334, %ne3A_337 : i1
    %sub3A_339 = arith.constant 1 : i32
    %sub3A_340 = arith.subi %div3A_319, %sub3A_339 : i32
    %select_n3A_341 = arith.select %and3A_338, %sub3A_340, %div3A_319 : i32
    %jit3A_342 = arith.constant 64 : i32
    %eq3A_343 = arith.constant 0 : i32
    %eq3A_344 = arith.cmpi eq, %jit3A_342, %eq3A_343 : i32
    %jit3A_345 = arith.constant 1 : i32
    %select_n3A_346 = arith.select %eq3A_344, %jit3A_345, %jit3A_342 : i32
    %rem3A_347 = arith.remsi %add3A_209, %select_n3A_346 : i32
    %ne3A_348 = arith.constant 0 : i32
    %ne3A_349 = arith.cmpi ne, %rem3A_347, %ne3A_348 : i32
    %lt3A_350 = arith.constant 0 : i32
    %lt3A_351 = arith.cmpi slt, %rem3A_347, %lt3A_350 : i32
    %lt3A_352 = arith.constant 0 : i32
    %lt3A_353 = arith.cmpi slt, %select_n3A_346, %lt3A_352 : i32
    %ne3A_354 = arith.xori %lt3A_351, %lt3A_353 : i1
    %and3A_355 = arith.andi %ne3A_354, %ne3A_349 : i1
    %add3A_356 = arith.addi %rem3A_347, %select_n3A_346 : i32
    %select_n3A_357 = arith.select %and3A_355, %add3A_356, %rem3A_347 : i32
    %mul3A_358 = arith.constant 4 : i32
    %mul3A_359 = arith.muli %select_n3A_357, %mul3A_358 : i32
    %add3A_360 = arith.constant 2 : i32
    %add3A_361 = arith.addi %mul3A_359, %add3A_360 : i32
    %dma_start3A_362 = arith.constant 16384 : i32
    %dma_start3A_363 = tpu.memref_slice %arg9[%dma_start3A_362] : memref<32768xf32, #tpu.memory_space<vmem>> -> memref<8192xf32, #tpu.memory_space<vmem>>
    %dma_start3A_364 = arith.constant 0 : i32
    %dma_start3A_365 = tpu.memref_slice %arg2[%select_n3A_341, %add3A_361, %dma_start3A_364] : memref<8x256x8192xf32, #tpu.memory_space<hbm>> -> memref<1x1x8192xf32, #tpu.memory_space<hbm>>
    %dma_start3A_366 = tpu.memref_squeeze %dma_start3A_365 : memref<1x1x8192xf32, #tpu.memory_space<hbm>> -> memref<8192xf32, #tpu.memory_space<hbm>>
    %dma_start3A_367 = arith.constant 16384 : i32
    %dma_start3A_368 = tpu.memref_slice %arg9[%dma_start3A_367] : memref<32768xf32, #tpu.memory_space<vmem>> -> memref<8192xf32, #tpu.memory_space<vmem>>
    %dma_start3A_369 = arith.constant 0 : i32
    %dma_start3A_370 = tpu.memref_slice %arg2[%select_n3A_341, %add3A_361, %dma_start3A_369] : memref<8x256x8192xf32, #tpu.memory_space<hbm>> -> memref<1x1x8192xf32, #tpu.memory_space<hbm>>
    %dma_start3A_371 = tpu.memref_squeeze %dma_start3A_370 : memref<1x1x8192xf32, #tpu.memory_space<hbm>> -> memref<8192xf32, #tpu.memory_space<hbm>>
    tpu.enqueue_dma source(%dma_start3A_371 : memref<8192xf32, #tpu.memory_space<hbm>>) target(%dma_start3A_368 : memref<8192xf32, #tpu.memory_space<vmem>>) target_semaphore(%arg13 : memref<!tpu.dma_semaphore, #tpu.memory_space<semaphore_mem>>)
    %jit3A_372 = arith.constant 64 : i32
    %div3A_373 = arith.divsi %add3A_209, %jit3A_372 : i32
    %sign3A_374 = arith.constant 0 : i32
    %sign3A_375 = arith.cmpi sgt, %add3A_209, %sign3A_374 : i32
    %sign3A_376 = arith.extui %sign3A_375 : i1 to i32
    %sign3A_377 = arith.constant 0 : i32
    %sign3A_378 = arith.cmpi slt, %add3A_209, %sign3A_377 : i32
    %sign3A_379 = arith.extui %sign3A_378 : i1 to i32
    %sign3A_380 = arith.subi %sign3A_376, %sign3A_379 : i32
    %sign3A_381 = arith.constant 0 : i32
    %sign3A_382 = arith.cmpi sgt, %jit3A_372, %sign3A_381 : i32
    %sign3A_383 = arith.extui %sign3A_382 : i1 to i32
    %sign3A_384 = arith.constant 0 : i32
    %sign3A_385 = arith.cmpi slt, %jit3A_372, %sign3A_384 : i32
    %sign3A_386 = arith.extui %sign3A_385 : i1 to i32
    %sign3A_387 = arith.subi %sign3A_383, %sign3A_386 : i32
    %ne3A_388 = arith.cmpi ne, %sign3A_380, %sign3A_387 : i32
    %rem3A_389 = arith.remsi %add3A_209, %jit3A_372 : i32
    %ne3A_390 = arith.constant 0 : i32
    %ne3A_391 = arith.cmpi ne, %rem3A_389, %ne3A_390 : i32
    %and3A_392 = arith.andi %ne3A_388, %ne3A_391 : i1
    %sub3A_393 = arith.constant 1 : i32
    %sub3A_394 = arith.subi %div3A_373, %sub3A_393 : i32
    %select_n3A_395 = arith.select %and3A_392, %sub3A_394, %div3A_373 : i32
    %jit3A_396 = arith.constant 64 : i32
    %eq3A_397 = arith.constant 0 : i32
    %eq3A_398 = arith.cmpi eq, %jit3A_396, %eq3A_397 : i32
    %jit3A_399 = arith.constant 1 : i32
    %select_n3A_400 = arith.select %eq3A_398, %jit3A_399, %jit3A_396 : i32
    %rem3A_401 = arith.remsi %add3A_209, %select_n3A_400 : i32
    %ne3A_402 = arith.constant 0 : i32
    %ne3A_403 = arith.cmpi ne, %rem3A_401, %ne3A_402 : i32
    %lt3A_404 = arith.constant 0 : i32
    %lt3A_405 = arith.cmpi slt, %rem3A_401, %lt3A_404 : i32
    %lt3A_406 = arith.constant 0 : i32
    %lt3A_407 = arith.cmpi slt, %select_n3A_400, %lt3A_406 : i32
    %ne3A_408 = arith.xori %lt3A_405, %lt3A_407 : i1
    %and3A_409 = arith.andi %ne3A_408, %ne3A_403 : i1
    %add3A_410 = arith.addi %rem3A_401, %select_n3A_400 : i32
    %select_n3A_411 = arith.select %and3A_409, %add3A_410, %rem3A_401 : i32
    %mul3A_412 = arith.constant 4 : i32
    %mul3A_413 = arith.muli %select_n3A_411, %mul3A_412 : i32
    %add3A_414 = arith.constant 3 : i32
    %add3A_415 = arith.addi %mul3A_413, %add3A_414 : i32
    %dma_start3A_416 = arith.constant 24576 : i32
    %dma_start3A_417 = tpu.memref_slice %arg9[%dma_start3A_416] : memref<32768xf32, #tpu.memory_space<vmem>> -> memref<8192xf32, #tpu.memory_space<vmem>>
    %dma_start3A_418 = arith.constant 0 : i32
    %dma_start3A_419 = tpu.memref_slice %arg2[%select_n3A_395, %add3A_415, %dma_start3A_418] : memref<8x256x8192xf32, #tpu.memory_space<hbm>> -> memref<1x1x8192xf32, #tpu.memory_space<hbm>>
    %dma_start3A_420 = tpu.memref_squeeze %dma_start3A_419 : memref<1x1x8192xf32, #tpu.memory_space<hbm>> -> memref<8192xf32, #tpu.memory_space<hbm>>
    %dma_start3A_421 = arith.constant 24576 : i32
    %dma_start3A_422 = tpu.memref_slice %arg9[%dma_start3A_421] : memref<32768xf32, #tpu.memory_space<vmem>> -> memref<8192xf32, #tpu.memory_space<vmem>>
    %dma_start3A_423 = arith.constant 0 : i32
    %dma_start3A_424 = tpu.memref_slice %arg2[%select_n3A_395, %add3A_415, %dma_start3A_423] : memref<8x256x8192xf32, #tpu.memory_space<hbm>> -> memref<1x1x8192xf32, #tpu.memory_space<hbm>>
    %dma_start3A_425 = tpu.memref_squeeze %dma_start3A_424 : memref<1x1x8192xf32, #tpu.memory_space<hbm>> -> memref<8192xf32, #tpu.memory_space<hbm>>
    tpu.enqueue_dma source(%dma_start3A_425 : memref<8192xf32, #tpu.memory_space<hbm>>) target(%dma_start3A_422 : memref<8192xf32, #tpu.memory_space<vmem>>) target_semaphore(%arg13 : memref<!tpu.dma_semaphore, #tpu.memory_space<semaphore_mem>>)
    "tpu.region"() ({
      %run_scoped3A = tpu.sem_alloc : memref<!tpu.dma_semaphore, #tpu.memory_space<semaphore_mem>>
      tpu.enqueue_dma source(%arg3 : memref<8192xi32, #tpu.memory_space<hbm>>) target(%arg5 : memref<8192xi32, #tpu.memory_space<vmem>>) target_semaphore(%run_scoped3A : memref<!tpu.dma_semaphore, #tpu.memory_space<semaphore_mem>>)
      tpu.wait_dma2 semaphore(%run_scoped3A : memref<!tpu.dma_semaphore, #tpu.memory_space<semaphore_mem>>) src(%arg3 : memref<8192xi32, #tpu.memory_space<hbm>>) dst(%arg5 : memref<8192xi32, #tpu.memory_space<vmem>>)
      tpu.yield
    }) : () -> ()
    %iota3A = tpu.iota {dimensions = array<i32: 0>} : vector<16xi32>
    %parallel_loop3A = arith.constant 0 : i32
    %parallel_loop3A_426 = arith.constant 256 : i32
    %parallel_loop3A_427 = arith.constant 1 : i32
    scf.for %parallel_loop3A_1299 = %parallel_loop3A to %parallel_loop3A_426 step %parallel_loop3A_427  : i32 {
      %parallel_loop3A_1300 = arith.constant 16 : i32
      %parallel_loop3A_1301 = arith.muli %parallel_loop3A_1299, %parallel_loop3A_1300 : i32
      %parallel_loop3A_1302 = vector.broadcast %parallel_loop3A_1301 : i32 to vector<16xi32>
      %parallel_loop3A_1303 = arith.addi %parallel_loop3A_1302, %iota3A : vector<16xi32>
      %parallel_loop3A_1304 = arith.constant 0 : i32
      %parallel_loop3A_1305 = vector.broadcast %parallel_loop3A_1304 : i32 to vector<16xi32>
      %parallel_loop3A_1306 = arith.constant 8192 : i32
      %parallel_loop3A_1307 = vector.broadcast %parallel_loop3A_1306 : i32 to vector<16xi32>
      %parallel_loop3A_1308 = arith.addi %parallel_loop3A_1305, %parallel_loop3A_1307 : vector<16xi32>
      %parallel_loop3A_1309 = arith.constant 8192 : i32
      %parallel_loop3A_1310 = vector.broadcast %parallel_loop3A_1309 : i32 to vector<16xi32>
      %parallel_loop3A_1311 = arith.minsi %parallel_loop3A_1308, %parallel_loop3A_1310 : vector<16xi32>
      %parallel_loop3A_1312 = arith.constant 1 : i32
      %parallel_loop3A_1313 = vector.broadcast %parallel_loop3A_1312 : i32 to vector<16xi32>
      %parallel_loop3A_1314 = arith.subi %parallel_loop3A_1311, %parallel_loop3A_1313 : vector<16xi32>
      %parallel_loop3A_1315 = tpu.vector_load_idx %arg5[%parallel_loop3A_1314] : memref<8192xi32, #tpu.memory_space<vmem>>[vector<16xi32>], vector<16xi32>,
      %parallel_loop3A_1316 = arith.cmpi sle, %parallel_loop3A_1315, %parallel_loop3A_1303 : vector<16xi32>
      %parallel_loop3A_1317 = arith.select %parallel_loop3A_1316, %parallel_loop3A_1311, %parallel_loop3A_1305 : vector<16xi1>, vector<16xi32>
      %parallel_loop3A_1318 = arith.constant 4096 : i32
      %parallel_loop3A_1319 = vector.broadcast %parallel_loop3A_1318 : i32 to vector<16xi32>
      %parallel_loop3A_1320 = arith.addi %parallel_loop3A_1317, %parallel_loop3A_1319 : vector<16xi32>
      %parallel_loop3A_1321 = arith.constant 8192 : i32
      %parallel_loop3A_1322 = vector.broadcast %parallel_loop3A_1321 : i32 to vector<16xi32>
      %parallel_loop3A_1323 = arith.minsi %parallel_loop3A_1320, %parallel_loop3A_1322 : vector<16xi32>
      %parallel_loop3A_1324 = arith.constant 1 : i32
      %parallel_loop3A_1325 = vector.broadcast %parallel_loop3A_1324 : i32 to vector<16xi32>
      %parallel_loop3A_1326 = arith.subi %parallel_loop3A_1323, %parallel_loop3A_1325 : vector<16xi32>
      %parallel_loop3A_1327 = tpu.vector_load_idx %arg5[%parallel_loop3A_1326] : memref<8192xi32, #tpu.memory_space<vmem>>[vector<16xi32>], vector<16xi32>,
      %parallel_loop3A_1328 = arith.cmpi sle, %parallel_loop3A_1327, %parallel_loop3A_1303 : vector<16xi32>
      %parallel_loop3A_1329 = arith.select %parallel_loop3A_1328, %parallel_loop3A_1323, %parallel_loop3A_1317 : vector<16xi1>, vector<16xi32>
      %parallel_loop3A_1330 = arith.constant 2048 : i32
      %parallel_loop3A_1331 = vector.broadcast %parallel_loop3A_1330 : i32 to vector<16xi32>
      %parallel_loop3A_1332 = arith.addi %parallel_loop3A_1329, %parallel_loop3A_1331 : vector<16xi32>
      %parallel_loop3A_1333 = arith.constant 8192 : i32
      %parallel_loop3A_1334 = vector.broadcast %parallel_loop3A_1333 : i32 to vector<16xi32>
      %parallel_loop3A_1335 = arith.minsi %parallel_loop3A_1332, %parallel_loop3A_1334 : vector<16xi32>
      %parallel_loop3A_1336 = arith.constant 1 : i32
      %parallel_loop3A_1337 = vector.broadcast %parallel_loop3A_1336 : i32 to vector<16xi32>
      %parallel_loop3A_1338 = arith.subi %parallel_loop3A_1335, %parallel_loop3A_1337 : vector<16xi32>
      %parallel_loop3A_1339 = tpu.vector_load_idx %arg5[%parallel_loop3A_1338] : memref<8192xi32, #tpu.memory_space<vmem>>[vector<16xi32>], vector<16xi32>,
      %parallel_loop3A_1340 = arith.cmpi sle, %parallel_loop3A_1339, %parallel_loop3A_1303 : vector<16xi32>
      %parallel_loop3A_1341 = arith.select %parallel_loop3A_1340, %parallel_loop3A_1335, %parallel_loop3A_1329 : vector<16xi1>, vector<16xi32>
      %parallel_loop3A_1342 = arith.constant 1024 : i32
      %parallel_loop3A_1343 = vector.broadcast %parallel_loop3A_1342 : i32 to vector<16xi32>
      %parallel_loop3A_1344 = arith.addi %parallel_loop3A_1341, %parallel_loop3A_1343 : vector<16xi32>
      %parallel_loop3A_1345 = arith.constant 8192 : i32
      %parallel_loop3A_1346 = vector.broadcast %parallel_loop3A_1345 : i32 to vector<16xi32>
      %parallel_loop3A_1347 = arith.minsi %parallel_loop3A_1344, %parallel_loop3A_1346 : vector<16xi32>
      %parallel_loop3A_1348 = arith.constant 1 : i32
      %parallel_loop3A_1349 = vector.broadcast %parallel_loop3A_1348 : i32 to vector<16xi32>
      %parallel_loop3A_1350 = arith.subi %parallel_loop3A_1347, %parallel_loop3A_1349 : vector<16xi32>
      %parallel_loop3A_1351 = tpu.vector_load_idx %arg5[%parallel_loop3A_1350] : memref<8192xi32, #tpu.memory_space<vmem>>[vector<16xi32>], vector<16xi32>,
      %parallel_loop3A_1352 = arith.cmpi sle, %parallel_loop3A_1351, %parallel_loop3A_1303 : vector<16xi32>
      %parallel_loop3A_1353 = arith.select %parallel_loop3A_1352, %parallel_loop3A_1347, %parallel_loop3A_1341 : vector<16xi1>, vector<16xi32>
      %parallel_loop3A_1354 = arith.constant 512 : i32
      %parallel_loop3A_1355 = vector.broadcast %parallel_loop3A_1354 : i32 to vector<16xi32>
      %parallel_loop3A_1356 = arith.addi %parallel_loop3A_1353, %parallel_loop3A_1355 : vector<16xi32>
      %parallel_loop3A_1357 = arith.constant 8192 : i32
      %parallel_loop3A_1358 = vector.broadcast %parallel_loop3A_1357 : i32 to vector<16xi32>
      %parallel_loop3A_1359 = arith.minsi %parallel_loop3A_1356, %parallel_loop3A_1358 : vector<16xi32>
      %parallel_loop3A_1360 = arith.constant 1 : i32
      %parallel_loop3A_1361 = vector.broadcast %parallel_loop3A_1360 : i32 to vector<16xi32>
      %parallel_loop3A_1362 = arith.subi %parallel_loop3A_1359, %parallel_loop3A_1361 : vector<16xi32>
      %parallel_loop3A_1363 = tpu.vector_load_idx %arg5[%parallel_loop3A_1362] : memref<8192xi32, #tpu.memory_space<vmem>>[vector<16xi32>], vector<16xi32>,
      %parallel_loop3A_1364 = arith.cmpi sle, %parallel_loop3A_1363, %parallel_loop3A_1303 : vector<16xi32>
      %parallel_loop3A_1365 = arith.select %parallel_loop3A_1364, %parallel_loop3A_1359, %parallel_loop3A_1353 : vector<16xi1>, vector<16xi32>
      %parallel_loop3A_1366 = arith.constant 256 : i32
      %parallel_loop3A_1367 = vector.broadcast %parallel_loop3A_1366 : i32 to vector<16xi32>
      %parallel_loop3A_1368 = arith.addi %parallel_loop3A_1365, %parallel_loop3A_1367 : vector<16xi32>
      %parallel_loop3A_1369 = arith.constant 8192 : i32
      %parallel_loop3A_1370 = vector.broadcast %parallel_loop3A_1369 : i32 to vector<16xi32>
      %parallel_loop3A_1371 = arith.minsi %parallel_loop3A_1368, %parallel_loop3A_1370 : vector<16xi32>
      %parallel_loop3A_1372 = arith.constant 1 : i32
      %parallel_loop3A_1373 = vector.broadcast %parallel_loop3A_1372 : i32 to vector<16xi32>
      %parallel_loop3A_1374 = arith.subi %parallel_loop3A_1371, %parallel_loop3A_1373 : vector<16xi32>
      %parallel_loop3A_1375 = tpu.vector_load_idx %arg5[%parallel_loop3A_1374] : memref<8192xi32, #tpu.memory_space<vmem>>[vector<16xi32>], vector<16xi32>,
      %parallel_loop3A_1376 = arith.cmpi sle, %parallel_loop3A_1375, %parallel_loop3A_1303 : vector<16xi32>
      %parallel_loop3A_1377 = arith.select %parallel_loop3A_1376, %parallel_loop3A_1371, %parallel_loop3A_1365 : vector<16xi1>, vector<16xi32>
      %parallel_loop3A_1378 = arith.constant 128 : i32
      %parallel_loop3A_1379 = vector.broadcast %parallel_loop3A_1378 : i32 to vector<16xi32>
      %parallel_loop3A_1380 = arith.addi %parallel_loop3A_1377, %parallel_loop3A_1379 : vector<16xi32>
      %parallel_loop3A_1381 = arith.constant 8192 : i32
      %parallel_loop3A_1382 = vector.broadcast %parallel_loop3A_1381 : i32 to vector<16xi32>
      %parallel_loop3A_1383 = arith.minsi %parallel_loop3A_1380, %parallel_loop3A_1382 : vector<16xi32>
      %parallel_loop3A_1384 = arith.constant 1 : i32
      %parallel_loop3A_1385 = vector.broadcast %parallel_loop3A_1384 : i32 to vector<16xi32>
      %parallel_loop3A_1386 = arith.subi %parallel_loop3A_1383, %parallel_loop3A_1385 : vector<16xi32>
      %parallel_loop3A_1387 = tpu.vector_load_idx %arg5[%parallel_loop3A_1386] : memref<8192xi32, #tpu.memory_space<vmem>>[vector<16xi32>], vector<16xi32>,
      %parallel_loop3A_1388 = arith.cmpi sle, %parallel_loop3A_1387, %parallel_loop3A_1303 : vector<16xi32>
      %parallel_loop3A_1389 = arith.select %parallel_loop3A_1388, %parallel_loop3A_1383, %parallel_loop3A_1377 : vector<16xi1>, vector<16xi32>
      %parallel_loop3A_1390 = arith.constant 64 : i32
      %parallel_loop3A_1391 = vector.broadcast %parallel_loop3A_1390 : i32 to vector<16xi32>
      %parallel_loop3A_1392 = arith.addi %parallel_loop3A_1389, %parallel_loop3A_1391 : vector<16xi32>
      %parallel_loop3A_1393 = arith.constant 8192 : i32
      %parallel_loop3A_1394 = vector.broadcast %parallel_loop3A_1393 : i32 to vector<16xi32>
      %parallel_loop3A_1395 = arith.minsi %parallel_loop3A_1392, %parallel_loop3A_1394 : vector<16xi32>
      %parallel_loop3A_1396 = arith.constant 1 : i32
      %parallel_loop3A_1397 = vector.broadcast %parallel_loop3A_1396 : i32 to vector<16xi32>
      %parallel_loop3A_1398 = arith.subi %parallel_loop3A_1395, %parallel_loop3A_1397 : vector<16xi32>
      %parallel_loop3A_1399 = tpu.vector_load_idx %arg5[%parallel_loop3A_1398] : memref<8192xi32, #tpu.memory_space<vmem>>[vector<16xi32>], vector<16xi32>,
      %parallel_loop3A_1400 = arith.cmpi sle, %parallel_loop3A_1399, %parallel_loop3A_1303 : vector<16xi32>
      %parallel_loop3A_1401 = arith.select %parallel_loop3A_1400, %parallel_loop3A_1395, %parallel_loop3A_1389 : vector<16xi1>, vector<16xi32>
      %parallel_loop3A_1402 = arith.constant 32 : i32
      %parallel_loop3A_1403 = vector.broadcast %parallel_loop3A_1402 : i32 to vector<16xi32>
      %parallel_loop3A_1404 = arith.addi %parallel_loop3A_1401, %parallel_loop3A_1403 : vector<16xi32>
      %parallel_loop3A_1405 = arith.constant 8192 : i32
      %parallel_loop3A_1406 = vector.broadcast %parallel_loop3A_1405 : i32 to vector<16xi32>
      %parallel_loop3A_1407 = arith.minsi %parallel_loop3A_1404, %parallel_loop3A_1406 : vector<16xi32>
      %parallel_loop3A_1408 = arith.constant 1 : i32
      %parallel_loop3A_1409 = vector.broadcast %parallel_loop3A_1408 : i32 to vector<16xi32>
      %parallel_loop3A_1410 = arith.subi %parallel_loop3A_1407, %parallel_loop3A_1409 : vector<16xi32>
      %parallel_loop3A_1411 = tpu.vector_load_idx %arg5[%parallel_loop3A_1410] : memref<8192xi32, #tpu.memory_space<vmem>>[vector<16xi32>], vector<16xi32>,
      %parallel_loop3A_1412 = arith.cmpi sle, %parallel_loop3A_1411, %parallel_loop3A_1303 : vector<16xi32>
      %parallel_loop3A_1413 = arith.select %parallel_loop3A_1412, %parallel_loop3A_1407, %parallel_loop3A_1401 : vector<16xi1>, vector<16xi32>
      %parallel_loop3A_1414 = arith.constant 16 : i32
      %parallel_loop3A_1415 = vector.broadcast %parallel_loop3A_1414 : i32 to vector<16xi32>
      %parallel_loop3A_1416 = arith.addi %parallel_loop3A_1413, %parallel_loop3A_1415 : vector<16xi32>
      %parallel_loop3A_1417 = arith.constant 8192 : i32
      %parallel_loop3A_1418 = vector.broadcast %parallel_loop3A_1417 : i32 to vector<16xi32>
      %parallel_loop3A_1419 = arith.minsi %parallel_loop3A_1416, %parallel_loop3A_1418 : vector<16xi32>
      %parallel_loop3A_1420 = arith.constant 1 : i32
      %parallel_loop3A_1421 = vector.broadcast %parallel_loop3A_1420 : i32 to vector<16xi32>
      %parallel_loop3A_1422 = arith.subi %parallel_loop3A_1419, %parallel_loop3A_1421 : vector<16xi32>
      %parallel_loop3A_1423 = tpu.vector_load_idx %arg5[%parallel_loop3A_1422] : memref<8192xi32, #tpu.memory_space<vmem>>[vector<16xi32>], vector<16xi32>,
      %parallel_loop3A_1424 = arith.cmpi sle, %parallel_loop3A_1423, %parallel_loop3A_1303 : vector<16xi32>
      %parallel_loop3A_1425 = arith.select %parallel_loop3A_1424, %parallel_loop3A_1419, %parallel_loop3A_1413 : vector<16xi1>, vector<16xi32>
      %parallel_loop3A_1426 = arith.constant 8 : i32
      %parallel_loop3A_1427 = vector.broadcast %parallel_loop3A_1426 : i32 to vector<16xi32>
      %parallel_loop3A_1428 = arith.addi %parallel_loop3A_1425, %parallel_loop3A_1427 : vector<16xi32>
      %parallel_loop3A_1429 = arith.constant 8192 : i32
      %parallel_loop3A_1430 = vector.broadcast %parallel_loop3A_1429 : i32 to vector<16xi32>
      %parallel_loop3A_1431 = arith.minsi %parallel_loop3A_1428, %parallel_loop3A_1430 : vector<16xi32>
      %parallel_loop3A_1432 = arith.constant 1 : i32
      %parallel_loop3A_1433 = vector.broadcast %parallel_loop3A_1432 : i32 to vector<16xi32>
      %parallel_loop3A_1434 = arith.subi %parallel_loop3A_1431, %parallel_loop3A_1433 : vector<16xi32>
      %parallel_loop3A_1435 = tpu.vector_load_idx %arg5[%parallel_loop3A_1434] : memref<8192xi32, #tpu.memory_space<vmem>>[vector<16xi32>], vector<16xi32>,
      %parallel_loop3A_1436 = arith.cmpi sle, %parallel_loop3A_1435, %parallel_loop3A_1303 : vector<16xi32>
      %parallel_loop3A_1437 = arith.select %parallel_loop3A_1436, %parallel_loop3A_1431, %parallel_loop3A_1425 : vector<16xi1>, vector<16xi32>
      %parallel_loop3A_1438 = arith.constant 4 : i32
      %parallel_loop3A_1439 = vector.broadcast %parallel_loop3A_1438 : i32 to vector<16xi32>
      %parallel_loop3A_1440 = arith.addi %parallel_loop3A_1437, %parallel_loop3A_1439 : vector<16xi32>
      %parallel_loop3A_1441 = arith.constant 8192 : i32
      %parallel_loop3A_1442 = vector.broadcast %parallel_loop3A_1441 : i32 to vector<16xi32>
      %parallel_loop3A_1443 = arith.minsi %parallel_loop3A_1440, %parallel_loop3A_1442 : vector<16xi32>
      %parallel_loop3A_1444 = arith.constant 1 : i32
      %parallel_loop3A_1445 = vector.broadcast %parallel_loop3A_1444 : i32 to vector<16xi32>
      %parallel_loop3A_1446 = arith.subi %parallel_loop3A_1443, %parallel_loop3A_1445 : vector<16xi32>
      %parallel_loop3A_1447 = tpu.vector_load_idx %arg5[%parallel_loop3A_1446] : memref<8192xi32, #tpu.memory_space<vmem>>[vector<16xi32>], vector<16xi32>,
      %parallel_loop3A_1448 = arith.cmpi sle, %parallel_loop3A_1447, %parallel_loop3A_1303 : vector<16xi32>
      %parallel_loop3A_1449 = arith.select %parallel_loop3A_1448, %parallel_loop3A_1443, %parallel_loop3A_1437 : vector<16xi1>, vector<16xi32>
      %parallel_loop3A_1450 = arith.constant 2 : i32
      %parallel_loop3A_1451 = vector.broadcast %parallel_loop3A_1450 : i32 to vector<16xi32>
      %parallel_loop3A_1452 = arith.addi %parallel_loop3A_1449, %parallel_loop3A_1451 : vector<16xi32>
      %parallel_loop3A_1453 = arith.constant 8192 : i32
      %parallel_loop3A_1454 = vector.broadcast %parallel_loop3A_1453 : i32 to vector<16xi32>
      %parallel_loop3A_1455 = arith.minsi %parallel_loop3A_1452, %parallel_loop3A_1454 : vector<16xi32>
      %parallel_loop3A_1456 = arith.constant 1 : i32
      %parallel_loop3A_1457 = vector.broadcast %parallel_loop3A_1456 : i32 to vector<16xi32>
      %parallel_loop3A_1458 = arith.subi %parallel_loop3A_1455, %parallel_loop3A_1457 : vector<16xi32>
      %parallel_loop3A_1459 = tpu.vector_load_idx %arg5[%parallel_loop3A_1458] : memref<8192xi32, #tpu.memory_space<vmem>>[vector<16xi32>], vector<16xi32>,
      %parallel_loop3A_1460 = arith.cmpi sle, %parallel_loop3A_1459, %parallel_loop3A_1303 : vector<16xi32>
      %parallel_loop3A_1461 = arith.select %parallel_loop3A_1460, %parallel_loop3A_1455, %parallel_loop3A_1449 : vector<16xi1>, vector<16xi32>
      %parallel_loop3A_1462 = arith.constant 1 : i32
      %parallel_loop3A_1463 = vector.broadcast %parallel_loop3A_1462 : i32 to vector<16xi32>
      %parallel_loop3A_1464 = arith.addi %parallel_loop3A_1461, %parallel_loop3A_1463 : vector<16xi32>
      %parallel_loop3A_1465 = arith.constant 8192 : i32
      %parallel_loop3A_1466 = vector.broadcast %parallel_loop3A_1465 : i32 to vector<16xi32>
      %parallel_loop3A_1467 = arith.minsi %parallel_loop3A_1464, %parallel_loop3A_1466 : vector<16xi32>
      %parallel_loop3A_1468 = arith.constant 1 : i32
      %parallel_loop3A_1469 = vector.broadcast %parallel_loop3A_1468 : i32 to vector<16xi32>
      %parallel_loop3A_1470 = arith.subi %parallel_loop3A_1467, %parallel_loop3A_1469 : vector<16xi32>
      %parallel_loop3A_1471 = tpu.vector_load_idx %arg5[%parallel_loop3A_1470] : memref<8192xi32, #tpu.memory_space<vmem>>[vector<16xi32>], vector<16xi32>,
      %parallel_loop3A_1472 = arith.cmpi sle, %parallel_loop3A_1471, %parallel_loop3A_1303 : vector<16xi32>
      %parallel_loop3A_1473 = arith.select %parallel_loop3A_1472, %parallel_loop3A_1467, %parallel_loop3A_1461 : vector<16xi1>, vector<16xi32>
      %parallel_loop3A_1474 = arith.constant 16 : i32
      %parallel_loop3A_1475 = arith.muli %parallel_loop3A_1299, %parallel_loop3A_1474 : i32
      %parallel_loop3A_1476 = arith.index_cast %parallel_loop3A_1475 : i32 to index
      %parallel_loop3A_1477 = tpu.vector_load %arg6[%parallel_loop3A_1476] {strides = array<i32>} : memref<4096xi32, #tpu.memory_space<vmem>>, vector<16xi32>,
      tpu.vector_store %arg6[%parallel_loop3A_1476], %parallel_loop3A_1473 {strides = array<i32>} : memref<4096xi32, #tpu.memory_space<vmem>>, vector<16xi32>,
    } {sc.loop_unroll_factor = 2 : i64, sc.parallel_access}
    %parallel_loop3A_428 = arith.constant 0 : i32
    %parallel_loop3A_429 = arith.constant 256 : i32
    %parallel_loop3A_430 = arith.constant 1 : i32
    scf.for %parallel_loop3A_1299 = %parallel_loop3A_428 to %parallel_loop3A_429 step %parallel_loop3A_430  : i32 {
      %parallel_loop3A_1300 = arith.constant 16 : i32
      %parallel_loop3A_1301 = arith.muli %parallel_loop3A_1299, %parallel_loop3A_1300 : i32
      %parallel_loop3A_1302 = vector.broadcast %parallel_loop3A_1301 : i32 to vector<16xi32>
      %parallel_loop3A_1303 = arith.addi %parallel_loop3A_1302, %iota3A : vector<16xi32>
      %parallel_loop3A_1304 = arith.constant 16 : i32
      %parallel_loop3A_1305 = arith.muli %parallel_loop3A_1299, %parallel_loop3A_1304 : i32
      %parallel_loop3A_1306 = arith.index_cast %parallel_loop3A_1305 : i32 to index
      %parallel_loop3A_1307 = tpu.vector_load %arg6[%parallel_loop3A_1306] {strides = array<i32>} : memref<4096xi32, #tpu.memory_space<vmem>>, vector<16xi32>,
      %parallel_loop3A_1308 = arith.constant 1 : i32
      %parallel_loop3A_1309 = vector.broadcast %parallel_loop3A_1308 : i32 to vector<16xi32>
      %parallel_loop3A_1310 = arith.subi %parallel_loop3A_1307, %parallel_loop3A_1309 : vector<16xi32>
      %parallel_loop3A_1311 = arith.constant 0 : i32
      %parallel_loop3A_1312 = vector.broadcast %parallel_loop3A_1311 : i32 to vector<16xi32>
      %parallel_loop3A_1313 = arith.maxsi %parallel_loop3A_1310, %parallel_loop3A_1312 : vector<16xi32>
      %parallel_loop3A_1314 = tpu.vector_load_idx %arg5[%parallel_loop3A_1313] : memref<8192xi32, #tpu.memory_space<vmem>>[vector<16xi32>], vector<16xi32>,
      %parallel_loop3A_1315 = arith.constant 8191 : i32
      %parallel_loop3A_1316 = vector.broadcast %parallel_loop3A_1315 : i32 to vector<16xi32>
      %parallel_loop3A_1317 = arith.minsi %parallel_loop3A_1307, %parallel_loop3A_1316 : vector<16xi32>
      %parallel_loop3A_1318 = tpu.vector_load_idx %arg5[%parallel_loop3A_1317] : memref<8192xi32, #tpu.memory_space<vmem>>[vector<16xi32>], vector<16xi32>,
      %parallel_loop3A_1319 = arith.constant 1 : i32
      %parallel_loop3A_1320 = vector.broadcast %parallel_loop3A_1319 : i32 to vector<16xi32>
      %parallel_loop3A_1321 = arith.subi %parallel_loop3A_1314, %parallel_loop3A_1320 : vector<16xi32>
      %parallel_loop3A_1322 = arith.constant 0 : i32
      %parallel_loop3A_1323 = vector.broadcast %parallel_loop3A_1322 : i32 to vector<16xi32>
      %parallel_loop3A_1324 = arith.maxsi %parallel_loop3A_1321, %parallel_loop3A_1323 : vector<16xi32>
      %parallel_loop3A_1325 = tpu.vector_load_idx %arg6[%parallel_loop3A_1324] : memref<4096xi32, #tpu.memory_space<vmem>>[vector<16xi32>], vector<16xi32>,
      %parallel_loop3A_1326 = arith.constant 0 : i32
      %parallel_loop3A_1327 = vector.broadcast %parallel_loop3A_1326 : i32 to vector<16xi32>
      %parallel_loop3A_1328 = arith.cmpi eq, %parallel_loop3A_1314, %parallel_loop3A_1327 : vector<16xi32>
      %parallel_loop3A_1329 = arith.constant 0 : i32
      %parallel_loop3A_1330 = vector.broadcast %parallel_loop3A_1329 : i32 to vector<16xi32>
      %parallel_loop3A_1331 = arith.select %parallel_loop3A_1328, %parallel_loop3A_1330, %parallel_loop3A_1325 : vector<16xi1>, vector<16xi32>
      %parallel_loop3A_1332 = arith.constant 8192 : i32
      %parallel_loop3A_1333 = vector.broadcast %parallel_loop3A_1332 : i32 to vector<16xi32>
      %parallel_loop3A_1334 = arith.cmpi eq, %parallel_loop3A_1307, %parallel_loop3A_1333 : vector<16xi32>
      %parallel_loop3A_1335 = arith.subi %parallel_loop3A_1303, %parallel_loop3A_1314 : vector<16xi32>
      %parallel_loop3A_1336 = arith.subi %parallel_loop3A_1318, %parallel_loop3A_1303 : vector<16xi32>
      %parallel_loop3A_1337 = arith.cmpi sle, %parallel_loop3A_1335, %parallel_loop3A_1336 : vector<16xi32>
      %parallel_loop3A_1338 = arith.ori %parallel_loop3A_1334, %parallel_loop3A_1337 : vector<16xi1>
      %parallel_loop3A_1339 = arith.constant 0 : i32
      %parallel_loop3A_1340 = vector.broadcast %parallel_loop3A_1339 : i32 to vector<16xi32>
      %parallel_loop3A_1341 = arith.cmpi eq, %parallel_loop3A_1307, %parallel_loop3A_1340 : vector<16xi32>
      %parallel_loop3A_1342 = arith.select %parallel_loop3A_1338, %parallel_loop3A_1331, %parallel_loop3A_1307 : vector<16xi1>, vector<16xi32>
      %parallel_loop3A_1343 = arith.constant 0 : i32
      %parallel_loop3A_1344 = vector.broadcast %parallel_loop3A_1343 : i32 to vector<16xi32>
      %parallel_loop3A_1345 = arith.select %parallel_loop3A_1341, %parallel_loop3A_1344, %parallel_loop3A_1342 : vector<16xi1>, vector<16xi32>
      %parallel_loop3A_1346 = arith.constant 16 : i32
      %parallel_loop3A_1347 = arith.muli %parallel_loop3A_1299, %parallel_loop3A_1346 : i32
      %parallel_loop3A_1348 = arith.index_cast %parallel_loop3A_1347 : i32 to index
      %parallel_loop3A_1349 = tpu.vector_load %arg7[%parallel_loop3A_1348] {strides = array<i32>} : memref<4096xi32, #tpu.memory_space<vmem>>, vector<16xi32>,
      tpu.vector_store %arg7[%parallel_loop3A_1348], %parallel_loop3A_1345 {strides = array<i32>} : memref<4096xi32, #tpu.memory_space<vmem>>, vector<16xi32>,
    } {sc.loop_unroll_factor = 2 : i64, sc.parallel_access}
    %scan3A = arith.constant 0 : i32
    %scan3A_431 = arith.constant 0 : i32
    %scan3A_432 = arith.constant 8 : i32
    %scan3A_433 = arith.addi %scan3A_431, %scan3A_432 : i32
    %scan3A_434 = arith.constant 1 : i32
    scf.for %scan3A_1299 = %scan3A_431 to %scan3A_433 step %scan3A_434  : i32 {
      %mul3A_1300 = arith.constant 2 : i32
      %mul3A_1301 = arith.muli %mul3A_1300, %scan3A_1299 : i32
      %add3A_1302 = arith.addi %mul3A_2, %mul3A_1301 : i32
      %add3A_1303 = arith.constant 0 : i32
      %add3A_1304 = arith.addi %add3A_1302, %add3A_1303 : i32
      %jit3A_1305 = arith.constant 64 : i32
      %div3A_1306 = arith.divsi %mul3A_2, %jit3A_1305 : i32
      %sign3A_1307 = arith.constant 0 : i32
      %sign3A_1308 = arith.cmpi sgt, %mul3A_2, %sign3A_1307 : i32
      %sign3A_1309 = arith.extui %sign3A_1308 : i1 to i32
      %sign3A_1310 = arith.constant 0 : i32
      %sign3A_1311 = arith.cmpi slt, %mul3A_2, %sign3A_1310 : i32
      %sign3A_1312 = arith.extui %sign3A_1311 : i1 to i32
      %sign3A_1313 = arith.subi %sign3A_1309, %sign3A_1312 : i32
      %sign3A_1314 = arith.constant 0 : i32
      %sign3A_1315 = arith.cmpi sgt, %jit3A_1305, %sign3A_1314 : i32
      %sign3A_1316 = arith.extui %sign3A_1315 : i1 to i32
      %sign3A_1317 = arith.constant 0 : i32
      %sign3A_1318 = arith.cmpi slt, %jit3A_1305, %sign3A_1317 : i32
      %sign3A_1319 = arith.extui %sign3A_1318 : i1 to i32
      %sign3A_1320 = arith.subi %sign3A_1316, %sign3A_1319 : i32
      %ne3A_1321 = arith.cmpi ne, %sign3A_1313, %sign3A_1320 : i32
      %rem3A_1322 = arith.remsi %mul3A_2, %jit3A_1305 : i32
      %ne3A_1323 = arith.constant 0 : i32
      %ne3A_1324 = arith.cmpi ne, %rem3A_1322, %ne3A_1323 : i32
      %and3A_1325 = arith.andi %ne3A_1321, %ne3A_1324 : i1
      %sub3A_1326 = arith.constant 1 : i32
      %sub3A_1327 = arith.subi %div3A_1306, %sub3A_1326 : i32
      %select_n3A_1328 = arith.select %and3A_1325, %sub3A_1327, %div3A_1306 : i32
      %jit3A_1329 = arith.constant 64 : i32
      %eq3A_1330 = arith.constant 0 : i32
      %eq3A_1331 = arith.cmpi eq, %jit3A_1329, %eq3A_1330 : i32
      %jit3A_1332 = arith.constant 1 : i32
      %select_n3A_1333 = arith.select %eq3A_1331, %jit3A_1332, %jit3A_1329 : i32
      %rem3A_1334 = arith.remsi %mul3A_2, %select_n3A_1333 : i32
      %ne3A_1335 = arith.constant 0 : i32
      %ne3A_1336 = arith.cmpi ne, %rem3A_1334, %ne3A_1335 : i32
      %lt3A_1337 = arith.constant 0 : i32
      %lt3A_1338 = arith.cmpi slt, %rem3A_1334, %lt3A_1337 : i32
      %lt3A_1339 = arith.constant 0 : i32
      %lt3A_1340 = arith.cmpi slt, %select_n3A_1333, %lt3A_1339 : i32
      %ne3A_1341 = arith.xori %lt3A_1338, %lt3A_1340 : i1
      %and3A_1342 = arith.andi %ne3A_1341, %ne3A_1336 : i1
      %add3A_1343 = arith.addi %rem3A_1334, %select_n3A_1333 : i32
      %select_n3A_1344 = arith.select %and3A_1342, %add3A_1343, %rem3A_1334 : i32
      %mul3A_1345 = arith.constant 4 : i32
      %mul3A_1346 = arith.muli %select_n3A_1344, %mul3A_1345 : i32
      %add3A_1347 = arith.constant 0 : i32
      %add3A_1348 = arith.addi %mul3A_1346, %add3A_1347 : i32
      %dma_wait3A_1349 = arith.constant 0 : i32
      %dma_wait3A_1350 = tpu.memref_slice %arg8[%dma_wait3A_1349] : memref<32768xf32, #tpu.memory_space<vmem>> -> memref<8192xf32, #tpu.memory_space<vmem>>
      %dma_wait3A_1351 = arith.constant 0 : i32
      %dma_wait3A_1352 = tpu.memref_slice %arg2[%select_n3A_1328, %add3A_1348, %dma_wait3A_1351] : memref<8x256x8192xf32, #tpu.memory_space<hbm>> -> memref<1x1x8192xf32, #tpu.memory_space<hbm>>
      %dma_wait3A_1353 = tpu.memref_squeeze %dma_wait3A_1352 : memref<1x1x8192xf32, #tpu.memory_space<hbm>> -> memref<8192xf32, #tpu.memory_space<hbm>>
      %dma_wait3A_1354 = arith.constant 0 : i32
      %dma_wait3A_1355 = tpu.memref_slice %arg8[%dma_wait3A_1354] : memref<32768xf32, #tpu.memory_space<vmem>> -> memref<8192xf32, #tpu.memory_space<vmem>>
      %dma_wait3A_1356 = arith.constant 0 : i32
      %dma_wait3A_1357 = tpu.memref_slice %arg2[%select_n3A_1328, %add3A_1348, %dma_wait3A_1356] : memref<8x256x8192xf32, #tpu.memory_space<hbm>> -> memref<1x1x8192xf32, #tpu.memory_space<hbm>>
      %dma_wait3A_1358 = tpu.memref_squeeze %dma_wait3A_1357 : memref<1x1x8192xf32, #tpu.memory_space<hbm>> -> memref<8192xf32, #tpu.memory_space<hbm>>
      tpu.wait_dma2 semaphore(%arg12 : memref<!tpu.dma_semaphore, #tpu.memory_space<semaphore_mem>>) src(%dma_wait3A_1358 : memref<8192xf32, #tpu.memory_space<hbm>>) dst(%dma_wait3A_1355 : memref<8192xf32, #tpu.memory_space<vmem>>)
      %jit3A_1359 = arith.constant 64 : i32
      %div3A_1360 = arith.divsi %mul3A_2, %jit3A_1359 : i32
      %sign3A_1361 = arith.constant 0 : i32
      %sign3A_1362 = arith.cmpi sgt, %mul3A_2, %sign3A_1361 : i32
      %sign3A_1363 = arith.extui %sign3A_1362 : i1 to i32
      %sign3A_1364 = arith.constant 0 : i32
      %sign3A_1365 = arith.cmpi slt, %mul3A_2, %sign3A_1364 : i32
      %sign3A_1366 = arith.extui %sign3A_1365 : i1 to i32
      %sign3A_1367 = arith.subi %sign3A_1363, %sign3A_1366 : i32
      %sign3A_1368 = arith.constant 0 : i32
      %sign3A_1369 = arith.cmpi sgt, %jit3A_1359, %sign3A_1368 : i32
      %sign3A_1370 = arith.extui %sign3A_1369 : i1 to i32
      %sign3A_1371 = arith.constant 0 : i32
      %sign3A_1372 = arith.cmpi slt, %jit3A_1359, %sign3A_1371 : i32
      %sign3A_1373 = arith.extui %sign3A_1372 : i1 to i32
      %sign3A_1374 = arith.subi %sign3A_1370, %sign3A_1373 : i32
      %ne3A_1375 = arith.cmpi ne, %sign3A_1367, %sign3A_1374 : i32
      %rem3A_1376 = arith.remsi %mul3A_2, %jit3A_1359 : i32
      %ne3A_1377 = arith.constant 0 : i32
      %ne3A_1378 = arith.cmpi ne, %rem3A_1376, %ne3A_1377 : i32
      %and3A_1379 = arith.andi %ne3A_1375, %ne3A_1378 : i1
      %sub3A_1380 = arith.constant 1 : i32
      %sub3A_1381 = arith.subi %div3A_1360, %sub3A_1380 : i32
      %select_n3A_1382 = arith.select %and3A_1379, %sub3A_1381, %div3A_1360 : i32
      %jit3A_1383 = arith.constant 64 : i32
      %eq3A_1384 = arith.constant 0 : i32
      %eq3A_1385 = arith.cmpi eq, %jit3A_1383, %eq3A_1384 : i32
      %jit3A_1386 = arith.constant 1 : i32
      %select_n3A_1387 = arith.select %eq3A_1385, %jit3A_1386, %jit3A_1383 : i32
      %rem3A_1388 = arith.remsi %mul3A_2, %select_n3A_1387 : i32
      %ne3A_1389 = arith.constant 0 : i32
      %ne3A_1390 = arith.cmpi ne, %rem3A_1388, %ne3A_1389 : i32
      %lt3A_1391 = arith.constant 0 : i32
      %lt3A_1392 = arith.cmpi slt, %rem3A_1388, %lt3A_1391 : i32
      %lt3A_1393 = arith.constant 0 : i32
      %lt3A_1394 = arith.cmpi slt, %select_n3A_1387, %lt3A_1393 : i32
      %ne3A_1395 = arith.xori %lt3A_1392, %lt3A_1394 : i1
      %and3A_1396 = arith.andi %ne3A_1395, %ne3A_1390 : i1
      %add3A_1397 = arith.addi %rem3A_1388, %select_n3A_1387 : i32
      %select_n3A_1398 = arith.select %and3A_1396, %add3A_1397, %rem3A_1388 : i32
      %mul3A_1399 = arith.constant 4 : i32
      %mul3A_1400 = arith.muli %select_n3A_1398, %mul3A_1399 : i32
      %add3A_1401 = arith.constant 0 : i32
      %add3A_1402 = arith.addi %mul3A_1400, %add3A_1401 : i32
      %dma_wait3A_1403 = arith.constant 8192 : i32
      %dma_wait3A_1404 = tpu.memref_slice %arg8[%dma_wait3A_1403] : memref<32768xf32, #tpu.memory_space<vmem>> -> memref<8192xf32, #tpu.memory_space<vmem>>
      %dma_wait3A_1405 = arith.constant 0 : i32
      %dma_wait3A_1406 = tpu.memref_slice %arg2[%select_n3A_1382, %add3A_1402, %dma_wait3A_1405] : memref<8x256x8192xf32, #tpu.memory_space<hbm>> -> memref<1x1x8192xf32, #tpu.memory_space<hbm>>
      %dma_wait3A_1407 = tpu.memref_squeeze %dma_wait3A_1406 : memref<1x1x8192xf32, #tpu.memory_space<hbm>> -> memref<8192xf32, #tpu.memory_space<hbm>>
      %dma_wait3A_1408 = arith.constant 8192 : i32
      %dma_wait3A_1409 = tpu.memref_slice %arg8[%dma_wait3A_1408] : memref<32768xf32, #tpu.memory_space<vmem>> -> memref<8192xf32, #tpu.memory_space<vmem>>
      %dma_wait3A_1410 = arith.constant 0 : i32
      %dma_wait3A_1411 = tpu.memref_slice %arg2[%select_n3A_1382, %add3A_1402, %dma_wait3A_1410] : memref<8x256x8192xf32, #tpu.memory_space<hbm>> -> memref<1x1x8192xf32, #tpu.memory_space<hbm>>
      %dma_wait3A_1412 = tpu.memref_squeeze %dma_wait3A_1411 : memref<1x1x8192xf32, #tpu.memory_space<hbm>> -> memref<8192xf32, #tpu.memory_space<hbm>>
      tpu.wait_dma2 semaphore(%arg12 : memref<!tpu.dma_semaphore, #tpu.memory_space<semaphore_mem>>) src(%dma_wait3A_1412 : memref<8192xf32, #tpu.memory_space<hbm>>) dst(%dma_wait3A_1409 : memref<8192xf32, #tpu.memory_space<vmem>>)
      %jit3A_1413 = arith.constant 64 : i32
      %div3A_1414 = arith.divsi %mul3A_2, %jit3A_1413 : i32
      %sign3A_1415 = arith.constant 0 : i32
      %sign3A_1416 = arith.cmpi sgt, %mul3A_2, %sign3A_1415 : i32
      %sign3A_1417 = arith.extui %sign3A_1416 : i1 to i32
      %sign3A_1418 = arith.constant 0 : i32
      %sign3A_1419 = arith.cmpi slt, %mul3A_2, %sign3A_1418 : i32
      %sign3A_1420 = arith.extui %sign3A_1419 : i1 to i32
      %sign3A_1421 = arith.subi %sign3A_1417, %sign3A_1420 : i32
      %sign3A_1422 = arith.constant 0 : i32
      %sign3A_1423 = arith.cmpi sgt, %jit3A_1413, %sign3A_1422 : i32
      %sign3A_1424 = arith.extui %sign3A_1423 : i1 to i32
      %sign3A_1425 = arith.constant 0 : i32
      %sign3A_1426 = arith.cmpi slt, %jit3A_1413, %sign3A_1425 : i32
      %sign3A_1427 = arith.extui %sign3A_1426 : i1 to i32
      %sign3A_1428 = arith.subi %sign3A_1424, %sign3A_1427 : i32
      %ne3A_1429 = arith.cmpi ne, %sign3A_1421, %sign3A_1428 : i32
      %rem3A_1430 = arith.remsi %mul3A_2, %jit3A_1413 : i32
      %ne3A_1431 = arith.constant 0 : i32
      %ne3A_1432 = arith.cmpi ne, %rem3A_1430, %ne3A_1431 : i32
      %and3A_1433 = arith.andi %ne3A_1429, %ne3A_1432 : i1
      %sub3A_1434 = arith.constant 1 : i32
      %sub3A_1435 = arith.subi %div3A_1414, %sub3A_1434 : i32
      %select_n3A_1436 = arith.select %and3A_1433, %sub3A_1435, %div3A_1414 : i32
      %jit3A_1437 = arith.constant 64 : i32
      %eq3A_1438 = arith.constant 0 : i32
      %eq3A_1439 = arith.cmpi eq, %jit3A_1437, %eq3A_1438 : i32
      %jit3A_1440 = arith.constant 1 : i32
      %select_n3A_1441 = arith.select %eq3A_1439, %jit3A_1440, %jit3A_1437 : i32
      %rem3A_1442 = arith.remsi %mul3A_2, %select_n3A_1441 : i32
      %ne3A_1443 = arith.constant 0 : i32
      %ne3A_1444 = arith.cmpi ne, %rem3A_1442, %ne3A_1443 : i32
      %lt3A_1445 = arith.constant 0 : i32
      %lt3A_1446 = arith.cmpi slt, %rem3A_1442, %lt3A_1445 : i32
      %lt3A_1447 = arith.constant 0 : i32
      %lt3A_1448 = arith.cmpi slt, %select_n3A_1441, %lt3A_1447 : i32
      %ne3A_1449 = arith.xori %lt3A_1446, %lt3A_1448 : i1
      %and3A_1450 = arith.andi %ne3A_1449, %ne3A_1444 : i1
      %add3A_1451 = arith.addi %rem3A_1442, %select_n3A_1441 : i32
      %select_n3A_1452 = arith.select %and3A_1450, %add3A_1451, %rem3A_1442 : i32
      %mul3A_1453 = arith.constant 4 : i32
      %mul3A_1454 = arith.muli %select_n3A_1452, %mul3A_1453 : i32
      %add3A_1455 = arith.constant 0 : i32
      %add3A_1456 = arith.addi %mul3A_1454, %add3A_1455 : i32
      %dma_wait3A_1457 = arith.constant 16384 : i32
      %dma_wait3A_1458 = tpu.memref_slice %arg8[%dma_wait3A_1457] : memref<32768xf32, #tpu.memory_space<vmem>> -> memref<8192xf32, #tpu.memory_space<vmem>>
      %dma_wait3A_1459 = arith.constant 0 : i32
      %dma_wait3A_1460 = tpu.memref_slice %arg2[%select_n3A_1436, %add3A_1456, %dma_wait3A_1459] : memref<8x256x8192xf32, #tpu.memory_space<hbm>> -> memref<1x1x8192xf32, #tpu.memory_space<hbm>>
      %dma_wait3A_1461 = tpu.memref_squeeze %dma_wait3A_1460 : memref<1x1x8192xf32, #tpu.memory_space<hbm>> -> memref<8192xf32, #tpu.memory_space<hbm>>
      %dma_wait3A_1462 = arith.constant 16384 : i32
      %dma_wait3A_1463 = tpu.memref_slice %arg8[%dma_wait3A_1462] : memref<32768xf32, #tpu.memory_space<vmem>> -> memref<8192xf32, #tpu.memory_space<vmem>>
      %dma_wait3A_1464 = arith.constant 0 : i32
      %dma_wait3A_1465 = tpu.memref_slice %arg2[%select_n3A_1436, %add3A_1456, %dma_wait3A_1464] : memref<8x256x8192xf32, #tpu.memory_space<hbm>> -> memref<1x1x8192xf32, #tpu.memory_space<hbm>>
      %dma_wait3A_1466 = tpu.memref_squeeze %dma_wait3A_1465 : memref<1x1x8192xf32, #tpu.memory_space<hbm>> -> memref<8192xf32, #tpu.memory_space<hbm>>
      tpu.wait_dma2 semaphore(%arg12 : memref<!tpu.dma_semaphore, #tpu.memory_space<semaphore_mem>>) src(%dma_wait3A_1466 : memref<8192xf32, #tpu.memory_space<hbm>>) dst(%dma_wait3A_1463 : memref<8192xf32, #tpu.memory_space<vmem>>)
      %jit3A_1467 = arith.constant 64 : i32
      %div3A_1468 = arith.divsi %mul3A_2, %jit3A_1467 : i32
      %sign3A_1469 = arith.constant 0 : i32
      %sign3A_1470 = arith.cmpi sgt, %mul3A_2, %sign3A_1469 : i32
      %sign3A_1471 = arith.extui %sign3A_1470 : i1 to i32
      %sign3A_1472 = arith.constant 0 : i32
      %sign3A_1473 = arith.cmpi slt, %mul3A_2, %sign3A_1472 : i32
      %sign3A_1474 = arith.extui %sign3A_1473 : i1 to i32
      %sign3A_1475 = arith.subi %sign3A_1471, %sign3A_1474 : i32
      %sign3A_1476 = arith.constant 0 : i32
      %sign3A_1477 = arith.cmpi sgt, %jit3A_1467, %sign3A_1476 : i32
      %sign3A_1478 = arith.extui %sign3A_1477 : i1 to i32
      %sign3A_1479 = arith.constant 0 : i32
      %sign3A_1480 = arith.cmpi slt, %jit3A_1467, %sign3A_1479 : i32
      %sign3A_1481 = arith.extui %sign3A_1480 : i1 to i32
      %sign3A_1482 = arith.subi %sign3A_1478, %sign3A_1481 : i32
      %ne3A_1483 = arith.cmpi ne, %sign3A_1475, %sign3A_1482 : i32
      %rem3A_1484 = arith.remsi %mul3A_2, %jit3A_1467 : i32
      %ne3A_1485 = arith.constant 0 : i32
      %ne3A_1486 = arith.cmpi ne, %rem3A_1484, %ne3A_1485 : i32
      %and3A_1487 = arith.andi %ne3A_1483, %ne3A_1486 : i1
      %sub3A_1488 = arith.constant 1 : i32
      %sub3A_1489 = arith.subi %div3A_1468, %sub3A_1488 : i32
      %select_n3A_1490 = arith.select %and3A_1487, %sub3A_1489, %div3A_1468 : i32
      %jit3A_1491 = arith.constant 64 : i32
      %eq3A_1492 = arith.constant 0 : i32
      %eq3A_1493 = arith.cmpi eq, %jit3A_1491, %eq3A_1492 : i32
      %jit3A_1494 = arith.constant 1 : i32
      %select_n3A_1495 = arith.select %eq3A_1493, %jit3A_1494, %jit3A_1491 : i32
      %rem3A_1496 = arith.remsi %mul3A_2, %select_n3A_1495 : i32
      %ne3A_1497 = arith.constant 0 : i32
      %ne3A_1498 = arith.cmpi ne, %rem3A_1496, %ne3A_1497 : i32
      %lt3A_1499 = arith.constant 0 : i32
      %lt3A_1500 = arith.cmpi slt, %rem3A_1496, %lt3A_1499 : i32
      %lt3A_1501 = arith.constant 0 : i32
      %lt3A_1502 = arith.cmpi slt, %select_n3A_1495, %lt3A_1501 : i32
      %ne3A_1503 = arith.xori %lt3A_1500, %lt3A_1502 : i1
      %and3A_1504 = arith.andi %ne3A_1503, %ne3A_1498 : i1
      %add3A_1505 = arith.addi %rem3A_1496, %select_n3A_1495 : i32
      %select_n3A_1506 = arith.select %and3A_1504, %add3A_1505, %rem3A_1496 : i32
      %mul3A_1507 = arith.constant 4 : i32
      %mul3A_1508 = arith.muli %select_n3A_1506, %mul3A_1507 : i32
      %add3A_1509 = arith.constant 0 : i32
      %add3A_1510 = arith.addi %mul3A_1508, %add3A_1509 : i32
      %dma_wait3A_1511 = arith.constant 24576 : i32
      %dma_wait3A_1512 = tpu.memref_slice %arg8[%dma_wait3A_1511] : memref<32768xf32, #tpu.memory_space<vmem>> -> memref<8192xf32, #tpu.memory_space<vmem>>
      %dma_wait3A_1513 = arith.constant 0 : i32
      %dma_wait3A_1514 = tpu.memref_slice %arg2[%select_n3A_1490, %add3A_1510, %dma_wait3A_1513] : memref<8x256x8192xf32, #tpu.memory_space<hbm>> -> memref<1x1x8192xf32, #tpu.memory_space<hbm>>
      %dma_wait3A_1515 = tpu.memref_squeeze %dma_wait3A_1514 : memref<1x1x8192xf32, #tpu.memory_space<hbm>> -> memref<8192xf32, #tpu.memory_space<hbm>>
      %dma_wait3A_1516 = arith.constant 24576 : i32
      %dma_wait3A_1517 = tpu.memref_slice %arg8[%dma_wait3A_1516] : memref<32768xf32, #tpu.memory_space<vmem>> -> memref<8192xf32, #tpu.memory_space<vmem>>
      %dma_wait3A_1518 = arith.constant 0 : i32
      %dma_wait3A_1519 = tpu.memref_slice %arg2[%select_n3A_1490, %add3A_1510, %dma_wait3A_1518] : memref<8x256x8192xf32, #tpu.memory_space<hbm>> -> memref<1x1x8192xf32, #tpu.memory_space<hbm>>
      %dma_wait3A_1520 = tpu.memref_squeeze %dma_wait3A_1519 : memref<1x1x8192xf32, #tpu.memory_space<hbm>> -> memref<8192xf32, #tpu.memory_space<hbm>>
      tpu.wait_dma2 semaphore(%arg12 : memref<!tpu.dma_semaphore, #tpu.memory_space<semaphore_mem>>) src(%dma_wait3A_1520 : memref<8192xf32, #tpu.memory_space<hbm>>) dst(%dma_wait3A_1517 : memref<8192xf32, #tpu.memory_space<vmem>>)
      %mul3A_1521 = arith.constant 2 : i32
      %mul3A_1522 = arith.muli %mul3A_1521, %scan3A_1299 : i32
      %add3A_1523 = arith.constant 0 : i32
      %add3A_1524 = arith.addi %mul3A_1522, %add3A_1523 : i32
      %ge3A = arith.constant 2 : i32
      %ge3A_1525 = arith.cmpi sge, %add3A_1524, %ge3A : i32
      %convert_element_type3A = arith.extui %ge3A_1525 : i1 to i32
      %cond3A = arith.constant 0 : i32
      %cond3A_1526 = arith.cmpi ne, %convert_element_type3A, %cond3A : i32
      scf.if %cond3A_1526 {
        %jit3A_2640 = arith.constant 64 : i32
        %div3A_2641 = arith.divsi %mul3A_2, %jit3A_2640 : i32
        %sign3A_2642 = arith.constant 0 : i32
        %sign3A_2643 = arith.cmpi sgt, %mul3A_2, %sign3A_2642 : i32
        %sign3A_2644 = arith.extui %sign3A_2643 : i1 to i32
        %sign3A_2645 = arith.constant 0 : i32
        %sign3A_2646 = arith.cmpi slt, %mul3A_2, %sign3A_2645 : i32
        %sign3A_2647 = arith.extui %sign3A_2646 : i1 to i32
        %sign3A_2648 = arith.subi %sign3A_2644, %sign3A_2647 : i32
        %sign3A_2649 = arith.constant 0 : i32
        %sign3A_2650 = arith.cmpi sgt, %jit3A_2640, %sign3A_2649 : i32
        %sign3A_2651 = arith.extui %sign3A_2650 : i1 to i32
        %sign3A_2652 = arith.constant 0 : i32
        %sign3A_2653 = arith.cmpi slt, %jit3A_2640, %sign3A_2652 : i32
        %sign3A_2654 = arith.extui %sign3A_2653 : i1 to i32
        %sign3A_2655 = arith.subi %sign3A_2651, %sign3A_2654 : i32
        %ne3A_2656 = arith.cmpi ne, %sign3A_2648, %sign3A_2655 : i32
        %rem3A_2657 = arith.remsi %mul3A_2, %jit3A_2640 : i32
        %ne3A_2658 = arith.constant 0 : i32
        %ne3A_2659 = arith.cmpi ne, %rem3A_2657, %ne3A_2658 : i32
        %and3A_2660 = arith.andi %ne3A_2656, %ne3A_2659 : i1
        %sub3A_2661 = arith.constant 1 : i32
        %sub3A_2662 = arith.subi %div3A_2641, %sub3A_2661 : i32
        %select_n3A_2663 = arith.select %and3A_2660, %sub3A_2662, %div3A_2641 : i32
        %jit3A_2664 = arith.constant 64 : i32
        %eq3A_2665 = arith.constant 0 : i32
        %eq3A_2666 = arith.cmpi eq, %jit3A_2664, %eq3A_2665 : i32
        %jit3A_2667 = arith.constant 1 : i32
        %select_n3A_2668 = arith.select %eq3A_2666, %jit3A_2667, %jit3A_2664 : i32
        %rem3A_2669 = arith.remsi %mul3A_2, %select_n3A_2668 : i32
        %ne3A_2670 = arith.constant 0 : i32
        %ne3A_2671 = arith.cmpi ne, %rem3A_2669, %ne3A_2670 : i32
        %lt3A_2672 = arith.constant 0 : i32
        %lt3A_2673 = arith.cmpi slt, %rem3A_2669, %lt3A_2672 : i32
        %lt3A_2674 = arith.constant 0 : i32
        %lt3A_2675 = arith.cmpi slt, %select_n3A_2668, %lt3A_2674 : i32
        %ne3A_2676 = arith.xori %lt3A_2673, %lt3A_2675 : i1
        %and3A_2677 = arith.andi %ne3A_2676, %ne3A_2671 : i1
        %add3A_2678 = arith.addi %rem3A_2669, %select_n3A_2668 : i32
        %select_n3A_2679 = arith.select %and3A_2677, %add3A_2678, %rem3A_2669 : i32
        %mul3A_2680 = arith.constant 4 : i32
        %mul3A_2681 = arith.muli %select_n3A_2679, %mul3A_2680 : i32
        %add3A_2682 = arith.constant 0 : i32
        %add3A_2683 = arith.addi %mul3A_2681, %add3A_2682 : i32
        %dma_wait3A_2684 = arith.constant 0 : i32
        %dma_wait3A_2685 = tpu.memref_slice %arg10[%dma_wait3A_2684] : memref<16384xf32, #tpu.memory_space<vmem>> -> memref<4096xf32, #tpu.memory_space<vmem>>
        %dma_wait3A_2686 = arith.constant 0 : i32
        %dma_wait3A_2687 = tpu.memref_slice %arg4[%select_n3A_2663, %add3A_2683, %dma_wait3A_2686] : memref<8x256x4096xf32, #tpu.memory_space<hbm>> -> memref<1x1x4096xf32, #tpu.memory_space<hbm>>
        %dma_wait3A_2688 = tpu.memref_squeeze %dma_wait3A_2687 : memref<1x1x4096xf32, #tpu.memory_space<hbm>> -> memref<4096xf32, #tpu.memory_space<hbm>>
        %dma_wait3A_2689 = arith.constant 0 : i32
        %dma_wait3A_2690 = tpu.memref_slice %arg4[%select_n3A_2663, %add3A_2683, %dma_wait3A_2689] : memref<8x256x4096xf32, #tpu.memory_space<hbm>> -> memref<1x1x4096xf32, #tpu.memory_space<hbm>>
        %dma_wait3A_2691 = tpu.memref_squeeze %dma_wait3A_2690 : memref<1x1x4096xf32, #tpu.memory_space<hbm>> -> memref<4096xf32, #tpu.memory_space<hbm>>
        %dma_wait3A_2692 = arith.constant 0 : i32
        %dma_wait3A_2693 = tpu.memref_slice %arg10[%dma_wait3A_2692] : memref<16384xf32, #tpu.memory_space<vmem>> -> memref<4096xf32, #tpu.memory_space<vmem>>
        tpu.wait_dma2 semaphore(%arg14 : memref<!tpu.dma_semaphore, #tpu.memory_space<semaphore_mem>>) src(%dma_wait3A_2693 : memref<4096xf32, #tpu.memory_space<vmem>>) dst(%dma_wait3A_2691 : memref<4096xf32, #tpu.memory_space<hbm>>)
        %jit3A_2694 = arith.constant 64 : i32
        %div3A_2695 = arith.divsi %mul3A_2, %jit3A_2694 : i32
        %sign3A_2696 = arith.constant 0 : i32
        %sign3A_2697 = arith.cmpi sgt, %mul3A_2, %sign3A_2696 : i32
        %sign3A_2698 = arith.extui %sign3A_2697 : i1 to i32
        %sign3A_2699 = arith.constant 0 : i32
        %sign3A_2700 = arith.cmpi slt, %mul3A_2, %sign3A_2699 : i32
        %sign3A_2701 = arith.extui %sign3A_2700 : i1 to i32
        %sign3A_2702 = arith.subi %sign3A_2698, %sign3A_2701 : i32
        %sign3A_2703 = arith.constant 0 : i32
        %sign3A_2704 = arith.cmpi sgt, %jit3A_2694, %sign3A_2703 : i32
        %sign3A_2705 = arith.extui %sign3A_2704 : i1 to i32
        %sign3A_2706 = arith.constant 0 : i32
        %sign3A_2707 = arith.cmpi slt, %jit3A_2694, %sign3A_2706 : i32
        %sign3A_2708 = arith.extui %sign3A_2707 : i1 to i32
        %sign3A_2709 = arith.subi %sign3A_2705, %sign3A_2708 : i32
        %ne3A_2710 = arith.cmpi ne, %sign3A_2702, %sign3A_2709 : i32
        %rem3A_2711 = arith.remsi %mul3A_2, %jit3A_2694 : i32
        %ne3A_2712 = arith.constant 0 : i32
        %ne3A_2713 = arith.cmpi ne, %rem3A_2711, %ne3A_2712 : i32
        %and3A_2714 = arith.andi %ne3A_2710, %ne3A_2713 : i1
        %sub3A_2715 = arith.constant 1 : i32
        %sub3A_2716 = arith.subi %div3A_2695, %sub3A_2715 : i32
        %select_n3A_2717 = arith.select %and3A_2714, %sub3A_2716, %div3A_2695 : i32
        %jit3A_2718 = arith.constant 64 : i32
        %eq3A_2719 = arith.constant 0 : i32
        %eq3A_2720 = arith.cmpi eq, %jit3A_2718, %eq3A_2719 : i32
        %jit3A_2721 = arith.constant 1 : i32
        %select_n3A_2722 = arith.select %eq3A_2720, %jit3A_2721, %jit3A_2718 : i32
        %rem3A_2723 = arith.remsi %mul3A_2, %select_n3A_2722 : i32
        %ne3A_2724 = arith.constant 0 : i32
        %ne3A_2725 = arith.cmpi ne, %rem3A_2723, %ne3A_2724 : i32
        %lt3A_2726 = arith.constant 0 : i32
        %lt3A_2727 = arith.cmpi slt, %rem3A_2723, %lt3A_2726 : i32
        %lt3A_2728 = arith.constant 0 : i32
        %lt3A_2729 = arith.cmpi slt, %select_n3A_2722, %lt3A_2728 : i32
        %ne3A_2730 = arith.xori %lt3A_2727, %lt3A_2729 : i1
        %and3A_2731 = arith.andi %ne3A_2730, %ne3A_2725 : i1
        %add3A_2732 = arith.addi %rem3A_2723, %select_n3A_2722 : i32
        %select_n3A_2733 = arith.select %and3A_2731, %add3A_2732, %rem3A_2723 : i32
        %mul3A_2734 = arith.constant 4 : i32
        %mul3A_2735 = arith.muli %select_n3A_2733, %mul3A_2734 : i32
        %add3A_2736 = arith.constant 0 : i32
        %add3A_2737 = arith.addi %mul3A_2735, %add3A_2736 : i32
        %dma_wait3A_2738 = arith.constant 4096 : i32
        %dma_wait3A_2739 = tpu.memref_slice %arg10[%dma_wait3A_2738] : memref<16384xf32, #tpu.memory_space<vmem>> -> memref<4096xf32, #tpu.memory_space<vmem>>
        %dma_wait3A_2740 = arith.constant 0 : i32
        %dma_wait3A_2741 = tpu.memref_slice %arg4[%select_n3A_2717, %add3A_2737, %dma_wait3A_2740] : memref<8x256x4096xf32, #tpu.memory_space<hbm>> -> memref<1x1x4096xf32, #tpu.memory_space<hbm>>
        %dma_wait3A_2742 = tpu.memref_squeeze %dma_wait3A_2741 : memref<1x1x4096xf32, #tpu.memory_space<hbm>> -> memref<4096xf32, #tpu.memory_space<hbm>>
        %dma_wait3A_2743 = arith.constant 0 : i32
        %dma_wait3A_2744 = tpu.memref_slice %arg4[%select_n3A_2717, %add3A_2737, %dma_wait3A_2743] : memref<8x256x4096xf32, #tpu.memory_space<hbm>> -> memref<1x1x4096xf32, #tpu.memory_space<hbm>>
        %dma_wait3A_2745 = tpu.memref_squeeze %dma_wait3A_2744 : memref<1x1x4096xf32, #tpu.memory_space<hbm>> -> memref<4096xf32, #tpu.memory_space<hbm>>
        %dma_wait3A_2746 = arith.constant 4096 : i32
        %dma_wait3A_2747 = tpu.memref_slice %arg10[%dma_wait3A_2746] : memref<16384xf32, #tpu.memory_space<vmem>> -> memref<4096xf32, #tpu.memory_space<vmem>>
        tpu.wait_dma2 semaphore(%arg14 : memref<!tpu.dma_semaphore, #tpu.memory_space<semaphore_mem>>) src(%dma_wait3A_2747 : memref<4096xf32, #tpu.memory_space<vmem>>) dst(%dma_wait3A_2745 : memref<4096xf32, #tpu.memory_space<hbm>>)
        %jit3A_2748 = arith.constant 64 : i32
        %div3A_2749 = arith.divsi %mul3A_2, %jit3A_2748 : i32
        %sign3A_2750 = arith.constant 0 : i32
        %sign3A_2751 = arith.cmpi sgt, %mul3A_2, %sign3A_2750 : i32
        %sign3A_2752 = arith.extui %sign3A_2751 : i1 to i32
        %sign3A_2753 = arith.constant 0 : i32
        %sign3A_2754 = arith.cmpi slt, %mul3A_2, %sign3A_2753 : i32
        %sign3A_2755 = arith.extui %sign3A_2754 : i1 to i32
        %sign3A_2756 = arith.subi %sign3A_2752, %sign3A_2755 : i32
        %sign3A_2757 = arith.constant 0 : i32
        %sign3A_2758 = arith.cmpi sgt, %jit3A_2748, %sign3A_2757 : i32
        %sign3A_2759 = arith.extui %sign3A_2758 : i1 to i32
        %sign3A_2760 = arith.constant 0 : i32
        %sign3A_2761 = arith.cmpi slt, %jit3A_2748, %sign3A_2760 : i32
        %sign3A_2762 = arith.extui %sign3A_2761 : i1 to i32
        %sign3A_2763 = arith.subi %sign3A_2759, %sign3A_2762 : i32
        %ne3A_2764 = arith.cmpi ne, %sign3A_2756, %sign3A_2763 : i32
        %rem3A_2765 = arith.remsi %mul3A_2, %jit3A_2748 : i32
        %ne3A_2766 = arith.constant 0 : i32
        %ne3A_2767 = arith.cmpi ne, %rem3A_2765, %ne3A_2766 : i32
        %and3A_2768 = arith.andi %ne3A_2764, %ne3A_2767 : i1
        %sub3A_2769 = arith.constant 1 : i32
        %sub3A_2770 = arith.subi %div3A_2749, %sub3A_2769 : i32
        %select_n3A_2771 = arith.select %and3A_2768, %sub3A_2770, %div3A_2749 : i32
        %jit3A_2772 = arith.constant 64 : i32
        %eq3A_2773 = arith.constant 0 : i32
        %eq3A_2774 = arith.cmpi eq, %jit3A_2772, %eq3A_2773 : i32
        %jit3A_2775 = arith.constant 1 : i32
        %select_n3A_2776 = arith.select %eq3A_2774, %jit3A_2775, %jit3A_2772 : i32
        %rem3A_2777 = arith.remsi %mul3A_2, %select_n3A_2776 : i32
        %ne3A_2778 = arith.constant 0 : i32
        %ne3A_2779 = arith.cmpi ne, %rem3A_2777, %ne3A_2778 : i32
        %lt3A_2780 = arith.constant 0 : i32
        %lt3A_2781 = arith.cmpi slt, %rem3A_2777, %lt3A_2780 : i32
        %lt3A_2782 = arith.constant 0 : i32
        %lt3A_2783 = arith.cmpi slt, %select_n3A_2776, %lt3A_2782 : i32
        %ne3A_2784 = arith.xori %lt3A_2781, %lt3A_2783 : i1
        %and3A_2785 = arith.andi %ne3A_2784, %ne3A_2779 : i1
        %add3A_2786 = arith.addi %rem3A_2777, %select_n3A_2776 : i32
        %select_n3A_2787 = arith.select %and3A_2785, %add3A_2786, %rem3A_2777 : i32
        %mul3A_2788 = arith.constant 4 : i32
        %mul3A_2789 = arith.muli %select_n3A_2787, %mul3A_2788 : i32
        %add3A_2790 = arith.constant 0 : i32
        %add3A_2791 = arith.addi %mul3A_2789, %add3A_2790 : i32
        %dma_wait3A_2792 = arith.constant 8192 : i32
        %dma_wait3A_2793 = tpu.memref_slice %arg10[%dma_wait3A_2792] : memref<16384xf32, #tpu.memory_space<vmem>> -> memref<4096xf32, #tpu.memory_space<vmem>>
        %dma_wait3A_2794 = arith.constant 0 : i32
        %dma_wait3A_2795 = tpu.memref_slice %arg4[%select_n3A_2771, %add3A_2791, %dma_wait3A_2794] : memref<8x256x4096xf32, #tpu.memory_space<hbm>> -> memref<1x1x4096xf32, #tpu.memory_space<hbm>>
        %dma_wait3A_2796 = tpu.memref_squeeze %dma_wait3A_2795 : memref<1x1x4096xf32, #tpu.memory_space<hbm>> -> memref<4096xf32, #tpu.memory_space<hbm>>
        %dma_wait3A_2797 = arith.constant 0 : i32
        %dma_wait3A_2798 = tpu.memref_slice %arg4[%select_n3A_2771, %add3A_2791, %dma_wait3A_2797] : memref<8x256x4096xf32, #tpu.memory_space<hbm>> -> memref<1x1x4096xf32, #tpu.memory_space<hbm>>
        %dma_wait3A_2799 = tpu.memref_squeeze %dma_wait3A_2798 : memref<1x1x4096xf32, #tpu.memory_space<hbm>> -> memref<4096xf32, #tpu.memory_space<hbm>>
        %dma_wait3A_2800 = arith.constant 8192 : i32
        %dma_wait3A_2801 = tpu.memref_slice %arg10[%dma_wait3A_2800] : memref<16384xf32, #tpu.memory_space<vmem>> -> memref<4096xf32, #tpu.memory_space<vmem>>
        tpu.wait_dma2 semaphore(%arg14 : memref<!tpu.dma_semaphore, #tpu.memory_space<semaphore_mem>>) src(%dma_wait3A_2801 : memref<4096xf32, #tpu.memory_space<vmem>>) dst(%dma_wait3A_2799 : memref<4096xf32, #tpu.memory_space<hbm>>)
        %jit3A_2802 = arith.constant 64 : i32
        %div3A_2803 = arith.divsi %mul3A_2, %jit3A_2802 : i32
        %sign3A_2804 = arith.constant 0 : i32
        %sign3A_2805 = arith.cmpi sgt, %mul3A_2, %sign3A_2804 : i32
        %sign3A_2806 = arith.extui %sign3A_2805 : i1 to i32
        %sign3A_2807 = arith.constant 0 : i32
        %sign3A_2808 = arith.cmpi slt, %mul3A_2, %sign3A_2807 : i32
        %sign3A_2809 = arith.extui %sign3A_2808 : i1 to i32
        %sign3A_2810 = arith.subi %sign3A_2806, %sign3A_2809 : i32
        %sign3A_2811 = arith.constant 0 : i32
        %sign3A_2812 = arith.cmpi sgt, %jit3A_2802, %sign3A_2811 : i32
        %sign3A_2813 = arith.extui %sign3A_2812 : i1 to i32
        %sign3A_2814 = arith.constant 0 : i32
        %sign3A_2815 = arith.cmpi slt, %jit3A_2802, %sign3A_2814 : i32
        %sign3A_2816 = arith.extui %sign3A_2815 : i1 to i32
        %sign3A_2817 = arith.subi %sign3A_2813, %sign3A_2816 : i32
        %ne3A_2818 = arith.cmpi ne, %sign3A_2810, %sign3A_2817 : i32
        %rem3A_2819 = arith.remsi %mul3A_2, %jit3A_2802 : i32
        %ne3A_2820 = arith.constant 0 : i32
        %ne3A_2821 = arith.cmpi ne, %rem3A_2819, %ne3A_2820 : i32
        %and3A_2822 = arith.andi %ne3A_2818, %ne3A_2821 : i1
        %sub3A_2823 = arith.constant 1 : i32
        %sub3A_2824 = arith.subi %div3A_2803, %sub3A_2823 : i32
        %select_n3A_2825 = arith.select %and3A_2822, %sub3A_2824, %div3A_2803 : i32
        %jit3A_2826 = arith.constant 64 : i32
        %eq3A_2827 = arith.constant 0 : i32
        %eq3A_2828 = arith.cmpi eq, %jit3A_2826, %eq3A_2827 : i32
        %jit3A_2829 = arith.constant 1 : i32
        %select_n3A_2830 = arith.select %eq3A_2828, %jit3A_2829, %jit3A_2826 : i32
        %rem3A_2831 = arith.remsi %mul3A_2, %select_n3A_2830 : i32
        %ne3A_2832 = arith.constant 0 : i32
        %ne3A_2833 = arith.cmpi ne, %rem3A_2831, %ne3A_2832 : i32
        %lt3A_2834 = arith.constant 0 : i32
        %lt3A_2835 = arith.cmpi slt, %rem3A_2831, %lt3A_2834 : i32
        %lt3A_2836 = arith.constant 0 : i32
        %lt3A_2837 = arith.cmpi slt, %select_n3A_2830, %lt3A_2836 : i32
        %ne3A_2838 = arith.xori %lt3A_2835, %lt3A_2837 : i1
        %and3A_2839 = arith.andi %ne3A_2838, %ne3A_2833 : i1
        %add3A_2840 = arith.addi %rem3A_2831, %select_n3A_2830 : i32
        %select_n3A_2841 = arith.select %and3A_2839, %add3A_2840, %rem3A_2831 : i32
        %mul3A_2842 = arith.constant 4 : i32
        %mul3A_2843 = arith.muli %select_n3A_2841, %mul3A_2842 : i32
        %add3A_2844 = arith.constant 0 : i32
        %add3A_2845 = arith.addi %mul3A_2843, %add3A_2844 : i32
        %dma_wait3A_2846 = arith.constant 12288 : i32
        %dma_wait3A_2847 = tpu.memref_slice %arg10[%dma_wait3A_2846] : memref<16384xf32, #tpu.memory_space<vmem>> -> memref<4096xf32, #tpu.memory_space<vmem>>
        %dma_wait3A_2848 = arith.constant 0 : i32
        %dma_wait3A_2849 = tpu.memref_slice %arg4[%select_n3A_2825, %add3A_2845, %dma_wait3A_2848] : memref<8x256x4096xf32, #tpu.memory_space<hbm>> -> memref<1x1x4096xf32, #tpu.memory_space<hbm>>
        %dma_wait3A_2850 = tpu.memref_squeeze %dma_wait3A_2849 : memref<1x1x4096xf32, #tpu.memory_space<hbm>> -> memref<4096xf32, #tpu.memory_space<hbm>>
        %dma_wait3A_2851 = arith.constant 0 : i32
        %dma_wait3A_2852 = tpu.memref_slice %arg4[%select_n3A_2825, %add3A_2845, %dma_wait3A_2851] : memref<8x256x4096xf32, #tpu.memory_space<hbm>> -> memref<1x1x4096xf32, #tpu.memory_space<hbm>>
        %dma_wait3A_2853 = tpu.memref_squeeze %dma_wait3A_2852 : memref<1x1x4096xf32, #tpu.memory_space<hbm>> -> memref<4096xf32, #tpu.memory_space<hbm>>
        %dma_wait3A_2854 = arith.constant 12288 : i32
        %dma_wait3A_2855 = tpu.memref_slice %arg10[%dma_wait3A_2854] : memref<16384xf32, #tpu.memory_space<vmem>> -> memref<4096xf32, #tpu.memory_space<vmem>>
        tpu.wait_dma2 semaphore(%arg14 : memref<!tpu.dma_semaphore, #tpu.memory_space<semaphore_mem>>) src(%dma_wait3A_2855 : memref<4096xf32, #tpu.memory_space<vmem>>) dst(%dma_wait3A_2853 : memref<4096xf32, #tpu.memory_space<hbm>>)
      } else {
      }
      %parallel_loop3A_1527 = arith.constant 0 : i32
      %parallel_loop3A_1528 = arith.constant 256 : i32
      %parallel_loop3A_1529 = arith.constant 1 : i32
      scf.for %parallel_loop3A_2640 = %parallel_loop3A_1527 to %parallel_loop3A_1528 step %parallel_loop3A_1529  : i32 {
        %parallel_loop3A_2641 = arith.constant 16 : i32
        %parallel_loop3A_2642 = arith.muli %parallel_loop3A_2640, %parallel_loop3A_2641 : i32
        %parallel_loop3A_2643 = arith.index_cast %parallel_loop3A_2642 : i32 to index
        %parallel_loop3A_2644 = tpu.vector_load %arg7[%parallel_loop3A_2643] {strides = array<i32>} : memref<4096xi32, #tpu.memory_space<vmem>>, vector<16xi32>,
        %parallel_loop3A_2645 = tpu.vector_load_idx %arg8[%parallel_loop3A_2644] : memref<32768xf32, #tpu.memory_space<vmem>>[vector<16xi32>], vector<16xf32>,
        %parallel_loop3A_2646 = arith.constant 0 : i32
        %parallel_loop3A_2647 = arith.addi %parallel_loop3A_2646, %parallel_loop3A_2642 : i32
        %parallel_loop3A_2648 = arith.index_cast %parallel_loop3A_2647 : i32 to index
        %parallel_loop3A_2649 = tpu.vector_load %arg10[%parallel_loop3A_2648] {strides = array<i32>} : memref<16384xf32, #tpu.memory_space<vmem>>, vector<16xf32>,
        tpu.vector_store %arg10[%parallel_loop3A_2648], %parallel_loop3A_2645 {strides = array<i32>} : memref<16384xf32, #tpu.memory_space<vmem>>, vector<16xf32>,
        %parallel_loop3A_2650 = arith.constant 8192 : i32
        %parallel_loop3A_2651 = vector.broadcast %parallel_loop3A_2650 : i32 to vector<16xi32>
        %parallel_loop3A_2652 = arith.addi %parallel_loop3A_2644, %parallel_loop3A_2651 : vector<16xi32>
        %parallel_loop3A_2653 = tpu.vector_load_idx %arg8[%parallel_loop3A_2652] : memref<32768xf32, #tpu.memory_space<vmem>>[vector<16xi32>], vector<16xf32>,
        %parallel_loop3A_2654 = arith.constant 4096 : i32
        %parallel_loop3A_2655 = arith.addi %parallel_loop3A_2654, %parallel_loop3A_2642 : i32
        %parallel_loop3A_2656 = arith.index_cast %parallel_loop3A_2655 : i32 to index
        %parallel_loop3A_2657 = tpu.vector_load %arg10[%parallel_loop3A_2656] {strides = array<i32>} : memref<16384xf32, #tpu.memory_space<vmem>>, vector<16xf32>,
        tpu.vector_store %arg10[%parallel_loop3A_2656], %parallel_loop3A_2653 {strides = array<i32>} : memref<16384xf32, #tpu.memory_space<vmem>>, vector<16xf32>,
        %parallel_loop3A_2658 = arith.constant 16384 : i32
        %parallel_loop3A_2659 = vector.broadcast %parallel_loop3A_2658 : i32 to vector<16xi32>
        %parallel_loop3A_2660 = arith.addi %parallel_loop3A_2644, %parallel_loop3A_2659 : vector<16xi32>
        %parallel_loop3A_2661 = tpu.vector_load_idx %arg8[%parallel_loop3A_2660] : memref<32768xf32, #tpu.memory_space<vmem>>[vector<16xi32>], vector<16xf32>,
        %parallel_loop3A_2662 = arith.constant 8192 : i32
        %parallel_loop3A_2663 = arith.addi %parallel_loop3A_2662, %parallel_loop3A_2642 : i32
        %parallel_loop3A_2664 = arith.index_cast %parallel_loop3A_2663 : i32 to index
        %parallel_loop3A_2665 = tpu.vector_load %arg10[%parallel_loop3A_2664] {strides = array<i32>} : memref<16384xf32, #tpu.memory_space<vmem>>, vector<16xf32>,
        tpu.vector_store %arg10[%parallel_loop3A_2664], %parallel_loop3A_2661 {strides = array<i32>} : memref<16384xf32, #tpu.memory_space<vmem>>, vector<16xf32>,
        %parallel_loop3A_2666 = arith.constant 24576 : i32
        %parallel_loop3A_2667 = vector.broadcast %parallel_loop3A_2666 : i32 to vector<16xi32>
        %parallel_loop3A_2668 = arith.addi %parallel_loop3A_2644, %parallel_loop3A_2667 : vector<16xi32>
        %parallel_loop3A_2669 = tpu.vector_load_idx %arg8[%parallel_loop3A_2668] : memref<32768xf32, #tpu.memory_space<vmem>>[vector<16xi32>], vector<16xf32>,
        %parallel_loop3A_2670 = arith.constant 12288 : i32
        %parallel_loop3A_2671 = arith.addi %parallel_loop3A_2670, %parallel_loop3A_2642 : i32
        %parallel_loop3A_2672 = arith.index_cast %parallel_loop3A_2671 : i32 to index
        %parallel_loop3A_2673 = tpu.vector_load %arg10[%parallel_loop3A_2672] {strides = array<i32>} : memref<16384xf32, #tpu.memory_space<vmem>>, vector<16xf32>,
        tpu.vector_store %arg10[%parallel_loop3A_2672], %parallel_loop3A_2669 {strides = array<i32>} : memref<16384xf32, #tpu.memory_space<vmem>>, vector<16xf32>,
      } {sc.loop_unroll_factor = 8 : i64, sc.parallel_access}
      %jit3A_1530 = arith.constant 64 : i32
      %div3A_1531 = arith.divsi %add3A_1304, %jit3A_1530 : i32
      %sign3A_1532 = arith.constant 0 : i32
      %sign3A_1533 = arith.cmpi sgt, %add3A_1304, %sign3A_1532 : i32
      %sign3A_1534 = arith.extui %sign3A_1533 : i1 to i32
      %sign3A_1535 = arith.constant 0 : i32
      %sign3A_1536 = arith.cmpi slt, %add3A_1304, %sign3A_1535 : i32
      %sign3A_1537 = arith.extui %sign3A_1536 : i1 to i32
      %sign3A_1538 = arith.subi %sign3A_1534, %sign3A_1537 : i32
      %sign3A_1539 = arith.constant 0 : i32
      %sign3A_1540 = arith.cmpi sgt, %jit3A_1530, %sign3A_1539 : i32
      %sign3A_1541 = arith.extui %sign3A_1540 : i1 to i32
      %sign3A_1542 = arith.constant 0 : i32
      %sign3A_1543 = arith.cmpi slt, %jit3A_1530, %sign3A_1542 : i32
      %sign3A_1544 = arith.extui %sign3A_1543 : i1 to i32
      %sign3A_1545 = arith.subi %sign3A_1541, %sign3A_1544 : i32
      %ne3A_1546 = arith.cmpi ne, %sign3A_1538, %sign3A_1545 : i32
      %rem3A_1547 = arith.remsi %add3A_1304, %jit3A_1530 : i32
      %ne3A_1548 = arith.constant 0 : i32
      %ne3A_1549 = arith.cmpi ne, %rem3A_1547, %ne3A_1548 : i32
      %and3A_1550 = arith.andi %ne3A_1546, %ne3A_1549 : i1
      %sub3A_1551 = arith.constant 1 : i32
      %sub3A_1552 = arith.subi %div3A_1531, %sub3A_1551 : i32
      %select_n3A_1553 = arith.select %and3A_1550, %sub3A_1552, %div3A_1531 : i32
      %jit3A_1554 = arith.constant 64 : i32
      %eq3A_1555 = arith.constant 0 : i32
      %eq3A_1556 = arith.cmpi eq, %jit3A_1554, %eq3A_1555 : i32
      %jit3A_1557 = arith.constant 1 : i32
      %select_n3A_1558 = arith.select %eq3A_1556, %jit3A_1557, %jit3A_1554 : i32
      %rem3A_1559 = arith.remsi %add3A_1304, %select_n3A_1558 : i32
      %ne3A_1560 = arith.constant 0 : i32
      %ne3A_1561 = arith.cmpi ne, %rem3A_1559, %ne3A_1560 : i32
      %lt3A_1562 = arith.constant 0 : i32
      %lt3A_1563 = arith.cmpi slt, %rem3A_1559, %lt3A_1562 : i32
      %lt3A_1564 = arith.constant 0 : i32
      %lt3A_1565 = arith.cmpi slt, %select_n3A_1558, %lt3A_1564 : i32
      %ne3A_1566 = arith.xori %lt3A_1563, %lt3A_1565 : i1
      %and3A_1567 = arith.andi %ne3A_1566, %ne3A_1561 : i1
      %add3A_1568 = arith.addi %rem3A_1559, %select_n3A_1558 : i32
      %select_n3A_1569 = arith.select %and3A_1567, %add3A_1568, %rem3A_1559 : i32
      %mul3A_1570 = arith.constant 4 : i32
      %mul3A_1571 = arith.muli %select_n3A_1569, %mul3A_1570 : i32
      %add3A_1572 = arith.constant 0 : i32
      %add3A_1573 = arith.addi %mul3A_1571, %add3A_1572 : i32
      %dma_start3A_1574 = arith.constant 0 : i32
      %dma_start3A_1575 = tpu.memref_slice %arg10[%dma_start3A_1574] : memref<16384xf32, #tpu.memory_space<vmem>> -> memref<4096xf32, #tpu.memory_space<vmem>>
      %dma_start3A_1576 = arith.constant 0 : i32
      %dma_start3A_1577 = tpu.memref_slice %arg4[%select_n3A_1553, %add3A_1573, %dma_start3A_1576] : memref<8x256x4096xf32, #tpu.memory_space<hbm>> -> memref<1x1x4096xf32, #tpu.memory_space<hbm>>
      %dma_start3A_1578 = tpu.memref_squeeze %dma_start3A_1577 : memref<1x1x4096xf32, #tpu.memory_space<hbm>> -> memref<4096xf32, #tpu.memory_space<hbm>>
      %dma_start3A_1579 = arith.constant 0 : i32
      %dma_start3A_1580 = tpu.memref_slice %arg4[%select_n3A_1553, %add3A_1573, %dma_start3A_1579] : memref<8x256x4096xf32, #tpu.memory_space<hbm>> -> memref<1x1x4096xf32, #tpu.memory_space<hbm>>
      %dma_start3A_1581 = tpu.memref_squeeze %dma_start3A_1580 : memref<1x1x4096xf32, #tpu.memory_space<hbm>> -> memref<4096xf32, #tpu.memory_space<hbm>>
      %dma_start3A_1582 = arith.constant 0 : i32
      %dma_start3A_1583 = tpu.memref_slice %arg10[%dma_start3A_1582] : memref<16384xf32, #tpu.memory_space<vmem>> -> memref<4096xf32, #tpu.memory_space<vmem>>
      tpu.enqueue_dma source(%dma_start3A_1583 : memref<4096xf32, #tpu.memory_space<vmem>>) target(%dma_start3A_1581 : memref<4096xf32, #tpu.memory_space<hbm>>) target_semaphore(%arg14 : memref<!tpu.dma_semaphore, #tpu.memory_space<semaphore_mem>>)
      %jit3A_1584 = arith.constant 64 : i32
      %div3A_1585 = arith.divsi %add3A_1304, %jit3A_1584 : i32
      %sign3A_1586 = arith.constant 0 : i32
      %sign3A_1587 = arith.cmpi sgt, %add3A_1304, %sign3A_1586 : i32
      %sign3A_1588 = arith.extui %sign3A_1587 : i1 to i32
      %sign3A_1589 = arith.constant 0 : i32
      %sign3A_1590 = arith.cmpi slt, %add3A_1304, %sign3A_1589 : i32
      %sign3A_1591 = arith.extui %sign3A_1590 : i1 to i32
      %sign3A_1592 = arith.subi %sign3A_1588, %sign3A_1591 : i32
      %sign3A_1593 = arith.constant 0 : i32
      %sign3A_1594 = arith.cmpi sgt, %jit3A_1584, %sign3A_1593 : i32
      %sign3A_1595 = arith.extui %sign3A_1594 : i1 to i32
      %sign3A_1596 = arith.constant 0 : i32
      %sign3A_1597 = arith.cmpi slt, %jit3A_1584, %sign3A_1596 : i32
      %sign3A_1598 = arith.extui %sign3A_1597 : i1 to i32
      %sign3A_1599 = arith.subi %sign3A_1595, %sign3A_1598 : i32
      %ne3A_1600 = arith.cmpi ne, %sign3A_1592, %sign3A_1599 : i32
      %rem3A_1601 = arith.remsi %add3A_1304, %jit3A_1584 : i32
      %ne3A_1602 = arith.constant 0 : i32
      %ne3A_1603 = arith.cmpi ne, %rem3A_1601, %ne3A_1602 : i32
      %and3A_1604 = arith.andi %ne3A_1600, %ne3A_1603 : i1
      %sub3A_1605 = arith.constant 1 : i32
      %sub3A_1606 = arith.subi %div3A_1585, %sub3A_1605 : i32
      %select_n3A_1607 = arith.select %and3A_1604, %sub3A_1606, %div3A_1585 : i32
      %jit3A_1608 = arith.constant 64 : i32
      %eq3A_1609 = arith.constant 0 : i32
      %eq3A_1610 = arith.cmpi eq, %jit3A_1608, %eq3A_1609 : i32
      %jit3A_1611 = arith.constant 1 : i32
      %select_n3A_1612 = arith.select %eq3A_1610, %jit3A_1611, %jit3A_1608 : i32
      %rem3A_1613 = arith.remsi %add3A_1304, %select_n3A_1612 : i32
      %ne3A_1614 = arith.constant 0 : i32
      %ne3A_1615 = arith.cmpi ne, %rem3A_1613, %ne3A_1614 : i32
      %lt3A_1616 = arith.constant 0 : i32
      %lt3A_1617 = arith.cmpi slt, %rem3A_1613, %lt3A_1616 : i32
      %lt3A_1618 = arith.constant 0 : i32
      %lt3A_1619 = arith.cmpi slt, %select_n3A_1612, %lt3A_1618 : i32
      %ne3A_1620 = arith.xori %lt3A_1617, %lt3A_1619 : i1
      %and3A_1621 = arith.andi %ne3A_1620, %ne3A_1615 : i1
      %add3A_1622 = arith.addi %rem3A_1613, %select_n3A_1612 : i32
      %select_n3A_1623 = arith.select %and3A_1621, %add3A_1622, %rem3A_1613 : i32
      %mul3A_1624 = arith.constant 4 : i32
      %mul3A_1625 = arith.muli %select_n3A_1623, %mul3A_1624 : i32
      %add3A_1626 = arith.constant 1 : i32
      %add3A_1627 = arith.addi %mul3A_1625, %add3A_1626 : i32
      %dma_start3A_1628 = arith.constant 4096 : i32
      %dma_start3A_1629 = tpu.memref_slice %arg10[%dma_start3A_1628] : memref<16384xf32, #tpu.memory_space<vmem>> -> memref<4096xf32, #tpu.memory_space<vmem>>
      %dma_start3A_1630 = arith.constant 0 : i32
      %dma_start3A_1631 = tpu.memref_slice %arg4[%select_n3A_1607, %add3A_1627, %dma_start3A_1630] : memref<8x256x4096xf32, #tpu.memory_space<hbm>> -> memref<1x1x4096xf32, #tpu.memory_space<hbm>>
      %dma_start3A_1632 = tpu.memref_squeeze %dma_start3A_1631 : memref<1x1x4096xf32, #tpu.memory_space<hbm>> -> memref<4096xf32, #tpu.memory_space<hbm>>
      %dma_start3A_1633 = arith.constant 0 : i32
      %dma_start3A_1634 = tpu.memref_slice %arg4[%select_n3A_1607, %add3A_1627, %dma_start3A_1633] : memref<8x256x4096xf32, #tpu.memory_space<hbm>> -> memref<1x1x4096xf32, #tpu.memory_space<hbm>>
      %dma_start3A_1635 = tpu.memref_squeeze %dma_start3A_1634 : memref<1x1x4096xf32, #tpu.memory_space<hbm>> -> memref<4096xf32, #tpu.memory_space<hbm>>
      %dma_start3A_1636 = arith.constant 4096 : i32
      %dma_start3A_1637 = tpu.memref_slice %arg10[%dma_start3A_1636] : memref<16384xf32, #tpu.memory_space<vmem>> -> memref<4096xf32, #tpu.memory_space<vmem>>
      tpu.enqueue_dma source(%dma_start3A_1637 : memref<4096xf32, #tpu.memory_space<vmem>>) target(%dma_start3A_1635 : memref<4096xf32, #tpu.memory_space<hbm>>) target_semaphore(%arg14 : memref<!tpu.dma_semaphore, #tpu.memory_space<semaphore_mem>>)
      %jit3A_1638 = arith.constant 64 : i32
      %div3A_1639 = arith.divsi %add3A_1304, %jit3A_1638 : i32
      %sign3A_1640 = arith.constant 0 : i32
      %sign3A_1641 = arith.cmpi sgt, %add3A_1304, %sign3A_1640 : i32
      %sign3A_1642 = arith.extui %sign3A_1641 : i1 to i32
      %sign3A_1643 = arith.constant 0 : i32
      %sign3A_1644 = arith.cmpi slt, %add3A_1304, %sign3A_1643 : i32
      %sign3A_1645 = arith.extui %sign3A_1644 : i1 to i32
      %sign3A_1646 = arith.subi %sign3A_1642, %sign3A_1645 : i32
      %sign3A_1647 = arith.constant 0 : i32
      %sign3A_1648 = arith.cmpi sgt, %jit3A_1638, %sign3A_1647 : i32
      %sign3A_1649 = arith.extui %sign3A_1648 : i1 to i32
      %sign3A_1650 = arith.constant 0 : i32
      %sign3A_1651 = arith.cmpi slt, %jit3A_1638, %sign3A_1650 : i32
      %sign3A_1652 = arith.extui %sign3A_1651 : i1 to i32
      %sign3A_1653 = arith.subi %sign3A_1649, %sign3A_1652 : i32
      %ne3A_1654 = arith.cmpi ne, %sign3A_1646, %sign3A_1653 : i32
      %rem3A_1655 = arith.remsi %add3A_1304, %jit3A_1638 : i32
      %ne3A_1656 = arith.constant 0 : i32
      %ne3A_1657 = arith.cmpi ne, %rem3A_1655, %ne3A_1656 : i32
      %and3A_1658 = arith.andi %ne3A_1654, %ne3A_1657 : i1
      %sub3A_1659 = arith.constant 1 : i32
      %sub3A_1660 = arith.subi %div3A_1639, %sub3A_1659 : i32
      %select_n3A_1661 = arith.select %and3A_1658, %sub3A_1660, %div3A_1639 : i32
      %jit3A_1662 = arith.constant 64 : i32
      %eq3A_1663 = arith.constant 0 : i32
      %eq3A_1664 = arith.cmpi eq, %jit3A_1662, %eq3A_1663 : i32
      %jit3A_1665 = arith.constant 1 : i32
      %select_n3A_1666 = arith.select %eq3A_1664, %jit3A_1665, %jit3A_1662 : i32
      %rem3A_1667 = arith.remsi %add3A_1304, %select_n3A_1666 : i32
      %ne3A_1668 = arith.constant 0 : i32
      %ne3A_1669 = arith.cmpi ne, %rem3A_1667, %ne3A_1668 : i32
      %lt3A_1670 = arith.constant 0 : i32
      %lt3A_1671 = arith.cmpi slt, %rem3A_1667, %lt3A_1670 : i32
      %lt3A_1672 = arith.constant 0 : i32
      %lt3A_1673 = arith.cmpi slt, %select_n3A_1666, %lt3A_1672 : i32
      %ne3A_1674 = arith.xori %lt3A_1671, %lt3A_1673 : i1
      %and3A_1675 = arith.andi %ne3A_1674, %ne3A_1669 : i1
      %add3A_1676 = arith.addi %rem3A_1667, %select_n3A_1666 : i32
      %select_n3A_1677 = arith.select %and3A_1675, %add3A_1676, %rem3A_1667 : i32
      %mul3A_1678 = arith.constant 4 : i32
      %mul3A_1679 = arith.muli %select_n3A_1677, %mul3A_1678 : i32
      %add3A_1680 = arith.constant 2 : i32
      %add3A_1681 = arith.addi %mul3A_1679, %add3A_1680 : i32
      %dma_start3A_1682 = arith.constant 8192 : i32
      %dma_start3A_1683 = tpu.memref_slice %arg10[%dma_start3A_1682] : memref<16384xf32, #tpu.memory_space<vmem>> -> memref<4096xf32, #tpu.memory_space<vmem>>
      %dma_start3A_1684 = arith.constant 0 : i32
      %dma_start3A_1685 = tpu.memref_slice %arg4[%select_n3A_1661, %add3A_1681, %dma_start3A_1684] : memref<8x256x4096xf32, #tpu.memory_space<hbm>> -> memref<1x1x4096xf32, #tpu.memory_space<hbm>>
      %dma_start3A_1686 = tpu.memref_squeeze %dma_start3A_1685 : memref<1x1x4096xf32, #tpu.memory_space<hbm>> -> memref<4096xf32, #tpu.memory_space<hbm>>
      %dma_start3A_1687 = arith.constant 0 : i32
      %dma_start3A_1688 = tpu.memref_slice %arg4[%select_n3A_1661, %add3A_1681, %dma_start3A_1687] : memref<8x256x4096xf32, #tpu.memory_space<hbm>> -> memref<1x1x4096xf32, #tpu.memory_space<hbm>>
      %dma_start3A_1689 = tpu.memref_squeeze %dma_start3A_1688 : memref<1x1x4096xf32, #tpu.memory_space<hbm>> -> memref<4096xf32, #tpu.memory_space<hbm>>
      %dma_start3A_1690 = arith.constant 8192 : i32
      %dma_start3A_1691 = tpu.memref_slice %arg10[%dma_start3A_1690] : memref<16384xf32, #tpu.memory_space<vmem>> -> memref<4096xf32, #tpu.memory_space<vmem>>
      tpu.enqueue_dma source(%dma_start3A_1691 : memref<4096xf32, #tpu.memory_space<vmem>>) target(%dma_start3A_1689 : memref<4096xf32, #tpu.memory_space<hbm>>) target_semaphore(%arg14 : memref<!tpu.dma_semaphore, #tpu.memory_space<semaphore_mem>>)
      %jit3A_1692 = arith.constant 64 : i32
      %div3A_1693 = arith.divsi %add3A_1304, %jit3A_1692 : i32
      %sign3A_1694 = arith.constant 0 : i32
      %sign3A_1695 = arith.cmpi sgt, %add3A_1304, %sign3A_1694 : i32
      %sign3A_1696 = arith.extui %sign3A_1695 : i1 to i32
      %sign3A_1697 = arith.constant 0 : i32
      %sign3A_1698 = arith.cmpi slt, %add3A_1304, %sign3A_1697 : i32
      %sign3A_1699 = arith.extui %sign3A_1698 : i1 to i32
      %sign3A_1700 = arith.subi %sign3A_1696, %sign3A_1699 : i32
      %sign3A_1701 = arith.constant 0 : i32
      %sign3A_1702 = arith.cmpi sgt, %jit3A_1692, %sign3A_1701 : i32
      %sign3A_1703 = arith.extui %sign3A_1702 : i1 to i32
      %sign3A_1704 = arith.constant 0 : i32
      %sign3A_1705 = arith.cmpi slt, %jit3A_1692, %sign3A_1704 : i32
      %sign3A_1706 = arith.extui %sign3A_1705 : i1 to i32
      %sign3A_1707 = arith.subi %sign3A_1703, %sign3A_1706 : i32
      %ne3A_1708 = arith.cmpi ne, %sign3A_1700, %sign3A_1707 : i32
      %rem3A_1709 = arith.remsi %add3A_1304, %jit3A_1692 : i32
      %ne3A_1710 = arith.constant 0 : i32
      %ne3A_1711 = arith.cmpi ne, %rem3A_1709, %ne3A_1710 : i32
      %and3A_1712 = arith.andi %ne3A_1708, %ne3A_1711 : i1
      %sub3A_1713 = arith.constant 1 : i32
      %sub3A_1714 = arith.subi %div3A_1693, %sub3A_1713 : i32
      %select_n3A_1715 = arith.select %and3A_1712, %sub3A_1714, %div3A_1693 : i32
      %jit3A_1716 = arith.constant 64 : i32
      %eq3A_1717 = arith.constant 0 : i32
      %eq3A_1718 = arith.cmpi eq, %jit3A_1716, %eq3A_1717 : i32
      %jit3A_1719 = arith.constant 1 : i32
      %select_n3A_1720 = arith.select %eq3A_1718, %jit3A_1719, %jit3A_1716 : i32
      %rem3A_1721 = arith.remsi %add3A_1304, %select_n3A_1720 : i32
      %ne3A_1722 = arith.constant 0 : i32
      %ne3A_1723 = arith.cmpi ne, %rem3A_1721, %ne3A_1722 : i32
      %lt3A_1724 = arith.constant 0 : i32
      %lt3A_1725 = arith.cmpi slt, %rem3A_1721, %lt3A_1724 : i32
      %lt3A_1726 = arith.constant 0 : i32
      %lt3A_1727 = arith.cmpi slt, %select_n3A_1720, %lt3A_1726 : i32
      %ne3A_1728 = arith.xori %lt3A_1725, %lt3A_1727 : i1
      %and3A_1729 = arith.andi %ne3A_1728, %ne3A_1723 : i1
      %add3A_1730 = arith.addi %rem3A_1721, %select_n3A_1720 : i32
      %select_n3A_1731 = arith.select %and3A_1729, %add3A_1730, %rem3A_1721 : i32
      %mul3A_1732 = arith.constant 4 : i32
      %mul3A_1733 = arith.muli %select_n3A_1731, %mul3A_1732 : i32
      %add3A_1734 = arith.constant 3 : i32
      %add3A_1735 = arith.addi %mul3A_1733, %add3A_1734 : i32
      %dma_start3A_1736 = arith.constant 12288 : i32
      %dma_start3A_1737 = tpu.memref_slice %arg10[%dma_start3A_1736] : memref<16384xf32, #tpu.memory_space<vmem>> -> memref<4096xf32, #tpu.memory_space<vmem>>
      %dma_start3A_1738 = arith.constant 0 : i32
      %dma_start3A_1739 = tpu.memref_slice %arg4[%select_n3A_1715, %add3A_1735, %dma_start3A_1738] : memref<8x256x4096xf32, #tpu.memory_space<hbm>> -> memref<1x1x4096xf32, #tpu.memory_space<hbm>>
      %dma_start3A_1740 = tpu.memref_squeeze %dma_start3A_1739 : memref<1x1x4096xf32, #tpu.memory_space<hbm>> -> memref<4096xf32, #tpu.memory_space<hbm>>
      %dma_start3A_1741 = arith.constant 0 : i32
      %dma_start3A_1742 = tpu.memref_slice %arg4[%select_n3A_1715, %add3A_1735, %dma_start3A_1741] : memref<8x256x4096xf32, #tpu.memory_space<hbm>> -> memref<1x1x4096xf32, #tpu.memory_space<hbm>>
      %dma_start3A_1743 = tpu.memref_squeeze %dma_start3A_1742 : memref<1x1x4096xf32, #tpu.memory_space<hbm>> -> memref<4096xf32, #tpu.memory_space<hbm>>
      %dma_start3A_1744 = arith.constant 12288 : i32
      %dma_start3A_1745 = tpu.memref_slice %arg10[%dma_start3A_1744] : memref<16384xf32, #tpu.memory_space<vmem>> -> memref<4096xf32, #tpu.memory_space<vmem>>
      tpu.enqueue_dma source(%dma_start3A_1745 : memref<4096xf32, #tpu.memory_space<vmem>>) target(%dma_start3A_1743 : memref<4096xf32, #tpu.memory_space<hbm>>) target_semaphore(%arg14 : memref<!tpu.dma_semaphore, #tpu.memory_space<semaphore_mem>>)
      %add3A_1746 = arith.constant 2 : i32
      %add3A_1747 = arith.addi %add3A_1304, %add3A_1746 : i32
      %add3A_1748 = arith.constant 16 : i32
      %add3A_1749 = arith.addi %mul3A_2, %add3A_1748 : i32
      %sub3A_1750 = arith.constant 1 : i32
      %sub3A_1751 = arith.subi %add3A_1749, %sub3A_1750 : i32
      %min3A = arith.minsi %add3A_1747, %sub3A_1751 : i32
      %jit3A_1752 = arith.constant 64 : i32
      %div3A_1753 = arith.divsi %min3A, %jit3A_1752 : i32
      %sign3A_1754 = arith.constant 0 : i32
      %sign3A_1755 = arith.cmpi sgt, %min3A, %sign3A_1754 : i32
      %sign3A_1756 = arith.extui %sign3A_1755 : i1 to i32
      %sign3A_1757 = arith.constant 0 : i32
      %sign3A_1758 = arith.cmpi slt, %min3A, %sign3A_1757 : i32
      %sign3A_1759 = arith.extui %sign3A_1758 : i1 to i32
      %sign3A_1760 = arith.subi %sign3A_1756, %sign3A_1759 : i32
      %sign3A_1761 = arith.constant 0 : i32
      %sign3A_1762 = arith.cmpi sgt, %jit3A_1752, %sign3A_1761 : i32
      %sign3A_1763 = arith.extui %sign3A_1762 : i1 to i32
      %sign3A_1764 = arith.constant 0 : i32
      %sign3A_1765 = arith.cmpi slt, %jit3A_1752, %sign3A_1764 : i32
      %sign3A_1766 = arith.extui %sign3A_1765 : i1 to i32
      %sign3A_1767 = arith.subi %sign3A_1763, %sign3A_1766 : i32
      %ne3A_1768 = arith.cmpi ne, %sign3A_1760, %sign3A_1767 : i32
      %rem3A_1769 = arith.remsi %min3A, %jit3A_1752 : i32
      %ne3A_1770 = arith.constant 0 : i32
      %ne3A_1771 = arith.cmpi ne, %rem3A_1769, %ne3A_1770 : i32
      %and3A_1772 = arith.andi %ne3A_1768, %ne3A_1771 : i1
      %sub3A_1773 = arith.constant 1 : i32
      %sub3A_1774 = arith.subi %div3A_1753, %sub3A_1773 : i32
      %select_n3A_1775 = arith.select %and3A_1772, %sub3A_1774, %div3A_1753 : i32
      %jit3A_1776 = arith.constant 64 : i32
      %eq3A_1777 = arith.constant 0 : i32
      %eq3A_1778 = arith.cmpi eq, %jit3A_1776, %eq3A_1777 : i32
      %jit3A_1779 = arith.constant 1 : i32
      %select_n3A_1780 = arith.select %eq3A_1778, %jit3A_1779, %jit3A_1776 : i32
      %rem3A_1781 = arith.remsi %min3A, %select_n3A_1780 : i32
      %ne3A_1782 = arith.constant 0 : i32
      %ne3A_1783 = arith.cmpi ne, %rem3A_1781, %ne3A_1782 : i32
      %lt3A_1784 = arith.constant 0 : i32
      %lt3A_1785 = arith.cmpi slt, %rem3A_1781, %lt3A_1784 : i32
      %lt3A_1786 = arith.constant 0 : i32
      %lt3A_1787 = arith.cmpi slt, %select_n3A_1780, %lt3A_1786 : i32
      %ne3A_1788 = arith.xori %lt3A_1785, %lt3A_1787 : i1
      %and3A_1789 = arith.andi %ne3A_1788, %ne3A_1783 : i1
      %add3A_1790 = arith.addi %rem3A_1781, %select_n3A_1780 : i32
      %select_n3A_1791 = arith.select %and3A_1789, %add3A_1790, %rem3A_1781 : i32
      %mul3A_1792 = arith.constant 4 : i32
      %mul3A_1793 = arith.muli %select_n3A_1791, %mul3A_1792 : i32
      %add3A_1794 = arith.constant 0 : i32
      %add3A_1795 = arith.addi %mul3A_1793, %add3A_1794 : i32
      %dma_start3A_1796 = arith.constant 0 : i32
      %dma_start3A_1797 = tpu.memref_slice %arg8[%dma_start3A_1796] : memref<32768xf32, #tpu.memory_space<vmem>> -> memref<8192xf32, #tpu.memory_space<vmem>>
      %dma_start3A_1798 = arith.constant 0 : i32
      %dma_start3A_1799 = tpu.memref_slice %arg2[%select_n3A_1775, %add3A_1795, %dma_start3A_1798] : memref<8x256x8192xf32, #tpu.memory_space<hbm>> -> memref<1x1x8192xf32, #tpu.memory_space<hbm>>
      %dma_start3A_1800 = tpu.memref_squeeze %dma_start3A_1799 : memref<1x1x8192xf32, #tpu.memory_space<hbm>> -> memref<8192xf32, #tpu.memory_space<hbm>>
      %dma_start3A_1801 = arith.constant 0 : i32
      %dma_start3A_1802 = tpu.memref_slice %arg8[%dma_start3A_1801] : memref<32768xf32, #tpu.memory_space<vmem>> -> memref<8192xf32, #tpu.memory_space<vmem>>
      %dma_start3A_1803 = arith.constant 0 : i32
      %dma_start3A_1804 = tpu.memref_slice %arg2[%select_n3A_1775, %add3A_1795, %dma_start3A_1803] : memref<8x256x8192xf32, #tpu.memory_space<hbm>> -> memref<1x1x8192xf32, #tpu.memory_space<hbm>>
      %dma_start3A_1805 = tpu.memref_squeeze %dma_start3A_1804 : memref<1x1x8192xf32, #tpu.memory_space<hbm>> -> memref<8192xf32, #tpu.memory_space<hbm>>
      tpu.enqueue_dma source(%dma_start3A_1805 : memref<8192xf32, #tpu.memory_space<hbm>>) target(%dma_start3A_1802 : memref<8192xf32, #tpu.memory_space<vmem>>) target_semaphore(%arg12 : memref<!tpu.dma_semaphore, #tpu.memory_space<semaphore_mem>>)
      %jit3A_1806 = arith.constant 64 : i32
      %div3A_1807 = arith.divsi %min3A, %jit3A_1806 : i32
      %sign3A_1808 = arith.constant 0 : i32
      %sign3A_1809 = arith.cmpi sgt, %min3A, %sign3A_1808 : i32
      %sign3A_1810 = arith.extui %sign3A_1809 : i1 to i32
      %sign3A_1811 = arith.constant 0 : i32
      %sign3A_1812 = arith.cmpi slt, %min3A, %sign3A_1811 : i32
      %sign3A_1813 = arith.extui %sign3A_1812 : i1 to i32
      %sign3A_1814 = arith.subi %sign3A_1810, %sign3A_1813 : i32
      %sign3A_1815 = arith.constant 0 : i32
      %sign3A_1816 = arith.cmpi sgt, %jit3A_1806, %sign3A_1815 : i32
      %sign3A_1817 = arith.extui %sign3A_1816 : i1 to i32
      %sign3A_1818 = arith.constant 0 : i32
      %sign3A_1819 = arith.cmpi slt, %jit3A_1806, %sign3A_1818 : i32
      %sign3A_1820 = arith.extui %sign3A_1819 : i1 to i32
      %sign3A_1821 = arith.subi %sign3A_1817, %sign3A_1820 : i32
      %ne3A_1822 = arith.cmpi ne, %sign3A_1814, %sign3A_1821 : i32
      %rem3A_1823 = arith.remsi %min3A, %jit3A_1806 : i32
      %ne3A_1824 = arith.constant 0 : i32
      %ne3A_1825 = arith.cmpi ne, %rem3A_1823, %ne3A_1824 : i32
      %and3A_1826 = arith.andi %ne3A_1822, %ne3A_1825 : i1
      %sub3A_1827 = arith.constant 1 : i32
      %sub3A_1828 = arith.subi %div3A_1807, %sub3A_1827 : i32
      %select_n3A_1829 = arith.select %and3A_1826, %sub3A_1828, %div3A_1807 : i32
      %jit3A_1830 = arith.constant 64 : i32
      %eq3A_1831 = arith.constant 0 : i32
      %eq3A_1832 = arith.cmpi eq, %jit3A_1830, %eq3A_1831 : i32
      %jit3A_1833 = arith.constant 1 : i32
      %select_n3A_1834 = arith.select %eq3A_1832, %jit3A_1833, %jit3A_1830 : i32
      %rem3A_1835 = arith.remsi %min3A, %select_n3A_1834 : i32
      %ne3A_1836 = arith.constant 0 : i32
      %ne3A_1837 = arith.cmpi ne, %rem3A_1835, %ne3A_1836 : i32
      %lt3A_1838 = arith.constant 0 : i32
      %lt3A_1839 = arith.cmpi slt, %rem3A_1835, %lt3A_1838 : i32
      %lt3A_1840 = arith.constant 0 : i32
      %lt3A_1841 = arith.cmpi slt, %select_n3A_1834, %lt3A_1840 : i32
      %ne3A_1842 = arith.xori %lt3A_1839, %lt3A_1841 : i1
      %and3A_1843 = arith.andi %ne3A_1842, %ne3A_1837 : i1
      %add3A_1844 = arith.addi %rem3A_1835, %select_n3A_1834 : i32
      %select_n3A_1845 = arith.select %and3A_1843, %add3A_1844, %rem3A_1835 : i32
      %mul3A_1846 = arith.constant 4 : i32
      %mul3A_1847 = arith.muli %select_n3A_1845, %mul3A_1846 : i32
      %add3A_1848 = arith.constant 1 : i32
      %add3A_1849 = arith.addi %mul3A_1847, %add3A_1848 : i32
      %dma_start3A_1850 = arith.constant 8192 : i32
      %dma_start3A_1851 = tpu.memref_slice %arg8[%dma_start3A_1850] : memref<32768xf32, #tpu.memory_space<vmem>> -> memref<8192xf32, #tpu.memory_space<vmem>>
      %dma_start3A_1852 = arith.constant 0 : i32
      %dma_start3A_1853 = tpu.memref_slice %arg2[%select_n3A_1829, %add3A_1849, %dma_start3A_1852] : memref<8x256x8192xf32, #tpu.memory_space<hbm>> -> memref<1x1x8192xf32, #tpu.memory_space<hbm>>
      %dma_start3A_1854 = tpu.memref_squeeze %dma_start3A_1853 : memref<1x1x8192xf32, #tpu.memory_space<hbm>> -> memref<8192xf32, #tpu.memory_space<hbm>>
      %dma_start3A_1855 = arith.constant 8192 : i32
      %dma_start3A_1856 = tpu.memref_slice %arg8[%dma_start3A_1855] : memref<32768xf32, #tpu.memory_space<vmem>> -> memref<8192xf32, #tpu.memory_space<vmem>>
      %dma_start3A_1857 = arith.constant 0 : i32
      %dma_start3A_1858 = tpu.memref_slice %arg2[%select_n3A_1829, %add3A_1849, %dma_start3A_1857] : memref<8x256x8192xf32, #tpu.memory_space<hbm>> -> memref<1x1x8192xf32, #tpu.memory_space<hbm>>
      %dma_start3A_1859 = tpu.memref_squeeze %dma_start3A_1858 : memref<1x1x8192xf32, #tpu.memory_space<hbm>> -> memref<8192xf32, #tpu.memory_space<hbm>>
      tpu.enqueue_dma source(%dma_start3A_1859 : memref<8192xf32, #tpu.memory_space<hbm>>) target(%dma_start3A_1856 : memref<8192xf32, #tpu.memory_space<vmem>>) target_semaphore(%arg12 : memref<!tpu.dma_semaphore, #tpu.memory_space<semaphore_mem>>)
      %jit3A_1860 = arith.constant 64 : i32
      %div3A_1861 = arith.divsi %min3A, %jit3A_1860 : i32
      %sign3A_1862 = arith.constant 0 : i32
      %sign3A_1863 = arith.cmpi sgt, %min3A, %sign3A_1862 : i32
      %sign3A_1864 = arith.extui %sign3A_1863 : i1 to i32
      %sign3A_1865 = arith.constant 0 : i32
      %sign3A_1866 = arith.cmpi slt, %min3A, %sign3A_1865 : i32
      %sign3A_1867 = arith.extui %sign3A_1866 : i1 to i32
      %sign3A_1868 = arith.subi %sign3A_1864, %sign3A_1867 : i32
      %sign3A_1869 = arith.constant 0 : i32
      %sign3A_1870 = arith.cmpi sgt, %jit3A_1860, %sign3A_1869 : i32
      %sign3A_1871 = arith.extui %sign3A_1870 : i1 to i32
      %sign3A_1872 = arith.constant 0 : i32
      %sign3A_1873 = arith.cmpi slt, %jit3A_1860, %sign3A_1872 : i32
      %sign3A_1874 = arith.extui %sign3A_1873 : i1 to i32
      %sign3A_1875 = arith.subi %sign3A_1871, %sign3A_1874 : i32
      %ne3A_1876 = arith.cmpi ne, %sign3A_1868, %sign3A_1875 : i32
      %rem3A_1877 = arith.remsi %min3A, %jit3A_1860 : i32
      %ne3A_1878 = arith.constant 0 : i32
      %ne3A_1879 = arith.cmpi ne, %rem3A_1877, %ne3A_1878 : i32
      %and3A_1880 = arith.andi %ne3A_1876, %ne3A_1879 : i1
      %sub3A_1881 = arith.constant 1 : i32
      %sub3A_1882 = arith.subi %div3A_1861, %sub3A_1881 : i32
      %select_n3A_1883 = arith.select %and3A_1880, %sub3A_1882, %div3A_1861 : i32
      %jit3A_1884 = arith.constant 64 : i32
      %eq3A_1885 = arith.constant 0 : i32
      %eq3A_1886 = arith.cmpi eq, %jit3A_1884, %eq3A_1885 : i32
      %jit3A_1887 = arith.constant 1 : i32
      %select_n3A_1888 = arith.select %eq3A_1886, %jit3A_1887, %jit3A_1884 : i32
      %rem3A_1889 = arith.remsi %min3A, %select_n3A_1888 : i32
      %ne3A_1890 = arith.constant 0 : i32
      %ne3A_1891 = arith.cmpi ne, %rem3A_1889, %ne3A_1890 : i32
      %lt3A_1892 = arith.constant 0 : i32
      %lt3A_1893 = arith.cmpi slt, %rem3A_1889, %lt3A_1892 : i32
      %lt3A_1894 = arith.constant 0 : i32
      %lt3A_1895 = arith.cmpi slt, %select_n3A_1888, %lt3A_1894 : i32
      %ne3A_1896 = arith.xori %lt3A_1893, %lt3A_1895 : i1
      %and3A_1897 = arith.andi %ne3A_1896, %ne3A_1891 : i1
      %add3A_1898 = arith.addi %rem3A_1889, %select_n3A_1888 : i32
      %select_n3A_1899 = arith.select %and3A_1897, %add3A_1898, %rem3A_1889 : i32
      %mul3A_1900 = arith.constant 4 : i32
      %mul3A_1901 = arith.muli %select_n3A_1899, %mul3A_1900 : i32
      %add3A_1902 = arith.constant 2 : i32
      %add3A_1903 = arith.addi %mul3A_1901, %add3A_1902 : i32
      %dma_start3A_1904 = arith.constant 16384 : i32
      %dma_start3A_1905 = tpu.memref_slice %arg8[%dma_start3A_1904] : memref<32768xf32, #tpu.memory_space<vmem>> -> memref<8192xf32, #tpu.memory_space<vmem>>
      %dma_start3A_1906 = arith.constant 0 : i32
      %dma_start3A_1907 = tpu.memref_slice %arg2[%select_n3A_1883, %add3A_1903, %dma_start3A_1906] : memref<8x256x8192xf32, #tpu.memory_space<hbm>> -> memref<1x1x8192xf32, #tpu.memory_space<hbm>>
      %dma_start3A_1908 = tpu.memref_squeeze %dma_start3A_1907 : memref<1x1x8192xf32, #tpu.memory_space<hbm>> -> memref<8192xf32, #tpu.memory_space<hbm>>
      %dma_start3A_1909 = arith.constant 16384 : i32
      %dma_start3A_1910 = tpu.memref_slice %arg8[%dma_start3A_1909] : memref<32768xf32, #tpu.memory_space<vmem>> -> memref<8192xf32, #tpu.memory_space<vmem>>
      %dma_start3A_1911 = arith.constant 0 : i32
      %dma_start3A_1912 = tpu.memref_slice %arg2[%select_n3A_1883, %add3A_1903, %dma_start3A_1911] : memref<8x256x8192xf32, #tpu.memory_space<hbm>> -> memref<1x1x8192xf32, #tpu.memory_space<hbm>>
      %dma_start3A_1913 = tpu.memref_squeeze %dma_start3A_1912 : memref<1x1x8192xf32, #tpu.memory_space<hbm>> -> memref<8192xf32, #tpu.memory_space<hbm>>
      tpu.enqueue_dma source(%dma_start3A_1913 : memref<8192xf32, #tpu.memory_space<hbm>>) target(%dma_start3A_1910 : memref<8192xf32, #tpu.memory_space<vmem>>) target_semaphore(%arg12 : memref<!tpu.dma_semaphore, #tpu.memory_space<semaphore_mem>>)
      %jit3A_1914 = arith.constant 64 : i32
      %div3A_1915 = arith.divsi %min3A, %jit3A_1914 : i32
      %sign3A_1916 = arith.constant 0 : i32
      %sign3A_1917 = arith.cmpi sgt, %min3A, %sign3A_1916 : i32
      %sign3A_1918 = arith.extui %sign3A_1917 : i1 to i32
      %sign3A_1919 = arith.constant 0 : i32
      %sign3A_1920 = arith.cmpi slt, %min3A, %sign3A_1919 : i32
      %sign3A_1921 = arith.extui %sign3A_1920 : i1 to i32
      %sign3A_1922 = arith.subi %sign3A_1918, %sign3A_1921 : i32
      %sign3A_1923 = arith.constant 0 : i32
      %sign3A_1924 = arith.cmpi sgt, %jit3A_1914, %sign3A_1923 : i32
      %sign3A_1925 = arith.extui %sign3A_1924 : i1 to i32
      %sign3A_1926 = arith.constant 0 : i32
      %sign3A_1927 = arith.cmpi slt, %jit3A_1914, %sign3A_1926 : i32
      %sign3A_1928 = arith.extui %sign3A_1927 : i1 to i32
      %sign3A_1929 = arith.subi %sign3A_1925, %sign3A_1928 : i32
      %ne3A_1930 = arith.cmpi ne, %sign3A_1922, %sign3A_1929 : i32
      %rem3A_1931 = arith.remsi %min3A, %jit3A_1914 : i32
      %ne3A_1932 = arith.constant 0 : i32
      %ne3A_1933 = arith.cmpi ne, %rem3A_1931, %ne3A_1932 : i32
      %and3A_1934 = arith.andi %ne3A_1930, %ne3A_1933 : i1
      %sub3A_1935 = arith.constant 1 : i32
      %sub3A_1936 = arith.subi %div3A_1915, %sub3A_1935 : i32
      %select_n3A_1937 = arith.select %and3A_1934, %sub3A_1936, %div3A_1915 : i32
      %jit3A_1938 = arith.constant 64 : i32
      %eq3A_1939 = arith.constant 0 : i32
      %eq3A_1940 = arith.cmpi eq, %jit3A_1938, %eq3A_1939 : i32
      %jit3A_1941 = arith.constant 1 : i32
      %select_n3A_1942 = arith.select %eq3A_1940, %jit3A_1941, %jit3A_1938 : i32
      %rem3A_1943 = arith.remsi %min3A, %select_n3A_1942 : i32
      %ne3A_1944 = arith.constant 0 : i32
      %ne3A_1945 = arith.cmpi ne, %rem3A_1943, %ne3A_1944 : i32
      %lt3A_1946 = arith.constant 0 : i32
      %lt3A_1947 = arith.cmpi slt, %rem3A_1943, %lt3A_1946 : i32
      %lt3A_1948 = arith.constant 0 : i32
      %lt3A_1949 = arith.cmpi slt, %select_n3A_1942, %lt3A_1948 : i32
      %ne3A_1950 = arith.xori %lt3A_1947, %lt3A_1949 : i1
      %and3A_1951 = arith.andi %ne3A_1950, %ne3A_1945 : i1
      %add3A_1952 = arith.addi %rem3A_1943, %select_n3A_1942 : i32
      %select_n3A_1953 = arith.select %and3A_1951, %add3A_1952, %rem3A_1943 : i32
      %mul3A_1954 = arith.constant 4 : i32
      %mul3A_1955 = arith.muli %select_n3A_1953, %mul3A_1954 : i32
      %add3A_1956 = arith.constant 3 : i32
      %add3A_1957 = arith.addi %mul3A_1955, %add3A_1956 : i32
      %dma_start3A_1958 = arith.constant 24576 : i32
      %dma_start3A_1959 = tpu.memref_slice %arg8[%dma_start3A_1958] : memref<32768xf32, #tpu.memory_space<vmem>> -> memref<8192xf32, #tpu.memory_space<vmem>>
      %dma_start3A_1960 = arith.constant 0 : i32
      %dma_start3A_1961 = tpu.memref_slice %arg2[%select_n3A_1937, %add3A_1957, %dma_start3A_1960] : memref<8x256x8192xf32, #tpu.memory_space<hbm>> -> memref<1x1x8192xf32, #tpu.memory_space<hbm>>
      %dma_start3A_1962 = tpu.memref_squeeze %dma_start3A_1961 : memref<1x1x8192xf32, #tpu.memory_space<hbm>> -> memref<8192xf32, #tpu.memory_space<hbm>>
      %dma_start3A_1963 = arith.constant 24576 : i32
      %dma_start3A_1964 = tpu.memref_slice %arg8[%dma_start3A_1963] : memref<32768xf32, #tpu.memory_space<vmem>> -> memref<8192xf32, #tpu.memory_space<vmem>>
      %dma_start3A_1965 = arith.constant 0 : i32
      %dma_start3A_1966 = tpu.memref_slice %arg2[%select_n3A_1937, %add3A_1957, %dma_start3A_1965] : memref<8x256x8192xf32, #tpu.memory_space<hbm>> -> memref<1x1x8192xf32, #tpu.memory_space<hbm>>
      %dma_start3A_1967 = tpu.memref_squeeze %dma_start3A_1966 : memref<1x1x8192xf32, #tpu.memory_space<hbm>> -> memref<8192xf32, #tpu.memory_space<hbm>>
      tpu.enqueue_dma source(%dma_start3A_1967 : memref<8192xf32, #tpu.memory_space<hbm>>) target(%dma_start3A_1964 : memref<8192xf32, #tpu.memory_space<vmem>>) target_semaphore(%arg12 : memref<!tpu.dma_semaphore, #tpu.memory_space<semaphore_mem>>)
      %mul3A_1968 = arith.constant 2 : i32
      %mul3A_1969 = arith.muli %mul3A_1968, %scan3A_1299 : i32
      %add3A_1970 = arith.addi %mul3A_2, %mul3A_1969 : i32
      %add3A_1971 = arith.constant 1 : i32
      %add3A_1972 = arith.addi %add3A_1970, %add3A_1971 : i32
      %jit3A_1973 = arith.constant 64 : i32
      %div3A_1974 = arith.divsi %mul3A_2, %jit3A_1973 : i32
      %sign3A_1975 = arith.constant 0 : i32
      %sign3A_1976 = arith.cmpi sgt, %mul3A_2, %sign3A_1975 : i32
      %sign3A_1977 = arith.extui %sign3A_1976 : i1 to i32
      %sign3A_1978 = arith.constant 0 : i32
      %sign3A_1979 = arith.cmpi slt, %mul3A_2, %sign3A_1978 : i32
      %sign3A_1980 = arith.extui %sign3A_1979 : i1 to i32
      %sign3A_1981 = arith.subi %sign3A_1977, %sign3A_1980 : i32
      %sign3A_1982 = arith.constant 0 : i32
      %sign3A_1983 = arith.cmpi sgt, %jit3A_1973, %sign3A_1982 : i32
      %sign3A_1984 = arith.extui %sign3A_1983 : i1 to i32
      %sign3A_1985 = arith.constant 0 : i32
      %sign3A_1986 = arith.cmpi slt, %jit3A_1973, %sign3A_1985 : i32
      %sign3A_1987 = arith.extui %sign3A_1986 : i1 to i32
      %sign3A_1988 = arith.subi %sign3A_1984, %sign3A_1987 : i32
      %ne3A_1989 = arith.cmpi ne, %sign3A_1981, %sign3A_1988 : i32
      %rem3A_1990 = arith.remsi %mul3A_2, %jit3A_1973 : i32
      %ne3A_1991 = arith.constant 0 : i32
      %ne3A_1992 = arith.cmpi ne, %rem3A_1990, %ne3A_1991 : i32
      %and3A_1993 = arith.andi %ne3A_1989, %ne3A_1992 : i1
      %sub3A_1994 = arith.constant 1 : i32
      %sub3A_1995 = arith.subi %div3A_1974, %sub3A_1994 : i32
      %select_n3A_1996 = arith.select %and3A_1993, %sub3A_1995, %div3A_1974 : i32
      %jit3A_1997 = arith.constant 64 : i32
      %eq3A_1998 = arith.constant 0 : i32
      %eq3A_1999 = arith.cmpi eq, %jit3A_1997, %eq3A_1998 : i32
      %jit3A_2000 = arith.constant 1 : i32
      %select_n3A_2001 = arith.select %eq3A_1999, %jit3A_2000, %jit3A_1997 : i32
      %rem3A_2002 = arith.remsi %mul3A_2, %select_n3A_2001 : i32
      %ne3A_2003 = arith.constant 0 : i32
      %ne3A_2004 = arith.cmpi ne, %rem3A_2002, %ne3A_2003 : i32
      %lt3A_2005 = arith.constant 0 : i32
      %lt3A_2006 = arith.cmpi slt, %rem3A_2002, %lt3A_2005 : i32
      %lt3A_2007 = arith.constant 0 : i32
      %lt3A_2008 = arith.cmpi slt, %select_n3A_2001, %lt3A_2007 : i32
      %ne3A_2009 = arith.xori %lt3A_2006, %lt3A_2008 : i1
      %and3A_2010 = arith.andi %ne3A_2009, %ne3A_2004 : i1
      %add3A_2011 = arith.addi %rem3A_2002, %select_n3A_2001 : i32
      %select_n3A_2012 = arith.select %and3A_2010, %add3A_2011, %rem3A_2002 : i32
      %mul3A_2013 = arith.constant 4 : i32
      %mul3A_2014 = arith.muli %select_n3A_2012, %mul3A_2013 : i32
      %add3A_2015 = arith.constant 0 : i32
      %add3A_2016 = arith.addi %mul3A_2014, %add3A_2015 : i32
      %dma_wait3A_2017 = arith.constant 0 : i32
      %dma_wait3A_2018 = tpu.memref_slice %arg9[%dma_wait3A_2017] : memref<32768xf32, #tpu.memory_space<vmem>> -> memref<8192xf32, #tpu.memory_space<vmem>>
      %dma_wait3A_2019 = arith.constant 0 : i32
      %dma_wait3A_2020 = tpu.memref_slice %arg2[%select_n3A_1996, %add3A_2016, %dma_wait3A_2019] : memref<8x256x8192xf32, #tpu.memory_space<hbm>> -> memref<1x1x8192xf32, #tpu.memory_space<hbm>>
      %dma_wait3A_2021 = tpu.memref_squeeze %dma_wait3A_2020 : memref<1x1x8192xf32, #tpu.memory_space<hbm>> -> memref<8192xf32, #tpu.memory_space<hbm>>
      %dma_wait3A_2022 = arith.constant 0 : i32
      %dma_wait3A_2023 = tpu.memref_slice %arg9[%dma_wait3A_2022] : memref<32768xf32, #tpu.memory_space<vmem>> -> memref<8192xf32, #tpu.memory_space<vmem>>
      %dma_wait3A_2024 = arith.constant 0 : i32
      %dma_wait3A_2025 = tpu.memref_slice %arg2[%select_n3A_1996, %add3A_2016, %dma_wait3A_2024] : memref<8x256x8192xf32, #tpu.memory_space<hbm>> -> memref<1x1x8192xf32, #tpu.memory_space<hbm>>
      %dma_wait3A_2026 = tpu.memref_squeeze %dma_wait3A_2025 : memref<1x1x8192xf32, #tpu.memory_space<hbm>> -> memref<8192xf32, #tpu.memory_space<hbm>>
      tpu.wait_dma2 semaphore(%arg13 : memref<!tpu.dma_semaphore, #tpu.memory_space<semaphore_mem>>) src(%dma_wait3A_2026 : memref<8192xf32, #tpu.memory_space<hbm>>) dst(%dma_wait3A_2023 : memref<8192xf32, #tpu.memory_space<vmem>>)
      %jit3A_2027 = arith.constant 64 : i32
      %div3A_2028 = arith.divsi %mul3A_2, %jit3A_2027 : i32
      %sign3A_2029 = arith.constant 0 : i32
      %sign3A_2030 = arith.cmpi sgt, %mul3A_2, %sign3A_2029 : i32
      %sign3A_2031 = arith.extui %sign3A_2030 : i1 to i32
      %sign3A_2032 = arith.constant 0 : i32
      %sign3A_2033 = arith.cmpi slt, %mul3A_2, %sign3A_2032 : i32
      %sign3A_2034 = arith.extui %sign3A_2033 : i1 to i32
      %sign3A_2035 = arith.subi %sign3A_2031, %sign3A_2034 : i32
      %sign3A_2036 = arith.constant 0 : i32
      %sign3A_2037 = arith.cmpi sgt, %jit3A_2027, %sign3A_2036 : i32
      %sign3A_2038 = arith.extui %sign3A_2037 : i1 to i32
      %sign3A_2039 = arith.constant 0 : i32
      %sign3A_2040 = arith.cmpi slt, %jit3A_2027, %sign3A_2039 : i32
      %sign3A_2041 = arith.extui %sign3A_2040 : i1 to i32
      %sign3A_2042 = arith.subi %sign3A_2038, %sign3A_2041 : i32
      %ne3A_2043 = arith.cmpi ne, %sign3A_2035, %sign3A_2042 : i32
      %rem3A_2044 = arith.remsi %mul3A_2, %jit3A_2027 : i32
      %ne3A_2045 = arith.constant 0 : i32
      %ne3A_2046 = arith.cmpi ne, %rem3A_2044, %ne3A_2045 : i32
      %and3A_2047 = arith.andi %ne3A_2043, %ne3A_2046 : i1
      %sub3A_2048 = arith.constant 1 : i32
      %sub3A_2049 = arith.subi %div3A_2028, %sub3A_2048 : i32
      %select_n3A_2050 = arith.select %and3A_2047, %sub3A_2049, %div3A_2028 : i32
      %jit3A_2051 = arith.constant 64 : i32
      %eq3A_2052 = arith.constant 0 : i32
      %eq3A_2053 = arith.cmpi eq, %jit3A_2051, %eq3A_2052 : i32
      %jit3A_2054 = arith.constant 1 : i32
      %select_n3A_2055 = arith.select %eq3A_2053, %jit3A_2054, %jit3A_2051 : i32
      %rem3A_2056 = arith.remsi %mul3A_2, %select_n3A_2055 : i32
      %ne3A_2057 = arith.constant 0 : i32
      %ne3A_2058 = arith.cmpi ne, %rem3A_2056, %ne3A_2057 : i32
      %lt3A_2059 = arith.constant 0 : i32
      %lt3A_2060 = arith.cmpi slt, %rem3A_2056, %lt3A_2059 : i32
      %lt3A_2061 = arith.constant 0 : i32
      %lt3A_2062 = arith.cmpi slt, %select_n3A_2055, %lt3A_2061 : i32
      %ne3A_2063 = arith.xori %lt3A_2060, %lt3A_2062 : i1
      %and3A_2064 = arith.andi %ne3A_2063, %ne3A_2058 : i1
      %add3A_2065 = arith.addi %rem3A_2056, %select_n3A_2055 : i32
      %select_n3A_2066 = arith.select %and3A_2064, %add3A_2065, %rem3A_2056 : i32
      %mul3A_2067 = arith.constant 4 : i32
      %mul3A_2068 = arith.muli %select_n3A_2066, %mul3A_2067 : i32
      %add3A_2069 = arith.constant 0 : i32
      %add3A_2070 = arith.addi %mul3A_2068, %add3A_2069 : i32
      %dma_wait3A_2071 = arith.constant 8192 : i32
      %dma_wait3A_2072 = tpu.memref_slice %arg9[%dma_wait3A_2071] : memref<32768xf32, #tpu.memory_space<vmem>> -> memref<8192xf32, #tpu.memory_space<vmem>>
      %dma_wait3A_2073 = arith.constant 0 : i32
      %dma_wait3A_2074 = tpu.memref_slice %arg2[%select_n3A_2050, %add3A_2070, %dma_wait3A_2073] : memref<8x256x8192xf32, #tpu.memory_space<hbm>> -> memref<1x1x8192xf32, #tpu.memory_space<hbm>>
      %dma_wait3A_2075 = tpu.memref_squeeze %dma_wait3A_2074 : memref<1x1x8192xf32, #tpu.memory_space<hbm>> -> memref<8192xf32, #tpu.memory_space<hbm>>
      %dma_wait3A_2076 = arith.constant 8192 : i32
      %dma_wait3A_2077 = tpu.memref_slice %arg9[%dma_wait3A_2076] : memref<32768xf32, #tpu.memory_space<vmem>> -> memref<8192xf32, #tpu.memory_space<vmem>>
      %dma_wait3A_2078 = arith.constant 0 : i32
      %dma_wait3A_2079 = tpu.memref_slice %arg2[%select_n3A_2050, %add3A_2070, %dma_wait3A_2078] : memref<8x256x8192xf32, #tpu.memory_space<hbm>> -> memref<1x1x8192xf32, #tpu.memory_space<hbm>>
      %dma_wait3A_2080 = tpu.memref_squeeze %dma_wait3A_2079 : memref<1x1x8192xf32, #tpu.memory_space<hbm>> -> memref<8192xf32, #tpu.memory_space<hbm>>
      tpu.wait_dma2 semaphore(%arg13 : memref<!tpu.dma_semaphore, #tpu.memory_space<semaphore_mem>>) src(%dma_wait3A_2080 : memref<8192xf32, #tpu.memory_space<hbm>>) dst(%dma_wait3A_2077 : memref<8192xf32, #tpu.memory_space<vmem>>)
      %jit3A_2081 = arith.constant 64 : i32
      %div3A_2082 = arith.divsi %mul3A_2, %jit3A_2081 : i32
      %sign3A_2083 = arith.constant 0 : i32
      %sign3A_2084 = arith.cmpi sgt, %mul3A_2, %sign3A_2083 : i32
      %sign3A_2085 = arith.extui %sign3A_2084 : i1 to i32
      %sign3A_2086 = arith.constant 0 : i32
      %sign3A_2087 = arith.cmpi slt, %mul3A_2, %sign3A_2086 : i32
      %sign3A_2088 = arith.extui %sign3A_2087 : i1 to i32
      %sign3A_2089 = arith.subi %sign3A_2085, %sign3A_2088 : i32
      %sign3A_2090 = arith.constant 0 : i32
      %sign3A_2091 = arith.cmpi sgt, %jit3A_2081, %sign3A_2090 : i32
      %sign3A_2092 = arith.extui %sign3A_2091 : i1 to i32
      %sign3A_2093 = arith.constant 0 : i32
      %sign3A_2094 = arith.cmpi slt, %jit3A_2081, %sign3A_2093 : i32
      %sign3A_2095 = arith.extui %sign3A_2094 : i1 to i32
      %sign3A_2096 = arith.subi %sign3A_2092, %sign3A_2095 : i32
      %ne3A_2097 = arith.cmpi ne, %sign3A_2089, %sign3A_2096 : i32
      %rem3A_2098 = arith.remsi %mul3A_2, %jit3A_2081 : i32
      %ne3A_2099 = arith.constant 0 : i32
      %ne3A_2100 = arith.cmpi ne, %rem3A_2098, %ne3A_2099 : i32
      %and3A_2101 = arith.andi %ne3A_2097, %ne3A_2100 : i1
      %sub3A_2102 = arith.constant 1 : i32
      %sub3A_2103 = arith.subi %div3A_2082, %sub3A_2102 : i32
      %select_n3A_2104 = arith.select %and3A_2101, %sub3A_2103, %div3A_2082 : i32
      %jit3A_2105 = arith.constant 64 : i32
      %eq3A_2106 = arith.constant 0 : i32
      %eq3A_2107 = arith.cmpi eq, %jit3A_2105, %eq3A_2106 : i32
      %jit3A_2108 = arith.constant 1 : i32
      %select_n3A_2109 = arith.select %eq3A_2107, %jit3A_2108, %jit3A_2105 : i32
      %rem3A_2110 = arith.remsi %mul3A_2, %select_n3A_2109 : i32
      %ne3A_2111 = arith.constant 0 : i32
      %ne3A_2112 = arith.cmpi ne, %rem3A_2110, %ne3A_2111 : i32
      %lt3A_2113 = arith.constant 0 : i32
      %lt3A_2114 = arith.cmpi slt, %rem3A_2110, %lt3A_2113 : i32
      %lt3A_2115 = arith.constant 0 : i32
      %lt3A_2116 = arith.cmpi slt, %select_n3A_2109, %lt3A_2115 : i32
      %ne3A_2117 = arith.xori %lt3A_2114, %lt3A_2116 : i1
      %and3A_2118 = arith.andi %ne3A_2117, %ne3A_2112 : i1
      %add3A_2119 = arith.addi %rem3A_2110, %select_n3A_2109 : i32
      %select_n3A_2120 = arith.select %and3A_2118, %add3A_2119, %rem3A_2110 : i32
      %mul3A_2121 = arith.constant 4 : i32
      %mul3A_2122 = arith.muli %select_n3A_2120, %mul3A_2121 : i32
      %add3A_2123 = arith.constant 0 : i32
      %add3A_2124 = arith.addi %mul3A_2122, %add3A_2123 : i32
      %dma_wait3A_2125 = arith.constant 16384 : i32
      %dma_wait3A_2126 = tpu.memref_slice %arg9[%dma_wait3A_2125] : memref<32768xf32, #tpu.memory_space<vmem>> -> memref<8192xf32, #tpu.memory_space<vmem>>
      %dma_wait3A_2127 = arith.constant 0 : i32
      %dma_wait3A_2128 = tpu.memref_slice %arg2[%select_n3A_2104, %add3A_2124, %dma_wait3A_2127] : memref<8x256x8192xf32, #tpu.memory_space<hbm>> -> memref<1x1x8192xf32, #tpu.memory_space<hbm>>
      %dma_wait3A_2129 = tpu.memref_squeeze %dma_wait3A_2128 : memref<1x1x8192xf32, #tpu.memory_space<hbm>> -> memref<8192xf32, #tpu.memory_space<hbm>>
      %dma_wait3A_2130 = arith.constant 16384 : i32
      %dma_wait3A_2131 = tpu.memref_slice %arg9[%dma_wait3A_2130] : memref<32768xf32, #tpu.memory_space<vmem>> -> memref<8192xf32, #tpu.memory_space<vmem>>
      %dma_wait3A_2132 = arith.constant 0 : i32
      %dma_wait3A_2133 = tpu.memref_slice %arg2[%select_n3A_2104, %add3A_2124, %dma_wait3A_2132] : memref<8x256x8192xf32, #tpu.memory_space<hbm>> -> memref<1x1x8192xf32, #tpu.memory_space<hbm>>
      %dma_wait3A_2134 = tpu.memref_squeeze %dma_wait3A_2133 : memref<1x1x8192xf32, #tpu.memory_space<hbm>> -> memref<8192xf32, #tpu.memory_space<hbm>>
      tpu.wait_dma2 semaphore(%arg13 : memref<!tpu.dma_semaphore, #tpu.memory_space<semaphore_mem>>) src(%dma_wait3A_2134 : memref<8192xf32, #tpu.memory_space<hbm>>) dst(%dma_wait3A_2131 : memref<8192xf32, #tpu.memory_space<vmem>>)
      %jit3A_2135 = arith.constant 64 : i32
      %div3A_2136 = arith.divsi %mul3A_2, %jit3A_2135 : i32
      %sign3A_2137 = arith.constant 0 : i32
      %sign3A_2138 = arith.cmpi sgt, %mul3A_2, %sign3A_2137 : i32
      %sign3A_2139 = arith.extui %sign3A_2138 : i1 to i32
      %sign3A_2140 = arith.constant 0 : i32
      %sign3A_2141 = arith.cmpi slt, %mul3A_2, %sign3A_2140 : i32
      %sign3A_2142 = arith.extui %sign3A_2141 : i1 to i32
      %sign3A_2143 = arith.subi %sign3A_2139, %sign3A_2142 : i32
      %sign3A_2144 = arith.constant 0 : i32
      %sign3A_2145 = arith.cmpi sgt, %jit3A_2135, %sign3A_2144 : i32
      %sign3A_2146 = arith.extui %sign3A_2145 : i1 to i32
      %sign3A_2147 = arith.constant 0 : i32
      %sign3A_2148 = arith.cmpi slt, %jit3A_2135, %sign3A_2147 : i32
      %sign3A_2149 = arith.extui %sign3A_2148 : i1 to i32
      %sign3A_2150 = arith.subi %sign3A_2146, %sign3A_2149 : i32
      %ne3A_2151 = arith.cmpi ne, %sign3A_2143, %sign3A_2150 : i32
      %rem3A_2152 = arith.remsi %mul3A_2, %jit3A_2135 : i32
      %ne3A_2153 = arith.constant 0 : i32
      %ne3A_2154 = arith.cmpi ne, %rem3A_2152, %ne3A_2153 : i32
      %and3A_2155 = arith.andi %ne3A_2151, %ne3A_2154 : i1
      %sub3A_2156 = arith.constant 1 : i32
      %sub3A_2157 = arith.subi %div3A_2136, %sub3A_2156 : i32
      %select_n3A_2158 = arith.select %and3A_2155, %sub3A_2157, %div3A_2136 : i32
      %jit3A_2159 = arith.constant 64 : i32
      %eq3A_2160 = arith.constant 0 : i32
      %eq3A_2161 = arith.cmpi eq, %jit3A_2159, %eq3A_2160 : i32
      %jit3A_2162 = arith.constant 1 : i32
      %select_n3A_2163 = arith.select %eq3A_2161, %jit3A_2162, %jit3A_2159 : i32
      %rem3A_2164 = arith.remsi %mul3A_2, %select_n3A_2163 : i32
      %ne3A_2165 = arith.constant 0 : i32
      %ne3A_2166 = arith.cmpi ne, %rem3A_2164, %ne3A_2165 : i32
      %lt3A_2167 = arith.constant 0 : i32
      %lt3A_2168 = arith.cmpi slt, %rem3A_2164, %lt3A_2167 : i32
      %lt3A_2169 = arith.constant 0 : i32
      %lt3A_2170 = arith.cmpi slt, %select_n3A_2163, %lt3A_2169 : i32
      %ne3A_2171 = arith.xori %lt3A_2168, %lt3A_2170 : i1
      %and3A_2172 = arith.andi %ne3A_2171, %ne3A_2166 : i1
      %add3A_2173 = arith.addi %rem3A_2164, %select_n3A_2163 : i32
      %select_n3A_2174 = arith.select %and3A_2172, %add3A_2173, %rem3A_2164 : i32
      %mul3A_2175 = arith.constant 4 : i32
      %mul3A_2176 = arith.muli %select_n3A_2174, %mul3A_2175 : i32
      %add3A_2177 = arith.constant 0 : i32
      %add3A_2178 = arith.addi %mul3A_2176, %add3A_2177 : i32
      %dma_wait3A_2179 = arith.constant 24576 : i32
      %dma_wait3A_2180 = tpu.memref_slice %arg9[%dma_wait3A_2179] : memref<32768xf32, #tpu.memory_space<vmem>> -> memref<8192xf32, #tpu.memory_space<vmem>>
      %dma_wait3A_2181 = arith.constant 0 : i32
      %dma_wait3A_2182 = tpu.memref_slice %arg2[%select_n3A_2158, %add3A_2178, %dma_wait3A_2181] : memref<8x256x8192xf32, #tpu.memory_space<hbm>> -> memref<1x1x8192xf32, #tpu.memory_space<hbm>>
      %dma_wait3A_2183 = tpu.memref_squeeze %dma_wait3A_2182 : memref<1x1x8192xf32, #tpu.memory_space<hbm>> -> memref<8192xf32, #tpu.memory_space<hbm>>
      %dma_wait3A_2184 = arith.constant 24576 : i32
      %dma_wait3A_2185 = tpu.memref_slice %arg9[%dma_wait3A_2184] : memref<32768xf32, #tpu.memory_space<vmem>> -> memref<8192xf32, #tpu.memory_space<vmem>>
      %dma_wait3A_2186 = arith.constant 0 : i32
      %dma_wait3A_2187 = tpu.memref_slice %arg2[%select_n3A_2158, %add3A_2178, %dma_wait3A_2186] : memref<8x256x8192xf32, #tpu.memory_space<hbm>> -> memref<1x1x8192xf32, #tpu.memory_space<hbm>>
      %dma_wait3A_2188 = tpu.memref_squeeze %dma_wait3A_2187 : memref<1x1x8192xf32, #tpu.memory_space<hbm>> -> memref<8192xf32, #tpu.memory_space<hbm>>
      tpu.wait_dma2 semaphore(%arg13 : memref<!tpu.dma_semaphore, #tpu.memory_space<semaphore_mem>>) src(%dma_wait3A_2188 : memref<8192xf32, #tpu.memory_space<hbm>>) dst(%dma_wait3A_2185 : memref<8192xf32, #tpu.memory_space<vmem>>)
      %mul3A_2189 = arith.constant 2 : i32
      %mul3A_2190 = arith.muli %mul3A_2189, %scan3A_1299 : i32
      %add3A_2191 = arith.constant 1 : i32
      %add3A_2192 = arith.addi %mul3A_2190, %add3A_2191 : i32
      %ge3A_2193 = arith.constant 2 : i32
      %ge3A_2194 = arith.cmpi sge, %add3A_2192, %ge3A_2193 : i32
      %convert_element_type3A_2195 = arith.extui %ge3A_2194 : i1 to i32
      %cond3A_2196 = arith.constant 0 : i32
      %cond3A_2197 = arith.cmpi ne, %convert_element_type3A_2195, %cond3A_2196 : i32
      scf.if %cond3A_2197 {
        %jit3A_2640 = arith.constant 64 : i32
        %div3A_2641 = arith.divsi %mul3A_2, %jit3A_2640 : i32
        %sign3A_2642 = arith.constant 0 : i32
        %sign3A_2643 = arith.cmpi sgt, %mul3A_2, %sign3A_2642 : i32
        %sign3A_2644 = arith.extui %sign3A_2643 : i1 to i32
        %sign3A_2645 = arith.constant 0 : i32
        %sign3A_2646 = arith.cmpi slt, %mul3A_2, %sign3A_2645 : i32
        %sign3A_2647 = arith.extui %sign3A_2646 : i1 to i32
        %sign3A_2648 = arith.subi %sign3A_2644, %sign3A_2647 : i32
        %sign3A_2649 = arith.constant 0 : i32
        %sign3A_2650 = arith.cmpi sgt, %jit3A_2640, %sign3A_2649 : i32
        %sign3A_2651 = arith.extui %sign3A_2650 : i1 to i32
        %sign3A_2652 = arith.constant 0 : i32
        %sign3A_2653 = arith.cmpi slt, %jit3A_2640, %sign3A_2652 : i32
        %sign3A_2654 = arith.extui %sign3A_2653 : i1 to i32
        %sign3A_2655 = arith.subi %sign3A_2651, %sign3A_2654 : i32
        %ne3A_2656 = arith.cmpi ne, %sign3A_2648, %sign3A_2655 : i32
        %rem3A_2657 = arith.remsi %mul3A_2, %jit3A_2640 : i32
        %ne3A_2658 = arith.constant 0 : i32
        %ne3A_2659 = arith.cmpi ne, %rem3A_2657, %ne3A_2658 : i32
        %and3A_2660 = arith.andi %ne3A_2656, %ne3A_2659 : i1
        %sub3A_2661 = arith.constant 1 : i32
        %sub3A_2662 = arith.subi %div3A_2641, %sub3A_2661 : i32
        %select_n3A_2663 = arith.select %and3A_2660, %sub3A_2662, %div3A_2641 : i32
        %jit3A_2664 = arith.constant 64 : i32
        %eq3A_2665 = arith.constant 0 : i32
        %eq3A_2666 = arith.cmpi eq, %jit3A_2664, %eq3A_2665 : i32
        %jit3A_2667 = arith.constant 1 : i32
        %select_n3A_2668 = arith.select %eq3A_2666, %jit3A_2667, %jit3A_2664 : i32
        %rem3A_2669 = arith.remsi %mul3A_2, %select_n3A_2668 : i32
        %ne3A_2670 = arith.constant 0 : i32
        %ne3A_2671 = arith.cmpi ne, %rem3A_2669, %ne3A_2670 : i32
        %lt3A_2672 = arith.constant 0 : i32
        %lt3A_2673 = arith.cmpi slt, %rem3A_2669, %lt3A_2672 : i32
        %lt3A_2674 = arith.constant 0 : i32
        %lt3A_2675 = arith.cmpi slt, %select_n3A_2668, %lt3A_2674 : i32
        %ne3A_2676 = arith.xori %lt3A_2673, %lt3A_2675 : i1
        %and3A_2677 = arith.andi %ne3A_2676, %ne3A_2671 : i1
        %add3A_2678 = arith.addi %rem3A_2669, %select_n3A_2668 : i32
        %select_n3A_2679 = arith.select %and3A_2677, %add3A_2678, %rem3A_2669 : i32
        %mul3A_2680 = arith.constant 4 : i32
        %mul3A_2681 = arith.muli %select_n3A_2679, %mul3A_2680 : i32
        %add3A_2682 = arith.constant 0 : i32
        %add3A_2683 = arith.addi %mul3A_2681, %add3A_2682 : i32
        %dma_wait3A_2684 = arith.constant 0 : i32
        %dma_wait3A_2685 = tpu.memref_slice %arg11[%dma_wait3A_2684] : memref<16384xf32, #tpu.memory_space<vmem>> -> memref<4096xf32, #tpu.memory_space<vmem>>
        %dma_wait3A_2686 = arith.constant 0 : i32
        %dma_wait3A_2687 = tpu.memref_slice %arg4[%select_n3A_2663, %add3A_2683, %dma_wait3A_2686] : memref<8x256x4096xf32, #tpu.memory_space<hbm>> -> memref<1x1x4096xf32, #tpu.memory_space<hbm>>
        %dma_wait3A_2688 = tpu.memref_squeeze %dma_wait3A_2687 : memref<1x1x4096xf32, #tpu.memory_space<hbm>> -> memref<4096xf32, #tpu.memory_space<hbm>>
        %dma_wait3A_2689 = arith.constant 0 : i32
        %dma_wait3A_2690 = tpu.memref_slice %arg4[%select_n3A_2663, %add3A_2683, %dma_wait3A_2689] : memref<8x256x4096xf32, #tpu.memory_space<hbm>> -> memref<1x1x4096xf32, #tpu.memory_space<hbm>>
        %dma_wait3A_2691 = tpu.memref_squeeze %dma_wait3A_2690 : memref<1x1x4096xf32, #tpu.memory_space<hbm>> -> memref<4096xf32, #tpu.memory_space<hbm>>
        %dma_wait3A_2692 = arith.constant 0 : i32
        %dma_wait3A_2693 = tpu.memref_slice %arg11[%dma_wait3A_2692] : memref<16384xf32, #tpu.memory_space<vmem>> -> memref<4096xf32, #tpu.memory_space<vmem>>
        tpu.wait_dma2 semaphore(%arg15 : memref<!tpu.dma_semaphore, #tpu.memory_space<semaphore_mem>>) src(%dma_wait3A_2693 : memref<4096xf32, #tpu.memory_space<vmem>>) dst(%dma_wait3A_2691 : memref<4096xf32, #tpu.memory_space<hbm>>)
        %jit3A_2694 = arith.constant 64 : i32
        %div3A_2695 = arith.divsi %mul3A_2, %jit3A_2694 : i32
        %sign3A_2696 = arith.constant 0 : i32
        %sign3A_2697 = arith.cmpi sgt, %mul3A_2, %sign3A_2696 : i32
        %sign3A_2698 = arith.extui %sign3A_2697 : i1 to i32
        %sign3A_2699 = arith.constant 0 : i32
        %sign3A_2700 = arith.cmpi slt, %mul3A_2, %sign3A_2699 : i32
        %sign3A_2701 = arith.extui %sign3A_2700 : i1 to i32
        %sign3A_2702 = arith.subi %sign3A_2698, %sign3A_2701 : i32
        %sign3A_2703 = arith.constant 0 : i32
        %sign3A_2704 = arith.cmpi sgt, %jit3A_2694, %sign3A_2703 : i32
        %sign3A_2705 = arith.extui %sign3A_2704 : i1 to i32
        %sign3A_2706 = arith.constant 0 : i32
        %sign3A_2707 = arith.cmpi slt, %jit3A_2694, %sign3A_2706 : i32
        %sign3A_2708 = arith.extui %sign3A_2707 : i1 to i32
        %sign3A_2709 = arith.subi %sign3A_2705, %sign3A_2708 : i32
        %ne3A_2710 = arith.cmpi ne, %sign3A_2702, %sign3A_2709 : i32
        %rem3A_2711 = arith.remsi %mul3A_2, %jit3A_2694 : i32
        %ne3A_2712 = arith.constant 0 : i32
        %ne3A_2713 = arith.cmpi ne, %rem3A_2711, %ne3A_2712 : i32
        %and3A_2714 = arith.andi %ne3A_2710, %ne3A_2713 : i1
        %sub3A_2715 = arith.constant 1 : i32
        %sub3A_2716 = arith.subi %div3A_2695, %sub3A_2715 : i32
        %select_n3A_2717 = arith.select %and3A_2714, %sub3A_2716, %div3A_2695 : i32
        %jit3A_2718 = arith.constant 64 : i32
        %eq3A_2719 = arith.constant 0 : i32
        %eq3A_2720 = arith.cmpi eq, %jit3A_2718, %eq3A_2719 : i32
        %jit3A_2721 = arith.constant 1 : i32
        %select_n3A_2722 = arith.select %eq3A_2720, %jit3A_2721, %jit3A_2718 : i32
        %rem3A_2723 = arith.remsi %mul3A_2, %select_n3A_2722 : i32
        %ne3A_2724 = arith.constant 0 : i32
        %ne3A_2725 = arith.cmpi ne, %rem3A_2723, %ne3A_2724 : i32
        %lt3A_2726 = arith.constant 0 : i32
        %lt3A_2727 = arith.cmpi slt, %rem3A_2723, %lt3A_2726 : i32
        %lt3A_2728 = arith.constant 0 : i32
        %lt3A_2729 = arith.cmpi slt, %select_n3A_2722, %lt3A_2728 : i32
        %ne3A_2730 = arith.xori %lt3A_2727, %lt3A_2729 : i1
        %and3A_2731 = arith.andi %ne3A_2730, %ne3A_2725 : i1
        %add3A_2732 = arith.addi %rem3A_2723, %select_n3A_2722 : i32
        %select_n3A_2733 = arith.select %and3A_2731, %add3A_2732, %rem3A_2723 : i32
        %mul3A_2734 = arith.constant 4 : i32
        %mul3A_2735 = arith.muli %select_n3A_2733, %mul3A_2734 : i32
        %add3A_2736 = arith.constant 0 : i32
        %add3A_2737 = arith.addi %mul3A_2735, %add3A_2736 : i32
        %dma_wait3A_2738 = arith.constant 4096 : i32
        %dma_wait3A_2739 = tpu.memref_slice %arg11[%dma_wait3A_2738] : memref<16384xf32, #tpu.memory_space<vmem>> -> memref<4096xf32, #tpu.memory_space<vmem>>
        %dma_wait3A_2740 = arith.constant 0 : i32
        %dma_wait3A_2741 = tpu.memref_slice %arg4[%select_n3A_2717, %add3A_2737, %dma_wait3A_2740] : memref<8x256x4096xf32, #tpu.memory_space<hbm>> -> memref<1x1x4096xf32, #tpu.memory_space<hbm>>
        %dma_wait3A_2742 = tpu.memref_squeeze %dma_wait3A_2741 : memref<1x1x4096xf32, #tpu.memory_space<hbm>> -> memref<4096xf32, #tpu.memory_space<hbm>>
        %dma_wait3A_2743 = arith.constant 0 : i32
        %dma_wait3A_2744 = tpu.memref_slice %arg4[%select_n3A_2717, %add3A_2737, %dma_wait3A_2743] : memref<8x256x4096xf32, #tpu.memory_space<hbm>> -> memref<1x1x4096xf32, #tpu.memory_space<hbm>>
        %dma_wait3A_2745 = tpu.memref_squeeze %dma_wait3A_2744 : memref<1x1x4096xf32, #tpu.memory_space<hbm>> -> memref<4096xf32, #tpu.memory_space<hbm>>
        %dma_wait3A_2746 = arith.constant 4096 : i32
        %dma_wait3A_2747 = tpu.memref_slice %arg11[%dma_wait3A_2746] : memref<16384xf32, #tpu.memory_space<vmem>> -> memref<4096xf32, #tpu.memory_space<vmem>>
        tpu.wait_dma2 semaphore(%arg15 : memref<!tpu.dma_semaphore, #tpu.memory_space<semaphore_mem>>) src(%dma_wait3A_2747 : memref<4096xf32, #tpu.memory_space<vmem>>) dst(%dma_wait3A_2745 : memref<4096xf32, #tpu.memory_space<hbm>>)
        %jit3A_2748 = arith.constant 64 : i32
        %div3A_2749 = arith.divsi %mul3A_2, %jit3A_2748 : i32
        %sign3A_2750 = arith.constant 0 : i32
        %sign3A_2751 = arith.cmpi sgt, %mul3A_2, %sign3A_2750 : i32
        %sign3A_2752 = arith.extui %sign3A_2751 : i1 to i32
        %sign3A_2753 = arith.constant 0 : i32
        %sign3A_2754 = arith.cmpi slt, %mul3A_2, %sign3A_2753 : i32
        %sign3A_2755 = arith.extui %sign3A_2754 : i1 to i32
        %sign3A_2756 = arith.subi %sign3A_2752, %sign3A_2755 : i32
        %sign3A_2757 = arith.constant 0 : i32
        %sign3A_2758 = arith.cmpi sgt, %jit3A_2748, %sign3A_2757 : i32
        %sign3A_2759 = arith.extui %sign3A_2758 : i1 to i32
        %sign3A_2760 = arith.constant 0 : i32
        %sign3A_2761 = arith.cmpi slt, %jit3A_2748, %sign3A_2760 : i32
        %sign3A_2762 = arith.extui %sign3A_2761 : i1 to i32
        %sign3A_2763 = arith.subi %sign3A_2759, %sign3A_2762 : i32
        %ne3A_2764 = arith.cmpi ne, %sign3A_2756, %sign3A_2763 : i32
        %rem3A_2765 = arith.remsi %mul3A_2, %jit3A_2748 : i32
        %ne3A_2766 = arith.constant 0 : i32
        %ne3A_2767 = arith.cmpi ne, %rem3A_2765, %ne3A_2766 : i32
        %and3A_2768 = arith.andi %ne3A_2764, %ne3A_2767 : i1
        %sub3A_2769 = arith.constant 1 : i32
        %sub3A_2770 = arith.subi %div3A_2749, %sub3A_2769 : i32
        %select_n3A_2771 = arith.select %and3A_2768, %sub3A_2770, %div3A_2749 : i32
        %jit3A_2772 = arith.constant 64 : i32
        %eq3A_2773 = arith.constant 0 : i32
        %eq3A_2774 = arith.cmpi eq, %jit3A_2772, %eq3A_2773 : i32
        %jit3A_2775 = arith.constant 1 : i32
        %select_n3A_2776 = arith.select %eq3A_2774, %jit3A_2775, %jit3A_2772 : i32
        %rem3A_2777 = arith.remsi %mul3A_2, %select_n3A_2776 : i32
        %ne3A_2778 = arith.constant 0 : i32
        %ne3A_2779 = arith.cmpi ne, %rem3A_2777, %ne3A_2778 : i32
        %lt3A_2780 = arith.constant 0 : i32
        %lt3A_2781 = arith.cmpi slt, %rem3A_2777, %lt3A_2780 : i32
        %lt3A_2782 = arith.constant 0 : i32
        %lt3A_2783 = arith.cmpi slt, %select_n3A_2776, %lt3A_2782 : i32
        %ne3A_2784 = arith.xori %lt3A_2781, %lt3A_2783 : i1
        %and3A_2785 = arith.andi %ne3A_2784, %ne3A_2779 : i1
        %add3A_2786 = arith.addi %rem3A_2777, %select_n3A_2776 : i32
        %select_n3A_2787 = arith.select %and3A_2785, %add3A_2786, %rem3A_2777 : i32
        %mul3A_2788 = arith.constant 4 : i32
        %mul3A_2789 = arith.muli %select_n3A_2787, %mul3A_2788 : i32
        %add3A_2790 = arith.constant 0 : i32
        %add3A_2791 = arith.addi %mul3A_2789, %add3A_2790 : i32
        %dma_wait3A_2792 = arith.constant 8192 : i32
        %dma_wait3A_2793 = tpu.memref_slice %arg11[%dma_wait3A_2792] : memref<16384xf32, #tpu.memory_space<vmem>> -> memref<4096xf32, #tpu.memory_space<vmem>>
        %dma_wait3A_2794 = arith.constant 0 : i32
        %dma_wait3A_2795 = tpu.memref_slice %arg4[%select_n3A_2771, %add3A_2791, %dma_wait3A_2794] : memref<8x256x4096xf32, #tpu.memory_space<hbm>> -> memref<1x1x4096xf32, #tpu.memory_space<hbm>>
        %dma_wait3A_2796 = tpu.memref_squeeze %dma_wait3A_2795 : memref<1x1x4096xf32, #tpu.memory_space<hbm>> -> memref<4096xf32, #tpu.memory_space<hbm>>
        %dma_wait3A_2797 = arith.constant 0 : i32
        %dma_wait3A_2798 = tpu.memref_slice %arg4[%select_n3A_2771, %add3A_2791, %dma_wait3A_2797] : memref<8x256x4096xf32, #tpu.memory_space<hbm>> -> memref<1x1x4096xf32, #tpu.memory_space<hbm>>
        %dma_wait3A_2799 = tpu.memref_squeeze %dma_wait3A_2798 : memref<1x1x4096xf32, #tpu.memory_space<hbm>> -> memref<4096xf32, #tpu.memory_space<hbm>>
        %dma_wait3A_2800 = arith.constant 8192 : i32
        %dma_wait3A_2801 = tpu.memref_slice %arg11[%dma_wait3A_2800] : memref<16384xf32, #tpu.memory_space<vmem>> -> memref<4096xf32, #tpu.memory_space<vmem>>
        tpu.wait_dma2 semaphore(%arg15 : memref<!tpu.dma_semaphore, #tpu.memory_space<semaphore_mem>>) src(%dma_wait3A_2801 : memref<4096xf32, #tpu.memory_space<vmem>>) dst(%dma_wait3A_2799 : memref<4096xf32, #tpu.memory_space<hbm>>)
        %jit3A_2802 = arith.constant 64 : i32
        %div3A_2803 = arith.divsi %mul3A_2, %jit3A_2802 : i32
        %sign3A_2804 = arith.constant 0 : i32
        %sign3A_2805 = arith.cmpi sgt, %mul3A_2, %sign3A_2804 : i32
        %sign3A_2806 = arith.extui %sign3A_2805 : i1 to i32
        %sign3A_2807 = arith.constant 0 : i32
        %sign3A_2808 = arith.cmpi slt, %mul3A_2, %sign3A_2807 : i32
        %sign3A_2809 = arith.extui %sign3A_2808 : i1 to i32
        %sign3A_2810 = arith.subi %sign3A_2806, %sign3A_2809 : i32
        %sign3A_2811 = arith.constant 0 : i32
        %sign3A_2812 = arith.cmpi sgt, %jit3A_2802, %sign3A_2811 : i32
        %sign3A_2813 = arith.extui %sign3A_2812 : i1 to i32
        %sign3A_2814 = arith.constant 0 : i32
        %sign3A_2815 = arith.cmpi slt, %jit3A_2802, %sign3A_2814 : i32
        %sign3A_2816 = arith.extui %sign3A_2815 : i1 to i32
        %sign3A_2817 = arith.subi %sign3A_2813, %sign3A_2816 : i32
        %ne3A_2818 = arith.cmpi ne, %sign3A_2810, %sign3A_2817 : i32
        %rem3A_2819 = arith.remsi %mul3A_2, %jit3A_2802 : i32
        %ne3A_2820 = arith.constant 0 : i32
        %ne3A_2821 = arith.cmpi ne, %rem3A_2819, %ne3A_2820 : i32
        %and3A_2822 = arith.andi %ne3A_2818, %ne3A_2821 : i1
        %sub3A_2823 = arith.constant 1 : i32
        %sub3A_2824 = arith.subi %div3A_2803, %sub3A_2823 : i32
        %select_n3A_2825 = arith.select %and3A_2822, %sub3A_2824, %div3A_2803 : i32
        %jit3A_2826 = arith.constant 64 : i32
        %eq3A_2827 = arith.constant 0 : i32
        %eq3A_2828 = arith.cmpi eq, %jit3A_2826, %eq3A_2827 : i32
        %jit3A_2829 = arith.constant 1 : i32
        %select_n3A_2830 = arith.select %eq3A_2828, %jit3A_2829, %jit3A_2826 : i32
        %rem3A_2831 = arith.remsi %mul3A_2, %select_n3A_2830 : i32
        %ne3A_2832 = arith.constant 0 : i32
        %ne3A_2833 = arith.cmpi ne, %rem3A_2831, %ne3A_2832 : i32
        %lt3A_2834 = arith.constant 0 : i32
        %lt3A_2835 = arith.cmpi slt, %rem3A_2831, %lt3A_2834 : i32
        %lt3A_2836 = arith.constant 0 : i32
        %lt3A_2837 = arith.cmpi slt, %select_n3A_2830, %lt3A_2836 : i32
        %ne3A_2838 = arith.xori %lt3A_2835, %lt3A_2837 : i1
        %and3A_2839 = arith.andi %ne3A_2838, %ne3A_2833 : i1
        %add3A_2840 = arith.addi %rem3A_2831, %select_n3A_2830 : i32
        %select_n3A_2841 = arith.select %and3A_2839, %add3A_2840, %rem3A_2831 : i32
        %mul3A_2842 = arith.constant 4 : i32
        %mul3A_2843 = arith.muli %select_n3A_2841, %mul3A_2842 : i32
        %add3A_2844 = arith.constant 0 : i32
        %add3A_2845 = arith.addi %mul3A_2843, %add3A_2844 : i32
        %dma_wait3A_2846 = arith.constant 12288 : i32
        %dma_wait3A_2847 = tpu.memref_slice %arg11[%dma_wait3A_2846] : memref<16384xf32, #tpu.memory_space<vmem>> -> memref<4096xf32, #tpu.memory_space<vmem>>
        %dma_wait3A_2848 = arith.constant 0 : i32
        %dma_wait3A_2849 = tpu.memref_slice %arg4[%select_n3A_2825, %add3A_2845, %dma_wait3A_2848] : memref<8x256x4096xf32, #tpu.memory_space<hbm>> -> memref<1x1x4096xf32, #tpu.memory_space<hbm>>
        %dma_wait3A_2850 = tpu.memref_squeeze %dma_wait3A_2849 : memref<1x1x4096xf32, #tpu.memory_space<hbm>> -> memref<4096xf32, #tpu.memory_space<hbm>>
        %dma_wait3A_2851 = arith.constant 0 : i32
        %dma_wait3A_2852 = tpu.memref_slice %arg4[%select_n3A_2825, %add3A_2845, %dma_wait3A_2851] : memref<8x256x4096xf32, #tpu.memory_space<hbm>> -> memref<1x1x4096xf32, #tpu.memory_space<hbm>>
        %dma_wait3A_2853 = tpu.memref_squeeze %dma_wait3A_2852 : memref<1x1x4096xf32, #tpu.memory_space<hbm>> -> memref<4096xf32, #tpu.memory_space<hbm>>
        %dma_wait3A_2854 = arith.constant 12288 : i32
        %dma_wait3A_2855 = tpu.memref_slice %arg11[%dma_wait3A_2854] : memref<16384xf32, #tpu.memory_space<vmem>> -> memref<4096xf32, #tpu.memory_space<vmem>>
        tpu.wait_dma2 semaphore(%arg15 : memref<!tpu.dma_semaphore, #tpu.memory_space<semaphore_mem>>) src(%dma_wait3A_2855 : memref<4096xf32, #tpu.memory_space<vmem>>) dst(%dma_wait3A_2853 : memref<4096xf32, #tpu.memory_space<hbm>>)
      } else {
      }
      %parallel_loop3A_2198 = arith.constant 0 : i32
      %parallel_loop3A_2199 = arith.constant 256 : i32
      %parallel_loop3A_2200 = arith.constant 1 : i32
      scf.for %parallel_loop3A_2640 = %parallel_loop3A_2198 to %parallel_loop3A_2199 step %parallel_loop3A_2200  : i32 {
        %parallel_loop3A_2641 = arith.constant 16 : i32
        %parallel_loop3A_2642 = arith.muli %parallel_loop3A_2640, %parallel_loop3A_2641 : i32
        %parallel_loop3A_2643 = arith.index_cast %parallel_loop3A_2642 : i32 to index
        %parallel_loop3A_2644 = tpu.vector_load %arg7[%parallel_loop3A_2643] {strides = array<i32>} : memref<4096xi32, #tpu.memory_space<vmem>>, vector<16xi32>,
        %parallel_loop3A_2645 = tpu.vector_load_idx %arg9[%parallel_loop3A_2644] : memref<32768xf32, #tpu.memory_space<vmem>>[vector<16xi32>], vector<16xf32>,
        %parallel_loop3A_2646 = arith.constant 0 : i32
        %parallel_loop3A_2647 = arith.addi %parallel_loop3A_2646, %parallel_loop3A_2642 : i32
        %parallel_loop3A_2648 = arith.index_cast %parallel_loop3A_2647 : i32 to index
        %parallel_loop3A_2649 = tpu.vector_load %arg11[%parallel_loop3A_2648] {strides = array<i32>} : memref<16384xf32, #tpu.memory_space<vmem>>, vector<16xf32>,
        tpu.vector_store %arg11[%parallel_loop3A_2648], %parallel_loop3A_2645 {strides = array<i32>} : memref<16384xf32, #tpu.memory_space<vmem>>, vector<16xf32>,
        %parallel_loop3A_2650 = arith.constant 8192 : i32
        %parallel_loop3A_2651 = vector.broadcast %parallel_loop3A_2650 : i32 to vector<16xi32>
        %parallel_loop3A_2652 = arith.addi %parallel_loop3A_2644, %parallel_loop3A_2651 : vector<16xi32>
        %parallel_loop3A_2653 = tpu.vector_load_idx %arg9[%parallel_loop3A_2652] : memref<32768xf32, #tpu.memory_space<vmem>>[vector<16xi32>], vector<16xf32>,
        %parallel_loop3A_2654 = arith.constant 4096 : i32
        %parallel_loop3A_2655 = arith.addi %parallel_loop3A_2654, %parallel_loop3A_2642 : i32
        %parallel_loop3A_2656 = arith.index_cast %parallel_loop3A_2655 : i32 to index
        %parallel_loop3A_2657 = tpu.vector_load %arg11[%parallel_loop3A_2656] {strides = array<i32>} : memref<16384xf32, #tpu.memory_space<vmem>>, vector<16xf32>,
        tpu.vector_store %arg11[%parallel_loop3A_2656], %parallel_loop3A_2653 {strides = array<i32>} : memref<16384xf32, #tpu.memory_space<vmem>>, vector<16xf32>,
        %parallel_loop3A_2658 = arith.constant 16384 : i32
        %parallel_loop3A_2659 = vector.broadcast %parallel_loop3A_2658 : i32 to vector<16xi32>
        %parallel_loop3A_2660 = arith.addi %parallel_loop3A_2644, %parallel_loop3A_2659 : vector<16xi32>
        %parallel_loop3A_2661 = tpu.vector_load_idx %arg9[%parallel_loop3A_2660] : memref<32768xf32, #tpu.memory_space<vmem>>[vector<16xi32>], vector<16xf32>,
        %parallel_loop3A_2662 = arith.constant 8192 : i32
        %parallel_loop3A_2663 = arith.addi %parallel_loop3A_2662, %parallel_loop3A_2642 : i32
        %parallel_loop3A_2664 = arith.index_cast %parallel_loop3A_2663 : i32 to index
        %parallel_loop3A_2665 = tpu.vector_load %arg11[%parallel_loop3A_2664] {strides = array<i32>} : memref<16384xf32, #tpu.memory_space<vmem>>, vector<16xf32>,
        tpu.vector_store %arg11[%parallel_loop3A_2664], %parallel_loop3A_2661 {strides = array<i32>} : memref<16384xf32, #tpu.memory_space<vmem>>, vector<16xf32>,
        %parallel_loop3A_2666 = arith.constant 24576 : i32
        %parallel_loop3A_2667 = vector.broadcast %parallel_loop3A_2666 : i32 to vector<16xi32>
        %parallel_loop3A_2668 = arith.addi %parallel_loop3A_2644, %parallel_loop3A_2667 : vector<16xi32>
        %parallel_loop3A_2669 = tpu.vector_load_idx %arg9[%parallel_loop3A_2668] : memref<32768xf32, #tpu.memory_space<vmem>>[vector<16xi32>], vector<16xf32>,
        %parallel_loop3A_2670 = arith.constant 12288 : i32
        %parallel_loop3A_2671 = arith.addi %parallel_loop3A_2670, %parallel_loop3A_2642 : i32
        %parallel_loop3A_2672 = arith.index_cast %parallel_loop3A_2671 : i32 to index
        %parallel_loop3A_2673 = tpu.vector_load %arg11[%parallel_loop3A_2672] {strides = array<i32>} : memref<16384xf32, #tpu.memory_space<vmem>>, vector<16xf32>,
        tpu.vector_store %arg11[%parallel_loop3A_2672], %parallel_loop3A_2669 {strides = array<i32>} : memref<16384xf32, #tpu.memory_space<vmem>>, vector<16xf32>,
      } {sc.loop_unroll_factor = 8 : i64, sc.parallel_access}
      %jit3A_2201 = arith.constant 64 : i32
      %div3A_2202 = arith.divsi %add3A_1972, %jit3A_2201 : i32
      %sign3A_2203 = arith.constant 0 : i32
      %sign3A_2204 = arith.cmpi sgt, %add3A_1972, %sign3A_2203 : i32
      %sign3A_2205 = arith.extui %sign3A_2204 : i1 to i32
      %sign3A_2206 = arith.constant 0 : i32
      %sign3A_2207 = arith.cmpi slt, %add3A_1972, %sign3A_2206 : i32
      %sign3A_2208 = arith.extui %sign3A_2207 : i1 to i32
      %sign3A_2209 = arith.subi %sign3A_2205, %sign3A_2208 : i32
      %sign3A_2210 = arith.constant 0 : i32
      %sign3A_2211 = arith.cmpi sgt, %jit3A_2201, %sign3A_2210 : i32
      %sign3A_2212 = arith.extui %sign3A_2211 : i1 to i32
      %sign3A_2213 = arith.constant 0 : i32
      %sign3A_2214 = arith.cmpi slt, %jit3A_2201, %sign3A_2213 : i32
      %sign3A_2215 = arith.extui %sign3A_2214 : i1 to i32
      %sign3A_2216 = arith.subi %sign3A_2212, %sign3A_2215 : i32
      %ne3A_2217 = arith.cmpi ne, %sign3A_2209, %sign3A_2216 : i32
      %rem3A_2218 = arith.remsi %add3A_1972, %jit3A_2201 : i32
      %ne3A_2219 = arith.constant 0 : i32
      %ne3A_2220 = arith.cmpi ne, %rem3A_2218, %ne3A_2219 : i32
      %and3A_2221 = arith.andi %ne3A_2217, %ne3A_2220 : i1
      %sub3A_2222 = arith.constant 1 : i32
      %sub3A_2223 = arith.subi %div3A_2202, %sub3A_2222 : i32
      %select_n3A_2224 = arith.select %and3A_2221, %sub3A_2223, %div3A_2202 : i32
      %jit3A_2225 = arith.constant 64 : i32
      %eq3A_2226 = arith.constant 0 : i32
      %eq3A_2227 = arith.cmpi eq, %jit3A_2225, %eq3A_2226 : i32
      %jit3A_2228 = arith.constant 1 : i32
      %select_n3A_2229 = arith.select %eq3A_2227, %jit3A_2228, %jit3A_2225 : i32
      %rem3A_2230 = arith.remsi %add3A_1972, %select_n3A_2229 : i32
      %ne3A_2231 = arith.constant 0 : i32
      %ne3A_2232 = arith.cmpi ne, %rem3A_2230, %ne3A_2231 : i32
      %lt3A_2233 = arith.constant 0 : i32
      %lt3A_2234 = arith.cmpi slt, %rem3A_2230, %lt3A_2233 : i32
      %lt3A_2235 = arith.constant 0 : i32
      %lt3A_2236 = arith.cmpi slt, %select_n3A_2229, %lt3A_2235 : i32
      %ne3A_2237 = arith.xori %lt3A_2234, %lt3A_2236 : i1
      %and3A_2238 = arith.andi %ne3A_2237, %ne3A_2232 : i1
      %add3A_2239 = arith.addi %rem3A_2230, %select_n3A_2229 : i32
      %select_n3A_2240 = arith.select %and3A_2238, %add3A_2239, %rem3A_2230 : i32
      %mul3A_2241 = arith.constant 4 : i32
      %mul3A_2242 = arith.muli %select_n3A_2240, %mul3A_2241 : i32
      %add3A_2243 = arith.constant 0 : i32
      %add3A_2244 = arith.addi %mul3A_2242, %add3A_2243 : i32
      %dma_start3A_2245 = arith.constant 0 : i32
      %dma_start3A_2246 = tpu.memref_slice %arg11[%dma_start3A_2245] : memref<16384xf32, #tpu.memory_space<vmem>> -> memref<4096xf32, #tpu.memory_space<vmem>>
      %dma_start3A_2247 = arith.constant 0 : i32
      %dma_start3A_2248 = tpu.memref_slice %arg4[%select_n3A_2224, %add3A_2244, %dma_start3A_2247] : memref<8x256x4096xf32, #tpu.memory_space<hbm>> -> memref<1x1x4096xf32, #tpu.memory_space<hbm>>
      %dma_start3A_2249 = tpu.memref_squeeze %dma_start3A_2248 : memref<1x1x4096xf32, #tpu.memory_space<hbm>> -> memref<4096xf32, #tpu.memory_space<hbm>>
      %dma_start3A_2250 = arith.constant 0 : i32
      %dma_start3A_2251 = tpu.memref_slice %arg4[%select_n3A_2224, %add3A_2244, %dma_start3A_2250] : memref<8x256x4096xf32, #tpu.memory_space<hbm>> -> memref<1x1x4096xf32, #tpu.memory_space<hbm>>
      %dma_start3A_2252 = tpu.memref_squeeze %dma_start3A_2251 : memref<1x1x4096xf32, #tpu.memory_space<hbm>> -> memref<4096xf32, #tpu.memory_space<hbm>>
      %dma_start3A_2253 = arith.constant 0 : i32
      %dma_start3A_2254 = tpu.memref_slice %arg11[%dma_start3A_2253] : memref<16384xf32, #tpu.memory_space<vmem>> -> memref<4096xf32, #tpu.memory_space<vmem>>
      tpu.enqueue_dma source(%dma_start3A_2254 : memref<4096xf32, #tpu.memory_space<vmem>>) target(%dma_start3A_2252 : memref<4096xf32, #tpu.memory_space<hbm>>) target_semaphore(%arg15 : memref<!tpu.dma_semaphore, #tpu.memory_space<semaphore_mem>>)
      %jit3A_2255 = arith.constant 64 : i32
      %div3A_2256 = arith.divsi %add3A_1972, %jit3A_2255 : i32
      %sign3A_2257 = arith.constant 0 : i32
      %sign3A_2258 = arith.cmpi sgt, %add3A_1972, %sign3A_2257 : i32
      %sign3A_2259 = arith.extui %sign3A_2258 : i1 to i32
      %sign3A_2260 = arith.constant 0 : i32
      %sign3A_2261 = arith.cmpi slt, %add3A_1972, %sign3A_2260 : i32
      %sign3A_2262 = arith.extui %sign3A_2261 : i1 to i32
      %sign3A_2263 = arith.subi %sign3A_2259, %sign3A_2262 : i32
      %sign3A_2264 = arith.constant 0 : i32
      %sign3A_2265 = arith.cmpi sgt, %jit3A_2255, %sign3A_2264 : i32
      %sign3A_2266 = arith.extui %sign3A_2265 : i1 to i32
      %sign3A_2267 = arith.constant 0 : i32
      %sign3A_2268 = arith.cmpi slt, %jit3A_2255, %sign3A_2267 : i32
      %sign3A_2269 = arith.extui %sign3A_2268 : i1 to i32
      %sign3A_2270 = arith.subi %sign3A_2266, %sign3A_2269 : i32
      %ne3A_2271 = arith.cmpi ne, %sign3A_2263, %sign3A_2270 : i32
      %rem3A_2272 = arith.remsi %add3A_1972, %jit3A_2255 : i32
      %ne3A_2273 = arith.constant 0 : i32
      %ne3A_2274 = arith.cmpi ne, %rem3A_2272, %ne3A_2273 : i32
      %and3A_2275 = arith.andi %ne3A_2271, %ne3A_2274 : i1
      %sub3A_2276 = arith.constant 1 : i32
      %sub3A_2277 = arith.subi %div3A_2256, %sub3A_2276 : i32
      %select_n3A_2278 = arith.select %and3A_2275, %sub3A_2277, %div3A_2256 : i32
      %jit3A_2279 = arith.constant 64 : i32
      %eq3A_2280 = arith.constant 0 : i32
      %eq3A_2281 = arith.cmpi eq, %jit3A_2279, %eq3A_2280 : i32
      %jit3A_2282 = arith.constant 1 : i32
      %select_n3A_2283 = arith.select %eq3A_2281, %jit3A_2282, %jit3A_2279 : i32
      %rem3A_2284 = arith.remsi %add3A_1972, %select_n3A_2283 : i32
      %ne3A_2285 = arith.constant 0 : i32
      %ne3A_2286 = arith.cmpi ne, %rem3A_2284, %ne3A_2285 : i32
      %lt3A_2287 = arith.constant 0 : i32
      %lt3A_2288 = arith.cmpi slt, %rem3A_2284, %lt3A_2287 : i32
      %lt3A_2289 = arith.constant 0 : i32
      %lt3A_2290 = arith.cmpi slt, %select_n3A_2283, %lt3A_2289 : i32
      %ne3A_2291 = arith.xori %lt3A_2288, %lt3A_2290 : i1
      %and3A_2292 = arith.andi %ne3A_2291, %ne3A_2286 : i1
      %add3A_2293 = arith.addi %rem3A_2284, %select_n3A_2283 : i32
      %select_n3A_2294 = arith.select %and3A_2292, %add3A_2293, %rem3A_2284 : i32
      %mul3A_2295 = arith.constant 4 : i32
      %mul3A_2296 = arith.muli %select_n3A_2294, %mul3A_2295 : i32
      %add3A_2297 = arith.constant 1 : i32
      %add3A_2298 = arith.addi %mul3A_2296, %add3A_2297 : i32
      %dma_start3A_2299 = arith.constant 4096 : i32
      %dma_start3A_2300 = tpu.memref_slice %arg11[%dma_start3A_2299] : memref<16384xf32, #tpu.memory_space<vmem>> -> memref<4096xf32, #tpu.memory_space<vmem>>
      %dma_start3A_2301 = arith.constant 0 : i32
      %dma_start3A_2302 = tpu.memref_slice %arg4[%select_n3A_2278, %add3A_2298, %dma_start3A_2301] : memref<8x256x4096xf32, #tpu.memory_space<hbm>> -> memref<1x1x4096xf32, #tpu.memory_space<hbm>>
      %dma_start3A_2303 = tpu.memref_squeeze %dma_start3A_2302 : memref<1x1x4096xf32, #tpu.memory_space<hbm>> -> memref<4096xf32, #tpu.memory_space<hbm>>
      %dma_start3A_2304 = arith.constant 0 : i32
      %dma_start3A_2305 = tpu.memref_slice %arg4[%select_n3A_2278, %add3A_2298, %dma_start3A_2304] : memref<8x256x4096xf32, #tpu.memory_space<hbm>> -> memref<1x1x4096xf32, #tpu.memory_space<hbm>>
      %dma_start3A_2306 = tpu.memref_squeeze %dma_start3A_2305 : memref<1x1x4096xf32, #tpu.memory_space<hbm>> -> memref<4096xf32, #tpu.memory_space<hbm>>
      %dma_start3A_2307 = arith.constant 4096 : i32
      %dma_start3A_2308 = tpu.memref_slice %arg11[%dma_start3A_2307] : memref<16384xf32, #tpu.memory_space<vmem>> -> memref<4096xf32, #tpu.memory_space<vmem>>
      tpu.enqueue_dma source(%dma_start3A_2308 : memref<4096xf32, #tpu.memory_space<vmem>>) target(%dma_start3A_2306 : memref<4096xf32, #tpu.memory_space<hbm>>) target_semaphore(%arg15 : memref<!tpu.dma_semaphore, #tpu.memory_space<semaphore_mem>>)
      %jit3A_2309 = arith.constant 64 : i32
      %div3A_2310 = arith.divsi %add3A_1972, %jit3A_2309 : i32
      %sign3A_2311 = arith.constant 0 : i32
      %sign3A_2312 = arith.cmpi sgt, %add3A_1972, %sign3A_2311 : i32
      %sign3A_2313 = arith.extui %sign3A_2312 : i1 to i32
      %sign3A_2314 = arith.constant 0 : i32
      %sign3A_2315 = arith.cmpi slt, %add3A_1972, %sign3A_2314 : i32
      %sign3A_2316 = arith.extui %sign3A_2315 : i1 to i32
      %sign3A_2317 = arith.subi %sign3A_2313, %sign3A_2316 : i32
      %sign3A_2318 = arith.constant 0 : i32
      %sign3A_2319 = arith.cmpi sgt, %jit3A_2309, %sign3A_2318 : i32
      %sign3A_2320 = arith.extui %sign3A_2319 : i1 to i32
      %sign3A_2321 = arith.constant 0 : i32
      %sign3A_2322 = arith.cmpi slt, %jit3A_2309, %sign3A_2321 : i32
      %sign3A_2323 = arith.extui %sign3A_2322 : i1 to i32
      %sign3A_2324 = arith.subi %sign3A_2320, %sign3A_2323 : i32
      %ne3A_2325 = arith.cmpi ne, %sign3A_2317, %sign3A_2324 : i32
      %rem3A_2326 = arith.remsi %add3A_1972, %jit3A_2309 : i32
      %ne3A_2327 = arith.constant 0 : i32
      %ne3A_2328 = arith.cmpi ne, %rem3A_2326, %ne3A_2327 : i32
      %and3A_2329 = arith.andi %ne3A_2325, %ne3A_2328 : i1
      %sub3A_2330 = arith.constant 1 : i32
      %sub3A_2331 = arith.subi %div3A_2310, %sub3A_2330 : i32
      %select_n3A_2332 = arith.select %and3A_2329, %sub3A_2331, %div3A_2310 : i32
      %jit3A_2333 = arith.constant 64 : i32
      %eq3A_2334 = arith.constant 0 : i32
      %eq3A_2335 = arith.cmpi eq, %jit3A_2333, %eq3A_2334 : i32
      %jit3A_2336 = arith.constant 1 : i32
      %select_n3A_2337 = arith.select %eq3A_2335, %jit3A_2336, %jit3A_2333 : i32
      %rem3A_2338 = arith.remsi %add3A_1972, %select_n3A_2337 : i32
      %ne3A_2339 = arith.constant 0 : i32
      %ne3A_2340 = arith.cmpi ne, %rem3A_2338, %ne3A_2339 : i32
      %lt3A_2341 = arith.constant 0 : i32
      %lt3A_2342 = arith.cmpi slt, %rem3A_2338, %lt3A_2341 : i32
      %lt3A_2343 = arith.constant 0 : i32
      %lt3A_2344 = arith.cmpi slt, %select_n3A_2337, %lt3A_2343 : i32
      %ne3A_2345 = arith.xori %lt3A_2342, %lt3A_2344 : i1
      %and3A_2346 = arith.andi %ne3A_2345, %ne3A_2340 : i1
      %add3A_2347 = arith.addi %rem3A_2338, %select_n3A_2337 : i32
      %select_n3A_2348 = arith.select %and3A_2346, %add3A_2347, %rem3A_2338 : i32
      %mul3A_2349 = arith.constant 4 : i32
      %mul3A_2350 = arith.muli %select_n3A_2348, %mul3A_2349 : i32
      %add3A_2351 = arith.constant 2 : i32
      %add3A_2352 = arith.addi %mul3A_2350, %add3A_2351 : i32
      %dma_start3A_2353 = arith.constant 8192 : i32
      %dma_start3A_2354 = tpu.memref_slice %arg11[%dma_start3A_2353] : memref<16384xf32, #tpu.memory_space<vmem>> -> memref<4096xf32, #tpu.memory_space<vmem>>
      %dma_start3A_2355 = arith.constant 0 : i32
      %dma_start3A_2356 = tpu.memref_slice %arg4[%select_n3A_2332, %add3A_2352, %dma_start3A_2355] : memref<8x256x4096xf32, #tpu.memory_space<hbm>> -> memref<1x1x4096xf32, #tpu.memory_space<hbm>>
      %dma_start3A_2357 = tpu.memref_squeeze %dma_start3A_2356 : memref<1x1x4096xf32, #tpu.memory_space<hbm>> -> memref<4096xf32, #tpu.memory_space<hbm>>
      %dma_start3A_2358 = arith.constant 0 : i32
      %dma_start3A_2359 = tpu.memref_slice %arg4[%select_n3A_2332, %add3A_2352, %dma_start3A_2358] : memref<8x256x4096xf32, #tpu.memory_space<hbm>> -> memref<1x1x4096xf32, #tpu.memory_space<hbm>>
      %dma_start3A_2360 = tpu.memref_squeeze %dma_start3A_2359 : memref<1x1x4096xf32, #tpu.memory_space<hbm>> -> memref<4096xf32, #tpu.memory_space<hbm>>
      %dma_start3A_2361 = arith.constant 8192 : i32
      %dma_start3A_2362 = tpu.memref_slice %arg11[%dma_start3A_2361] : memref<16384xf32, #tpu.memory_space<vmem>> -> memref<4096xf32, #tpu.memory_space<vmem>>
      tpu.enqueue_dma source(%dma_start3A_2362 : memref<4096xf32, #tpu.memory_space<vmem>>) target(%dma_start3A_2360 : memref<4096xf32, #tpu.memory_space<hbm>>) target_semaphore(%arg15 : memref<!tpu.dma_semaphore, #tpu.memory_space<semaphore_mem>>)
      %jit3A_2363 = arith.constant 64 : i32
      %div3A_2364 = arith.divsi %add3A_1972, %jit3A_2363 : i32
      %sign3A_2365 = arith.constant 0 : i32
      %sign3A_2366 = arith.cmpi sgt, %add3A_1972, %sign3A_2365 : i32
      %sign3A_2367 = arith.extui %sign3A_2366 : i1 to i32
      %sign3A_2368 = arith.constant 0 : i32
      %sign3A_2369 = arith.cmpi slt, %add3A_1972, %sign3A_2368 : i32
      %sign3A_2370 = arith.extui %sign3A_2369 : i1 to i32
      %sign3A_2371 = arith.subi %sign3A_2367, %sign3A_2370 : i32
      %sign3A_2372 = arith.constant 0 : i32
      %sign3A_2373 = arith.cmpi sgt, %jit3A_2363, %sign3A_2372 : i32
      %sign3A_2374 = arith.extui %sign3A_2373 : i1 to i32
      %sign3A_2375 = arith.constant 0 : i32
      %sign3A_2376 = arith.cmpi slt, %jit3A_2363, %sign3A_2375 : i32
      %sign3A_2377 = arith.extui %sign3A_2376 : i1 to i32
      %sign3A_2378 = arith.subi %sign3A_2374, %sign3A_2377 : i32
      %ne3A_2379 = arith.cmpi ne, %sign3A_2371, %sign3A_2378 : i32
      %rem3A_2380 = arith.remsi %add3A_1972, %jit3A_2363 : i32
      %ne3A_2381 = arith.constant 0 : i32
      %ne3A_2382 = arith.cmpi ne, %rem3A_2380, %ne3A_2381 : i32
      %and3A_2383 = arith.andi %ne3A_2379, %ne3A_2382 : i1
      %sub3A_2384 = arith.constant 1 : i32
      %sub3A_2385 = arith.subi %div3A_2364, %sub3A_2384 : i32
      %select_n3A_2386 = arith.select %and3A_2383, %sub3A_2385, %div3A_2364 : i32
      %jit3A_2387 = arith.constant 64 : i32
      %eq3A_2388 = arith.constant 0 : i32
      %eq3A_2389 = arith.cmpi eq, %jit3A_2387, %eq3A_2388 : i32
      %jit3A_2390 = arith.constant 1 : i32
      %select_n3A_2391 = arith.select %eq3A_2389, %jit3A_2390, %jit3A_2387 : i32
      %rem3A_2392 = arith.remsi %add3A_1972, %select_n3A_2391 : i32
      %ne3A_2393 = arith.constant 0 : i32
      %ne3A_2394 = arith.cmpi ne, %rem3A_2392, %ne3A_2393 : i32
      %lt3A_2395 = arith.constant 0 : i32
      %lt3A_2396 = arith.cmpi slt, %rem3A_2392, %lt3A_2395 : i32
      %lt3A_2397 = arith.constant 0 : i32
      %lt3A_2398 = arith.cmpi slt, %select_n3A_2391, %lt3A_2397 : i32
      %ne3A_2399 = arith.xori %lt3A_2396, %lt3A_2398 : i1
      %and3A_2400 = arith.andi %ne3A_2399, %ne3A_2394 : i1
      %add3A_2401 = arith.addi %rem3A_2392, %select_n3A_2391 : i32
      %select_n3A_2402 = arith.select %and3A_2400, %add3A_2401, %rem3A_2392 : i32
      %mul3A_2403 = arith.constant 4 : i32
      %mul3A_2404 = arith.muli %select_n3A_2402, %mul3A_2403 : i32
      %add3A_2405 = arith.constant 3 : i32
      %add3A_2406 = arith.addi %mul3A_2404, %add3A_2405 : i32
      %dma_start3A_2407 = arith.constant 12288 : i32
      %dma_start3A_2408 = tpu.memref_slice %arg11[%dma_start3A_2407] : memref<16384xf32, #tpu.memory_space<vmem>> -> memref<4096xf32, #tpu.memory_space<vmem>>
      %dma_start3A_2409 = arith.constant 0 : i32
      %dma_start3A_2410 = tpu.memref_slice %arg4[%select_n3A_2386, %add3A_2406, %dma_start3A_2409] : memref<8x256x4096xf32, #tpu.memory_space<hbm>> -> memref<1x1x4096xf32, #tpu.memory_space<hbm>>
      %dma_start3A_2411 = tpu.memref_squeeze %dma_start3A_2410 : memref<1x1x4096xf32, #tpu.memory_space<hbm>> -> memref<4096xf32, #tpu.memory_space<hbm>>
      %dma_start3A_2412 = arith.constant 0 : i32
      %dma_start3A_2413 = tpu.memref_slice %arg4[%select_n3A_2386, %add3A_2406, %dma_start3A_2412] : memref<8x256x4096xf32, #tpu.memory_space<hbm>> -> memref<1x1x4096xf32, #tpu.memory_space<hbm>>
      %dma_start3A_2414 = tpu.memref_squeeze %dma_start3A_2413 : memref<1x1x4096xf32, #tpu.memory_space<hbm>> -> memref<4096xf32, #tpu.memory_space<hbm>>
      %dma_start3A_2415 = arith.constant 12288 : i32
      %dma_start3A_2416 = tpu.memref_slice %arg11[%dma_start3A_2415] : memref<16384xf32, #tpu.memory_space<vmem>> -> memref<4096xf32, #tpu.memory_space<vmem>>
      tpu.enqueue_dma source(%dma_start3A_2416 : memref<4096xf32, #tpu.memory_space<vmem>>) target(%dma_start3A_2414 : memref<4096xf32, #tpu.memory_space<hbm>>) target_semaphore(%arg15 : memref<!tpu.dma_semaphore, #tpu.memory_space<semaphore_mem>>)
      %add3A_2417 = arith.constant 2 : i32
      %add3A_2418 = arith.addi %add3A_1972, %add3A_2417 : i32
      %add3A_2419 = arith.constant 16 : i32
      %add3A_2420 = arith.addi %mul3A_2, %add3A_2419 : i32
      %sub3A_2421 = arith.constant 1 : i32
      %sub3A_2422 = arith.subi %add3A_2420, %sub3A_2421 : i32
      %min3A_2423 = arith.minsi %add3A_2418, %sub3A_2422 : i32
      %jit3A_2424 = arith.constant 64 : i32
      %div3A_2425 = arith.divsi %min3A_2423, %jit3A_2424 : i32
      %sign3A_2426 = arith.constant 0 : i32
      %sign3A_2427 = arith.cmpi sgt, %min3A_2423, %sign3A_2426 : i32
      %sign3A_2428 = arith.extui %sign3A_2427 : i1 to i32
      %sign3A_2429 = arith.constant 0 : i32
      %sign3A_2430 = arith.cmpi slt, %min3A_2423, %sign3A_2429 : i32
      %sign3A_2431 = arith.extui %sign3A_2430 : i1 to i32
      %sign3A_2432 = arith.subi %sign3A_2428, %sign3A_2431 : i32
      %sign3A_2433 = arith.constant 0 : i32
      %sign3A_2434 = arith.cmpi sgt, %jit3A_2424, %sign3A_2433 : i32
      %sign3A_2435 = arith.extui %sign3A_2434 : i1 to i32
      %sign3A_2436 = arith.constant 0 : i32
      %sign3A_2437 = arith.cmpi slt, %jit3A_2424, %sign3A_2436 : i32
      %sign3A_2438 = arith.extui %sign3A_2437 : i1 to i32
      %sign3A_2439 = arith.subi %sign3A_2435, %sign3A_2438 : i32
      %ne3A_2440 = arith.cmpi ne, %sign3A_2432, %sign3A_2439 : i32
      %rem3A_2441 = arith.remsi %min3A_2423, %jit3A_2424 : i32
      %ne3A_2442 = arith.constant 0 : i32
      %ne3A_2443 = arith.cmpi ne, %rem3A_2441, %ne3A_2442 : i32
      %and3A_2444 = arith.andi %ne3A_2440, %ne3A_2443 : i1
      %sub3A_2445 = arith.constant 1 : i32
      %sub3A_2446 = arith.subi %div3A_2425, %sub3A_2445 : i32
      %select_n3A_2447 = arith.select %and3A_2444, %sub3A_2446, %div3A_2425 : i32
      %jit3A_2448 = arith.constant 64 : i32
      %eq3A_2449 = arith.constant 0 : i32
      %eq3A_2450 = arith.cmpi eq, %jit3A_2448, %eq3A_2449 : i32
      %jit3A_2451 = arith.constant 1 : i32
      %select_n3A_2452 = arith.select %eq3A_2450, %jit3A_2451, %jit3A_2448 : i32
      %rem3A_2453 = arith.remsi %min3A_2423, %select_n3A_2452 : i32
      %ne3A_2454 = arith.constant 0 : i32
      %ne3A_2455 = arith.cmpi ne, %rem3A_2453, %ne3A_2454 : i32
      %lt3A_2456 = arith.constant 0 : i32
      %lt3A_2457 = arith.cmpi slt, %rem3A_2453, %lt3A_2456 : i32
      %lt3A_2458 = arith.constant 0 : i32
      %lt3A_2459 = arith.cmpi slt, %select_n3A_2452, %lt3A_2458 : i32
      %ne3A_2460 = arith.xori %lt3A_2457, %lt3A_2459 : i1
      %and3A_2461 = arith.andi %ne3A_2460, %ne3A_2455 : i1
      %add3A_2462 = arith.addi %rem3A_2453, %select_n3A_2452 : i32
      %select_n3A_2463 = arith.select %and3A_2461, %add3A_2462, %rem3A_2453 : i32
      %mul3A_2464 = arith.constant 4 : i32
      %mul3A_2465 = arith.muli %select_n3A_2463, %mul3A_2464 : i32
      %add3A_2466 = arith.constant 0 : i32
      %add3A_2467 = arith.addi %mul3A_2465, %add3A_2466 : i32
      %dma_start3A_2468 = arith.constant 0 : i32
      %dma_start3A_2469 = tpu.memref_slice %arg9[%dma_start3A_2468] : memref<32768xf32, #tpu.memory_space<vmem>> -> memref<8192xf32, #tpu.memory_space<vmem>>
      %dma_start3A_2470 = arith.constant 0 : i32
      %dma_start3A_2471 = tpu.memref_slice %arg2[%select_n3A_2447, %add3A_2467, %dma_start3A_2470] : memref<8x256x8192xf32, #tpu.memory_space<hbm>> -> memref<1x1x8192xf32, #tpu.memory_space<hbm>>
      %dma_start3A_2472 = tpu.memref_squeeze %dma_start3A_2471 : memref<1x1x8192xf32, #tpu.memory_space<hbm>> -> memref<8192xf32, #tpu.memory_space<hbm>>
      %dma_start3A_2473 = arith.constant 0 : i32
      %dma_start3A_2474 = tpu.memref_slice %arg9[%dma_start3A_2473] : memref<32768xf32, #tpu.memory_space<vmem>> -> memref<8192xf32, #tpu.memory_space<vmem>>
      %dma_start3A_2475 = arith.constant 0 : i32
      %dma_start3A_2476 = tpu.memref_slice %arg2[%select_n3A_2447, %add3A_2467, %dma_start3A_2475] : memref<8x256x8192xf32, #tpu.memory_space<hbm>> -> memref<1x1x8192xf32, #tpu.memory_space<hbm>>
      %dma_start3A_2477 = tpu.memref_squeeze %dma_start3A_2476 : memref<1x1x8192xf32, #tpu.memory_space<hbm>> -> memref<8192xf32, #tpu.memory_space<hbm>>
      tpu.enqueue_dma source(%dma_start3A_2477 : memref<8192xf32, #tpu.memory_space<hbm>>) target(%dma_start3A_2474 : memref<8192xf32, #tpu.memory_space<vmem>>) target_semaphore(%arg13 : memref<!tpu.dma_semaphore, #tpu.memory_space<semaphore_mem>>)
      %jit3A_2478 = arith.constant 64 : i32
      %div3A_2479 = arith.divsi %min3A_2423, %jit3A_2478 : i32
      %sign3A_2480 = arith.constant 0 : i32
      %sign3A_2481 = arith.cmpi sgt, %min3A_2423, %sign3A_2480 : i32
      %sign3A_2482 = arith.extui %sign3A_2481 : i1 to i32
      %sign3A_2483 = arith.constant 0 : i32
      %sign3A_2484 = arith.cmpi slt, %min3A_2423, %sign3A_2483 : i32
      %sign3A_2485 = arith.extui %sign3A_2484 : i1 to i32
      %sign3A_2486 = arith.subi %sign3A_2482, %sign3A_2485 : i32
      %sign3A_2487 = arith.constant 0 : i32
      %sign3A_2488 = arith.cmpi sgt, %jit3A_2478, %sign3A_2487 : i32
      %sign3A_2489 = arith.extui %sign3A_2488 : i1 to i32
      %sign3A_2490 = arith.constant 0 : i32
      %sign3A_2491 = arith.cmpi slt, %jit3A_2478, %sign3A_2490 : i32
      %sign3A_2492 = arith.extui %sign3A_2491 : i1 to i32
      %sign3A_2493 = arith.subi %sign3A_2489, %sign3A_2492 : i32
      %ne3A_2494 = arith.cmpi ne, %sign3A_2486, %sign3A_2493 : i32
      %rem3A_2495 = arith.remsi %min3A_2423, %jit3A_2478 : i32
      %ne3A_2496 = arith.constant 0 : i32
      %ne3A_2497 = arith.cmpi ne, %rem3A_2495, %ne3A_2496 : i32
      %and3A_2498 = arith.andi %ne3A_2494, %ne3A_2497 : i1
      %sub3A_2499 = arith.constant 1 : i32
      %sub3A_2500 = arith.subi %div3A_2479, %sub3A_2499 : i32
      %select_n3A_2501 = arith.select %and3A_2498, %sub3A_2500, %div3A_2479 : i32
      %jit3A_2502 = arith.constant 64 : i32
      %eq3A_2503 = arith.constant 0 : i32
      %eq3A_2504 = arith.cmpi eq, %jit3A_2502, %eq3A_2503 : i32
      %jit3A_2505 = arith.constant 1 : i32
      %select_n3A_2506 = arith.select %eq3A_2504, %jit3A_2505, %jit3A_2502 : i32
      %rem3A_2507 = arith.remsi %min3A_2423, %select_n3A_2506 : i32
      %ne3A_2508 = arith.constant 0 : i32
      %ne3A_2509 = arith.cmpi ne, %rem3A_2507, %ne3A_2508 : i32
      %lt3A_2510 = arith.constant 0 : i32
      %lt3A_2511 = arith.cmpi slt, %rem3A_2507, %lt3A_2510 : i32
      %lt3A_2512 = arith.constant 0 : i32
      %lt3A_2513 = arith.cmpi slt, %select_n3A_2506, %lt3A_2512 : i32
      %ne3A_2514 = arith.xori %lt3A_2511, %lt3A_2513 : i1
      %and3A_2515 = arith.andi %ne3A_2514, %ne3A_2509 : i1
      %add3A_2516 = arith.addi %rem3A_2507, %select_n3A_2506 : i32
      %select_n3A_2517 = arith.select %and3A_2515, %add3A_2516, %rem3A_2507 : i32
      %mul3A_2518 = arith.constant 4 : i32
      %mul3A_2519 = arith.muli %select_n3A_2517, %mul3A_2518 : i32
      %add3A_2520 = arith.constant 1 : i32
      %add3A_2521 = arith.addi %mul3A_2519, %add3A_2520 : i32
      %dma_start3A_2522 = arith.constant 8192 : i32
      %dma_start3A_2523 = tpu.memref_slice %arg9[%dma_start3A_2522] : memref<32768xf32, #tpu.memory_space<vmem>> -> memref<8192xf32, #tpu.memory_space<vmem>>
      %dma_start3A_2524 = arith.constant 0 : i32
      %dma_start3A_2525 = tpu.memref_slice %arg2[%select_n3A_2501, %add3A_2521, %dma_start3A_2524] : memref<8x256x8192xf32, #tpu.memory_space<hbm>> -> memref<1x1x8192xf32, #tpu.memory_space<hbm>>
      %dma_start3A_2526 = tpu.memref_squeeze %dma_start3A_2525 : memref<1x1x8192xf32, #tpu.memory_space<hbm>> -> memref<8192xf32, #tpu.memory_space<hbm>>
      %dma_start3A_2527 = arith.constant 8192 : i32
      %dma_start3A_2528 = tpu.memref_slice %arg9[%dma_start3A_2527] : memref<32768xf32, #tpu.memory_space<vmem>> -> memref<8192xf32, #tpu.memory_space<vmem>>
      %dma_start3A_2529 = arith.constant 0 : i32
      %dma_start3A_2530 = tpu.memref_slice %arg2[%select_n3A_2501, %add3A_2521, %dma_start3A_2529] : memref<8x256x8192xf32, #tpu.memory_space<hbm>> -> memref<1x1x8192xf32, #tpu.memory_space<hbm>>
      %dma_start3A_2531 = tpu.memref_squeeze %dma_start3A_2530 : memref<1x1x8192xf32, #tpu.memory_space<hbm>> -> memref<8192xf32, #tpu.memory_space<hbm>>
      tpu.enqueue_dma source(%dma_start3A_2531 : memref<8192xf32, #tpu.memory_space<hbm>>) target(%dma_start3A_2528 : memref<8192xf32, #tpu.memory_space<vmem>>) target_semaphore(%arg13 : memref<!tpu.dma_semaphore, #tpu.memory_space<semaphore_mem>>)
      %jit3A_2532 = arith.constant 64 : i32
      %div3A_2533 = arith.divsi %min3A_2423, %jit3A_2532 : i32
      %sign3A_2534 = arith.constant 0 : i32
      %sign3A_2535 = arith.cmpi sgt, %min3A_2423, %sign3A_2534 : i32
      %sign3A_2536 = arith.extui %sign3A_2535 : i1 to i32
      %sign3A_2537 = arith.constant 0 : i32
      %sign3A_2538 = arith.cmpi slt, %min3A_2423, %sign3A_2537 : i32
      %sign3A_2539 = arith.extui %sign3A_2538 : i1 to i32
      %sign3A_2540 = arith.subi %sign3A_2536, %sign3A_2539 : i32
      %sign3A_2541 = arith.constant 0 : i32
      %sign3A_2542 = arith.cmpi sgt, %jit3A_2532, %sign3A_2541 : i32
      %sign3A_2543 = arith.extui %sign3A_2542 : i1 to i32
      %sign3A_2544 = arith.constant 0 : i32
      %sign3A_2545 = arith.cmpi slt, %jit3A_2532, %sign3A_2544 : i32
      %sign3A_2546 = arith.extui %sign3A_2545 : i1 to i32
      %sign3A_2547 = arith.subi %sign3A_2543, %sign3A_2546 : i32
      %ne3A_2548 = arith.cmpi ne, %sign3A_2540, %sign3A_2547 : i32
      %rem3A_2549 = arith.remsi %min3A_2423, %jit3A_2532 : i32
      %ne3A_2550 = arith.constant 0 : i32
      %ne3A_2551 = arith.cmpi ne, %rem3A_2549, %ne3A_2550 : i32
      %and3A_2552 = arith.andi %ne3A_2548, %ne3A_2551 : i1
      %sub3A_2553 = arith.constant 1 : i32
      %sub3A_2554 = arith.subi %div3A_2533, %sub3A_2553 : i32
      %select_n3A_2555 = arith.select %and3A_2552, %sub3A_2554, %div3A_2533 : i32
      %jit3A_2556 = arith.constant 64 : i32
      %eq3A_2557 = arith.constant 0 : i32
      %eq3A_2558 = arith.cmpi eq, %jit3A_2556, %eq3A_2557 : i32
      %jit3A_2559 = arith.constant 1 : i32
      %select_n3A_2560 = arith.select %eq3A_2558, %jit3A_2559, %jit3A_2556 : i32
      %rem3A_2561 = arith.remsi %min3A_2423, %select_n3A_2560 : i32
      %ne3A_2562 = arith.constant 0 : i32
      %ne3A_2563 = arith.cmpi ne, %rem3A_2561, %ne3A_2562 : i32
      %lt3A_2564 = arith.constant 0 : i32
      %lt3A_2565 = arith.cmpi slt, %rem3A_2561, %lt3A_2564 : i32
      %lt3A_2566 = arith.constant 0 : i32
      %lt3A_2567 = arith.cmpi slt, %select_n3A_2560, %lt3A_2566 : i32
      %ne3A_2568 = arith.xori %lt3A_2565, %lt3A_2567 : i1
      %and3A_2569 = arith.andi %ne3A_2568, %ne3A_2563 : i1
      %add3A_2570 = arith.addi %rem3A_2561, %select_n3A_2560 : i32
      %select_n3A_2571 = arith.select %and3A_2569, %add3A_2570, %rem3A_2561 : i32
      %mul3A_2572 = arith.constant 4 : i32
      %mul3A_2573 = arith.muli %select_n3A_2571, %mul3A_2572 : i32
      %add3A_2574 = arith.constant 2 : i32
      %add3A_2575 = arith.addi %mul3A_2573, %add3A_2574 : i32
      %dma_start3A_2576 = arith.constant 16384 : i32
      %dma_start3A_2577 = tpu.memref_slice %arg9[%dma_start3A_2576] : memref<32768xf32, #tpu.memory_space<vmem>> -> memref<8192xf32, #tpu.memory_space<vmem>>
      %dma_start3A_2578 = arith.constant 0 : i32
      %dma_start3A_2579 = tpu.memref_slice %arg2[%select_n3A_2555, %add3A_2575, %dma_start3A_2578] : memref<8x256x8192xf32, #tpu.memory_space<hbm>> -> memref<1x1x8192xf32, #tpu.memory_space<hbm>>
      %dma_start3A_2580 = tpu.memref_squeeze %dma_start3A_2579 : memref<1x1x8192xf32, #tpu.memory_space<hbm>> -> memref<8192xf32, #tpu.memory_space<hbm>>
      %dma_start3A_2581 = arith.constant 16384 : i32
      %dma_start3A_2582 = tpu.memref_slice %arg9[%dma_start3A_2581] : memref<32768xf32, #tpu.memory_space<vmem>> -> memref<8192xf32, #tpu.memory_space<vmem>>
      %dma_start3A_2583 = arith.constant 0 : i32
      %dma_start3A_2584 = tpu.memref_slice %arg2[%select_n3A_2555, %add3A_2575, %dma_start3A_2583] : memref<8x256x8192xf32, #tpu.memory_space<hbm>> -> memref<1x1x8192xf32, #tpu.memory_space<hbm>>
      %dma_start3A_2585 = tpu.memref_squeeze %dma_start3A_2584 : memref<1x1x8192xf32, #tpu.memory_space<hbm>> -> memref<8192xf32, #tpu.memory_space<hbm>>
      tpu.enqueue_dma source(%dma_start3A_2585 : memref<8192xf32, #tpu.memory_space<hbm>>) target(%dma_start3A_2582 : memref<8192xf32, #tpu.memory_space<vmem>>) target_semaphore(%arg13 : memref<!tpu.dma_semaphore, #tpu.memory_space<semaphore_mem>>)
      %jit3A_2586 = arith.constant 64 : i32
      %div3A_2587 = arith.divsi %min3A_2423, %jit3A_2586 : i32
      %sign3A_2588 = arith.constant 0 : i32
      %sign3A_2589 = arith.cmpi sgt, %min3A_2423, %sign3A_2588 : i32
      %sign3A_2590 = arith.extui %sign3A_2589 : i1 to i32
      %sign3A_2591 = arith.constant 0 : i32
      %sign3A_2592 = arith.cmpi slt, %min3A_2423, %sign3A_2591 : i32
      %sign3A_2593 = arith.extui %sign3A_2592 : i1 to i32
      %sign3A_2594 = arith.subi %sign3A_2590, %sign3A_2593 : i32
      %sign3A_2595 = arith.constant 0 : i32
      %sign3A_2596 = arith.cmpi sgt, %jit3A_2586, %sign3A_2595 : i32
      %sign3A_2597 = arith.extui %sign3A_2596 : i1 to i32
      %sign3A_2598 = arith.constant 0 : i32
      %sign3A_2599 = arith.cmpi slt, %jit3A_2586, %sign3A_2598 : i32
      %sign3A_2600 = arith.extui %sign3A_2599 : i1 to i32
      %sign3A_2601 = arith.subi %sign3A_2597, %sign3A_2600 : i32
      %ne3A_2602 = arith.cmpi ne, %sign3A_2594, %sign3A_2601 : i32
      %rem3A_2603 = arith.remsi %min3A_2423, %jit3A_2586 : i32
      %ne3A_2604 = arith.constant 0 : i32
      %ne3A_2605 = arith.cmpi ne, %rem3A_2603, %ne3A_2604 : i32
      %and3A_2606 = arith.andi %ne3A_2602, %ne3A_2605 : i1
      %sub3A_2607 = arith.constant 1 : i32
      %sub3A_2608 = arith.subi %div3A_2587, %sub3A_2607 : i32
      %select_n3A_2609 = arith.select %and3A_2606, %sub3A_2608, %div3A_2587 : i32
      %jit3A_2610 = arith.constant 64 : i32
      %eq3A_2611 = arith.constant 0 : i32
      %eq3A_2612 = arith.cmpi eq, %jit3A_2610, %eq3A_2611 : i32
      %jit3A_2613 = arith.constant 1 : i32
      %select_n3A_2614 = arith.select %eq3A_2612, %jit3A_2613, %jit3A_2610 : i32
      %rem3A_2615 = arith.remsi %min3A_2423, %select_n3A_2614 : i32
      %ne3A_2616 = arith.constant 0 : i32
      %ne3A_2617 = arith.cmpi ne, %rem3A_2615, %ne3A_2616 : i32
      %lt3A_2618 = arith.constant 0 : i32
      %lt3A_2619 = arith.cmpi slt, %rem3A_2615, %lt3A_2618 : i32
      %lt3A_2620 = arith.constant 0 : i32
      %lt3A_2621 = arith.cmpi slt, %select_n3A_2614, %lt3A_2620 : i32
      %ne3A_2622 = arith.xori %lt3A_2619, %lt3A_2621 : i1
      %and3A_2623 = arith.andi %ne3A_2622, %ne3A_2617 : i1
      %add3A_2624 = arith.addi %rem3A_2615, %select_n3A_2614 : i32
      %select_n3A_2625 = arith.select %and3A_2623, %add3A_2624, %rem3A_2615 : i32
      %mul3A_2626 = arith.constant 4 : i32
      %mul3A_2627 = arith.muli %select_n3A_2625, %mul3A_2626 : i32
      %add3A_2628 = arith.constant 3 : i32
      %add3A_2629 = arith.addi %mul3A_2627, %add3A_2628 : i32
      %dma_start3A_2630 = arith.constant 24576 : i32
      %dma_start3A_2631 = tpu.memref_slice %arg9[%dma_start3A_2630] : memref<32768xf32, #tpu.memory_space<vmem>> -> memref<8192xf32, #tpu.memory_space<vmem>>
      %dma_start3A_2632 = arith.constant 0 : i32
      %dma_start3A_2633 = tpu.memref_slice %arg2[%select_n3A_2609, %add3A_2629, %dma_start3A_2632] : memref<8x256x8192xf32, #tpu.memory_space<hbm>> -> memref<1x1x8192xf32, #tpu.memory_space<hbm>>
      %dma_start3A_2634 = tpu.memref_squeeze %dma_start3A_2633 : memref<1x1x8192xf32, #tpu.memory_space<hbm>> -> memref<8192xf32, #tpu.memory_space<hbm>>
      %dma_start3A_2635 = arith.constant 24576 : i32
      %dma_start3A_2636 = tpu.memref_slice %arg9[%dma_start3A_2635] : memref<32768xf32, #tpu.memory_space<vmem>> -> memref<8192xf32, #tpu.memory_space<vmem>>
      %dma_start3A_2637 = arith.constant 0 : i32
      %dma_start3A_2638 = tpu.memref_slice %arg2[%select_n3A_2609, %add3A_2629, %dma_start3A_2637] : memref<8x256x8192xf32, #tpu.memory_space<hbm>> -> memref<1x1x8192xf32, #tpu.memory_space<hbm>>
      %dma_start3A_2639 = tpu.memref_squeeze %dma_start3A_2638 : memref<1x1x8192xf32, #tpu.memory_space<hbm>> -> memref<8192xf32, #tpu.memory_space<hbm>>
      tpu.enqueue_dma source(%dma_start3A_2639 : memref<8192xf32, #tpu.memory_space<hbm>>) target(%dma_start3A_2636 : memref<8192xf32, #tpu.memory_space<vmem>>) target_semaphore(%arg13 : memref<!tpu.dma_semaphore, #tpu.memory_space<semaphore_mem>>)
    }
    %scan3A_435 = arith.constant 8 : i32
    %jit3A_436 = arith.constant 64 : i32
    %div3A_437 = arith.divsi %mul3A_2, %jit3A_436 : i32
    %sign3A_438 = arith.constant 0 : i32
    %sign3A_439 = arith.cmpi sgt, %mul3A_2, %sign3A_438 : i32
    %sign3A_440 = arith.extui %sign3A_439 : i1 to i32
    %sign3A_441 = arith.constant 0 : i32
    %sign3A_442 = arith.cmpi slt, %mul3A_2, %sign3A_441 : i32
    %sign3A_443 = arith.extui %sign3A_442 : i1 to i32
    %sign3A_444 = arith.subi %sign3A_440, %sign3A_443 : i32
    %sign3A_445 = arith.constant 0 : i32
    %sign3A_446 = arith.cmpi sgt, %jit3A_436, %sign3A_445 : i32
    %sign3A_447 = arith.extui %sign3A_446 : i1 to i32
    %sign3A_448 = arith.constant 0 : i32
    %sign3A_449 = arith.cmpi slt, %jit3A_436, %sign3A_448 : i32
    %sign3A_450 = arith.extui %sign3A_449 : i1 to i32
    %sign3A_451 = arith.subi %sign3A_447, %sign3A_450 : i32
    %ne3A_452 = arith.cmpi ne, %sign3A_444, %sign3A_451 : i32
    %rem3A_453 = arith.remsi %mul3A_2, %jit3A_436 : i32
    %ne3A_454 = arith.constant 0 : i32
    %ne3A_455 = arith.cmpi ne, %rem3A_453, %ne3A_454 : i32
    %and3A_456 = arith.andi %ne3A_452, %ne3A_455 : i1
    %sub3A_457 = arith.constant 1 : i32
    %sub3A_458 = arith.subi %div3A_437, %sub3A_457 : i32
    %select_n3A_459 = arith.select %and3A_456, %sub3A_458, %div3A_437 : i32
    %jit3A_460 = arith.constant 64 : i32
    %eq3A_461 = arith.constant 0 : i32
    %eq3A_462 = arith.cmpi eq, %jit3A_460, %eq3A_461 : i32
    %jit3A_463 = arith.constant 1 : i32
    %select_n3A_464 = arith.select %eq3A_462, %jit3A_463, %jit3A_460 : i32
    %rem3A_465 = arith.remsi %mul3A_2, %select_n3A_464 : i32
    %ne3A_466 = arith.constant 0 : i32
    %ne3A_467 = arith.cmpi ne, %rem3A_465, %ne3A_466 : i32
    %lt3A_468 = arith.constant 0 : i32
    %lt3A_469 = arith.cmpi slt, %rem3A_465, %lt3A_468 : i32
    %lt3A_470 = arith.constant 0 : i32
    %lt3A_471 = arith.cmpi slt, %select_n3A_464, %lt3A_470 : i32
    %ne3A_472 = arith.xori %lt3A_469, %lt3A_471 : i1
    %and3A_473 = arith.andi %ne3A_472, %ne3A_467 : i1
    %add3A_474 = arith.addi %rem3A_465, %select_n3A_464 : i32
    %select_n3A_475 = arith.select %and3A_473, %add3A_474, %rem3A_465 : i32
    %mul3A_476 = arith.constant 4 : i32
    %mul3A_477 = arith.muli %select_n3A_475, %mul3A_476 : i32
    %add3A_478 = arith.constant 0 : i32
    %add3A_479 = arith.addi %mul3A_477, %add3A_478 : i32
    %dma_wait3A = arith.constant 0 : i32
    %dma_wait3A_480 = tpu.memref_slice %arg8[%dma_wait3A] : memref<32768xf32, #tpu.memory_space<vmem>> -> memref<8192xf32, #tpu.memory_space<vmem>>
    %dma_wait3A_481 = arith.constant 0 : i32
    %dma_wait3A_482 = tpu.memref_slice %arg2[%select_n3A_459, %add3A_479, %dma_wait3A_481] : memref<8x256x8192xf32, #tpu.memory_space<hbm>> -> memref<1x1x8192xf32, #tpu.memory_space<hbm>>
    %dma_wait3A_483 = tpu.memref_squeeze %dma_wait3A_482 : memref<1x1x8192xf32, #tpu.memory_space<hbm>> -> memref<8192xf32, #tpu.memory_space<hbm>>
    %dma_wait3A_484 = arith.constant 0 : i32
    %dma_wait3A_485 = tpu.memref_slice %arg8[%dma_wait3A_484] : memref<32768xf32, #tpu.memory_space<vmem>> -> memref<8192xf32, #tpu.memory_space<vmem>>
    %dma_wait3A_486 = arith.constant 0 : i32
    %dma_wait3A_487 = tpu.memref_slice %arg2[%select_n3A_459, %add3A_479, %dma_wait3A_486] : memref<8x256x8192xf32, #tpu.memory_space<hbm>> -> memref<1x1x8192xf32, #tpu.memory_space<hbm>>
    %dma_wait3A_488 = tpu.memref_squeeze %dma_wait3A_487 : memref<1x1x8192xf32, #tpu.memory_space<hbm>> -> memref<8192xf32, #tpu.memory_space<hbm>>
    tpu.wait_dma2 semaphore(%arg12 : memref<!tpu.dma_semaphore, #tpu.memory_space<semaphore_mem>>) src(%dma_wait3A_488 : memref<8192xf32, #tpu.memory_space<hbm>>) dst(%dma_wait3A_485 : memref<8192xf32, #tpu.memory_space<vmem>>)
    %jit3A_489 = arith.constant 64 : i32
    %div3A_490 = arith.divsi %mul3A_2, %jit3A_489 : i32
    %sign3A_491 = arith.constant 0 : i32
    %sign3A_492 = arith.cmpi sgt, %mul3A_2, %sign3A_491 : i32
    %sign3A_493 = arith.extui %sign3A_492 : i1 to i32
    %sign3A_494 = arith.constant 0 : i32
    %sign3A_495 = arith.cmpi slt, %mul3A_2, %sign3A_494 : i32
    %sign3A_496 = arith.extui %sign3A_495 : i1 to i32
    %sign3A_497 = arith.subi %sign3A_493, %sign3A_496 : i32
    %sign3A_498 = arith.constant 0 : i32
    %sign3A_499 = arith.cmpi sgt, %jit3A_489, %sign3A_498 : i32
    %sign3A_500 = arith.extui %sign3A_499 : i1 to i32
    %sign3A_501 = arith.constant 0 : i32
    %sign3A_502 = arith.cmpi slt, %jit3A_489, %sign3A_501 : i32
    %sign3A_503 = arith.extui %sign3A_502 : i1 to i32
    %sign3A_504 = arith.subi %sign3A_500, %sign3A_503 : i32
    %ne3A_505 = arith.cmpi ne, %sign3A_497, %sign3A_504 : i32
    %rem3A_506 = arith.remsi %mul3A_2, %jit3A_489 : i32
    %ne3A_507 = arith.constant 0 : i32
    %ne3A_508 = arith.cmpi ne, %rem3A_506, %ne3A_507 : i32
    %and3A_509 = arith.andi %ne3A_505, %ne3A_508 : i1
    %sub3A_510 = arith.constant 1 : i32
    %sub3A_511 = arith.subi %div3A_490, %sub3A_510 : i32
    %select_n3A_512 = arith.select %and3A_509, %sub3A_511, %div3A_490 : i32
    %jit3A_513 = arith.constant 64 : i32
    %eq3A_514 = arith.constant 0 : i32
    %eq3A_515 = arith.cmpi eq, %jit3A_513, %eq3A_514 : i32
    %jit3A_516 = arith.constant 1 : i32
    %select_n3A_517 = arith.select %eq3A_515, %jit3A_516, %jit3A_513 : i32
    %rem3A_518 = arith.remsi %mul3A_2, %select_n3A_517 : i32
    %ne3A_519 = arith.constant 0 : i32
    %ne3A_520 = arith.cmpi ne, %rem3A_518, %ne3A_519 : i32
    %lt3A_521 = arith.constant 0 : i32
    %lt3A_522 = arith.cmpi slt, %rem3A_518, %lt3A_521 : i32
    %lt3A_523 = arith.constant 0 : i32
    %lt3A_524 = arith.cmpi slt, %select_n3A_517, %lt3A_523 : i32
    %ne3A_525 = arith.xori %lt3A_522, %lt3A_524 : i1
    %and3A_526 = arith.andi %ne3A_525, %ne3A_520 : i1
    %add3A_527 = arith.addi %rem3A_518, %select_n3A_517 : i32
    %select_n3A_528 = arith.select %and3A_526, %add3A_527, %rem3A_518 : i32
    %mul3A_529 = arith.constant 4 : i32
    %mul3A_530 = arith.muli %select_n3A_528, %mul3A_529 : i32
    %add3A_531 = arith.constant 0 : i32
    %add3A_532 = arith.addi %mul3A_530, %add3A_531 : i32
    %dma_wait3A_533 = arith.constant 8192 : i32
    %dma_wait3A_534 = tpu.memref_slice %arg8[%dma_wait3A_533] : memref<32768xf32, #tpu.memory_space<vmem>> -> memref<8192xf32, #tpu.memory_space<vmem>>
    %dma_wait3A_535 = arith.constant 0 : i32
    %dma_wait3A_536 = tpu.memref_slice %arg2[%select_n3A_512, %add3A_532, %dma_wait3A_535] : memref<8x256x8192xf32, #tpu.memory_space<hbm>> -> memref<1x1x8192xf32, #tpu.memory_space<hbm>>
    %dma_wait3A_537 = tpu.memref_squeeze %dma_wait3A_536 : memref<1x1x8192xf32, #tpu.memory_space<hbm>> -> memref<8192xf32, #tpu.memory_space<hbm>>
    %dma_wait3A_538 = arith.constant 8192 : i32
    %dma_wait3A_539 = tpu.memref_slice %arg8[%dma_wait3A_538] : memref<32768xf32, #tpu.memory_space<vmem>> -> memref<8192xf32, #tpu.memory_space<vmem>>
    %dma_wait3A_540 = arith.constant 0 : i32
    %dma_wait3A_541 = tpu.memref_slice %arg2[%select_n3A_512, %add3A_532, %dma_wait3A_540] : memref<8x256x8192xf32, #tpu.memory_space<hbm>> -> memref<1x1x8192xf32, #tpu.memory_space<hbm>>
    %dma_wait3A_542 = tpu.memref_squeeze %dma_wait3A_541 : memref<1x1x8192xf32, #tpu.memory_space<hbm>> -> memref<8192xf32, #tpu.memory_space<hbm>>
    tpu.wait_dma2 semaphore(%arg12 : memref<!tpu.dma_semaphore, #tpu.memory_space<semaphore_mem>>) src(%dma_wait3A_542 : memref<8192xf32, #tpu.memory_space<hbm>>) dst(%dma_wait3A_539 : memref<8192xf32, #tpu.memory_space<vmem>>)
    %jit3A_543 = arith.constant 64 : i32
    %div3A_544 = arith.divsi %mul3A_2, %jit3A_543 : i32
    %sign3A_545 = arith.constant 0 : i32
    %sign3A_546 = arith.cmpi sgt, %mul3A_2, %sign3A_545 : i32
    %sign3A_547 = arith.extui %sign3A_546 : i1 to i32
    %sign3A_548 = arith.constant 0 : i32
    %sign3A_549 = arith.cmpi slt, %mul3A_2, %sign3A_548 : i32
    %sign3A_550 = arith.extui %sign3A_549 : i1 to i32
    %sign3A_551 = arith.subi %sign3A_547, %sign3A_550 : i32
    %sign3A_552 = arith.constant 0 : i32
    %sign3A_553 = arith.cmpi sgt, %jit3A_543, %sign3A_552 : i32
    %sign3A_554 = arith.extui %sign3A_553 : i1 to i32
    %sign3A_555 = arith.constant 0 : i32
    %sign3A_556 = arith.cmpi slt, %jit3A_543, %sign3A_555 : i32
    %sign3A_557 = arith.extui %sign3A_556 : i1 to i32
    %sign3A_558 = arith.subi %sign3A_554, %sign3A_557 : i32
    %ne3A_559 = arith.cmpi ne, %sign3A_551, %sign3A_558 : i32
    %rem3A_560 = arith.remsi %mul3A_2, %jit3A_543 : i32
    %ne3A_561 = arith.constant 0 : i32
    %ne3A_562 = arith.cmpi ne, %rem3A_560, %ne3A_561 : i32
    %and3A_563 = arith.andi %ne3A_559, %ne3A_562 : i1
    %sub3A_564 = arith.constant 1 : i32
    %sub3A_565 = arith.subi %div3A_544, %sub3A_564 : i32
    %select_n3A_566 = arith.select %and3A_563, %sub3A_565, %div3A_544 : i32
    %jit3A_567 = arith.constant 64 : i32
    %eq3A_568 = arith.constant 0 : i32
    %eq3A_569 = arith.cmpi eq, %jit3A_567, %eq3A_568 : i32
    %jit3A_570 = arith.constant 1 : i32
    %select_n3A_571 = arith.select %eq3A_569, %jit3A_570, %jit3A_567 : i32
    %rem3A_572 = arith.remsi %mul3A_2, %select_n3A_571 : i32
    %ne3A_573 = arith.constant 0 : i32
    %ne3A_574 = arith.cmpi ne, %rem3A_572, %ne3A_573 : i32
    %lt3A_575 = arith.constant 0 : i32
    %lt3A_576 = arith.cmpi slt, %rem3A_572, %lt3A_575 : i32
    %lt3A_577 = arith.constant 0 : i32
    %lt3A_578 = arith.cmpi slt, %select_n3A_571, %lt3A_577 : i32
    %ne3A_579 = arith.xori %lt3A_576, %lt3A_578 : i1
    %and3A_580 = arith.andi %ne3A_579, %ne3A_574 : i1
    %add3A_581 = arith.addi %rem3A_572, %select_n3A_571 : i32
    %select_n3A_582 = arith.select %and3A_580, %add3A_581, %rem3A_572 : i32
    %mul3A_583 = arith.constant 4 : i32
    %mul3A_584 = arith.muli %select_n3A_582, %mul3A_583 : i32
    %add3A_585 = arith.constant 0 : i32
    %add3A_586 = arith.addi %mul3A_584, %add3A_585 : i32
    %dma_wait3A_587 = arith.constant 16384 : i32
    %dma_wait3A_588 = tpu.memref_slice %arg8[%dma_wait3A_587] : memref<32768xf32, #tpu.memory_space<vmem>> -> memref<8192xf32, #tpu.memory_space<vmem>>
    %dma_wait3A_589 = arith.constant 0 : i32
    %dma_wait3A_590 = tpu.memref_slice %arg2[%select_n3A_566, %add3A_586, %dma_wait3A_589] : memref<8x256x8192xf32, #tpu.memory_space<hbm>> -> memref<1x1x8192xf32, #tpu.memory_space<hbm>>
    %dma_wait3A_591 = tpu.memref_squeeze %dma_wait3A_590 : memref<1x1x8192xf32, #tpu.memory_space<hbm>> -> memref<8192xf32, #tpu.memory_space<hbm>>
    %dma_wait3A_592 = arith.constant 16384 : i32
    %dma_wait3A_593 = tpu.memref_slice %arg8[%dma_wait3A_592] : memref<32768xf32, #tpu.memory_space<vmem>> -> memref<8192xf32, #tpu.memory_space<vmem>>
    %dma_wait3A_594 = arith.constant 0 : i32
    %dma_wait3A_595 = tpu.memref_slice %arg2[%select_n3A_566, %add3A_586, %dma_wait3A_594] : memref<8x256x8192xf32, #tpu.memory_space<hbm>> -> memref<1x1x8192xf32, #tpu.memory_space<hbm>>
    %dma_wait3A_596 = tpu.memref_squeeze %dma_wait3A_595 : memref<1x1x8192xf32, #tpu.memory_space<hbm>> -> memref<8192xf32, #tpu.memory_space<hbm>>
    tpu.wait_dma2 semaphore(%arg12 : memref<!tpu.dma_semaphore, #tpu.memory_space<semaphore_mem>>) src(%dma_wait3A_596 : memref<8192xf32, #tpu.memory_space<hbm>>) dst(%dma_wait3A_593 : memref<8192xf32, #tpu.memory_space<vmem>>)
    %jit3A_597 = arith.constant 64 : i32
    %div3A_598 = arith.divsi %mul3A_2, %jit3A_597 : i32
    %sign3A_599 = arith.constant 0 : i32
    %sign3A_600 = arith.cmpi sgt, %mul3A_2, %sign3A_599 : i32
    %sign3A_601 = arith.extui %sign3A_600 : i1 to i32
    %sign3A_602 = arith.constant 0 : i32
    %sign3A_603 = arith.cmpi slt, %mul3A_2, %sign3A_602 : i32
    %sign3A_604 = arith.extui %sign3A_603 : i1 to i32
    %sign3A_605 = arith.subi %sign3A_601, %sign3A_604 : i32
    %sign3A_606 = arith.constant 0 : i32
    %sign3A_607 = arith.cmpi sgt, %jit3A_597, %sign3A_606 : i32
    %sign3A_608 = arith.extui %sign3A_607 : i1 to i32
    %sign3A_609 = arith.constant 0 : i32
    %sign3A_610 = arith.cmpi slt, %jit3A_597, %sign3A_609 : i32
    %sign3A_611 = arith.extui %sign3A_610 : i1 to i32
    %sign3A_612 = arith.subi %sign3A_608, %sign3A_611 : i32
    %ne3A_613 = arith.cmpi ne, %sign3A_605, %sign3A_612 : i32
    %rem3A_614 = arith.remsi %mul3A_2, %jit3A_597 : i32
    %ne3A_615 = arith.constant 0 : i32
    %ne3A_616 = arith.cmpi ne, %rem3A_614, %ne3A_615 : i32
    %and3A_617 = arith.andi %ne3A_613, %ne3A_616 : i1
    %sub3A_618 = arith.constant 1 : i32
    %sub3A_619 = arith.subi %div3A_598, %sub3A_618 : i32
    %select_n3A_620 = arith.select %and3A_617, %sub3A_619, %div3A_598 : i32
    %jit3A_621 = arith.constant 64 : i32
    %eq3A_622 = arith.constant 0 : i32
    %eq3A_623 = arith.cmpi eq, %jit3A_621, %eq3A_622 : i32
    %jit3A_624 = arith.constant 1 : i32
    %select_n3A_625 = arith.select %eq3A_623, %jit3A_624, %jit3A_621 : i32
    %rem3A_626 = arith.remsi %mul3A_2, %select_n3A_625 : i32
    %ne3A_627 = arith.constant 0 : i32
    %ne3A_628 = arith.cmpi ne, %rem3A_626, %ne3A_627 : i32
    %lt3A_629 = arith.constant 0 : i32
    %lt3A_630 = arith.cmpi slt, %rem3A_626, %lt3A_629 : i32
    %lt3A_631 = arith.constant 0 : i32
    %lt3A_632 = arith.cmpi slt, %select_n3A_625, %lt3A_631 : i32
    %ne3A_633 = arith.xori %lt3A_630, %lt3A_632 : i1
    %and3A_634 = arith.andi %ne3A_633, %ne3A_628 : i1
    %add3A_635 = arith.addi %rem3A_626, %select_n3A_625 : i32
    %select_n3A_636 = arith.select %and3A_634, %add3A_635, %rem3A_626 : i32
    %mul3A_637 = arith.constant 4 : i32
    %mul3A_638 = arith.muli %select_n3A_636, %mul3A_637 : i32
    %add3A_639 = arith.constant 0 : i32
    %add3A_640 = arith.addi %mul3A_638, %add3A_639 : i32
    %dma_wait3A_641 = arith.constant 24576 : i32
    %dma_wait3A_642 = tpu.memref_slice %arg8[%dma_wait3A_641] : memref<32768xf32, #tpu.memory_space<vmem>> -> memref<8192xf32, #tpu.memory_space<vmem>>
    %dma_wait3A_643 = arith.constant 0 : i32
    %dma_wait3A_644 = tpu.memref_slice %arg2[%select_n3A_620, %add3A_640, %dma_wait3A_643] : memref<8x256x8192xf32, #tpu.memory_space<hbm>> -> memref<1x1x8192xf32, #tpu.memory_space<hbm>>
    %dma_wait3A_645 = tpu.memref_squeeze %dma_wait3A_644 : memref<1x1x8192xf32, #tpu.memory_space<hbm>> -> memref<8192xf32, #tpu.memory_space<hbm>>
    %dma_wait3A_646 = arith.constant 24576 : i32
    %dma_wait3A_647 = tpu.memref_slice %arg8[%dma_wait3A_646] : memref<32768xf32, #tpu.memory_space<vmem>> -> memref<8192xf32, #tpu.memory_space<vmem>>
    %dma_wait3A_648 = arith.constant 0 : i32
    %dma_wait3A_649 = tpu.memref_slice %arg2[%select_n3A_620, %add3A_640, %dma_wait3A_648] : memref<8x256x8192xf32, #tpu.memory_space<hbm>> -> memref<1x1x8192xf32, #tpu.memory_space<hbm>>
    %dma_wait3A_650 = tpu.memref_squeeze %dma_wait3A_649 : memref<1x1x8192xf32, #tpu.memory_space<hbm>> -> memref<8192xf32, #tpu.memory_space<hbm>>
    tpu.wait_dma2 semaphore(%arg12 : memref<!tpu.dma_semaphore, #tpu.memory_space<semaphore_mem>>) src(%dma_wait3A_650 : memref<8192xf32, #tpu.memory_space<hbm>>) dst(%dma_wait3A_647 : memref<8192xf32, #tpu.memory_space<vmem>>)
    %jit3A_651 = arith.constant 64 : i32
    %div3A_652 = arith.divsi %mul3A_2, %jit3A_651 : i32
    %sign3A_653 = arith.constant 0 : i32
    %sign3A_654 = arith.cmpi sgt, %mul3A_2, %sign3A_653 : i32
    %sign3A_655 = arith.extui %sign3A_654 : i1 to i32
    %sign3A_656 = arith.constant 0 : i32
    %sign3A_657 = arith.cmpi slt, %mul3A_2, %sign3A_656 : i32
    %sign3A_658 = arith.extui %sign3A_657 : i1 to i32
    %sign3A_659 = arith.subi %sign3A_655, %sign3A_658 : i32
    %sign3A_660 = arith.constant 0 : i32
    %sign3A_661 = arith.cmpi sgt, %jit3A_651, %sign3A_660 : i32
    %sign3A_662 = arith.extui %sign3A_661 : i1 to i32
    %sign3A_663 = arith.constant 0 : i32
    %sign3A_664 = arith.cmpi slt, %jit3A_651, %sign3A_663 : i32
    %sign3A_665 = arith.extui %sign3A_664 : i1 to i32
    %sign3A_666 = arith.subi %sign3A_662, %sign3A_665 : i32
    %ne3A_667 = arith.cmpi ne, %sign3A_659, %sign3A_666 : i32
    %rem3A_668 = arith.remsi %mul3A_2, %jit3A_651 : i32
    %ne3A_669 = arith.constant 0 : i32
    %ne3A_670 = arith.cmpi ne, %rem3A_668, %ne3A_669 : i32
    %and3A_671 = arith.andi %ne3A_667, %ne3A_670 : i1
    %sub3A_672 = arith.constant 1 : i32
    %sub3A_673 = arith.subi %div3A_652, %sub3A_672 : i32
    %select_n3A_674 = arith.select %and3A_671, %sub3A_673, %div3A_652 : i32
    %jit3A_675 = arith.constant 64 : i32
    %eq3A_676 = arith.constant 0 : i32
    %eq3A_677 = arith.cmpi eq, %jit3A_675, %eq3A_676 : i32
    %jit3A_678 = arith.constant 1 : i32
    %select_n3A_679 = arith.select %eq3A_677, %jit3A_678, %jit3A_675 : i32
    %rem3A_680 = arith.remsi %mul3A_2, %select_n3A_679 : i32
    %ne3A_681 = arith.constant 0 : i32
    %ne3A_682 = arith.cmpi ne, %rem3A_680, %ne3A_681 : i32
    %lt3A_683 = arith.constant 0 : i32
    %lt3A_684 = arith.cmpi slt, %rem3A_680, %lt3A_683 : i32
    %lt3A_685 = arith.constant 0 : i32
    %lt3A_686 = arith.cmpi slt, %select_n3A_679, %lt3A_685 : i32
    %ne3A_687 = arith.xori %lt3A_684, %lt3A_686 : i1
    %and3A_688 = arith.andi %ne3A_687, %ne3A_682 : i1
    %add3A_689 = arith.addi %rem3A_680, %select_n3A_679 : i32
    %select_n3A_690 = arith.select %and3A_688, %add3A_689, %rem3A_680 : i32
    %mul3A_691 = arith.constant 4 : i32
    %mul3A_692 = arith.muli %select_n3A_690, %mul3A_691 : i32
    %add3A_693 = arith.constant 0 : i32
    %add3A_694 = arith.addi %mul3A_692, %add3A_693 : i32
    %dma_wait3A_695 = arith.constant 0 : i32
    %dma_wait3A_696 = tpu.memref_slice %arg10[%dma_wait3A_695] : memref<16384xf32, #tpu.memory_space<vmem>> -> memref<4096xf32, #tpu.memory_space<vmem>>
    %dma_wait3A_697 = arith.constant 0 : i32
    %dma_wait3A_698 = tpu.memref_slice %arg4[%select_n3A_674, %add3A_694, %dma_wait3A_697] : memref<8x256x4096xf32, #tpu.memory_space<hbm>> -> memref<1x1x4096xf32, #tpu.memory_space<hbm>>
    %dma_wait3A_699 = tpu.memref_squeeze %dma_wait3A_698 : memref<1x1x4096xf32, #tpu.memory_space<hbm>> -> memref<4096xf32, #tpu.memory_space<hbm>>
    %dma_wait3A_700 = arith.constant 0 : i32
    %dma_wait3A_701 = tpu.memref_slice %arg4[%select_n3A_674, %add3A_694, %dma_wait3A_700] : memref<8x256x4096xf32, #tpu.memory_space<hbm>> -> memref<1x1x4096xf32, #tpu.memory_space<hbm>>
    %dma_wait3A_702 = tpu.memref_squeeze %dma_wait3A_701 : memref<1x1x4096xf32, #tpu.memory_space<hbm>> -> memref<4096xf32, #tpu.memory_space<hbm>>
    %dma_wait3A_703 = arith.constant 0 : i32
    %dma_wait3A_704 = tpu.memref_slice %arg10[%dma_wait3A_703] : memref<16384xf32, #tpu.memory_space<vmem>> -> memref<4096xf32, #tpu.memory_space<vmem>>
    tpu.wait_dma2 semaphore(%arg14 : memref<!tpu.dma_semaphore, #tpu.memory_space<semaphore_mem>>) src(%dma_wait3A_704 : memref<4096xf32, #tpu.memory_space<vmem>>) dst(%dma_wait3A_702 : memref<4096xf32, #tpu.memory_space<hbm>>)
    %jit3A_705 = arith.constant 64 : i32
    %div3A_706 = arith.divsi %mul3A_2, %jit3A_705 : i32
    %sign3A_707 = arith.constant 0 : i32
    %sign3A_708 = arith.cmpi sgt, %mul3A_2, %sign3A_707 : i32
    %sign3A_709 = arith.extui %sign3A_708 : i1 to i32
    %sign3A_710 = arith.constant 0 : i32
    %sign3A_711 = arith.cmpi slt, %mul3A_2, %sign3A_710 : i32
    %sign3A_712 = arith.extui %sign3A_711 : i1 to i32
    %sign3A_713 = arith.subi %sign3A_709, %sign3A_712 : i32
    %sign3A_714 = arith.constant 0 : i32
    %sign3A_715 = arith.cmpi sgt, %jit3A_705, %sign3A_714 : i32
    %sign3A_716 = arith.extui %sign3A_715 : i1 to i32
    %sign3A_717 = arith.constant 0 : i32
    %sign3A_718 = arith.cmpi slt, %jit3A_705, %sign3A_717 : i32
    %sign3A_719 = arith.extui %sign3A_718 : i1 to i32
    %sign3A_720 = arith.subi %sign3A_716, %sign3A_719 : i32
    %ne3A_721 = arith.cmpi ne, %sign3A_713, %sign3A_720 : i32
    %rem3A_722 = arith.remsi %mul3A_2, %jit3A_705 : i32
    %ne3A_723 = arith.constant 0 : i32
    %ne3A_724 = arith.cmpi ne, %rem3A_722, %ne3A_723 : i32
    %and3A_725 = arith.andi %ne3A_721, %ne3A_724 : i1
    %sub3A_726 = arith.constant 1 : i32
    %sub3A_727 = arith.subi %div3A_706, %sub3A_726 : i32
    %select_n3A_728 = arith.select %and3A_725, %sub3A_727, %div3A_706 : i32
    %jit3A_729 = arith.constant 64 : i32
    %eq3A_730 = arith.constant 0 : i32
    %eq3A_731 = arith.cmpi eq, %jit3A_729, %eq3A_730 : i32
    %jit3A_732 = arith.constant 1 : i32
    %select_n3A_733 = arith.select %eq3A_731, %jit3A_732, %jit3A_729 : i32
    %rem3A_734 = arith.remsi %mul3A_2, %select_n3A_733 : i32
    %ne3A_735 = arith.constant 0 : i32
    %ne3A_736 = arith.cmpi ne, %rem3A_734, %ne3A_735 : i32
    %lt3A_737 = arith.constant 0 : i32
    %lt3A_738 = arith.cmpi slt, %rem3A_734, %lt3A_737 : i32
    %lt3A_739 = arith.constant 0 : i32
    %lt3A_740 = arith.cmpi slt, %select_n3A_733, %lt3A_739 : i32
    %ne3A_741 = arith.xori %lt3A_738, %lt3A_740 : i1
    %and3A_742 = arith.andi %ne3A_741, %ne3A_736 : i1
    %add3A_743 = arith.addi %rem3A_734, %select_n3A_733 : i32
    %select_n3A_744 = arith.select %and3A_742, %add3A_743, %rem3A_734 : i32
    %mul3A_745 = arith.constant 4 : i32
    %mul3A_746 = arith.muli %select_n3A_744, %mul3A_745 : i32
    %add3A_747 = arith.constant 0 : i32
    %add3A_748 = arith.addi %mul3A_746, %add3A_747 : i32
    %dma_wait3A_749 = arith.constant 4096 : i32
    %dma_wait3A_750 = tpu.memref_slice %arg10[%dma_wait3A_749] : memref<16384xf32, #tpu.memory_space<vmem>> -> memref<4096xf32, #tpu.memory_space<vmem>>
    %dma_wait3A_751 = arith.constant 0 : i32
    %dma_wait3A_752 = tpu.memref_slice %arg4[%select_n3A_728, %add3A_748, %dma_wait3A_751] : memref<8x256x4096xf32, #tpu.memory_space<hbm>> -> memref<1x1x4096xf32, #tpu.memory_space<hbm>>
    %dma_wait3A_753 = tpu.memref_squeeze %dma_wait3A_752 : memref<1x1x4096xf32, #tpu.memory_space<hbm>> -> memref<4096xf32, #tpu.memory_space<hbm>>
    %dma_wait3A_754 = arith.constant 0 : i32
    %dma_wait3A_755 = tpu.memref_slice %arg4[%select_n3A_728, %add3A_748, %dma_wait3A_754] : memref<8x256x4096xf32, #tpu.memory_space<hbm>> -> memref<1x1x4096xf32, #tpu.memory_space<hbm>>
    %dma_wait3A_756 = tpu.memref_squeeze %dma_wait3A_755 : memref<1x1x4096xf32, #tpu.memory_space<hbm>> -> memref<4096xf32, #tpu.memory_space<hbm>>
    %dma_wait3A_757 = arith.constant 4096 : i32
    %dma_wait3A_758 = tpu.memref_slice %arg10[%dma_wait3A_757] : memref<16384xf32, #tpu.memory_space<vmem>> -> memref<4096xf32, #tpu.memory_space<vmem>>
    tpu.wait_dma2 semaphore(%arg14 : memref<!tpu.dma_semaphore, #tpu.memory_space<semaphore_mem>>) src(%dma_wait3A_758 : memref<4096xf32, #tpu.memory_space<vmem>>) dst(%dma_wait3A_756 : memref<4096xf32, #tpu.memory_space<hbm>>)
    %jit3A_759 = arith.constant 64 : i32
    %div3A_760 = arith.divsi %mul3A_2, %jit3A_759 : i32
    %sign3A_761 = arith.constant 0 : i32
    %sign3A_762 = arith.cmpi sgt, %mul3A_2, %sign3A_761 : i32
    %sign3A_763 = arith.extui %sign3A_762 : i1 to i32
    %sign3A_764 = arith.constant 0 : i32
    %sign3A_765 = arith.cmpi slt, %mul3A_2, %sign3A_764 : i32
    %sign3A_766 = arith.extui %sign3A_765 : i1 to i32
    %sign3A_767 = arith.subi %sign3A_763, %sign3A_766 : i32
    %sign3A_768 = arith.constant 0 : i32
    %sign3A_769 = arith.cmpi sgt, %jit3A_759, %sign3A_768 : i32
    %sign3A_770 = arith.extui %sign3A_769 : i1 to i32
    %sign3A_771 = arith.constant 0 : i32
    %sign3A_772 = arith.cmpi slt, %jit3A_759, %sign3A_771 : i32
    %sign3A_773 = arith.extui %sign3A_772 : i1 to i32
    %sign3A_774 = arith.subi %sign3A_770, %sign3A_773 : i32
    %ne3A_775 = arith.cmpi ne, %sign3A_767, %sign3A_774 : i32
    %rem3A_776 = arith.remsi %mul3A_2, %jit3A_759 : i32
    %ne3A_777 = arith.constant 0 : i32
    %ne3A_778 = arith.cmpi ne, %rem3A_776, %ne3A_777 : i32
    %and3A_779 = arith.andi %ne3A_775, %ne3A_778 : i1
    %sub3A_780 = arith.constant 1 : i32
    %sub3A_781 = arith.subi %div3A_760, %sub3A_780 : i32
    %select_n3A_782 = arith.select %and3A_779, %sub3A_781, %div3A_760 : i32
    %jit3A_783 = arith.constant 64 : i32
    %eq3A_784 = arith.constant 0 : i32
    %eq3A_785 = arith.cmpi eq, %jit3A_783, %eq3A_784 : i32
    %jit3A_786 = arith.constant 1 : i32
    %select_n3A_787 = arith.select %eq3A_785, %jit3A_786, %jit3A_783 : i32
    %rem3A_788 = arith.remsi %mul3A_2, %select_n3A_787 : i32
    %ne3A_789 = arith.constant 0 : i32
    %ne3A_790 = arith.cmpi ne, %rem3A_788, %ne3A_789 : i32
    %lt3A_791 = arith.constant 0 : i32
    %lt3A_792 = arith.cmpi slt, %rem3A_788, %lt3A_791 : i32
    %lt3A_793 = arith.constant 0 : i32
    %lt3A_794 = arith.cmpi slt, %select_n3A_787, %lt3A_793 : i32
    %ne3A_795 = arith.xori %lt3A_792, %lt3A_794 : i1
    %and3A_796 = arith.andi %ne3A_795, %ne3A_790 : i1
    %add3A_797 = arith.addi %rem3A_788, %select_n3A_787 : i32
    %select_n3A_798 = arith.select %and3A_796, %add3A_797, %rem3A_788 : i32
    %mul3A_799 = arith.constant 4 : i32
    %mul3A_800 = arith.muli %select_n3A_798, %mul3A_799 : i32
    %add3A_801 = arith.constant 0 : i32
    %add3A_802 = arith.addi %mul3A_800, %add3A_801 : i32
    %dma_wait3A_803 = arith.constant 8192 : i32
    %dma_wait3A_804 = tpu.memref_slice %arg10[%dma_wait3A_803] : memref<16384xf32, #tpu.memory_space<vmem>> -> memref<4096xf32, #tpu.memory_space<vmem>>
    %dma_wait3A_805 = arith.constant 0 : i32
    %dma_wait3A_806 = tpu.memref_slice %arg4[%select_n3A_782, %add3A_802, %dma_wait3A_805] : memref<8x256x4096xf32, #tpu.memory_space<hbm>> -> memref<1x1x4096xf32, #tpu.memory_space<hbm>>
    %dma_wait3A_807 = tpu.memref_squeeze %dma_wait3A_806 : memref<1x1x4096xf32, #tpu.memory_space<hbm>> -> memref<4096xf32, #tpu.memory_space<hbm>>
    %dma_wait3A_808 = arith.constant 0 : i32
    %dma_wait3A_809 = tpu.memref_slice %arg4[%select_n3A_782, %add3A_802, %dma_wait3A_808] : memref<8x256x4096xf32, #tpu.memory_space<hbm>> -> memref<1x1x4096xf32, #tpu.memory_space<hbm>>
    %dma_wait3A_810 = tpu.memref_squeeze %dma_wait3A_809 : memref<1x1x4096xf32, #tpu.memory_space<hbm>> -> memref<4096xf32, #tpu.memory_space<hbm>>
    %dma_wait3A_811 = arith.constant 8192 : i32
    %dma_wait3A_812 = tpu.memref_slice %arg10[%dma_wait3A_811] : memref<16384xf32, #tpu.memory_space<vmem>> -> memref<4096xf32, #tpu.memory_space<vmem>>
    tpu.wait_dma2 semaphore(%arg14 : memref<!tpu.dma_semaphore, #tpu.memory_space<semaphore_mem>>) src(%dma_wait3A_812 : memref<4096xf32, #tpu.memory_space<vmem>>) dst(%dma_wait3A_810 : memref<4096xf32, #tpu.memory_space<hbm>>)
    %jit3A_813 = arith.constant 64 : i32
    %div3A_814 = arith.divsi %mul3A_2, %jit3A_813 : i32
    %sign3A_815 = arith.constant 0 : i32
    %sign3A_816 = arith.cmpi sgt, %mul3A_2, %sign3A_815 : i32
    %sign3A_817 = arith.extui %sign3A_816 : i1 to i32
    %sign3A_818 = arith.constant 0 : i32
    %sign3A_819 = arith.cmpi slt, %mul3A_2, %sign3A_818 : i32
    %sign3A_820 = arith.extui %sign3A_819 : i1 to i32
    %sign3A_821 = arith.subi %sign3A_817, %sign3A_820 : i32
    %sign3A_822 = arith.constant 0 : i32
    %sign3A_823 = arith.cmpi sgt, %jit3A_813, %sign3A_822 : i32
    %sign3A_824 = arith.extui %sign3A_823 : i1 to i32
    %sign3A_825 = arith.constant 0 : i32
    %sign3A_826 = arith.cmpi slt, %jit3A_813, %sign3A_825 : i32
    %sign3A_827 = arith.extui %sign3A_826 : i1 to i32
    %sign3A_828 = arith.subi %sign3A_824, %sign3A_827 : i32
    %ne3A_829 = arith.cmpi ne, %sign3A_821, %sign3A_828 : i32
    %rem3A_830 = arith.remsi %mul3A_2, %jit3A_813 : i32
    %ne3A_831 = arith.constant 0 : i32
    %ne3A_832 = arith.cmpi ne, %rem3A_830, %ne3A_831 : i32
    %and3A_833 = arith.andi %ne3A_829, %ne3A_832 : i1
    %sub3A_834 = arith.constant 1 : i32
    %sub3A_835 = arith.subi %div3A_814, %sub3A_834 : i32
    %select_n3A_836 = arith.select %and3A_833, %sub3A_835, %div3A_814 : i32
    %jit3A_837 = arith.constant 64 : i32
    %eq3A_838 = arith.constant 0 : i32
    %eq3A_839 = arith.cmpi eq, %jit3A_837, %eq3A_838 : i32
    %jit3A_840 = arith.constant 1 : i32
    %select_n3A_841 = arith.select %eq3A_839, %jit3A_840, %jit3A_837 : i32
    %rem3A_842 = arith.remsi %mul3A_2, %select_n3A_841 : i32
    %ne3A_843 = arith.constant 0 : i32
    %ne3A_844 = arith.cmpi ne, %rem3A_842, %ne3A_843 : i32
    %lt3A_845 = arith.constant 0 : i32
    %lt3A_846 = arith.cmpi slt, %rem3A_842, %lt3A_845 : i32
    %lt3A_847 = arith.constant 0 : i32
    %lt3A_848 = arith.cmpi slt, %select_n3A_841, %lt3A_847 : i32
    %ne3A_849 = arith.xori %lt3A_846, %lt3A_848 : i1
    %and3A_850 = arith.andi %ne3A_849, %ne3A_844 : i1
    %add3A_851 = arith.addi %rem3A_842, %select_n3A_841 : i32
    %select_n3A_852 = arith.select %and3A_850, %add3A_851, %rem3A_842 : i32
    %mul3A_853 = arith.constant 4 : i32
    %mul3A_854 = arith.muli %select_n3A_852, %mul3A_853 : i32
    %add3A_855 = arith.constant 0 : i32
    %add3A_856 = arith.addi %mul3A_854, %add3A_855 : i32
    %dma_wait3A_857 = arith.constant 12288 : i32
    %dma_wait3A_858 = tpu.memref_slice %arg10[%dma_wait3A_857] : memref<16384xf32, #tpu.memory_space<vmem>> -> memref<4096xf32, #tpu.memory_space<vmem>>
    %dma_wait3A_859 = arith.constant 0 : i32
    %dma_wait3A_860 = tpu.memref_slice %arg4[%select_n3A_836, %add3A_856, %dma_wait3A_859] : memref<8x256x4096xf32, #tpu.memory_space<hbm>> -> memref<1x1x4096xf32, #tpu.memory_space<hbm>>
    %dma_wait3A_861 = tpu.memref_squeeze %dma_wait3A_860 : memref<1x1x4096xf32, #tpu.memory_space<hbm>> -> memref<4096xf32, #tpu.memory_space<hbm>>
    %dma_wait3A_862 = arith.constant 0 : i32
    %dma_wait3A_863 = tpu.memref_slice %arg4[%select_n3A_836, %add3A_856, %dma_wait3A_862] : memref<8x256x4096xf32, #tpu.memory_space<hbm>> -> memref<1x1x4096xf32, #tpu.memory_space<hbm>>
    %dma_wait3A_864 = tpu.memref_squeeze %dma_wait3A_863 : memref<1x1x4096xf32, #tpu.memory_space<hbm>> -> memref<4096xf32, #tpu.memory_space<hbm>>
    %dma_wait3A_865 = arith.constant 12288 : i32
    %dma_wait3A_866 = tpu.memref_slice %arg10[%dma_wait3A_865] : memref<16384xf32, #tpu.memory_space<vmem>> -> memref<4096xf32, #tpu.memory_space<vmem>>
    tpu.wait_dma2 semaphore(%arg14 : memref<!tpu.dma_semaphore, #tpu.memory_space<semaphore_mem>>) src(%dma_wait3A_866 : memref<4096xf32, #tpu.memory_space<vmem>>) dst(%dma_wait3A_864 : memref<4096xf32, #tpu.memory_space<hbm>>)
    %jit3A_867 = arith.constant 64 : i32
    %div3A_868 = arith.divsi %mul3A_2, %jit3A_867 : i32
    %sign3A_869 = arith.constant 0 : i32
    %sign3A_870 = arith.cmpi sgt, %mul3A_2, %sign3A_869 : i32
    %sign3A_871 = arith.extui %sign3A_870 : i1 to i32
    %sign3A_872 = arith.constant 0 : i32
    %sign3A_873 = arith.cmpi slt, %mul3A_2, %sign3A_872 : i32
    %sign3A_874 = arith.extui %sign3A_873 : i1 to i32
    %sign3A_875 = arith.subi %sign3A_871, %sign3A_874 : i32
    %sign3A_876 = arith.constant 0 : i32
    %sign3A_877 = arith.cmpi sgt, %jit3A_867, %sign3A_876 : i32
    %sign3A_878 = arith.extui %sign3A_877 : i1 to i32
    %sign3A_879 = arith.constant 0 : i32
    %sign3A_880 = arith.cmpi slt, %jit3A_867, %sign3A_879 : i32
    %sign3A_881 = arith.extui %sign3A_880 : i1 to i32
    %sign3A_882 = arith.subi %sign3A_878, %sign3A_881 : i32
    %ne3A_883 = arith.cmpi ne, %sign3A_875, %sign3A_882 : i32
    %rem3A_884 = arith.remsi %mul3A_2, %jit3A_867 : i32
    %ne3A_885 = arith.constant 0 : i32
    %ne3A_886 = arith.cmpi ne, %rem3A_884, %ne3A_885 : i32
    %and3A_887 = arith.andi %ne3A_883, %ne3A_886 : i1
    %sub3A_888 = arith.constant 1 : i32
    %sub3A_889 = arith.subi %div3A_868, %sub3A_888 : i32
    %select_n3A_890 = arith.select %and3A_887, %sub3A_889, %div3A_868 : i32
    %jit3A_891 = arith.constant 64 : i32
    %eq3A_892 = arith.constant 0 : i32
    %eq3A_893 = arith.cmpi eq, %jit3A_891, %eq3A_892 : i32
    %jit3A_894 = arith.constant 1 : i32
    %select_n3A_895 = arith.select %eq3A_893, %jit3A_894, %jit3A_891 : i32
    %rem3A_896 = arith.remsi %mul3A_2, %select_n3A_895 : i32
    %ne3A_897 = arith.constant 0 : i32
    %ne3A_898 = arith.cmpi ne, %rem3A_896, %ne3A_897 : i32
    %lt3A_899 = arith.constant 0 : i32
    %lt3A_900 = arith.cmpi slt, %rem3A_896, %lt3A_899 : i32
    %lt3A_901 = arith.constant 0 : i32
    %lt3A_902 = arith.cmpi slt, %select_n3A_895, %lt3A_901 : i32
    %ne3A_903 = arith.xori %lt3A_900, %lt3A_902 : i1
    %and3A_904 = arith.andi %ne3A_903, %ne3A_898 : i1
    %add3A_905 = arith.addi %rem3A_896, %select_n3A_895 : i32
    %select_n3A_906 = arith.select %and3A_904, %add3A_905, %rem3A_896 : i32
    %mul3A_907 = arith.constant 4 : i32
    %mul3A_908 = arith.muli %select_n3A_906, %mul3A_907 : i32
    %add3A_909 = arith.constant 0 : i32
    %add3A_910 = arith.addi %mul3A_908, %add3A_909 : i32
    %dma_wait3A_911 = arith.constant 0 : i32
    %dma_wait3A_912 = tpu.memref_slice %arg9[%dma_wait3A_911] : memref<32768xf32, #tpu.memory_space<vmem>> -> memref<8192xf32, #tpu.memory_space<vmem>>
    %dma_wait3A_913 = arith.constant 0 : i32
    %dma_wait3A_914 = tpu.memref_slice %arg2[%select_n3A_890, %add3A_910, %dma_wait3A_913] : memref<8x256x8192xf32, #tpu.memory_space<hbm>> -> memref<1x1x8192xf32, #tpu.memory_space<hbm>>
    %dma_wait3A_915 = tpu.memref_squeeze %dma_wait3A_914 : memref<1x1x8192xf32, #tpu.memory_space<hbm>> -> memref<8192xf32, #tpu.memory_space<hbm>>
    %dma_wait3A_916 = arith.constant 0 : i32
    %dma_wait3A_917 = tpu.memref_slice %arg9[%dma_wait3A_916] : memref<32768xf32, #tpu.memory_space<vmem>> -> memref<8192xf32, #tpu.memory_space<vmem>>
    %dma_wait3A_918 = arith.constant 0 : i32
    %dma_wait3A_919 = tpu.memref_slice %arg2[%select_n3A_890, %add3A_910, %dma_wait3A_918] : memref<8x256x8192xf32, #tpu.memory_space<hbm>> -> memref<1x1x8192xf32, #tpu.memory_space<hbm>>
    %dma_wait3A_920 = tpu.memref_squeeze %dma_wait3A_919 : memref<1x1x8192xf32, #tpu.memory_space<hbm>> -> memref<8192xf32, #tpu.memory_space<hbm>>
    tpu.wait_dma2 semaphore(%arg13 : memref<!tpu.dma_semaphore, #tpu.memory_space<semaphore_mem>>) src(%dma_wait3A_920 : memref<8192xf32, #tpu.memory_space<hbm>>) dst(%dma_wait3A_917 : memref<8192xf32, #tpu.memory_space<vmem>>)
    %jit3A_921 = arith.constant 64 : i32
    %div3A_922 = arith.divsi %mul3A_2, %jit3A_921 : i32
    %sign3A_923 = arith.constant 0 : i32
    %sign3A_924 = arith.cmpi sgt, %mul3A_2, %sign3A_923 : i32
    %sign3A_925 = arith.extui %sign3A_924 : i1 to i32
    %sign3A_926 = arith.constant 0 : i32
    %sign3A_927 = arith.cmpi slt, %mul3A_2, %sign3A_926 : i32
    %sign3A_928 = arith.extui %sign3A_927 : i1 to i32
    %sign3A_929 = arith.subi %sign3A_925, %sign3A_928 : i32
    %sign3A_930 = arith.constant 0 : i32
    %sign3A_931 = arith.cmpi sgt, %jit3A_921, %sign3A_930 : i32
    %sign3A_932 = arith.extui %sign3A_931 : i1 to i32
    %sign3A_933 = arith.constant 0 : i32
    %sign3A_934 = arith.cmpi slt, %jit3A_921, %sign3A_933 : i32
    %sign3A_935 = arith.extui %sign3A_934 : i1 to i32
    %sign3A_936 = arith.subi %sign3A_932, %sign3A_935 : i32
    %ne3A_937 = arith.cmpi ne, %sign3A_929, %sign3A_936 : i32
    %rem3A_938 = arith.remsi %mul3A_2, %jit3A_921 : i32
    %ne3A_939 = arith.constant 0 : i32
    %ne3A_940 = arith.cmpi ne, %rem3A_938, %ne3A_939 : i32
    %and3A_941 = arith.andi %ne3A_937, %ne3A_940 : i1
    %sub3A_942 = arith.constant 1 : i32
    %sub3A_943 = arith.subi %div3A_922, %sub3A_942 : i32
    %select_n3A_944 = arith.select %and3A_941, %sub3A_943, %div3A_922 : i32
    %jit3A_945 = arith.constant 64 : i32
    %eq3A_946 = arith.constant 0 : i32
    %eq3A_947 = arith.cmpi eq, %jit3A_945, %eq3A_946 : i32
    %jit3A_948 = arith.constant 1 : i32
    %select_n3A_949 = arith.select %eq3A_947, %jit3A_948, %jit3A_945 : i32
    %rem3A_950 = arith.remsi %mul3A_2, %select_n3A_949 : i32
    %ne3A_951 = arith.constant 0 : i32
    %ne3A_952 = arith.cmpi ne, %rem3A_950, %ne3A_951 : i32
    %lt3A_953 = arith.constant 0 : i32
    %lt3A_954 = arith.cmpi slt, %rem3A_950, %lt3A_953 : i32
    %lt3A_955 = arith.constant 0 : i32
    %lt3A_956 = arith.cmpi slt, %select_n3A_949, %lt3A_955 : i32
    %ne3A_957 = arith.xori %lt3A_954, %lt3A_956 : i1
    %and3A_958 = arith.andi %ne3A_957, %ne3A_952 : i1
    %add3A_959 = arith.addi %rem3A_950, %select_n3A_949 : i32
    %select_n3A_960 = arith.select %and3A_958, %add3A_959, %rem3A_950 : i32
    %mul3A_961 = arith.constant 4 : i32
    %mul3A_962 = arith.muli %select_n3A_960, %mul3A_961 : i32
    %add3A_963 = arith.constant 0 : i32
    %add3A_964 = arith.addi %mul3A_962, %add3A_963 : i32
    %dma_wait3A_965 = arith.constant 8192 : i32
    %dma_wait3A_966 = tpu.memref_slice %arg9[%dma_wait3A_965] : memref<32768xf32, #tpu.memory_space<vmem>> -> memref<8192xf32, #tpu.memory_space<vmem>>
    %dma_wait3A_967 = arith.constant 0 : i32
    %dma_wait3A_968 = tpu.memref_slice %arg2[%select_n3A_944, %add3A_964, %dma_wait3A_967] : memref<8x256x8192xf32, #tpu.memory_space<hbm>> -> memref<1x1x8192xf32, #tpu.memory_space<hbm>>
    %dma_wait3A_969 = tpu.memref_squeeze %dma_wait3A_968 : memref<1x1x8192xf32, #tpu.memory_space<hbm>> -> memref<8192xf32, #tpu.memory_space<hbm>>
    %dma_wait3A_970 = arith.constant 8192 : i32
    %dma_wait3A_971 = tpu.memref_slice %arg9[%dma_wait3A_970] : memref<32768xf32, #tpu.memory_space<vmem>> -> memref<8192xf32, #tpu.memory_space<vmem>>
    %dma_wait3A_972 = arith.constant 0 : i32
    %dma_wait3A_973 = tpu.memref_slice %arg2[%select_n3A_944, %add3A_964, %dma_wait3A_972] : memref<8x256x8192xf32, #tpu.memory_space<hbm>> -> memref<1x1x8192xf32, #tpu.memory_space<hbm>>
    %dma_wait3A_974 = tpu.memref_squeeze %dma_wait3A_973 : memref<1x1x8192xf32, #tpu.memory_space<hbm>> -> memref<8192xf32, #tpu.memory_space<hbm>>
    tpu.wait_dma2 semaphore(%arg13 : memref<!tpu.dma_semaphore, #tpu.memory_space<semaphore_mem>>) src(%dma_wait3A_974 : memref<8192xf32, #tpu.memory_space<hbm>>) dst(%dma_wait3A_971 : memref<8192xf32, #tpu.memory_space<vmem>>)
    %jit3A_975 = arith.constant 64 : i32
    %div3A_976 = arith.divsi %mul3A_2, %jit3A_975 : i32
    %sign3A_977 = arith.constant 0 : i32
    %sign3A_978 = arith.cmpi sgt, %mul3A_2, %sign3A_977 : i32
    %sign3A_979 = arith.extui %sign3A_978 : i1 to i32
    %sign3A_980 = arith.constant 0 : i32
    %sign3A_981 = arith.cmpi slt, %mul3A_2, %sign3A_980 : i32
    %sign3A_982 = arith.extui %sign3A_981 : i1 to i32
    %sign3A_983 = arith.subi %sign3A_979, %sign3A_982 : i32
    %sign3A_984 = arith.constant 0 : i32
    %sign3A_985 = arith.cmpi sgt, %jit3A_975, %sign3A_984 : i32
    %sign3A_986 = arith.extui %sign3A_985 : i1 to i32
    %sign3A_987 = arith.constant 0 : i32
    %sign3A_988 = arith.cmpi slt, %jit3A_975, %sign3A_987 : i32
    %sign3A_989 = arith.extui %sign3A_988 : i1 to i32
    %sign3A_990 = arith.subi %sign3A_986, %sign3A_989 : i32
    %ne3A_991 = arith.cmpi ne, %sign3A_983, %sign3A_990 : i32
    %rem3A_992 = arith.remsi %mul3A_2, %jit3A_975 : i32
    %ne3A_993 = arith.constant 0 : i32
    %ne3A_994 = arith.cmpi ne, %rem3A_992, %ne3A_993 : i32
    %and3A_995 = arith.andi %ne3A_991, %ne3A_994 : i1
    %sub3A_996 = arith.constant 1 : i32
    %sub3A_997 = arith.subi %div3A_976, %sub3A_996 : i32
    %select_n3A_998 = arith.select %and3A_995, %sub3A_997, %div3A_976 : i32
    %jit3A_999 = arith.constant 64 : i32
    %eq3A_1000 = arith.constant 0 : i32
    %eq3A_1001 = arith.cmpi eq, %jit3A_999, %eq3A_1000 : i32
    %jit3A_1002 = arith.constant 1 : i32
    %select_n3A_1003 = arith.select %eq3A_1001, %jit3A_1002, %jit3A_999 : i32
    %rem3A_1004 = arith.remsi %mul3A_2, %select_n3A_1003 : i32
    %ne3A_1005 = arith.constant 0 : i32
    %ne3A_1006 = arith.cmpi ne, %rem3A_1004, %ne3A_1005 : i32
    %lt3A_1007 = arith.constant 0 : i32
    %lt3A_1008 = arith.cmpi slt, %rem3A_1004, %lt3A_1007 : i32
    %lt3A_1009 = arith.constant 0 : i32
    %lt3A_1010 = arith.cmpi slt, %select_n3A_1003, %lt3A_1009 : i32
    %ne3A_1011 = arith.xori %lt3A_1008, %lt3A_1010 : i1
    %and3A_1012 = arith.andi %ne3A_1011, %ne3A_1006 : i1
    %add3A_1013 = arith.addi %rem3A_1004, %select_n3A_1003 : i32
    %select_n3A_1014 = arith.select %and3A_1012, %add3A_1013, %rem3A_1004 : i32
    %mul3A_1015 = arith.constant 4 : i32
    %mul3A_1016 = arith.muli %select_n3A_1014, %mul3A_1015 : i32
    %add3A_1017 = arith.constant 0 : i32
    %add3A_1018 = arith.addi %mul3A_1016, %add3A_1017 : i32
    %dma_wait3A_1019 = arith.constant 16384 : i32
    %dma_wait3A_1020 = tpu.memref_slice %arg9[%dma_wait3A_1019] : memref<32768xf32, #tpu.memory_space<vmem>> -> memref<8192xf32, #tpu.memory_space<vmem>>
    %dma_wait3A_1021 = arith.constant 0 : i32
    %dma_wait3A_1022 = tpu.memref_slice %arg2[%select_n3A_998, %add3A_1018, %dma_wait3A_1021] : memref<8x256x8192xf32, #tpu.memory_space<hbm>> -> memref<1x1x8192xf32, #tpu.memory_space<hbm>>
    %dma_wait3A_1023 = tpu.memref_squeeze %dma_wait3A_1022 : memref<1x1x8192xf32, #tpu.memory_space<hbm>> -> memref<8192xf32, #tpu.memory_space<hbm>>
    %dma_wait3A_1024 = arith.constant 16384 : i32
    %dma_wait3A_1025 = tpu.memref_slice %arg9[%dma_wait3A_1024] : memref<32768xf32, #tpu.memory_space<vmem>> -> memref<8192xf32, #tpu.memory_space<vmem>>
    %dma_wait3A_1026 = arith.constant 0 : i32
    %dma_wait3A_1027 = tpu.memref_slice %arg2[%select_n3A_998, %add3A_1018, %dma_wait3A_1026] : memref<8x256x8192xf32, #tpu.memory_space<hbm>> -> memref<1x1x8192xf32, #tpu.memory_space<hbm>>
    %dma_wait3A_1028 = tpu.memref_squeeze %dma_wait3A_1027 : memref<1x1x8192xf32, #tpu.memory_space<hbm>> -> memref<8192xf32, #tpu.memory_space<hbm>>
    tpu.wait_dma2 semaphore(%arg13 : memref<!tpu.dma_semaphore, #tpu.memory_space<semaphore_mem>>) src(%dma_wait3A_1028 : memref<8192xf32, #tpu.memory_space<hbm>>) dst(%dma_wait3A_1025 : memref<8192xf32, #tpu.memory_space<vmem>>)
    %jit3A_1029 = arith.constant 64 : i32
    %div3A_1030 = arith.divsi %mul3A_2, %jit3A_1029 : i32
    %sign3A_1031 = arith.constant 0 : i32
    %sign3A_1032 = arith.cmpi sgt, %mul3A_2, %sign3A_1031 : i32
    %sign3A_1033 = arith.extui %sign3A_1032 : i1 to i32
    %sign3A_1034 = arith.constant 0 : i32
    %sign3A_1035 = arith.cmpi slt, %mul3A_2, %sign3A_1034 : i32
    %sign3A_1036 = arith.extui %sign3A_1035 : i1 to i32
    %sign3A_1037 = arith.subi %sign3A_1033, %sign3A_1036 : i32
    %sign3A_1038 = arith.constant 0 : i32
    %sign3A_1039 = arith.cmpi sgt, %jit3A_1029, %sign3A_1038 : i32
    %sign3A_1040 = arith.extui %sign3A_1039 : i1 to i32
    %sign3A_1041 = arith.constant 0 : i32
    %sign3A_1042 = arith.cmpi slt, %jit3A_1029, %sign3A_1041 : i32
    %sign3A_1043 = arith.extui %sign3A_1042 : i1 to i32
    %sign3A_1044 = arith.subi %sign3A_1040, %sign3A_1043 : i32
    %ne3A_1045 = arith.cmpi ne, %sign3A_1037, %sign3A_1044 : i32
    %rem3A_1046 = arith.remsi %mul3A_2, %jit3A_1029 : i32
    %ne3A_1047 = arith.constant 0 : i32
    %ne3A_1048 = arith.cmpi ne, %rem3A_1046, %ne3A_1047 : i32
    %and3A_1049 = arith.andi %ne3A_1045, %ne3A_1048 : i1
    %sub3A_1050 = arith.constant 1 : i32
    %sub3A_1051 = arith.subi %div3A_1030, %sub3A_1050 : i32
    %select_n3A_1052 = arith.select %and3A_1049, %sub3A_1051, %div3A_1030 : i32
    %jit3A_1053 = arith.constant 64 : i32
    %eq3A_1054 = arith.constant 0 : i32
    %eq3A_1055 = arith.cmpi eq, %jit3A_1053, %eq3A_1054 : i32
    %jit3A_1056 = arith.constant 1 : i32
    %select_n3A_1057 = arith.select %eq3A_1055, %jit3A_1056, %jit3A_1053 : i32
    %rem3A_1058 = arith.remsi %mul3A_2, %select_n3A_1057 : i32
    %ne3A_1059 = arith.constant 0 : i32
    %ne3A_1060 = arith.cmpi ne, %rem3A_1058, %ne3A_1059 : i32
    %lt3A_1061 = arith.constant 0 : i32
    %lt3A_1062 = arith.cmpi slt, %rem3A_1058, %lt3A_1061 : i32
    %lt3A_1063 = arith.constant 0 : i32
    %lt3A_1064 = arith.cmpi slt, %select_n3A_1057, %lt3A_1063 : i32
    %ne3A_1065 = arith.xori %lt3A_1062, %lt3A_1064 : i1
    %and3A_1066 = arith.andi %ne3A_1065, %ne3A_1060 : i1
    %add3A_1067 = arith.addi %rem3A_1058, %select_n3A_1057 : i32
    %select_n3A_1068 = arith.select %and3A_1066, %add3A_1067, %rem3A_1058 : i32
    %mul3A_1069 = arith.constant 4 : i32
    %mul3A_1070 = arith.muli %select_n3A_1068, %mul3A_1069 : i32
    %add3A_1071 = arith.constant 0 : i32
    %add3A_1072 = arith.addi %mul3A_1070, %add3A_1071 : i32
    %dma_wait3A_1073 = arith.constant 24576 : i32
    %dma_wait3A_1074 = tpu.memref_slice %arg9[%dma_wait3A_1073] : memref<32768xf32, #tpu.memory_space<vmem>> -> memref<8192xf32, #tpu.memory_space<vmem>>
    %dma_wait3A_1075 = arith.constant 0 : i32
    %dma_wait3A_1076 = tpu.memref_slice %arg2[%select_n3A_1052, %add3A_1072, %dma_wait3A_1075] : memref<8x256x8192xf32, #tpu.memory_space<hbm>> -> memref<1x1x8192xf32, #tpu.memory_space<hbm>>
    %dma_wait3A_1077 = tpu.memref_squeeze %dma_wait3A_1076 : memref<1x1x8192xf32, #tpu.memory_space<hbm>> -> memref<8192xf32, #tpu.memory_space<hbm>>
    %dma_wait3A_1078 = arith.constant 24576 : i32
    %dma_wait3A_1079 = tpu.memref_slice %arg9[%dma_wait3A_1078] : memref<32768xf32, #tpu.memory_space<vmem>> -> memref<8192xf32, #tpu.memory_space<vmem>>
    %dma_wait3A_1080 = arith.constant 0 : i32
    %dma_wait3A_1081 = tpu.memref_slice %arg2[%select_n3A_1052, %add3A_1072, %dma_wait3A_1080] : memref<8x256x8192xf32, #tpu.memory_space<hbm>> -> memref<1x1x8192xf32, #tpu.memory_space<hbm>>
    %dma_wait3A_1082 = tpu.memref_squeeze %dma_wait3A_1081 : memref<1x1x8192xf32, #tpu.memory_space<hbm>> -> memref<8192xf32, #tpu.memory_space<hbm>>
    tpu.wait_dma2 semaphore(%arg13 : memref<!tpu.dma_semaphore, #tpu.memory_space<semaphore_mem>>) src(%dma_wait3A_1082 : memref<8192xf32, #tpu.memory_space<hbm>>) dst(%dma_wait3A_1079 : memref<8192xf32, #tpu.memory_space<vmem>>)
    %jit3A_1083 = arith.constant 64 : i32
    %div3A_1084 = arith.divsi %mul3A_2, %jit3A_1083 : i32
    %sign3A_1085 = arith.constant 0 : i32
    %sign3A_1086 = arith.cmpi sgt, %mul3A_2, %sign3A_1085 : i32
    %sign3A_1087 = arith.extui %sign3A_1086 : i1 to i32
    %sign3A_1088 = arith.constant 0 : i32
    %sign3A_1089 = arith.cmpi slt, %mul3A_2, %sign3A_1088 : i32
    %sign3A_1090 = arith.extui %sign3A_1089 : i1 to i32
    %sign3A_1091 = arith.subi %sign3A_1087, %sign3A_1090 : i32
    %sign3A_1092 = arith.constant 0 : i32
    %sign3A_1093 = arith.cmpi sgt, %jit3A_1083, %sign3A_1092 : i32
    %sign3A_1094 = arith.extui %sign3A_1093 : i1 to i32
    %sign3A_1095 = arith.constant 0 : i32
    %sign3A_1096 = arith.cmpi slt, %jit3A_1083, %sign3A_1095 : i32
    %sign3A_1097 = arith.extui %sign3A_1096 : i1 to i32
    %sign3A_1098 = arith.subi %sign3A_1094, %sign3A_1097 : i32
    %ne3A_1099 = arith.cmpi ne, %sign3A_1091, %sign3A_1098 : i32
    %rem3A_1100 = arith.remsi %mul3A_2, %jit3A_1083 : i32
    %ne3A_1101 = arith.constant 0 : i32
    %ne3A_1102 = arith.cmpi ne, %rem3A_1100, %ne3A_1101 : i32
    %and3A_1103 = arith.andi %ne3A_1099, %ne3A_1102 : i1
    %sub3A_1104 = arith.constant 1 : i32
    %sub3A_1105 = arith.subi %div3A_1084, %sub3A_1104 : i32
    %select_n3A_1106 = arith.select %and3A_1103, %sub3A_1105, %div3A_1084 : i32
    %jit3A_1107 = arith.constant 64 : i32
    %eq3A_1108 = arith.constant 0 : i32
    %eq3A_1109 = arith.cmpi eq, %jit3A_1107, %eq3A_1108 : i32
    %jit3A_1110 = arith.constant 1 : i32
    %select_n3A_1111 = arith.select %eq3A_1109, %jit3A_1110, %jit3A_1107 : i32
    %rem3A_1112 = arith.remsi %mul3A_2, %select_n3A_1111 : i32
    %ne3A_1113 = arith.constant 0 : i32
    %ne3A_1114 = arith.cmpi ne, %rem3A_1112, %ne3A_1113 : i32
    %lt3A_1115 = arith.constant 0 : i32
    %lt3A_1116 = arith.cmpi slt, %rem3A_1112, %lt3A_1115 : i32
    %lt3A_1117 = arith.constant 0 : i32
    %lt3A_1118 = arith.cmpi slt, %select_n3A_1111, %lt3A_1117 : i32
    %ne3A_1119 = arith.xori %lt3A_1116, %lt3A_1118 : i1
    %and3A_1120 = arith.andi %ne3A_1119, %ne3A_1114 : i1
    %add3A_1121 = arith.addi %rem3A_1112, %select_n3A_1111 : i32
    %select_n3A_1122 = arith.select %and3A_1120, %add3A_1121, %rem3A_1112 : i32
    %mul3A_1123 = arith.constant 4 : i32
    %mul3A_1124 = arith.muli %select_n3A_1122, %mul3A_1123 : i32
    %add3A_1125 = arith.constant 0 : i32
    %add3A_1126 = arith.addi %mul3A_1124, %add3A_1125 : i32
    %dma_wait3A_1127 = arith.constant 0 : i32
    %dma_wait3A_1128 = tpu.memref_slice %arg11[%dma_wait3A_1127] : memref<16384xf32, #tpu.memory_space<vmem>> -> memref<4096xf32, #tpu.memory_space<vmem>>
    %dma_wait3A_1129 = arith.constant 0 : i32
    %dma_wait3A_1130 = tpu.memref_slice %arg4[%select_n3A_1106, %add3A_1126, %dma_wait3A_1129] : memref<8x256x4096xf32, #tpu.memory_space<hbm>> -> memref<1x1x4096xf32, #tpu.memory_space<hbm>>
    %dma_wait3A_1131 = tpu.memref_squeeze %dma_wait3A_1130 : memref<1x1x4096xf32, #tpu.memory_space<hbm>> -> memref<4096xf32, #tpu.memory_space<hbm>>
    %dma_wait3A_1132 = arith.constant 0 : i32
    %dma_wait3A_1133 = tpu.memref_slice %arg4[%select_n3A_1106, %add3A_1126, %dma_wait3A_1132] : memref<8x256x4096xf32, #tpu.memory_space<hbm>> -> memref<1x1x4096xf32, #tpu.memory_space<hbm>>
    %dma_wait3A_1134 = tpu.memref_squeeze %dma_wait3A_1133 : memref<1x1x4096xf32, #tpu.memory_space<hbm>> -> memref<4096xf32, #tpu.memory_space<hbm>>
    %dma_wait3A_1135 = arith.constant 0 : i32
    %dma_wait3A_1136 = tpu.memref_slice %arg11[%dma_wait3A_1135] : memref<16384xf32, #tpu.memory_space<vmem>> -> memref<4096xf32, #tpu.memory_space<vmem>>
    tpu.wait_dma2 semaphore(%arg15 : memref<!tpu.dma_semaphore, #tpu.memory_space<semaphore_mem>>) src(%dma_wait3A_1136 : memref<4096xf32, #tpu.memory_space<vmem>>) dst(%dma_wait3A_1134 : memref<4096xf32, #tpu.memory_space<hbm>>)
    %jit3A_1137 = arith.constant 64 : i32
    %div3A_1138 = arith.divsi %mul3A_2, %jit3A_1137 : i32
    %sign3A_1139 = arith.constant 0 : i32
    %sign3A_1140 = arith.cmpi sgt, %mul3A_2, %sign3A_1139 : i32
    %sign3A_1141 = arith.extui %sign3A_1140 : i1 to i32
    %sign3A_1142 = arith.constant 0 : i32
    %sign3A_1143 = arith.cmpi slt, %mul3A_2, %sign3A_1142 : i32
    %sign3A_1144 = arith.extui %sign3A_1143 : i1 to i32
    %sign3A_1145 = arith.subi %sign3A_1141, %sign3A_1144 : i32
    %sign3A_1146 = arith.constant 0 : i32
    %sign3A_1147 = arith.cmpi sgt, %jit3A_1137, %sign3A_1146 : i32
    %sign3A_1148 = arith.extui %sign3A_1147 : i1 to i32
    %sign3A_1149 = arith.constant 0 : i32
    %sign3A_1150 = arith.cmpi slt, %jit3A_1137, %sign3A_1149 : i32
    %sign3A_1151 = arith.extui %sign3A_1150 : i1 to i32
    %sign3A_1152 = arith.subi %sign3A_1148, %sign3A_1151 : i32
    %ne3A_1153 = arith.cmpi ne, %sign3A_1145, %sign3A_1152 : i32
    %rem3A_1154 = arith.remsi %mul3A_2, %jit3A_1137 : i32
    %ne3A_1155 = arith.constant 0 : i32
    %ne3A_1156 = arith.cmpi ne, %rem3A_1154, %ne3A_1155 : i32
    %and3A_1157 = arith.andi %ne3A_1153, %ne3A_1156 : i1
    %sub3A_1158 = arith.constant 1 : i32
    %sub3A_1159 = arith.subi %div3A_1138, %sub3A_1158 : i32
    %select_n3A_1160 = arith.select %and3A_1157, %sub3A_1159, %div3A_1138 : i32
    %jit3A_1161 = arith.constant 64 : i32
    %eq3A_1162 = arith.constant 0 : i32
    %eq3A_1163 = arith.cmpi eq, %jit3A_1161, %eq3A_1162 : i32
    %jit3A_1164 = arith.constant 1 : i32
    %select_n3A_1165 = arith.select %eq3A_1163, %jit3A_1164, %jit3A_1161 : i32
    %rem3A_1166 = arith.remsi %mul3A_2, %select_n3A_1165 : i32
    %ne3A_1167 = arith.constant 0 : i32
    %ne3A_1168 = arith.cmpi ne, %rem3A_1166, %ne3A_1167 : i32
    %lt3A_1169 = arith.constant 0 : i32
    %lt3A_1170 = arith.cmpi slt, %rem3A_1166, %lt3A_1169 : i32
    %lt3A_1171 = arith.constant 0 : i32
    %lt3A_1172 = arith.cmpi slt, %select_n3A_1165, %lt3A_1171 : i32
    %ne3A_1173 = arith.xori %lt3A_1170, %lt3A_1172 : i1
    %and3A_1174 = arith.andi %ne3A_1173, %ne3A_1168 : i1
    %add3A_1175 = arith.addi %rem3A_1166, %select_n3A_1165 : i32
    %select_n3A_1176 = arith.select %and3A_1174, %add3A_1175, %rem3A_1166 : i32
    %mul3A_1177 = arith.constant 4 : i32
    %mul3A_1178 = arith.muli %select_n3A_1176, %mul3A_1177 : i32
    %add3A_1179 = arith.constant 0 : i32
    %add3A_1180 = arith.addi %mul3A_1178, %add3A_1179 : i32
    %dma_wait3A_1181 = arith.constant 4096 : i32
    %dma_wait3A_1182 = tpu.memref_slice %arg11[%dma_wait3A_1181] : memref<16384xf32, #tpu.memory_space<vmem>> -> memref<4096xf32, #tpu.memory_space<vmem>>
    %dma_wait3A_1183 = arith.constant 0 : i32
    %dma_wait3A_1184 = tpu.memref_slice %arg4[%select_n3A_1160, %add3A_1180, %dma_wait3A_1183] : memref<8x256x4096xf32, #tpu.memory_space<hbm>> -> memref<1x1x4096xf32, #tpu.memory_space<hbm>>
    %dma_wait3A_1185 = tpu.memref_squeeze %dma_wait3A_1184 : memref<1x1x4096xf32, #tpu.memory_space<hbm>> -> memref<4096xf32, #tpu.memory_space<hbm>>
    %dma_wait3A_1186 = arith.constant 0 : i32
    %dma_wait3A_1187 = tpu.memref_slice %arg4[%select_n3A_1160, %add3A_1180, %dma_wait3A_1186] : memref<8x256x4096xf32, #tpu.memory_space<hbm>> -> memref<1x1x4096xf32, #tpu.memory_space<hbm>>
    %dma_wait3A_1188 = tpu.memref_squeeze %dma_wait3A_1187 : memref<1x1x4096xf32, #tpu.memory_space<hbm>> -> memref<4096xf32, #tpu.memory_space<hbm>>
    %dma_wait3A_1189 = arith.constant 4096 : i32
    %dma_wait3A_1190 = tpu.memref_slice %arg11[%dma_wait3A_1189] : memref<16384xf32, #tpu.memory_space<vmem>> -> memref<4096xf32, #tpu.memory_space<vmem>>
    tpu.wait_dma2 semaphore(%arg15 : memref<!tpu.dma_semaphore, #tpu.memory_space<semaphore_mem>>) src(%dma_wait3A_1190 : memref<4096xf32, #tpu.memory_space<vmem>>) dst(%dma_wait3A_1188 : memref<4096xf32, #tpu.memory_space<hbm>>)
    %jit3A_1191 = arith.constant 64 : i32
    %div3A_1192 = arith.divsi %mul3A_2, %jit3A_1191 : i32
    %sign3A_1193 = arith.constant 0 : i32
    %sign3A_1194 = arith.cmpi sgt, %mul3A_2, %sign3A_1193 : i32
    %sign3A_1195 = arith.extui %sign3A_1194 : i1 to i32
    %sign3A_1196 = arith.constant 0 : i32
    %sign3A_1197 = arith.cmpi slt, %mul3A_2, %sign3A_1196 : i32
    %sign3A_1198 = arith.extui %sign3A_1197 : i1 to i32
    %sign3A_1199 = arith.subi %sign3A_1195, %sign3A_1198 : i32
    %sign3A_1200 = arith.constant 0 : i32
    %sign3A_1201 = arith.cmpi sgt, %jit3A_1191, %sign3A_1200 : i32
    %sign3A_1202 = arith.extui %sign3A_1201 : i1 to i32
    %sign3A_1203 = arith.constant 0 : i32
    %sign3A_1204 = arith.cmpi slt, %jit3A_1191, %sign3A_1203 : i32
    %sign3A_1205 = arith.extui %sign3A_1204 : i1 to i32
    %sign3A_1206 = arith.subi %sign3A_1202, %sign3A_1205 : i32
    %ne3A_1207 = arith.cmpi ne, %sign3A_1199, %sign3A_1206 : i32
    %rem3A_1208 = arith.remsi %mul3A_2, %jit3A_1191 : i32
    %ne3A_1209 = arith.constant 0 : i32
    %ne3A_1210 = arith.cmpi ne, %rem3A_1208, %ne3A_1209 : i32
    %and3A_1211 = arith.andi %ne3A_1207, %ne3A_1210 : i1
    %sub3A_1212 = arith.constant 1 : i32
    %sub3A_1213 = arith.subi %div3A_1192, %sub3A_1212 : i32
    %select_n3A_1214 = arith.select %and3A_1211, %sub3A_1213, %div3A_1192 : i32
    %jit3A_1215 = arith.constant 64 : i32
    %eq3A_1216 = arith.constant 0 : i32
    %eq3A_1217 = arith.cmpi eq, %jit3A_1215, %eq3A_1216 : i32
    %jit3A_1218 = arith.constant 1 : i32
    %select_n3A_1219 = arith.select %eq3A_1217, %jit3A_1218, %jit3A_1215 : i32
    %rem3A_1220 = arith.remsi %mul3A_2, %select_n3A_1219 : i32
    %ne3A_1221 = arith.constant 0 : i32
    %ne3A_1222 = arith.cmpi ne, %rem3A_1220, %ne3A_1221 : i32
    %lt3A_1223 = arith.constant 0 : i32
    %lt3A_1224 = arith.cmpi slt, %rem3A_1220, %lt3A_1223 : i32
    %lt3A_1225 = arith.constant 0 : i32
    %lt3A_1226 = arith.cmpi slt, %select_n3A_1219, %lt3A_1225 : i32
    %ne3A_1227 = arith.xori %lt3A_1224, %lt3A_1226 : i1
    %and3A_1228 = arith.andi %ne3A_1227, %ne3A_1222 : i1
    %add3A_1229 = arith.addi %rem3A_1220, %select_n3A_1219 : i32
    %select_n3A_1230 = arith.select %and3A_1228, %add3A_1229, %rem3A_1220 : i32
    %mul3A_1231 = arith.constant 4 : i32
    %mul3A_1232 = arith.muli %select_n3A_1230, %mul3A_1231 : i32
    %add3A_1233 = arith.constant 0 : i32
    %add3A_1234 = arith.addi %mul3A_1232, %add3A_1233 : i32
    %dma_wait3A_1235 = arith.constant 8192 : i32
    %dma_wait3A_1236 = tpu.memref_slice %arg11[%dma_wait3A_1235] : memref<16384xf32, #tpu.memory_space<vmem>> -> memref<4096xf32, #tpu.memory_space<vmem>>
    %dma_wait3A_1237 = arith.constant 0 : i32
    %dma_wait3A_1238 = tpu.memref_slice %arg4[%select_n3A_1214, %add3A_1234, %dma_wait3A_1237] : memref<8x256x4096xf32, #tpu.memory_space<hbm>> -> memref<1x1x4096xf32, #tpu.memory_space<hbm>>
    %dma_wait3A_1239 = tpu.memref_squeeze %dma_wait3A_1238 : memref<1x1x4096xf32, #tpu.memory_space<hbm>> -> memref<4096xf32, #tpu.memory_space<hbm>>
    %dma_wait3A_1240 = arith.constant 0 : i32
    %dma_wait3A_1241 = tpu.memref_slice %arg4[%select_n3A_1214, %add3A_1234, %dma_wait3A_1240] : memref<8x256x4096xf32, #tpu.memory_space<hbm>> -> memref<1x1x4096xf32, #tpu.memory_space<hbm>>
    %dma_wait3A_1242 = tpu.memref_squeeze %dma_wait3A_1241 : memref<1x1x4096xf32, #tpu.memory_space<hbm>> -> memref<4096xf32, #tpu.memory_space<hbm>>
    %dma_wait3A_1243 = arith.constant 8192 : i32
    %dma_wait3A_1244 = tpu.memref_slice %arg11[%dma_wait3A_1243] : memref<16384xf32, #tpu.memory_space<vmem>> -> memref<4096xf32, #tpu.memory_space<vmem>>
    tpu.wait_dma2 semaphore(%arg15 : memref<!tpu.dma_semaphore, #tpu.memory_space<semaphore_mem>>) src(%dma_wait3A_1244 : memref<4096xf32, #tpu.memory_space<vmem>>) dst(%dma_wait3A_1242 : memref<4096xf32, #tpu.memory_space<hbm>>)
    %jit3A_1245 = arith.constant 64 : i32
    %div3A_1246 = arith.divsi %mul3A_2, %jit3A_1245 : i32
    %sign3A_1247 = arith.constant 0 : i32
    %sign3A_1248 = arith.cmpi sgt, %mul3A_2, %sign3A_1247 : i32
    %sign3A_1249 = arith.extui %sign3A_1248 : i1 to i32
    %sign3A_1250 = arith.constant 0 : i32
    %sign3A_1251 = arith.cmpi slt, %mul3A_2, %sign3A_1250 : i32
    %sign3A_1252 = arith.extui %sign3A_1251 : i1 to i32
    %sign3A_1253 = arith.subi %sign3A_1249, %sign3A_1252 : i32
    %sign3A_1254 = arith.constant 0 : i32
    %sign3A_1255 = arith.cmpi sgt, %jit3A_1245, %sign3A_1254 : i32
    %sign3A_1256 = arith.extui %sign3A_1255 : i1 to i32
    %sign3A_1257 = arith.constant 0 : i32
    %sign3A_1258 = arith.cmpi slt, %jit3A_1245, %sign3A_1257 : i32
    %sign3A_1259 = arith.extui %sign3A_1258 : i1 to i32
    %sign3A_1260 = arith.subi %sign3A_1256, %sign3A_1259 : i32
    %ne3A_1261 = arith.cmpi ne, %sign3A_1253, %sign3A_1260 : i32
    %rem3A_1262 = arith.remsi %mul3A_2, %jit3A_1245 : i32
    %ne3A_1263 = arith.constant 0 : i32
    %ne3A_1264 = arith.cmpi ne, %rem3A_1262, %ne3A_1263 : i32
    %and3A_1265 = arith.andi %ne3A_1261, %ne3A_1264 : i1
    %sub3A_1266 = arith.constant 1 : i32
    %sub3A_1267 = arith.subi %div3A_1246, %sub3A_1266 : i32
    %select_n3A_1268 = arith.select %and3A_1265, %sub3A_1267, %div3A_1246 : i32
    %jit3A_1269 = arith.constant 64 : i32
    %eq3A_1270 = arith.constant 0 : i32
    %eq3A_1271 = arith.cmpi eq, %jit3A_1269, %eq3A_1270 : i32
    %jit3A_1272 = arith.constant 1 : i32
    %select_n3A_1273 = arith.select %eq3A_1271, %jit3A_1272, %jit3A_1269 : i32
    %rem3A_1274 = arith.remsi %mul3A_2, %select_n3A_1273 : i32
    %ne3A_1275 = arith.constant 0 : i32
    %ne3A_1276 = arith.cmpi ne, %rem3A_1274, %ne3A_1275 : i32
    %lt3A_1277 = arith.constant 0 : i32
    %lt3A_1278 = arith.cmpi slt, %rem3A_1274, %lt3A_1277 : i32
    %lt3A_1279 = arith.constant 0 : i32
    %lt3A_1280 = arith.cmpi slt, %select_n3A_1273, %lt3A_1279 : i32
    %ne3A_1281 = arith.xori %lt3A_1278, %lt3A_1280 : i1
    %and3A_1282 = arith.andi %ne3A_1281, %ne3A_1276 : i1
    %add3A_1283 = arith.addi %rem3A_1274, %select_n3A_1273 : i32
    %select_n3A_1284 = arith.select %and3A_1282, %add3A_1283, %rem3A_1274 : i32
    %mul3A_1285 = arith.constant 4 : i32
    %mul3A_1286 = arith.muli %select_n3A_1284, %mul3A_1285 : i32
    %add3A_1287 = arith.constant 0 : i32
    %add3A_1288 = arith.addi %mul3A_1286, %add3A_1287 : i32
    %dma_wait3A_1289 = arith.constant 12288 : i32
    %dma_wait3A_1290 = tpu.memref_slice %arg11[%dma_wait3A_1289] : memref<16384xf32, #tpu.memory_space<vmem>> -> memref<4096xf32, #tpu.memory_space<vmem>>
    %dma_wait3A_1291 = arith.constant 0 : i32
    %dma_wait3A_1292 = tpu.memref_slice %arg4[%select_n3A_1268, %add3A_1288, %dma_wait3A_1291] : memref<8x256x4096xf32, #tpu.memory_space<hbm>> -> memref<1x1x4096xf32, #tpu.memory_space<hbm>>
    %dma_wait3A_1293 = tpu.memref_squeeze %dma_wait3A_1292 : memref<1x1x4096xf32, #tpu.memory_space<hbm>> -> memref<4096xf32, #tpu.memory_space<hbm>>
    %dma_wait3A_1294 = arith.constant 0 : i32
    %dma_wait3A_1295 = tpu.memref_slice %arg4[%select_n3A_1268, %add3A_1288, %dma_wait3A_1294] : memref<8x256x4096xf32, #tpu.memory_space<hbm>> -> memref<1x1x4096xf32, #tpu.memory_space<hbm>>
    %dma_wait3A_1296 = tpu.memref_squeeze %dma_wait3A_1295 : memref<1x1x4096xf32, #tpu.memory_space<hbm>> -> memref<4096xf32, #tpu.memory_space<hbm>>
    %dma_wait3A_1297 = arith.constant 12288 : i32
    %dma_wait3A_1298 = tpu.memref_slice %arg11[%dma_wait3A_1297] : memref<16384xf32, #tpu.memory_space<vmem>> -> memref<4096xf32, #tpu.memory_space<vmem>>
    tpu.wait_dma2 semaphore(%arg15 : memref<!tpu.dma_semaphore, #tpu.memory_space<semaphore_mem>>) src(%dma_wait3A_1298 : memref<4096xf32, #tpu.memory_space<vmem>>) dst(%dma_wait3A_1296 : memref<4096xf32, #tpu.memory_space<hbm>>)
    return
  }
}

module attributes {stable_mosaic.version = 14 : i64} {
  func.func @_stats_kernel(%arg0: i32, %arg1: i32, %arg2: memref<1x256x4096xf32, #tpu.memory_space<vmem>>, %arg3: memref<256x256xf32, #tpu.memory_space<vmem>>, %arg4: memref<256x1xf32, #tpu.memory_space<vmem>>, %arg5: memref<512x256xf32, #tpu.memory_space<vmem>>, %arg6: memref<512x1xf32, #tpu.memory_space<vmem>>, %arg7: memref<1x128x1xf32, #tpu.memory_space<vmem>>, %arg8: memref<256x256xf32, #tpu.memory_space<vmem>>, %arg9: memref<256x1xf32, #tpu.memory_space<vmem>>) attributes {dimension_semantics = [#tpu.dimension_semantics<arbitrary>, #tpu.dimension_semantics<arbitrary>], iteration_bounds = array<i64: 8, 1>, scalar_prefetch = 0 : i64, scratch_operands = 2 : i64, tpu.core_type = #tpu.core_type<tc>, window_params = [{transform_indices = @transform_0, window_bounds = array<i64: 1, 256, 4096>}, {pipeline_mode = #tpu.pipeline_mode<synchronous>, transform_indices = @transform_1, window_bounds = array<i64: 256, 256>}, {pipeline_mode = #tpu.pipeline_mode<synchronous>, transform_indices = @transform_2, window_bounds = array<i64: 256, 1>}, {pipeline_mode = #tpu.pipeline_mode<synchronous>, transform_indices = @transform_3, window_bounds = array<i64: 512, 256>}, {pipeline_mode = #tpu.pipeline_mode<synchronous>, transform_indices = @transform_4, window_bounds = array<i64: 512, 1>}, {transform_indices = @transform_5, window_bounds = array<i64: 1, 128, 1>}]} {
    %get3A = arith.constant 0 : index
    %get3A_0 = arith.constant 0 : index
    %get3A_1 = arith.constant 0 : index
    %get3A_2 = vector.load %arg2[%get3A, %get3A_0, %get3A_1] : memref<1x256x4096xf32, #tpu.memory_space<vmem>>, vector<1x256x4096xf32>
    %get3A_3 = vector.shape_cast %get3A_2 : vector<1x256x4096xf32> to vector<256x4096xf32>
    %eq3A = arith.constant 0 : i32
    %eq3A_4 = arith.cmpi eq, %arg1, %eq3A : i32
    %convert_element_type3A = arith.extui %eq3A_4 : i1 to i32
    %cond3A = arith.constant 0 : i32
    %cond3A_5 = arith.cmpi ne, %convert_element_type3A, %cond3A : i32
    scf.if %cond3A_5 {
      %broadcast_in_dim3A_26 = arith.constant 0.000000e+00 : f32
      %broadcast_in_dim3A_27 = vector.broadcast %broadcast_in_dim3A_26 : f32 to vector<256x256xf32>
      %swap3A_28 = arith.constant 0 : index
      %swap3A_29 = arith.constant 0 : index
      %swap3A_30 = vector.load %arg8[%swap3A_28, %swap3A_29] : memref<256x256xf32, #tpu.memory_space<vmem>>, vector<256x256xf32>
      tpu.vector_store %arg8[%swap3A_28, %swap3A_29], %broadcast_in_dim3A_27 {strides = array<i32>} : memref<256x256xf32, #tpu.memory_space<vmem>>, vector<256x256xf32>,
      %broadcast_in_dim3A_31 = arith.constant 0.000000e+00 : f32
      %broadcast_in_dim3A_32 = vector.broadcast %broadcast_in_dim3A_31 : f32 to vector<256x1xf32>
      %swap3A_33 = arith.constant 0 : index
      %swap3A_34 = arith.constant 0 : index
      %swap3A_35 = vector.load %arg9[%swap3A_33, %swap3A_34] : memref<256x1xf32, #tpu.memory_space<vmem>>, vector<256x1xf32>
      tpu.vector_store %arg9[%swap3A_33, %swap3A_34], %broadcast_in_dim3A_32 {strides = array<i32>} : memref<256x1xf32, #tpu.memory_space<vmem>>, vector<256x1xf32>,
    } else {
    }
    %convert_element_type3A_6 = arith.truncf %get3A_3 : vector<256x4096xf32> to vector<256x4096xbf16>
    %get3A_7 = arith.constant 0 : index
    %get3A_8 = arith.constant 0 : index
    %get3A_9 = vector.load %arg8[%get3A_7, %get3A_8] : memref<256x256xf32, #tpu.memory_space<vmem>>, vector<256x256xf32>
    %dot_general3A = arith.constant dense<0.000000e+00> : vector<256x256xf32>
    %dot_general3A_10 = tpu.matmul %convert_element_type3A_6, %convert_element_type3A_6, %dot_general3A {dimension_numbers = #tpu.dot_dimension_numbers<[1], [1], [0], [0], [0, 0, 1, 0], [], []>, transpose_lhs_hint = false} : vector<256x4096xbf16>, vector<256x4096xbf16>, vector<256x256xf32> -> vector<256x256xf32>
    %add3A = arith.addf %get3A_9, %dot_general3A_10 : vector<256x256xf32>
    %swap3A = arith.constant 0 : index
    %swap3A_11 = arith.constant 0 : index
    %swap3A_12 = vector.load %arg8[%swap3A, %swap3A_11] : memref<256x256xf32, #tpu.memory_space<vmem>>, vector<256x256xf32>
    tpu.vector_store %arg8[%swap3A, %swap3A_11], %add3A {strides = array<i32>} : memref<256x256xf32, #tpu.memory_space<vmem>>, vector<256x256xf32>,
    %get3A_13 = arith.constant 0 : index
    %get3A_14 = arith.constant 0 : index
    %get3A_15 = vector.load %arg9[%get3A_13, %get3A_14] : memref<256x1xf32, #tpu.memory_space<vmem>>, vector<256x1xf32>
    %reduce_sum3A = arith.constant dense<0.000000e+00> : vector<256xf32>
    %reduce_sum3A_16 = vector.multi_reduction <add>, %get3A_3, %reduce_sum3A [1] : vector<256x4096xf32> to vector<256xf32>
    %broadcast_in_dim3A = vector.shape_cast %reduce_sum3A_16 : vector<256xf32> to vector<256x1xf32>
    %add3A_17 = arith.addf %get3A_15, %broadcast_in_dim3A : vector<256x1xf32>
    %swap3A_18 = arith.constant 0 : index
    %swap3A_19 = arith.constant 0 : index
    %swap3A_20 = vector.load %arg9[%swap3A_18, %swap3A_19] : memref<256x1xf32, #tpu.memory_space<vmem>>, vector<256x1xf32>
    tpu.vector_store %arg9[%swap3A_18, %swap3A_19], %add3A_17 {strides = array<i32>} : memref<256x1xf32, #tpu.memory_space<vmem>>, vector<256x1xf32>,
    %eq3A_21 = arith.constant 0 : i32
    %eq3A_22 = arith.cmpi eq, %arg1, %eq3A_21 : i32
    %convert_element_type3A_23 = arith.extui %eq3A_22 : i1 to i32
    %cond3A_24 = arith.constant 0 : i32
    %cond3A_25 = arith.cmpi ne, %convert_element_type3A_23, %cond3A_24 : i32
    scf.if %cond3A_25 {
      %get3A_26 = arith.constant 0 : index
      %get3A_27 = arith.constant 0 : index
      %get3A_28 = vector.load %arg8[%get3A_26, %get3A_27] : memref<256x256xf32, #tpu.memory_space<vmem>>, vector<256x256xf32>
      %get3A_29 = arith.constant 0 : index
      %get3A_30 = arith.constant 0 : index
      %get3A_31 = vector.load %arg9[%get3A_29, %get3A_30] : memref<256x1xf32, #tpu.memory_space<vmem>>, vector<256x1xf32>
      %get3A_32 = arith.constant 0 : index
      %get3A_33 = arith.constant 0 : index
      %get3A_34 = vector.load %arg3[%get3A_32, %get3A_33] : memref<256x256xf32, #tpu.memory_space<vmem>>, vector<256x256xf32>
      %get3A_35 = arith.constant 0 : index
      %get3A_36 = arith.constant 0 : index
      %get3A_37 = vector.load %arg4[%get3A_35, %get3A_36] : memref<256x1xf32, #tpu.memory_space<vmem>>, vector<256x1xf32>
      %dot_general3A_38 = arith.constant dense<0.000000e+00> : vector<256x256xf32>
      %dot_general3A_39 = tpu.matmul %get3A_34, %get3A_28, %dot_general3A_38 {dimension_numbers = #tpu.dot_dimension_numbers<[1], [0], [0], [1], [0, 0, 1, 1], [], []>, transpose_lhs_hint = false} : vector<256x256xf32>, vector<256x256xf32>, vector<256x256xf32> -> vector<256x256xf32>
      %mul3A = arith.mulf %dot_general3A_39, %get3A_34 : vector<256x256xf32>
      %reduce_sum3A_40 = arith.constant dense<0.000000e+00> : vector<256xf32>
      %reduce_sum3A_41 = vector.multi_reduction <add>, %mul3A, %reduce_sum3A_40 [1] : vector<256x256xf32> to vector<256xf32>
      %broadcast_in_dim3A_42 = vector.shape_cast %reduce_sum3A_41 : vector<256xf32> to vector<256x1xf32>
      %dot_general3A_43 = arith.constant dense<0.000000e+00> : vector<256x1xf32>
      %dot_general3A_44 = tpu.matmul %get3A_34, %get3A_31, %dot_general3A_43 {dimension_numbers = #tpu.dot_dimension_numbers<[1], [0], [0], [1], [0, 0, 1, 1], [], []>, transpose_lhs_hint = false} : vector<256x256xf32>, vector<256x1xf32>, vector<256x1xf32> -> vector<256x1xf32>
      %mul3A_45 = arith.constant 4.096000e+03 : f32
      %mul3A_46 = vector.broadcast %mul3A_45 : f32 to vector<256x1xf32>
      %mul3A_47 = arith.mulf %mul3A_46, %get3A_37 : vector<256x1xf32>
      %add3A_48 = arith.addf %dot_general3A_44, %mul3A_47 : vector<256x1xf32>
      %mul3A_49 = arith.constant 2.000000e+00 : f32
      %mul3A_50 = vector.broadcast %mul3A_49 : f32 to vector<256x1xf32>
      %mul3A_51 = arith.mulf %mul3A_50, %get3A_37 : vector<256x1xf32>
      %mul3A_52 = arith.mulf %mul3A_51, %dot_general3A_44 : vector<256x1xf32>
      %add3A_53 = arith.addf %broadcast_in_dim3A_42, %mul3A_52 : vector<256x1xf32>
      %mul3A_54 = arith.mulf %get3A_37, %get3A_37 : vector<256x1xf32>
      %mul3A_55 = arith.constant 4.096000e+03 : f32
      %mul3A_56 = vector.broadcast %mul3A_55 : f32 to vector<256x1xf32>
      %mul3A_57 = arith.mulf %mul3A_56, %mul3A_54 : vector<256x1xf32>
      %add3A_58 = arith.addf %add3A_53, %mul3A_57 : vector<256x1xf32>
      %iota3A = tpu.iota {dimensions = array<i32: 0>} : vector<32x256xi32>
      %iota3A_59 = tpu.iota {dimensions = array<i32: 1>} : vector<32x256xi32>
      %jit3A = arith.constant 8 : i32
      %div3A = vector.broadcast %jit3A : i32 to vector<32x256xi32>
      %div3A_60 = arith.divsi %iota3A_59, %div3A : vector<32x256xi32>
      %sign3A = arith.constant 0 : i32
      %sign3A_61 = vector.broadcast %sign3A : i32 to vector<32x256xi32>
      %sign3A_62 = arith.cmpi sgt, %iota3A_59, %sign3A_61 : vector<32x256xi32>
      %sign3A_63 = arith.extui %sign3A_62 : vector<32x256xi1> to vector<32x256xi32>
      %sign3A_64 = arith.constant 0 : i32
      %sign3A_65 = vector.broadcast %sign3A_64 : i32 to vector<32x256xi32>
      %sign3A_66 = arith.cmpi slt, %iota3A_59, %sign3A_65 : vector<32x256xi32>
      %sign3A_67 = arith.extui %sign3A_66 : vector<32x256xi1> to vector<32x256xi32>
      %sign3A_68 = arith.subi %sign3A_63, %sign3A_67 : vector<32x256xi32>
      %sign3A_69 = arith.constant 0 : i32
      %sign3A_70 = arith.cmpi sgt, %jit3A, %sign3A_69 : i32
      %sign3A_71 = arith.extui %sign3A_70 : i1 to i32
      %sign3A_72 = arith.constant 0 : i32
      %sign3A_73 = arith.cmpi slt, %jit3A, %sign3A_72 : i32
      %sign3A_74 = arith.extui %sign3A_73 : i1 to i32
      %sign3A_75 = arith.subi %sign3A_71, %sign3A_74 : i32
      %ne3A = vector.broadcast %sign3A_75 : i32 to vector<32x256xi32>
      %ne3A_76 = arith.cmpi ne, %sign3A_68, %ne3A : vector<32x256xi32>
      %rem3A = vector.broadcast %jit3A : i32 to vector<32x256xi32>
      %rem3A_77 = arith.remsi %iota3A_59, %rem3A : vector<32x256xi32>
      %ne3A_78 = arith.constant 0 : i32
      %ne3A_79 = vector.broadcast %ne3A_78 : i32 to vector<32x256xi32>
      %ne3A_80 = arith.cmpi ne, %rem3A_77, %ne3A_79 : vector<32x256xi32>
      %and3A = arith.andi %ne3A_76, %ne3A_80 : vector<32x256xi1>
      %sub3A = arith.constant 1 : i32
      %sub3A_81 = vector.broadcast %sub3A : i32 to vector<32x256xi32>
      %sub3A_82 = arith.subi %div3A_60, %sub3A_81 : vector<32x256xi32>
      %select_n3A = arith.select %and3A, %sub3A_82, %div3A_60 : vector<32x256xi1>, vector<32x256xi32>
      %eq3A_83 = arith.cmpi eq, %select_n3A, %iota3A : vector<32x256xi32>
      %convert_element_type3A_84 = arith.extui %eq3A_83 : vector<32x256xi1> to vector<32x256xi32>
      %convert_element_type3A_85 = arith.sitofp %convert_element_type3A_84 : vector<32x256xi32> to vector<32x256xf32>
      %dot_general3A_86 = arith.constant dense<0.000000e+00> : vector<32x1xf32>
      %dot_general3A_87 = tpu.matmul %convert_element_type3A_85, %add3A_48, %dot_general3A_86 {dimension_numbers = #tpu.dot_dimension_numbers<[1], [0], [0], [1], [0, 0, 1, 1], [], []>, transpose_lhs_hint = false} : vector<32x256xf32>, vector<256x1xf32>, vector<32x1xf32> -> vector<32x1xf32>
      %dot_general3A_88 = arith.constant dense<0.000000e+00> : vector<32x1xf32>
      %dot_general3A_89 = tpu.matmul %convert_element_type3A_85, %add3A_58, %dot_general3A_88 {dimension_numbers = #tpu.dot_dimension_numbers<[1], [0], [0], [1], [0, 0, 1, 1], [], []>, transpose_lhs_hint = false} : vector<32x256xf32>, vector<256x1xf32>, vector<32x1xf32> -> vector<32x1xf32>
      %div3A_90 = arith.constant 3.276800e+04 : f32
      %div3A_91 = vector.broadcast %div3A_90 : f32 to vector<32x1xf32>
      %div3A_92 = arith.divf %dot_general3A_87, %div3A_91 : vector<32x1xf32>
      %div3A_93 = arith.constant 3.276800e+04 : f32
      %div3A_94 = vector.broadcast %div3A_93 : f32 to vector<32x1xf32>
      %div3A_95 = arith.divf %dot_general3A_89, %div3A_94 : vector<32x1xf32>
      %mul3A_96 = arith.mulf %div3A_92, %div3A_92 : vector<32x1xf32>
      %sub3A_97 = arith.subf %div3A_95, %mul3A_96 : vector<32x1xf32>
      %add3A_98 = arith.constant 9.99999974E-6 : f32
      %add3A_99 = vector.broadcast %add3A_98 : f32 to vector<32x1xf32>
      %add3A_100 = arith.addf %sub3A_97, %add3A_99 : vector<32x1xf32>
      %rsqrt3A = math.rsqrt %add3A_100 : vector<32x1xf32>
      %get3A_101 = arith.constant 0 : index
      %get3A_102 = arith.constant 0 : index
      %get3A_103 = vector.load %arg5[%get3A_101, %get3A_102] : memref<512x256xf32, #tpu.memory_space<vmem>>, vector<512x256xf32>
      %get3A_104 = arith.constant 0 : index
      %get3A_105 = arith.constant 0 : index
      %get3A_106 = vector.load %arg6[%get3A_104, %get3A_105] : memref<512x1xf32, #tpu.memory_space<vmem>>, vector<512x1xf32>
      %dot_general3A_107 = arith.constant dense<0.000000e+00> : vector<512x256xf32>
      %dot_general3A_108 = tpu.matmul %get3A_103, %get3A_28, %dot_general3A_107 {dimension_numbers = #tpu.dot_dimension_numbers<[1], [0], [0], [1], [0, 0, 1, 1], [], []>, transpose_lhs_hint = false} : vector<512x256xf32>, vector<256x256xf32>, vector<512x256xf32> -> vector<512x256xf32>
      %mul3A_109 = arith.mulf %dot_general3A_108, %get3A_103 : vector<512x256xf32>
      %reduce_sum3A_110 = arith.constant dense<0.000000e+00> : vector<512xf32>
      %reduce_sum3A_111 = vector.multi_reduction <add>, %mul3A_109, %reduce_sum3A_110 [1] : vector<512x256xf32> to vector<512xf32>
      %broadcast_in_dim3A_112 = vector.shape_cast %reduce_sum3A_111 : vector<512xf32> to vector<512x1xf32>
      %dot_general3A_113 = arith.constant dense<0.000000e+00> : vector<512x1xf32>
      %dot_general3A_114 = tpu.matmul %get3A_103, %get3A_31, %dot_general3A_113 {dimension_numbers = #tpu.dot_dimension_numbers<[1], [0], [0], [1], [0, 0, 1, 1], [], []>, transpose_lhs_hint = false} : vector<512x256xf32>, vector<256x1xf32>, vector<512x1xf32> -> vector<512x1xf32>
      %mul3A_115 = arith.constant 4.096000e+03 : f32
      %mul3A_116 = vector.broadcast %mul3A_115 : f32 to vector<512x1xf32>
      %mul3A_117 = arith.mulf %mul3A_116, %get3A_106 : vector<512x1xf32>
      %add3A_118 = arith.addf %dot_general3A_114, %mul3A_117 : vector<512x1xf32>
      %mul3A_119 = arith.constant 2.000000e+00 : f32
      %mul3A_120 = vector.broadcast %mul3A_119 : f32 to vector<512x1xf32>
      %mul3A_121 = arith.mulf %mul3A_120, %get3A_106 : vector<512x1xf32>
      %mul3A_122 = arith.mulf %mul3A_121, %dot_general3A_114 : vector<512x1xf32>
      %add3A_123 = arith.addf %broadcast_in_dim3A_112, %mul3A_122 : vector<512x1xf32>
      %mul3A_124 = arith.mulf %get3A_106, %get3A_106 : vector<512x1xf32>
      %mul3A_125 = arith.constant 4.096000e+03 : f32
      %mul3A_126 = vector.broadcast %mul3A_125 : f32 to vector<512x1xf32>
      %mul3A_127 = arith.mulf %mul3A_126, %mul3A_124 : vector<512x1xf32>
      %add3A_128 = arith.addf %add3A_123, %mul3A_127 : vector<512x1xf32>
      %iota3A_129 = tpu.iota {dimensions = array<i32: 0>} : vector<32x512xi32>
      %iota3A_130 = tpu.iota {dimensions = array<i32: 1>} : vector<32x512xi32>
      %jit3A_131 = arith.constant 16 : i32
      %div3A_132 = vector.broadcast %jit3A_131 : i32 to vector<32x512xi32>
      %div3A_133 = arith.divsi %iota3A_130, %div3A_132 : vector<32x512xi32>
      %sign3A_134 = arith.constant 0 : i32
      %sign3A_135 = vector.broadcast %sign3A_134 : i32 to vector<32x512xi32>
      %sign3A_136 = arith.cmpi sgt, %iota3A_130, %sign3A_135 : vector<32x512xi32>
      %sign3A_137 = arith.extui %sign3A_136 : vector<32x512xi1> to vector<32x512xi32>
      %sign3A_138 = arith.constant 0 : i32
      %sign3A_139 = vector.broadcast %sign3A_138 : i32 to vector<32x512xi32>
      %sign3A_140 = arith.cmpi slt, %iota3A_130, %sign3A_139 : vector<32x512xi32>
      %sign3A_141 = arith.extui %sign3A_140 : vector<32x512xi1> to vector<32x512xi32>
      %sign3A_142 = arith.subi %sign3A_137, %sign3A_141 : vector<32x512xi32>
      %sign3A_143 = arith.constant 0 : i32
      %sign3A_144 = arith.cmpi sgt, %jit3A_131, %sign3A_143 : i32
      %sign3A_145 = arith.extui %sign3A_144 : i1 to i32
      %sign3A_146 = arith.constant 0 : i32
      %sign3A_147 = arith.cmpi slt, %jit3A_131, %sign3A_146 : i32
      %sign3A_148 = arith.extui %sign3A_147 : i1 to i32
      %sign3A_149 = arith.subi %sign3A_145, %sign3A_148 : i32
      %ne3A_150 = vector.broadcast %sign3A_149 : i32 to vector<32x512xi32>
      %ne3A_151 = arith.cmpi ne, %sign3A_142, %ne3A_150 : vector<32x512xi32>
      %rem3A_152 = vector.broadcast %jit3A_131 : i32 to vector<32x512xi32>
      %rem3A_153 = arith.remsi %iota3A_130, %rem3A_152 : vector<32x512xi32>
      %ne3A_154 = arith.constant 0 : i32
      %ne3A_155 = vector.broadcast %ne3A_154 : i32 to vector<32x512xi32>
      %ne3A_156 = arith.cmpi ne, %rem3A_153, %ne3A_155 : vector<32x512xi32>
      %and3A_157 = arith.andi %ne3A_151, %ne3A_156 : vector<32x512xi1>
      %sub3A_158 = arith.constant 1 : i32
      %sub3A_159 = vector.broadcast %sub3A_158 : i32 to vector<32x512xi32>
      %sub3A_160 = arith.subi %div3A_133, %sub3A_159 : vector<32x512xi32>
      %select_n3A_161 = arith.select %and3A_157, %sub3A_160, %div3A_133 : vector<32x512xi1>, vector<32x512xi32>
      %eq3A_162 = arith.cmpi eq, %select_n3A_161, %iota3A_129 : vector<32x512xi32>
      %convert_element_type3A_163 = arith.extui %eq3A_162 : vector<32x512xi1> to vector<32x512xi32>
      %convert_element_type3A_164 = arith.sitofp %convert_element_type3A_163 : vector<32x512xi32> to vector<32x512xf32>
      %dot_general3A_165 = arith.constant dense<0.000000e+00> : vector<32x1xf32>
      %dot_general3A_166 = tpu.matmul %convert_element_type3A_164, %add3A_118, %dot_general3A_165 {dimension_numbers = #tpu.dot_dimension_numbers<[1], [0], [0], [1], [0, 0, 1, 1], [], []>, transpose_lhs_hint = false} : vector<32x512xf32>, vector<512x1xf32>, vector<32x1xf32> -> vector<32x1xf32>
      %dot_general3A_167 = arith.constant dense<0.000000e+00> : vector<32x1xf32>
      %dot_general3A_168 = tpu.matmul %convert_element_type3A_164, %add3A_128, %dot_general3A_167 {dimension_numbers = #tpu.dot_dimension_numbers<[1], [0], [0], [1], [0, 0, 1, 1], [], []>, transpose_lhs_hint = false} : vector<32x512xf32>, vector<512x1xf32>, vector<32x1xf32> -> vector<32x1xf32>
      %div3A_169 = arith.constant 6.553600e+04 : f32
      %div3A_170 = vector.broadcast %div3A_169 : f32 to vector<32x1xf32>
      %div3A_171 = arith.divf %dot_general3A_166, %div3A_170 : vector<32x1xf32>
      %div3A_172 = arith.constant 6.553600e+04 : f32
      %div3A_173 = vector.broadcast %div3A_172 : f32 to vector<32x1xf32>
      %div3A_174 = arith.divf %dot_general3A_168, %div3A_173 : vector<32x1xf32>
      %mul3A_175 = arith.mulf %div3A_171, %div3A_171 : vector<32x1xf32>
      %sub3A_176 = arith.subf %div3A_174, %mul3A_175 : vector<32x1xf32>
      %add3A_177 = arith.constant 9.99999974E-6 : f32
      %add3A_178 = vector.broadcast %add3A_177 : f32 to vector<32x1xf32>
      %add3A_179 = arith.addf %sub3A_176, %add3A_178 : vector<32x1xf32>
      %rsqrt3A_180 = math.rsqrt %add3A_179 : vector<32x1xf32>
      %swap3A_181 = arith.constant 0 : index
      %swap3A_182 = arith.constant 0 : index
      %swap3A_183 = arith.constant 0 : index
      %swap3A_184 = vector.load %arg7[%swap3A_181, %swap3A_182, %swap3A_183] : memref<1x128x1xf32, #tpu.memory_space<vmem>>, vector<1x32x1xf32>
      %swap3A_185 = vector.shape_cast %swap3A_184 : vector<1x32x1xf32> to vector<32x1xf32>
      %swap3A_186 = vector.shape_cast %div3A_92 : vector<32x1xf32> to vector<1x32x1xf32>
      tpu.vector_store %arg7[%swap3A_181, %swap3A_182, %swap3A_183], %swap3A_186 {strides = array<i32>} : memref<1x128x1xf32, #tpu.memory_space<vmem>>, vector<1x32x1xf32>,
      %swap3A_187 = arith.constant 0 : index
      %swap3A_188 = arith.constant 32 : index
      %swap3A_189 = arith.constant 0 : index
      %swap3A_190 = vector.load %arg7[%swap3A_187, %swap3A_188, %swap3A_189] : memref<1x128x1xf32, #tpu.memory_space<vmem>>, vector<1x32x1xf32>
      %swap3A_191 = vector.shape_cast %swap3A_190 : vector<1x32x1xf32> to vector<32x1xf32>
      %swap3A_192 = vector.shape_cast %rsqrt3A : vector<32x1xf32> to vector<1x32x1xf32>
      tpu.vector_store %arg7[%swap3A_187, %swap3A_188, %swap3A_189], %swap3A_192 {strides = array<i32>} : memref<1x128x1xf32, #tpu.memory_space<vmem>>, vector<1x32x1xf32>,
      %swap3A_193 = arith.constant 0 : index
      %swap3A_194 = arith.constant 64 : index
      %swap3A_195 = arith.constant 0 : index
      %swap3A_196 = vector.load %arg7[%swap3A_193, %swap3A_194, %swap3A_195] : memref<1x128x1xf32, #tpu.memory_space<vmem>>, vector<1x32x1xf32>
      %swap3A_197 = vector.shape_cast %swap3A_196 : vector<1x32x1xf32> to vector<32x1xf32>
      %swap3A_198 = vector.shape_cast %div3A_171 : vector<32x1xf32> to vector<1x32x1xf32>
      tpu.vector_store %arg7[%swap3A_193, %swap3A_194, %swap3A_195], %swap3A_198 {strides = array<i32>} : memref<1x128x1xf32, #tpu.memory_space<vmem>>, vector<1x32x1xf32>,
      %swap3A_199 = arith.constant 0 : index
      %swap3A_200 = arith.constant 96 : index
      %swap3A_201 = arith.constant 0 : index
      %swap3A_202 = vector.load %arg7[%swap3A_199, %swap3A_200, %swap3A_201] : memref<1x128x1xf32, #tpu.memory_space<vmem>>, vector<1x32x1xf32>
      %swap3A_203 = vector.shape_cast %swap3A_202 : vector<1x32x1xf32> to vector<32x1xf32>
      %swap3A_204 = vector.shape_cast %rsqrt3A_180 : vector<32x1xf32> to vector<1x32x1xf32>
      tpu.vector_store %arg7[%swap3A_199, %swap3A_200, %swap3A_201], %swap3A_204 {strides = array<i32>} : memref<1x128x1xf32, #tpu.memory_space<vmem>>, vector<1x32x1xf32>,
    } else {
    }
    return
  }
  func.func @transform_0(%arg0: i32, %arg1: i32) -> (i32, i32, i32) {
    %c0_i32 = arith.constant 0 : i32
    %c0_i32_0 = arith.constant 0 : i32
    return %arg0, %c0_i32, %arg1 : i32, i32, i32
  }
  func.func @transform_1(%arg0: i32, %arg1: i32) -> (i32, i32) {
    %c0_i32 = arith.constant 0 : i32
    %c0_i32_0 = arith.constant 0 : i32
    %c0_i32_1 = arith.constant 0 : i32
    return %c0_i32, %c0_i32_0 : i32, i32
  }
  func.func @transform_2(%arg0: i32, %arg1: i32) -> (i32, i32) {
    %c0_i32 = arith.constant 0 : i32
    %c0_i32_0 = arith.constant 0 : i32
    %c0_i32_1 = arith.constant 0 : i32
    return %c0_i32, %c0_i32_0 : i32, i32
  }
  func.func @transform_3(%arg0: i32, %arg1: i32) -> (i32, i32) {
    %c0_i32 = arith.constant 0 : i32
    %c0_i32_0 = arith.constant 0 : i32
    %c0_i32_1 = arith.constant 0 : i32
    return %c0_i32, %c0_i32_0 : i32, i32
  }
  func.func @transform_4(%arg0: i32, %arg1: i32) -> (i32, i32) {
    %c0_i32 = arith.constant 0 : i32
    %c0_i32_0 = arith.constant 0 : i32
    %c0_i32_1 = arith.constant 0 : i32
    return %c0_i32, %c0_i32_0 : i32, i32
  }
  func.func @transform_5(%arg0: i32, %arg1: i32) -> (i32, i32, i32) {
    %c0_i32 = arith.constant 0 : i32
    %c0_i32_0 = arith.constant 0 : i32
    %c0_i32_1 = arith.constant 0 : i32
    return %arg0, %c0_i32, %c0_i32_0 : i32, i32, i32
  }
}

module attributes {stable_mosaic.version = 14 : i64} {
  func.func @_blockb_kernel(%arg0: i32, %arg1: i32, %arg2: memref<1x256x2048xf32, #tpu.memory_space<vmem>>, %arg3: memref<1x256x2048xf32, #tpu.memory_space<vmem>>, %arg4: memref<1x128x1xf32, #tpu.memory_space<vmem>>, %arg5: memref<256x256xf32, #tpu.memory_space<vmem>>, %arg6: memref<256x1xf32, #tpu.memory_space<vmem>>, %arg7: memref<256x1xf32, #tpu.memory_space<vmem>>, %arg8: memref<256x1xf32, #tpu.memory_space<vmem>>, %arg9: memref<512x256xf32, #tpu.memory_space<vmem>>, %arg10: memref<512x1xf32, #tpu.memory_space<vmem>>, %arg11: memref<512x1xf32, #tpu.memory_space<vmem>>, %arg12: memref<512x1xf32, #tpu.memory_space<vmem>>, %arg13: memref<256x1024xf32, #tpu.memory_space<vmem>>, %arg14: memref<256x1xf32, #tpu.memory_space<vmem>>, %arg15: memref<1x512x2048xf32, #tpu.memory_space<vmem>>, %arg16: memref<1x256x2048xbf16, #tpu.memory_space<vmem>>, %arg17: memref<1x64x1xf32, #tpu.memory_space<vmem>>) attributes {dimension_semantics = [#tpu.dimension_semantics<arbitrary>, #tpu.dimension_semantics<arbitrary>], iteration_bounds = array<i64: 8, 2>, scalar_prefetch = 0 : i64, scratch_operands = 0 : i64, tpu.core_type = #tpu.core_type<tc>, window_params = [{transform_indices = @transform_0, window_bounds = array<i64: 1, 256, 2048>}, {transform_indices = @transform_1, window_bounds = array<i64: 1, 256, 2048>}, {transform_indices = @transform_2, window_bounds = array<i64: 1, 128, 1>}, {pipeline_mode = #tpu.pipeline_mode<synchronous>, transform_indices = @transform_3, window_bounds = array<i64: 256, 256>}, {pipeline_mode = #tpu.pipeline_mode<synchronous>, transform_indices = @transform_4, window_bounds = array<i64: 256, 1>}, {pipeline_mode = #tpu.pipeline_mode<synchronous>, transform_indices = @transform_5, window_bounds = array<i64: 256, 1>}, {pipeline_mode = #tpu.pipeline_mode<synchronous>, transform_indices = @transform_6, window_bounds = array<i64: 256, 1>}, {pipeline_mode = #tpu.pipeline_mode<synchronous>, transform_indices = @transform_7, window_bounds = array<i64: 512, 256>}, {pipeline_mode = #tpu.pipeline_mode<synchronous>, transform_indices = @transform_8, window_bounds = array<i64: 512, 1>}, {pipeline_mode = #tpu.pipeline_mode<synchronous>, transform_indices = @transform_9, window_bounds = array<i64: 512, 1>}, {pipeline_mode = #tpu.pipeline_mode<synchronous>, transform_indices = @transform_10, window_bounds = array<i64: 512, 1>}, {pipeline_mode = #tpu.pipeline_mode<synchronous>, transform_indices = @transform_11, window_bounds = array<i64: 256, 1024>}, {pipeline_mode = #tpu.pipeline_mode<synchronous>, transform_indices = @transform_12, window_bounds = array<i64: 256, 1>}, {transform_indices = @transform_13, window_bounds = array<i64: 1, 512, 2048>}, {transform_indices = @transform_14, window_bounds = array<i64: 1, 256, 2048>}, {transform_indices = @transform_15, window_bounds = array<i64: 1, 64, 1>}]} {
    %get3A = arith.constant 0 : index
    %get3A_0 = arith.constant 0 : index
    %get3A_1 = arith.constant 0 : index
    %get3A_2 = vector.load %arg2[%get3A, %get3A_0, %get3A_1] : memref<1x256x2048xf32, #tpu.memory_space<vmem>>, vector<1x256x2048xf32>
    %get3A_3 = vector.shape_cast %get3A_2 : vector<1x256x2048xf32> to vector<256x2048xf32>
    %get3A_4 = arith.constant 0 : index
    %get3A_5 = arith.constant 0 : index
    %get3A_6 = arith.constant 0 : index
    %get3A_7 = vector.load %arg3[%get3A_4, %get3A_5, %get3A_6] : memref<1x256x2048xf32, #tpu.memory_space<vmem>>, vector<1x256x2048xf32>
    %get3A_8 = vector.shape_cast %get3A_7 : vector<1x256x2048xf32> to vector<256x2048xf32>
    %get3A_9 = arith.constant 0 : index
    %get3A_10 = arith.constant 0 : index
    %get3A_11 = arith.constant 0 : index
    %get3A_12 = vector.load %arg4[%get3A_9, %get3A_10, %get3A_11] : memref<1x128x1xf32, #tpu.memory_space<vmem>>, vector<1x128x1xf32>
    %get3A_13 = vector.shape_cast %get3A_12 : vector<1x128x1xf32> to vector<128x1xf32>
    %iota3A = tpu.iota {dimensions = array<i32: 1>} : vector<256x32xi32>
    %iota3A_14 = tpu.iota {dimensions = array<i32: 0>} : vector<256x32xi32>
    %jit3A = arith.constant 8 : i32
    %div3A = vector.broadcast %jit3A : i32 to vector<256x32xi32>
    %div3A_15 = arith.divsi %iota3A_14, %div3A : vector<256x32xi32>
    %sign3A = arith.constant 0 : i32
    %sign3A_16 = vector.broadcast %sign3A : i32 to vector<256x32xi32>
    %sign3A_17 = arith.cmpi sgt, %iota3A_14, %sign3A_16 : vector<256x32xi32>
    %sign3A_18 = arith.extui %sign3A_17 : vector<256x32xi1> to vector<256x32xi32>
    %sign3A_19 = arith.constant 0 : i32
    %sign3A_20 = vector.broadcast %sign3A_19 : i32 to vector<256x32xi32>
    %sign3A_21 = arith.cmpi slt, %iota3A_14, %sign3A_20 : vector<256x32xi32>
    %sign3A_22 = arith.extui %sign3A_21 : vector<256x32xi1> to vector<256x32xi32>
    %sign3A_23 = arith.subi %sign3A_18, %sign3A_22 : vector<256x32xi32>
    %sign3A_24 = arith.constant 0 : i32
    %sign3A_25 = arith.cmpi sgt, %jit3A, %sign3A_24 : i32
    %sign3A_26 = arith.extui %sign3A_25 : i1 to i32
    %sign3A_27 = arith.constant 0 : i32
    %sign3A_28 = arith.cmpi slt, %jit3A, %sign3A_27 : i32
    %sign3A_29 = arith.extui %sign3A_28 : i1 to i32
    %sign3A_30 = arith.subi %sign3A_26, %sign3A_29 : i32
    %ne3A = vector.broadcast %sign3A_30 : i32 to vector<256x32xi32>
    %ne3A_31 = arith.cmpi ne, %sign3A_23, %ne3A : vector<256x32xi32>
    %rem3A = vector.broadcast %jit3A : i32 to vector<256x32xi32>
    %rem3A_32 = arith.remsi %iota3A_14, %rem3A : vector<256x32xi32>
    %ne3A_33 = arith.constant 0 : i32
    %ne3A_34 = vector.broadcast %ne3A_33 : i32 to vector<256x32xi32>
    %ne3A_35 = arith.cmpi ne, %rem3A_32, %ne3A_34 : vector<256x32xi32>
    %and3A = arith.andi %ne3A_31, %ne3A_35 : vector<256x32xi1>
    %sub3A = arith.constant 1 : i32
    %sub3A_36 = vector.broadcast %sub3A : i32 to vector<256x32xi32>
    %sub3A_37 = arith.subi %div3A_15, %sub3A_36 : vector<256x32xi32>
    %select_n3A = arith.select %and3A, %sub3A_37, %div3A_15 : vector<256x32xi1>, vector<256x32xi32>
    %eq3A = arith.cmpi eq, %select_n3A, %iota3A : vector<256x32xi32>
    %convert_element_type3A = arith.extui %eq3A : vector<256x32xi1> to vector<256x32xi32>
    %convert_element_type3A_38 = arith.sitofp %convert_element_type3A : vector<256x32xi32> to vector<256x32xf32>
    %iota3A_39 = tpu.iota {dimensions = array<i32: 1>} : vector<512x32xi32>
    %iota3A_40 = tpu.iota {dimensions = array<i32: 0>} : vector<512x32xi32>
    %jit3A_41 = arith.constant 16 : i32
    %div3A_42 = vector.broadcast %jit3A_41 : i32 to vector<512x32xi32>
    %div3A_43 = arith.divsi %iota3A_40, %div3A_42 : vector<512x32xi32>
    %sign3A_44 = arith.constant 0 : i32
    %sign3A_45 = vector.broadcast %sign3A_44 : i32 to vector<512x32xi32>
    %sign3A_46 = arith.cmpi sgt, %iota3A_40, %sign3A_45 : vector<512x32xi32>
    %sign3A_47 = arith.extui %sign3A_46 : vector<512x32xi1> to vector<512x32xi32>
    %sign3A_48 = arith.constant 0 : i32
    %sign3A_49 = vector.broadcast %sign3A_48 : i32 to vector<512x32xi32>
    %sign3A_50 = arith.cmpi slt, %iota3A_40, %sign3A_49 : vector<512x32xi32>
    %sign3A_51 = arith.extui %sign3A_50 : vector<512x32xi1> to vector<512x32xi32>
    %sign3A_52 = arith.subi %sign3A_47, %sign3A_51 : vector<512x32xi32>
    %sign3A_53 = arith.constant 0 : i32
    %sign3A_54 = arith.cmpi sgt, %jit3A_41, %sign3A_53 : i32
    %sign3A_55 = arith.extui %sign3A_54 : i1 to i32
    %sign3A_56 = arith.constant 0 : i32
    %sign3A_57 = arith.cmpi slt, %jit3A_41, %sign3A_56 : i32
    %sign3A_58 = arith.extui %sign3A_57 : i1 to i32
    %sign3A_59 = arith.subi %sign3A_55, %sign3A_58 : i32
    %ne3A_60 = vector.broadcast %sign3A_59 : i32 to vector<512x32xi32>
    %ne3A_61 = arith.cmpi ne, %sign3A_52, %ne3A_60 : vector<512x32xi32>
    %rem3A_62 = vector.broadcast %jit3A_41 : i32 to vector<512x32xi32>
    %rem3A_63 = arith.remsi %iota3A_40, %rem3A_62 : vector<512x32xi32>
    %ne3A_64 = arith.constant 0 : i32
    %ne3A_65 = vector.broadcast %ne3A_64 : i32 to vector<512x32xi32>
    %ne3A_66 = arith.cmpi ne, %rem3A_63, %ne3A_65 : vector<512x32xi32>
    %and3A_67 = arith.andi %ne3A_61, %ne3A_66 : vector<512x32xi1>
    %sub3A_68 = arith.constant 1 : i32
    %sub3A_69 = vector.broadcast %sub3A_68 : i32 to vector<512x32xi32>
    %sub3A_70 = arith.subi %div3A_43, %sub3A_69 : vector<512x32xi32>
    %select_n3A_71 = arith.select %and3A_67, %sub3A_70, %div3A_43 : vector<512x32xi1>, vector<512x32xi32>
    %eq3A_72 = arith.cmpi eq, %select_n3A_71, %iota3A_39 : vector<512x32xi32>
    %convert_element_type3A_73 = arith.extui %eq3A_72 : vector<512x32xi1> to vector<512x32xi32>
    %convert_element_type3A_74 = arith.sitofp %convert_element_type3A_73 : vector<512x32xi32> to vector<512x32xf32>
    %iota3A_75 = tpu.iota {dimensions = array<i32: 0>} : vector<32x256xi32>
    %iota3A_76 = tpu.iota {dimensions = array<i32: 1>} : vector<32x256xi32>
    %jit3A_77 = arith.constant 8 : i32
    %div3A_78 = vector.broadcast %jit3A_77 : i32 to vector<32x256xi32>
    %div3A_79 = arith.divsi %iota3A_76, %div3A_78 : vector<32x256xi32>
    %sign3A_80 = arith.constant 0 : i32
    %sign3A_81 = vector.broadcast %sign3A_80 : i32 to vector<32x256xi32>
    %sign3A_82 = arith.cmpi sgt, %iota3A_76, %sign3A_81 : vector<32x256xi32>
    %sign3A_83 = arith.extui %sign3A_82 : vector<32x256xi1> to vector<32x256xi32>
    %sign3A_84 = arith.constant 0 : i32
    %sign3A_85 = vector.broadcast %sign3A_84 : i32 to vector<32x256xi32>
    %sign3A_86 = arith.cmpi slt, %iota3A_76, %sign3A_85 : vector<32x256xi32>
    %sign3A_87 = arith.extui %sign3A_86 : vector<32x256xi1> to vector<32x256xi32>
    %sign3A_88 = arith.subi %sign3A_83, %sign3A_87 : vector<32x256xi32>
    %sign3A_89 = arith.constant 0 : i32
    %sign3A_90 = arith.cmpi sgt, %jit3A_77, %sign3A_89 : i32
    %sign3A_91 = arith.extui %sign3A_90 : i1 to i32
    %sign3A_92 = arith.constant 0 : i32
    %sign3A_93 = arith.cmpi slt, %jit3A_77, %sign3A_92 : i32
    %sign3A_94 = arith.extui %sign3A_93 : i1 to i32
    %sign3A_95 = arith.subi %sign3A_91, %sign3A_94 : i32
    %ne3A_96 = vector.broadcast %sign3A_95 : i32 to vector<32x256xi32>
    %ne3A_97 = arith.cmpi ne, %sign3A_88, %ne3A_96 : vector<32x256xi32>
    %rem3A_98 = vector.broadcast %jit3A_77 : i32 to vector<32x256xi32>
    %rem3A_99 = arith.remsi %iota3A_76, %rem3A_98 : vector<32x256xi32>
    %ne3A_100 = arith.constant 0 : i32
    %ne3A_101 = vector.broadcast %ne3A_100 : i32 to vector<32x256xi32>
    %ne3A_102 = arith.cmpi ne, %rem3A_99, %ne3A_101 : vector<32x256xi32>
    %and3A_103 = arith.andi %ne3A_97, %ne3A_102 : vector<32x256xi1>
    %sub3A_104 = arith.constant 1 : i32
    %sub3A_105 = vector.broadcast %sub3A_104 : i32 to vector<32x256xi32>
    %sub3A_106 = arith.subi %div3A_79, %sub3A_105 : vector<32x256xi32>
    %select_n3A_107 = arith.select %and3A_103, %sub3A_106, %div3A_79 : vector<32x256xi1>, vector<32x256xi32>
    %eq3A_108 = arith.cmpi eq, %select_n3A_107, %iota3A_75 : vector<32x256xi32>
    %convert_element_type3A_109 = arith.extui %eq3A_108 : vector<32x256xi1> to vector<32x256xi32>
    %convert_element_type3A_110 = arith.sitofp %convert_element_type3A_109 : vector<32x256xi32> to vector<32x256xf32>
    %get3A_111 = arith.constant 0 : index
    %get3A_112 = arith.constant 0 : index
    %get3A_113 = vector.load %arg5[%get3A_111, %get3A_112] : memref<256x256xf32, #tpu.memory_space<vmem>>, vector<256x256xf32>
    %dot_general3A = arith.constant dense<0.000000e+00> : vector<256x2048xf32>
    %dot_general3A_114 = tpu.matmul %get3A_113, %get3A_3, %dot_general3A {dimension_numbers = #tpu.dot_dimension_numbers<[1], [0], [0], [1], [0, 0, 1, 1], [], []>, transpose_lhs_hint = false} : vector<256x256xf32>, vector<256x2048xf32>, vector<256x2048xf32> -> vector<256x2048xf32>
    %get3A_115 = arith.constant 0 : index
    %get3A_116 = arith.constant 0 : index
    %get3A_117 = vector.load %arg6[%get3A_115, %get3A_116] : memref<256x1xf32, #tpu.memory_space<vmem>>, vector<256x1xf32>
    %add3A = vector.broadcast %get3A_117 : vector<256x1xf32> to vector<256x2048xf32>
    %add3A_118 = arith.addf %dot_general3A_114, %add3A : vector<256x2048xf32>
    %slice3A = vector.extract_strided_slice %get3A_13 {offsets = [0, 0], sizes = [32, 1], strides = [1, 1]} : vector<128x1xf32> to vector<32x1xf32>
    %dot_general3A_119 = arith.constant dense<0.000000e+00> : vector<256x1xf32>
    %dot_general3A_120 = tpu.matmul %convert_element_type3A_38, %slice3A, %dot_general3A_119 {dimension_numbers = #tpu.dot_dimension_numbers<[1], [0], [0], [1], [0, 0, 1, 1], [], []>, transpose_lhs_hint = false} : vector<256x32xf32>, vector<32x1xf32>, vector<256x1xf32> -> vector<256x1xf32>
    %slice3A_121 = vector.extract_strided_slice %get3A_13 {offsets = [32, 0], sizes = [32, 1], strides = [1, 1]} : vector<128x1xf32> to vector<32x1xf32>
    %dot_general3A_122 = arith.constant dense<0.000000e+00> : vector<256x1xf32>
    %dot_general3A_123 = tpu.matmul %convert_element_type3A_38, %slice3A_121, %dot_general3A_122 {dimension_numbers = #tpu.dot_dimension_numbers<[1], [0], [0], [1], [0, 0, 1, 1], [], []>, transpose_lhs_hint = false} : vector<256x32xf32>, vector<32x1xf32>, vector<256x1xf32> -> vector<256x1xf32>
    %sub3A_124 = vector.broadcast %dot_general3A_120 : vector<256x1xf32> to vector<256x2048xf32>
    %sub3A_125 = arith.subf %add3A_118, %sub3A_124 : vector<256x2048xf32>
    %mul3A = vector.broadcast %dot_general3A_123 : vector<256x1xf32> to vector<256x2048xf32>
    %mul3A_126 = arith.mulf %sub3A_125, %mul3A : vector<256x2048xf32>
    %get3A_127 = arith.constant 0 : index
    %get3A_128 = arith.constant 0 : index
    %get3A_129 = vector.load %arg7[%get3A_127, %get3A_128] : memref<256x1xf32, #tpu.memory_space<vmem>>, vector<256x1xf32>
    %mul3A_130 = vector.broadcast %get3A_129 : vector<256x1xf32> to vector<256x2048xf32>
    %mul3A_131 = arith.mulf %mul3A_126, %mul3A_130 : vector<256x2048xf32>
    %get3A_132 = arith.constant 0 : index
    %get3A_133 = arith.constant 0 : index
    %get3A_134 = vector.load %arg8[%get3A_132, %get3A_133] : memref<256x1xf32, #tpu.memory_space<vmem>>, vector<256x1xf32>
    %add3A_135 = vector.broadcast %get3A_134 : vector<256x1xf32> to vector<256x2048xf32>
    %add3A_136 = arith.addf %mul3A_131, %add3A_135 : vector<256x2048xf32>
    %max3A = arith.constant 0.000000e+00 : f32
    %max3A_137 = vector.broadcast %max3A : f32 to vector<256x2048xf32>
    %max3A_138 = arith.maximumf %add3A_136, %max3A_137 : vector<256x2048xf32>
    %get3A_139 = arith.constant 0 : index
    %get3A_140 = arith.constant 0 : index
    %get3A_141 = vector.load %arg9[%get3A_139, %get3A_140] : memref<512x256xf32, #tpu.memory_space<vmem>>, vector<512x256xf32>
    %dot_general3A_142 = arith.constant dense<0.000000e+00> : vector<512x2048xf32>
    %dot_general3A_143 = tpu.matmul %get3A_141, %get3A_3, %dot_general3A_142 {dimension_numbers = #tpu.dot_dimension_numbers<[1], [0], [0], [1], [0, 0, 1, 1], [], []>, transpose_lhs_hint = false} : vector<512x256xf32>, vector<256x2048xf32>, vector<512x2048xf32> -> vector<512x2048xf32>
    %get3A_144 = arith.constant 0 : index
    %get3A_145 = arith.constant 0 : index
    %get3A_146 = vector.load %arg10[%get3A_144, %get3A_145] : memref<512x1xf32, #tpu.memory_space<vmem>>, vector<512x1xf32>
    %add3A_147 = vector.broadcast %get3A_146 : vector<512x1xf32> to vector<512x2048xf32>
    %add3A_148 = arith.addf %dot_general3A_143, %add3A_147 : vector<512x2048xf32>
    %slice3A_149 = vector.extract_strided_slice %get3A_13 {offsets = [64, 0], sizes = [32, 1], strides = [1, 1]} : vector<128x1xf32> to vector<32x1xf32>
    %dot_general3A_150 = arith.constant dense<0.000000e+00> : vector<512x1xf32>
    %dot_general3A_151 = tpu.matmul %convert_element_type3A_74, %slice3A_149, %dot_general3A_150 {dimension_numbers = #tpu.dot_dimension_numbers<[1], [0], [0], [1], [0, 0, 1, 1], [], []>, transpose_lhs_hint = false} : vector<512x32xf32>, vector<32x1xf32>, vector<512x1xf32> -> vector<512x1xf32>
    %slice3A_152 = vector.extract_strided_slice %get3A_13 {offsets = [96, 0], sizes = [32, 1], strides = [1, 1]} : vector<128x1xf32> to vector<32x1xf32>
    %dot_general3A_153 = arith.constant dense<0.000000e+00> : vector<512x1xf32>
    %dot_general3A_154 = tpu.matmul %convert_element_type3A_74, %slice3A_152, %dot_general3A_153 {dimension_numbers = #tpu.dot_dimension_numbers<[1], [0], [0], [1], [0, 0, 1, 1], [], []>, transpose_lhs_hint = false} : vector<512x32xf32>, vector<32x1xf32>, vector<512x1xf32> -> vector<512x1xf32>
    %sub3A_155 = vector.broadcast %dot_general3A_151 : vector<512x1xf32> to vector<512x2048xf32>
    %sub3A_156 = arith.subf %add3A_148, %sub3A_155 : vector<512x2048xf32>
    %mul3A_157 = vector.broadcast %dot_general3A_154 : vector<512x1xf32> to vector<512x2048xf32>
    %mul3A_158 = arith.mulf %sub3A_156, %mul3A_157 : vector<512x2048xf32>
    %get3A_159 = arith.constant 0 : index
    %get3A_160 = arith.constant 0 : index
    %get3A_161 = vector.load %arg11[%get3A_159, %get3A_160] : memref<512x1xf32, #tpu.memory_space<vmem>>, vector<512x1xf32>
    %mul3A_162 = vector.broadcast %get3A_161 : vector<512x1xf32> to vector<512x2048xf32>
    %mul3A_163 = arith.mulf %mul3A_158, %mul3A_162 : vector<512x2048xf32>
    %get3A_164 = arith.constant 0 : index
    %get3A_165 = arith.constant 0 : index
    %get3A_166 = vector.load %arg12[%get3A_164, %get3A_165] : memref<512x1xf32, #tpu.memory_space<vmem>>, vector<512x1xf32>
    %add3A_167 = vector.broadcast %get3A_166 : vector<512x1xf32> to vector<512x2048xf32>
    %add3A_168 = arith.addf %mul3A_163, %add3A_167 : vector<512x2048xf32>
    %max3A_169 = arith.constant 0.000000e+00 : f32
    %max3A_170 = vector.broadcast %max3A_169 : f32 to vector<512x2048xf32>
    %max3A_171 = arith.maximumf %add3A_168, %max3A_170 : vector<512x2048xf32>
    %swap3A = arith.constant 0 : index
    %swap3A_172 = arith.constant 0 : index
    %swap3A_173 = arith.constant 0 : index
    %swap3A_174 = vector.load %arg15[%swap3A, %swap3A_172, %swap3A_173] : memref<1x512x2048xf32, #tpu.memory_space<vmem>>, vector<1x512x2048xf32>
    %swap3A_175 = vector.shape_cast %swap3A_174 : vector<1x512x2048xf32> to vector<512x2048xf32>
    %swap3A_176 = vector.shape_cast %max3A_171 : vector<512x2048xf32> to vector<1x512x2048xf32>
    tpu.vector_store %arg15[%swap3A, %swap3A_172, %swap3A_173], %swap3A_176 {strides = array<i32>} : memref<1x512x2048xf32, #tpu.memory_space<vmem>>, vector<1x512x2048xf32>,
    %get3A_177 = arith.constant 0 : index
    %get3A_178 = arith.constant 0 : index
    %get3A_179 = vector.load %arg13[%get3A_177, %get3A_178] : memref<256x1024xf32, #tpu.memory_space<vmem>>, vector<256x1024xf32>
    %convert_element_type3A_180 = arith.truncf %get3A_179 : vector<256x1024xf32> to vector<256x1024xbf16>
    %slice3A_181 = vector.extract_strided_slice %convert_element_type3A_180 {offsets = [0, 0], sizes = [256, 256], strides = [1, 1]} : vector<256x1024xbf16> to vector<256x256xbf16>
    %convert_element_type3A_182 = arith.truncf %get3A_8 : vector<256x2048xf32> to vector<256x2048xbf16>
    %dot_general3A_183 = arith.constant dense<0.000000e+00> : vector<256x2048xf32>
    %dot_general3A_184 = tpu.matmul %slice3A_181, %convert_element_type3A_182, %dot_general3A_183 {dimension_numbers = #tpu.dot_dimension_numbers<[1], [0], [0], [1], [0, 0, 1, 1], [], []>, transpose_lhs_hint = false} : vector<256x256xbf16>, vector<256x2048xbf16>, vector<256x2048xf32> -> vector<256x2048xf32>
    %slice3A_185 = vector.extract_strided_slice %convert_element_type3A_180 {offsets = [0, 256], sizes = [256, 512], strides = [1, 1]} : vector<256x1024xbf16> to vector<256x512xbf16>
    %convert_element_type3A_186 = arith.truncf %max3A_171 : vector<512x2048xf32> to vector<512x2048xbf16>
    %dot_general3A_187 = arith.constant dense<0.000000e+00> : vector<256x2048xf32>
    %dot_general3A_188 = tpu.matmul %slice3A_185, %convert_element_type3A_186, %dot_general3A_187 {dimension_numbers = #tpu.dot_dimension_numbers<[1], [0], [0], [1], [0, 0, 1, 1], [], []>, transpose_lhs_hint = false} : vector<256x512xbf16>, vector<512x2048xbf16>, vector<256x2048xf32> -> vector<256x2048xf32>
    %add3A_189 = arith.addf %dot_general3A_184, %dot_general3A_188 : vector<256x2048xf32>
    %slice3A_190 = vector.extract_strided_slice %convert_element_type3A_180 {offsets = [0, 768], sizes = [256, 256], strides = [1, 1]} : vector<256x1024xbf16> to vector<256x256xbf16>
    %convert_element_type3A_191 = arith.truncf %max3A_138 : vector<256x2048xf32> to vector<256x2048xbf16>
    %dot_general3A_192 = arith.constant dense<0.000000e+00> : vector<256x2048xf32>
    %dot_general3A_193 = tpu.matmul %slice3A_190, %convert_element_type3A_191, %dot_general3A_192 {dimension_numbers = #tpu.dot_dimension_numbers<[1], [0], [0], [1], [0, 0, 1, 1], [], []>, transpose_lhs_hint = false} : vector<256x256xbf16>, vector<256x2048xbf16>, vector<256x2048xf32> -> vector<256x2048xf32>
    %add3A_194 = arith.addf %add3A_189, %dot_general3A_193 : vector<256x2048xf32>
    %get3A_195 = arith.constant 0 : index
    %get3A_196 = arith.constant 0 : index
    %get3A_197 = vector.load %arg14[%get3A_195, %get3A_196] : memref<256x1xf32, #tpu.memory_space<vmem>>, vector<256x1xf32>
    %add3A_198 = vector.broadcast %get3A_197 : vector<256x1xf32> to vector<256x2048xf32>
    %add3A_199 = arith.addf %add3A_194, %add3A_198 : vector<256x2048xf32>
    %convert_element_type3A_200 = arith.truncf %add3A_199 : vector<256x2048xf32> to vector<256x2048xbf16>
    %swap3A_201 = arith.constant 0 : index
    %swap3A_202 = arith.constant 0 : index
    %swap3A_203 = arith.constant 0 : index
    %swap3A_204 = vector.load %arg16[%swap3A_201, %swap3A_202, %swap3A_203] : memref<1x256x2048xbf16, #tpu.memory_space<vmem>>, vector<1x256x2048xbf16>
    %swap3A_205 = vector.shape_cast %swap3A_204 : vector<1x256x2048xbf16> to vector<256x2048xbf16>
    %swap3A_206 = vector.shape_cast %convert_element_type3A_200 : vector<256x2048xbf16> to vector<1x256x2048xbf16>
    tpu.vector_store %arg16[%swap3A_201, %swap3A_202, %swap3A_203], %swap3A_206 {strides = array<i32>} : memref<1x256x2048xbf16, #tpu.memory_space<vmem>>, vector<1x256x2048xbf16>,
    %reduce_sum3A = arith.constant dense<0.000000e+00> : vector<256xf32>
    %reduce_sum3A_207 = vector.multi_reduction <add>, %add3A_199, %reduce_sum3A [1] : vector<256x2048xf32> to vector<256xf32>
    %broadcast_in_dim3A = vector.shape_cast %reduce_sum3A_207 : vector<256xf32> to vector<256x1xf32>
    %dot_general3A_208 = arith.constant dense<0.000000e+00> : vector<32x1xf32>
    %dot_general3A_209 = tpu.matmul %convert_element_type3A_110, %broadcast_in_dim3A, %dot_general3A_208 {dimension_numbers = #tpu.dot_dimension_numbers<[1], [0], [0], [1], [0, 0, 1, 1], [], []>, transpose_lhs_hint = false} : vector<32x256xf32>, vector<256x1xf32>, vector<32x1xf32> -> vector<32x1xf32>
    %mul3A_210 = arith.mulf %add3A_199, %add3A_199 : vector<256x2048xf32>
    %reduce_sum3A_211 = arith.constant dense<0.000000e+00> : vector<256xf32>
    %reduce_sum3A_212 = vector.multi_reduction <add>, %mul3A_210, %reduce_sum3A_211 [1] : vector<256x2048xf32> to vector<256xf32>
    %broadcast_in_dim3A_213 = vector.shape_cast %reduce_sum3A_212 : vector<256xf32> to vector<256x1xf32>
    %dot_general3A_214 = arith.constant dense<0.000000e+00> : vector<32x1xf32>
    %dot_general3A_215 = tpu.matmul %convert_element_type3A_110, %broadcast_in_dim3A_213, %dot_general3A_214 {dimension_numbers = #tpu.dot_dimension_numbers<[1], [0], [0], [1], [0, 0, 1, 1], [], []>, transpose_lhs_hint = false} : vector<32x256xf32>, vector<256x1xf32>, vector<32x1xf32> -> vector<32x1xf32>
    %eq3A_216 = arith.constant 0 : i32
    %eq3A_217 = arith.cmpi eq, %arg1, %eq3A_216 : i32
    %convert_element_type3A_218 = arith.extui %eq3A_217 : i1 to i32
    %cond3A = arith.constant 0 : i32
    %cond3A_219 = arith.cmpi ne, %convert_element_type3A_218, %cond3A : i32
    scf.if %cond3A_219 {
      %broadcast_in_dim3A_244 = arith.constant 0.000000e+00 : f32
      %broadcast_in_dim3A_245 = vector.broadcast %broadcast_in_dim3A_244 : f32 to vector<1x64x1xf32>
      %swap3A_246 = arith.constant 0 : index
      %swap3A_247 = arith.constant 0 : index
      %swap3A_248 = arith.constant 0 : index
      %swap3A_249 = vector.load %arg17[%swap3A_246, %swap3A_247, %swap3A_248] : memref<1x64x1xf32, #tpu.memory_space<vmem>>, vector<1x64x1xf32>
      tpu.vector_store %arg17[%swap3A_246, %swap3A_247, %swap3A_248], %broadcast_in_dim3A_245 {strides = array<i32>} : memref<1x64x1xf32, #tpu.memory_space<vmem>>, vector<1x64x1xf32>,
    } else {
    }
    %get3A_220 = arith.constant 0 : index
    %get3A_221 = arith.constant 0 : index
    %get3A_222 = arith.constant 0 : index
    %get3A_223 = vector.load %arg17[%get3A_220, %get3A_221, %get3A_222] : memref<1x64x1xf32, #tpu.memory_space<vmem>>, vector<1x32x1xf32>
    %get3A_224 = vector.shape_cast %get3A_223 : vector<1x32x1xf32> to vector<32x1xf32>
    %add3A_225 = arith.addf %get3A_224, %dot_general3A_209 : vector<32x1xf32>
    %swap3A_226 = arith.constant 0 : index
    %swap3A_227 = arith.constant 0 : index
    %swap3A_228 = arith.constant 0 : index
    %swap3A_229 = vector.load %arg17[%swap3A_226, %swap3A_227, %swap3A_228] : memref<1x64x1xf32, #tpu.memory_space<vmem>>, vector<1x32x1xf32>
    %swap3A_230 = vector.shape_cast %swap3A_229 : vector<1x32x1xf32> to vector<32x1xf32>
    %swap3A_231 = vector.shape_cast %add3A_225 : vector<32x1xf32> to vector<1x32x1xf32>
    tpu.vector_store %arg17[%swap3A_226, %swap3A_227, %swap3A_228], %swap3A_231 {strides = array<i32>} : memref<1x64x1xf32, #tpu.memory_space<vmem>>, vector<1x32x1xf32>,
    %get3A_232 = arith.constant 0 : index
    %get3A_233 = arith.constant 32 : index
    %get3A_234 = arith.constant 0 : index
    %get3A_235 = vector.load %arg17[%get3A_232, %get3A_233, %get3A_234] : memref<1x64x1xf32, #tpu.memory_space<vmem>>, vector<1x32x1xf32>
    %get3A_236 = vector.shape_cast %get3A_235 : vector<1x32x1xf32> to vector<32x1xf32>
    %add3A_237 = arith.addf %get3A_236, %dot_general3A_215 : vector<32x1xf32>
    %swap3A_238 = arith.constant 0 : index
    %swap3A_239 = arith.constant 32 : index
    %swap3A_240 = arith.constant 0 : index
    %swap3A_241 = vector.load %arg17[%swap3A_238, %swap3A_239, %swap3A_240] : memref<1x64x1xf32, #tpu.memory_space<vmem>>, vector<1x32x1xf32>
    %swap3A_242 = vector.shape_cast %swap3A_241 : vector<1x32x1xf32> to vector<32x1xf32>
    %swap3A_243 = vector.shape_cast %add3A_237 : vector<32x1xf32> to vector<1x32x1xf32>
    tpu.vector_store %arg17[%swap3A_238, %swap3A_239, %swap3A_240], %swap3A_243 {strides = array<i32>} : memref<1x64x1xf32, #tpu.memory_space<vmem>>, vector<1x32x1xf32>,
    return
  }
  func.func @transform_0(%arg0: i32, %arg1: i32) -> (i32, i32, i32) {
    %c0_i32 = arith.constant 0 : i32
    %c0_i32_0 = arith.constant 0 : i32
    return %arg0, %c0_i32, %arg1 : i32, i32, i32
  }
  func.func @transform_1(%arg0: i32, %arg1: i32) -> (i32, i32, i32) {
    %c0_i32 = arith.constant 0 : i32
    %c0_i32_0 = arith.constant 0 : i32
    return %arg0, %c0_i32, %arg1 : i32, i32, i32
  }
  func.func @transform_2(%arg0: i32, %arg1: i32) -> (i32, i32, i32) {
    %c0_i32 = arith.constant 0 : i32
    %c0_i32_0 = arith.constant 0 : i32
    %c0_i32_1 = arith.constant 0 : i32
    return %arg0, %c0_i32, %c0_i32_0 : i32, i32, i32
  }
  func.func @transform_3(%arg0: i32, %arg1: i32) -> (i32, i32) {
    %c0_i32 = arith.constant 0 : i32
    %c0_i32_0 = arith.constant 0 : i32
    %c0_i32_1 = arith.constant 0 : i32
    return %c0_i32, %c0_i32_0 : i32, i32
  }
  func.func @transform_4(%arg0: i32, %arg1: i32) -> (i32, i32) {
    %c0_i32 = arith.constant 0 : i32
    %c0_i32_0 = arith.constant 0 : i32
    %c0_i32_1 = arith.constant 0 : i32
    return %c0_i32, %c0_i32_0 : i32, i32
  }
  func.func @transform_5(%arg0: i32, %arg1: i32) -> (i32, i32) {
    %c0_i32 = arith.constant 0 : i32
    %c0_i32_0 = arith.constant 0 : i32
    %c0_i32_1 = arith.constant 0 : i32
    return %c0_i32, %c0_i32_0 : i32, i32
  }
  func.func @transform_6(%arg0: i32, %arg1: i32) -> (i32, i32) {
    %c0_i32 = arith.constant 0 : i32
    %c0_i32_0 = arith.constant 0 : i32
    %c0_i32_1 = arith.constant 0 : i32
    return %c0_i32, %c0_i32_0 : i32, i32
  }
  func.func @transform_7(%arg0: i32, %arg1: i32) -> (i32, i32) {
    %c0_i32 = arith.constant 0 : i32
    %c0_i32_0 = arith.constant 0 : i32
    %c0_i32_1 = arith.constant 0 : i32
    return %c0_i32, %c0_i32_0 : i32, i32
  }
  func.func @transform_8(%arg0: i32, %arg1: i32) -> (i32, i32) {
    %c0_i32 = arith.constant 0 : i32
    %c0_i32_0 = arith.constant 0 : i32
    %c0_i32_1 = arith.constant 0 : i32
    return %c0_i32, %c0_i32_0 : i32, i32
  }
  func.func @transform_9(%arg0: i32, %arg1: i32) -> (i32, i32) {
    %c0_i32 = arith.constant 0 : i32
    %c0_i32_0 = arith.constant 0 : i32
    %c0_i32_1 = arith.constant 0 : i32
    return %c0_i32, %c0_i32_0 : i32, i32
  }
  func.func @transform_10(%arg0: i32, %arg1: i32) -> (i32, i32) {
    %c0_i32 = arith.constant 0 : i32
    %c0_i32_0 = arith.constant 0 : i32
    %c0_i32_1 = arith.constant 0 : i32
    return %c0_i32, %c0_i32_0 : i32, i32
  }
  func.func @transform_11(%arg0: i32, %arg1: i32) -> (i32, i32) {
    %c0_i32 = arith.constant 0 : i32
    %c0_i32_0 = arith.constant 0 : i32
    %c0_i32_1 = arith.constant 0 : i32
    return %c0_i32, %c0_i32_0 : i32, i32
  }
  func.func @transform_12(%arg0: i32, %arg1: i32) -> (i32, i32) {
    %c0_i32 = arith.constant 0 : i32
    %c0_i32_0 = arith.constant 0 : i32
    %c0_i32_1 = arith.constant 0 : i32
    return %c0_i32, %c0_i32_0 : i32, i32
  }
  func.func @transform_13(%arg0: i32, %arg1: i32) -> (i32, i32, i32) {
    %c0_i32 = arith.constant 0 : i32
    %c0_i32_0 = arith.constant 0 : i32
    return %arg0, %c0_i32, %arg1 : i32, i32, i32
  }
  func.func @transform_14(%arg0: i32, %arg1: i32) -> (i32, i32, i32) {
    %c0_i32 = arith.constant 0 : i32
    %c0_i32_0 = arith.constant 0 : i32
    return %arg0, %c0_i32, %arg1 : i32, i32, i32
  }
  func.func @transform_15(%arg0: i32, %arg1: i32) -> (i32, i32, i32) {
    %c0_i32 = arith.constant 0 : i32
    %c0_i32_0 = arith.constant 0 : i32
    %c0_i32_1 = arith.constant 0 : i32
    return %arg0, %c0_i32, %c0_i32_0 : i32, i32, i32
  }
}

module attributes {stable_mosaic.version = 14 : i64} {
  func.func @_normc_kernel(%arg0: i32, %arg1: i32, %arg2: memref<1x256x2048xbf16, #tpu.memory_space<vmem>>, %arg3: memref<1x64x1xf32, #tpu.memory_space<vmem>>, %arg4: memref<256x1xf32, #tpu.memory_space<vmem>>, %arg5: memref<256x1xf32, #tpu.memory_space<vmem>>, %arg6: memref<1x256x2048xf32, #tpu.memory_space<vmem>>) attributes {dimension_semantics = [#tpu.dimension_semantics<arbitrary>, #tpu.dimension_semantics<arbitrary>], iteration_bounds = array<i64: 8, 2>, scalar_prefetch = 0 : i64, scratch_operands = 0 : i64, tpu.core_type = #tpu.core_type<tc>, window_params = [{transform_indices = @transform_0, window_bounds = array<i64: 1, 256, 2048>}, {transform_indices = @transform_1, window_bounds = array<i64: 1, 64, 1>}, {pipeline_mode = #tpu.pipeline_mode<synchronous>, transform_indices = @transform_2, window_bounds = array<i64: 256, 1>}, {pipeline_mode = #tpu.pipeline_mode<synchronous>, transform_indices = @transform_3, window_bounds = array<i64: 256, 1>}, {transform_indices = @transform_4, window_bounds = array<i64: 1, 256, 2048>}]} {
    %get3A = arith.constant 0 : index
    %get3A_0 = arith.constant 0 : index
    %get3A_1 = arith.constant 0 : index
    %get3A_2 = vector.load %arg2[%get3A, %get3A_0, %get3A_1] : memref<1x256x2048xbf16, #tpu.memory_space<vmem>>, vector<1x256x2048xbf16>
    %get3A_3 = vector.shape_cast %get3A_2 : vector<1x256x2048xbf16> to vector<256x2048xbf16>
    %convert_element_type3A = arith.extf %get3A_3 : vector<256x2048xbf16> to vector<256x2048xf32>
    %get3A_4 = arith.constant 0 : index
    %get3A_5 = arith.constant 0 : index
    %get3A_6 = arith.constant 0 : index
    %get3A_7 = vector.load %arg3[%get3A_4, %get3A_5, %get3A_6] : memref<1x64x1xf32, #tpu.memory_space<vmem>>, vector<1x64x1xf32>
    %get3A_8 = vector.shape_cast %get3A_7 : vector<1x64x1xf32> to vector<64x1xf32>
    %slice3A = vector.extract_strided_slice %get3A_8 {offsets = [0, 0], sizes = [32, 1], strides = [1, 1]} : vector<64x1xf32> to vector<32x1xf32>
    %div3A = arith.constant 3.276800e+04 : f32
    %div3A_9 = vector.broadcast %div3A : f32 to vector<32x1xf32>
    %div3A_10 = arith.divf %slice3A, %div3A_9 : vector<32x1xf32>
    %slice3A_11 = vector.extract_strided_slice %get3A_8 {offsets = [32, 0], sizes = [32, 1], strides = [1, 1]} : vector<64x1xf32> to vector<32x1xf32>
    %div3A_12 = arith.constant 3.276800e+04 : f32
    %div3A_13 = vector.broadcast %div3A_12 : f32 to vector<32x1xf32>
    %div3A_14 = arith.divf %slice3A_11, %div3A_13 : vector<32x1xf32>
    %mul3A = arith.mulf %div3A_10, %div3A_10 : vector<32x1xf32>
    %sub3A = arith.subf %div3A_14, %mul3A : vector<32x1xf32>
    %add3A = arith.constant 9.99999974E-6 : f32
    %add3A_15 = vector.broadcast %add3A : f32 to vector<32x1xf32>
    %add3A_16 = arith.addf %sub3A, %add3A_15 : vector<32x1xf32>
    %rsqrt3A = math.rsqrt %add3A_16 : vector<32x1xf32>
    %iota3A = tpu.iota {dimensions = array<i32: 1>} : vector<256x32xi32>
    %iota3A_17 = tpu.iota {dimensions = array<i32: 0>} : vector<256x32xi32>
    %jit3A = arith.constant 8 : i32
    %div3A_18 = vector.broadcast %jit3A : i32 to vector<256x32xi32>
    %div3A_19 = arith.divsi %iota3A_17, %div3A_18 : vector<256x32xi32>
    %sign3A = arith.constant 0 : i32
    %sign3A_20 = vector.broadcast %sign3A : i32 to vector<256x32xi32>
    %sign3A_21 = arith.cmpi sgt, %iota3A_17, %sign3A_20 : vector<256x32xi32>
    %sign3A_22 = arith.extui %sign3A_21 : vector<256x32xi1> to vector<256x32xi32>
    %sign3A_23 = arith.constant 0 : i32
    %sign3A_24 = vector.broadcast %sign3A_23 : i32 to vector<256x32xi32>
    %sign3A_25 = arith.cmpi slt, %iota3A_17, %sign3A_24 : vector<256x32xi32>
    %sign3A_26 = arith.extui %sign3A_25 : vector<256x32xi1> to vector<256x32xi32>
    %sign3A_27 = arith.subi %sign3A_22, %sign3A_26 : vector<256x32xi32>
    %sign3A_28 = arith.constant 0 : i32
    %sign3A_29 = arith.cmpi sgt, %jit3A, %sign3A_28 : i32
    %sign3A_30 = arith.extui %sign3A_29 : i1 to i32
    %sign3A_31 = arith.constant 0 : i32
    %sign3A_32 = arith.cmpi slt, %jit3A, %sign3A_31 : i32
    %sign3A_33 = arith.extui %sign3A_32 : i1 to i32
    %sign3A_34 = arith.subi %sign3A_30, %sign3A_33 : i32
    %ne3A = vector.broadcast %sign3A_34 : i32 to vector<256x32xi32>
    %ne3A_35 = arith.cmpi ne, %sign3A_27, %ne3A : vector<256x32xi32>
    %rem3A = vector.broadcast %jit3A : i32 to vector<256x32xi32>
    %rem3A_36 = arith.remsi %iota3A_17, %rem3A : vector<256x32xi32>
    %ne3A_37 = arith.constant 0 : i32
    %ne3A_38 = vector.broadcast %ne3A_37 : i32 to vector<256x32xi32>
    %ne3A_39 = arith.cmpi ne, %rem3A_36, %ne3A_38 : vector<256x32xi32>
    %and3A = arith.andi %ne3A_35, %ne3A_39 : vector<256x32xi1>
    %sub3A_40 = arith.constant 1 : i32
    %sub3A_41 = vector.broadcast %sub3A_40 : i32 to vector<256x32xi32>
    %sub3A_42 = arith.subi %div3A_19, %sub3A_41 : vector<256x32xi32>
    %select_n3A = arith.select %and3A, %sub3A_42, %div3A_19 : vector<256x32xi1>, vector<256x32xi32>
    %eq3A = arith.cmpi eq, %select_n3A, %iota3A : vector<256x32xi32>
    %convert_element_type3A_43 = arith.extui %eq3A : vector<256x32xi1> to vector<256x32xi32>
    %convert_element_type3A_44 = arith.sitofp %convert_element_type3A_43 : vector<256x32xi32> to vector<256x32xf32>
    %dot_general3A = arith.constant dense<0.000000e+00> : vector<256x1xf32>
    %dot_general3A_45 = tpu.matmul %convert_element_type3A_44, %div3A_10, %dot_general3A {dimension_numbers = #tpu.dot_dimension_numbers<[1], [0], [0], [1], [0, 0, 1, 1], [], []>, transpose_lhs_hint = false} : vector<256x32xf32>, vector<32x1xf32>, vector<256x1xf32> -> vector<256x1xf32>
    %dot_general3A_46 = arith.constant dense<0.000000e+00> : vector<256x1xf32>
    %dot_general3A_47 = tpu.matmul %convert_element_type3A_44, %rsqrt3A, %dot_general3A_46 {dimension_numbers = #tpu.dot_dimension_numbers<[1], [0], [0], [1], [0, 0, 1, 1], [], []>, transpose_lhs_hint = false} : vector<256x32xf32>, vector<32x1xf32>, vector<256x1xf32> -> vector<256x1xf32>
    %sub3A_48 = vector.broadcast %dot_general3A_45 : vector<256x1xf32> to vector<256x2048xf32>
    %sub3A_49 = arith.subf %convert_element_type3A, %sub3A_48 : vector<256x2048xf32>
    %mul3A_50 = vector.broadcast %dot_general3A_47 : vector<256x1xf32> to vector<256x2048xf32>
    %mul3A_51 = arith.mulf %sub3A_49, %mul3A_50 : vector<256x2048xf32>
    %get3A_52 = arith.constant 0 : index
    %get3A_53 = arith.constant 0 : index
    %get3A_54 = vector.load %arg4[%get3A_52, %get3A_53] : memref<256x1xf32, #tpu.memory_space<vmem>>, vector<256x1xf32>
    %mul3A_55 = vector.broadcast %get3A_54 : vector<256x1xf32> to vector<256x2048xf32>
    %mul3A_56 = arith.mulf %mul3A_51, %mul3A_55 : vector<256x2048xf32>
    %get3A_57 = arith.constant 0 : index
    %get3A_58 = arith.constant 0 : index
    %get3A_59 = vector.load %arg5[%get3A_57, %get3A_58] : memref<256x1xf32, #tpu.memory_space<vmem>>, vector<256x1xf32>
    %add3A_60 = vector.broadcast %get3A_59 : vector<256x1xf32> to vector<256x2048xf32>
    %add3A_61 = arith.addf %mul3A_56, %add3A_60 : vector<256x2048xf32>
    %max3A = arith.constant 0.000000e+00 : f32
    %max3A_62 = vector.broadcast %max3A : f32 to vector<256x2048xf32>
    %max3A_63 = arith.maximumf %add3A_61, %max3A_62 : vector<256x2048xf32>
    %swap3A = arith.constant 0 : index
    %swap3A_64 = arith.constant 0 : index
    %swap3A_65 = arith.constant 0 : index
    %swap3A_66 = vector.load %arg6[%swap3A, %swap3A_64, %swap3A_65] : memref<1x256x2048xf32, #tpu.memory_space<vmem>>, vector<1x256x2048xf32>
    %swap3A_67 = vector.shape_cast %swap3A_66 : vector<1x256x2048xf32> to vector<256x2048xf32>
    %swap3A_68 = vector.shape_cast %max3A_63 : vector<256x2048xf32> to vector<1x256x2048xf32>
    tpu.vector_store %arg6[%swap3A, %swap3A_64, %swap3A_65], %swap3A_68 {strides = array<i32>} : memref<1x256x2048xf32, #tpu.memory_space<vmem>>, vector<1x256x2048xf32>,
    return
  }
  func.func @transform_0(%arg0: i32, %arg1: i32) -> (i32, i32, i32) {
    %c0_i32 = arith.constant 0 : i32
    %c0_i32_0 = arith.constant 0 : i32
    return %arg0, %c0_i32, %arg1 : i32, i32, i32
  }
  func.func @transform_1(%arg0: i32, %arg1: i32) -> (i32, i32, i32) {
    %c0_i32 = arith.constant 0 : i32
    %c0_i32_0 = arith.constant 0 : i32
    %c0_i32_1 = arith.constant 0 : i32
    return %arg0, %c0_i32, %c0_i32_0 : i32, i32, i32
  }
  func.func @transform_2(%arg0: i32, %arg1: i32) -> (i32, i32) {
    %c0_i32 = arith.constant 0 : i32
    %c0_i32_0 = arith.constant 0 : i32
    %c0_i32_1 = arith.constant 0 : i32
    return %c0_i32, %c0_i32_0 : i32, i32
  }
  func.func @transform_3(%arg0: i32, %arg1: i32) -> (i32, i32) {
    %c0_i32 = arith.constant 0 : i32
    %c0_i32_0 = arith.constant 0 : i32
    %c0_i32_1 = arith.constant 0 : i32
    return %c0_i32, %c0_i32_0 : i32, i32
  }
  func.func @transform_4(%arg0: i32, %arg1: i32) -> (i32, i32, i32) {
    %c0_i32 = arith.constant 0 : i32
    %c0_i32_0 = arith.constant 0 : i32
    return %arg0, %c0_i32, %arg1 : i32, i32, i32
  }
}

</mosaic_0001>

<sc_bundles>
// kernel: kernel.6.cloned.1.call-start
scs
__scs_entry_jumppad:
0x0: {  	(pc) =	sbr.rel $0x88, $3  }
0x1: {  	(tag) =	ssettag $0x0;
	lr =	simm.s32 $0x1  }
0x2: {  	[smem:$0x3F93] =	sst lr;
	_ =	strace $0xD0000000  }
0x3: {  	_ = 	snop  }
0x4: {  	_ = 	snop  }
0x5: {  	_ = 	snop  }
0x6: {  	_ = 	snop  }
0x7: {  	_ = 	snop  }
__scs_overlays_trampoline_lowered:
0x8: {  	[smem:$0x3FA2] =	sst s0  }
0x9: {  	[smem:$0x3FA3] =	sst s1  }
0xa: {  	[smem:$0x3FA4] =	sst s2  }
0xb: {  	[smem:$0x3FA5] =	sst s3  }
0xc: {  	[smem:$0x3FA6] =	sst s4  }
0xd: {  	[smem:$0x3FA7] =	sst s5  }
0xe: {  	[smem:$0x3FA8] =	sst s6  }
0xf: {  	[smem:$0x3FA9] =	sst s7  }
0x10: {  	[smem:$0x3FAA] =	sst s8  }
0x11: {  	[smem:$0x3FAB] =	sst s9;
	s0 =	simm.s32 @!p0 $0x0  }
0x12: {  	s1 =	sld [smem:$0x3F91];
	s0 =	simm.s32 @p0 $0x1  }
0x13: {  	[smem:$0x3FAC] =	sst s0;
	s0 =	simm.s32 @!p1 $0x0  }
0x14: {  	s2 =	sld [smem:$0x3F90];
	s0 =	simm.s32 @p1 $0x1  }
0x15: {  	[smem:$0x3FAD] =	sst s0;
	s0 =	simm.s32 @!p2 $0x0  }
0x16: {  	s3 =	sld [smem:$0x3FDB];
	s0 =	simm.s32 @p2 $0x1  }
0x17: {  	s4 =	simm.s32 $0x1BF5;
	[smem:$0x3FAF] =	sst s0  }
0x18: {  	s0 =	sld [smem:$0x3F92];
	_ =	swait.ge [sflag:s4], $0x0  }
0x19: {  	s7 =	sld [smem:$0x3F93]  }
0x1a: {  	s8 =	sadd.s32 $0xFFFFE003, lr  }
0x1b: {  	s9 =	sadd.s32 $0xFFFFFEF7, lr;
	s5 =	simm.s32 $0xFFFFFFFF;
	p2 =	slt.u32 s8, $0xFFFFF086  }
0x1c: {  	p1 =	slt.u32 s9, $0xF7A;
	s5 =	simm.s32 @!p2 $0x0  }
0x1d: {  	s5 =	simm.s32 @p1 $0x1;
	p0 =	seq.s32 s7, s2  }
0x1e: {  	s7 =	smul.u32 @!p0 $0xF7A, s2;
	p2 =	seq.s32 @!p0 s5, $0x0  }
0x1f: {  	s9 =	smul.u32 $0xF7A, s1;
	s8 =	simm.s32 @!p0 $0x1BF5;
	p2 =	por !p2, p0  }
0x20: {  	[sflag:s8] =	ssyncset.s32 @!p0 $0xFFFFF086;
	s6 =	sadd.s32 @!p0 s3, s7;
	s7 =	simm.s32 @!p0 $0x108  }
0x21: {  	s3 =	sadd.s32 s3, s9;
	s6 =	sadd.s32 @!p0 $0x88, s6;
	s7 =	simm.s32 @p2 $0x1082  }
0x22: {  	[simem:s7], [sflag:s8] =	dma.local @!p0 [hbm:s6], $0xF7A  }
0x23: {  	s9 =	sor.u32 $0xD0000000, s2;
	s6 =	simm.s32 $0x108;
	_ =	swait.ge @!p0 [sflag:s8], $0x0  }
0x24: {  	s3 =	sadd.s32 $0x88, s3;
	s6 =	simm.s32 @!p1 $0x1082;
	[sflag:s4] =	ssyncset.s32 $0xFFFFF086  }
0x25: {  	[simem:s6], [sflag:s4] =	dma.local [hbm:s3], $0xF7A  }
0x26: {  	[smem:$0x3F93] =	sst s1;
	(tag) =	ssettag s2;
	_ =	strace s9  }
0x27: {  	s1 =	sld [smem:$0x3FA3]  }
0x28: {  	s2 =	sld [smem:$0x3FA4]  }
0x29: {  	s4 =	sld [smem:$0x3FA6]  }
0x2a: {  	p0 =	seq.s32 s5, $0x0;
	s5 =	sld [smem:$0x3FA7]  }
0x2b: {  	s6 =	sld [smem:$0x3FA8]  }
0x2c: {  	s7 =	sld [smem:$0x3FA9]  }
0x2d: {  	s3 =	simm.s32 $0x108;
	s8 =	sld [smem:$0x3FAA]  }
0x2e: {  	s3 =	simm.s32 @!p0 $0x1082;
	s9 =	sld [smem:$0x3FAB]  }
0x2f: {  	lr =	sadd.s32 s0, s3;
	s0 =	sld [smem:$0x3FA2]  }
0x30: {  	s3 =	sld [smem:$0x3FA5]  }
0x31: {  	[smem:$0x3FAE] =	sst s10  }
0x32: {  	s10 =	sld [smem:$0x3FAC];
	_ =	sdelay $0x3  }
0x33: {  	p0 =	seq.s32 s10, $0x1;
	s10 =	sld [smem:$0x3FAE];
	_ =	sdelay $0x3  }
0x34: {  	[smem:$0x3FAE] =	sst s10  }
0x35: {  	s10 =	sld [smem:$0x3FAD];
	_ =	sdelay $0x3  }
0x36: {  	p1 =	seq.s32 s10, $0x1;
	s10 =	sld [smem:$0x3FAE];
	_ =	sdelay $0x3  }
0x37: {  	[smem:$0x3FAE] =	sst s10  }
0x38: {  	s10 =	sld [smem:$0x3FAF]  }
0x39: {  	_ = 	snop;
	(pc) =	sbr.ind lr, $3  }
0x3a: {  	_ = 	snop  }
0x3b: {  	_ = 	snop  }
0x3c: {  	p2 =	seq.s32 s10, $0x1;
	s10 =	sld [smem:$0x3FAE]  }
0x3d: {  	_ =	shalt  }
0x3e: {  	_ =	shalt  }
0x3f: {  	_ =	shalt  }
0x40: {  	_ =	shalt  }
0x41: {  	_ =	shalt  }
0x42: {  	_ =	shalt  }
0x43: {  	_ =	shalt  }
0x44: {  	_ =	shalt  }
0x45: {  	_ =	shalt  }
0x46: {  	_ =	shalt  }
0x47: {  	_ =	shalt  }
0x48: {  	_ =	shalt  }
0x49: {  	_ =	shalt  }
0x4a: {  	_ =	shalt  }
0x4b: {  	_ =	shalt  }
0x4c: {  	_ =	shalt  }
0x4d: {  	_ =	shalt  }
0x4e: {  	_ =	shalt  }
0x4f: {  	_ =	shalt  }
0x50: {  	_ =	shalt  }
0x51: {  	_ =	shalt  }
0x52: {  	_ =	shalt  }
0x53: {  	_ =	shalt  }
0x54: {  	_ =	shalt  }
0x55: {  	_ =	shalt  }
0x56: {  	_ =	shalt  }
0x57: {  	_ =	shalt  }
0x58: {  	_ =	shalt  }
0x59: {  	_ =	shalt  }
0x5a: {  	_ =	shalt  }
0x5b: {  	_ =	shalt  }
0x5c: {  	_ =	shalt  }
0x5d: {  	_ =	shalt  }
0x5e: {  	_ =	shalt  }
0x5f: {  	_ =	shalt  }
0x60: {  	_ =	shalt  }
0x61: {  	_ =	shalt  }
0x62: {  	_ =	shalt  }
0x63: {  	_ =	shalt  }
0x64: {  	_ =	shalt  }
0x65: {  	_ =	shalt  }
0x66: {  	_ =	shalt  }
0x67: {  	_ =	shalt  }
0x68: {  	_ =	shalt  }
0x69: {  	_ =	shalt  }
0x6a: {  	_ =	shalt  }
0x6b: {  	_ =	shalt  }
0x6c: {  	_ =	shalt  }
0x6d: {  	_ =	shalt  }
0x6e: {  	_ =	shalt  }
0x6f: {  	_ =	shalt  }
0x70: {  	_ =	shalt  }
0x71: {  	_ =	shalt  }
0x72: {  	_ =	shalt  }
0x73: {  	_ =	shalt  }
0x74: {  	_ =	shalt  }
0x75: {  	_ =	shalt  }
0x76: {  	_ =	shalt  }
0x77: {  	_ =	shalt  }
0x78: {  	_ =	shalt  }
0x79: {  	_ =	shalt  }
0x7a: {  	_ =	shalt  }
0x7b: {  	_ =	shalt  }
0x7c: {  	_ =	shalt  }
0x7d: {  	_ =	shalt  }
0x7e: {  	_ =	shalt  }
0x7f: {  	_ =	shalt  }
0x80: {  	_ =	shalt  }
0x81: {  	_ =	shalt  }
0x82: {  	_ =	shalt  }
0x83: {  	_ =	shalt  }
0x84: {  	_ =	shalt  }
0x85: {  	_ =	shalt  }
0x86: {  	_ =	shalt  }
0x87: {  	_ =	shalt  }
.Lfunc_end0:
.L_simem_size_0:
called_computation_lowered:
.L_overlay_start_0:
0x88: {  	s2 =	sld [smem:$0x3FD9]  }
0x89: {  	s3 =	sld [smem:$0x3FFE];
	_ =	sdelay $0x1  }
0x8a: {  	s1 =	srdreg.scid  }
0x8b: {  	s0 =	sand.u32 $0x1, s1  }
0x8c: {  	s15 =	sshll.u32 s0, $0xA;
	s2 =	sadd.s32 s3, s2  }
0x8d: {  	s2 =	sadd.s32 s2, s15  }
0x8e: {  	[smem:$0x3FBA] =	sst s2  }
0x8f: {  	_ = 	snop  }
0x90: {  	s2 =	sld [smem:$0x3FD0];
	_ =	sdelay $0x2  }
0x91: {  	s4 =	simm.s32 $0xA;
	s5 =	simm.s32 $0x10;
	s16 =	sld [smem:$0x3FC8]  }
0x92: {  	[smem:s5], [sflag:s4] =	dma.local [hbm:s2], $0x1  }
0x93: {  	_ =	swait.eq [sflag:s4], $0x1  }
0x94: {  	[sflag:s4] =	ssyncset.done $0x0  }
0x95: {  	s17 =	sld [smem:$0x10];
	[sflag:s4] =	ssyncadd.s32 $0xFFFFFFFF  }
0x96: {  	s18 =	sld [smem:$0x11];
	(tm) =	ssettm $0x1  }
0x97: {  	s19 =	sld [smem:$0x3FFB];
	_ =	sdelay $0x3  }
0x98: {  	_ =	strace s19  }
0x99: {  	s5 =	sld [smem:$0x3FFC];
	_ =	sdelay $0x3  }
0x9a: {  	_ =	strace s5  }
0x9b: {  	s5 =	sld [smem:$0x3FFD];
	_ =	sdelay $0x3  }
0x9c: {  	_ =	strace s5  }
0x9d: {  	_ =	strace $0x8FFFFFFF  }
0x9e: {  	s20 =	sld [smem:$0x3FDB];
	_ =	sdelay $0x1  }
0x9f: {  	s6 =	simm.s32 $_scs_section_size  }
0xa0: {  	s7 =	simm.s32 $_size__tile_overlayer_lowered;
	s8 =	simm.s32 $_tile_overlayer_lowered  }
0xa1: {  	s23 =	simm.s32 $0x1BFF;
	s22 =	sshll.u32 s8, $0x1;
	s5 =	sadd.s32 s6, s20  }
0xa2: {  	s9 =	simm.s32 $0x0;
	s21 =	sshll.u32 s7, $0x1;
	s7 =	sadd.s32 s22, s5  }
0xa3: {  	[timem:s9], [sflag:s23] =	dma.local [hbm:s7], s21  }
0xa4: {  	_ =	swait.ge [sflag:s23], s21  }
0xa5: {  	s6 =	ssub.s32 $0x0, s21;
	[sflag:s23] =	ssyncset.done $0x0  }
0xa6: {  	[sflag:s23] =	ssyncadd.s32 s6;
	_ =	sdelay $0x1  }
0xa7: {  	s24 =	simm.s32 $0x1B8B  }
0xa8: {  	_ =	swait.ge [sflag:s24], $0x1  }
0xa9: {  	[sflag:s24] =	ssyncset.done $0x0  }
0xaa: {  	s25 =	simm.s32 $0x1B8E;
	[sflag:s24] =	ssyncadd.s32 $0xFFFFFFFF  }
0xab: {  	s26 =	simm.s32 $execute0_lowered;
	[smem:$0x3FD2] =	sst s25  }
0xac: {  	s6 =	sshll.u32 s26, $0x1;
	_ =	strace $0x80000046;
	[dreg:$0x1] =	wrdreg $0xFFFFFFFF  }
0xad: {  	s28 =	simm.s32 $_size_execute0_lowered;
	s5 =	sadd.s32 s5, s6;
	[dreg:$0x0] =	wrdreg $0x0  }
0xae: {  	s6 =	sshll.u32 s28, $0x1;
	[dreg:$0x2] =	wrdreg s5  }
0xaf: {  	[dreg:$0x3] =	wrdreg s6  }
0xb0: {  	[dreg:$0x4] =	wrdreg $0xC0  }
0xb1: {  	_ =	task [dreg:s9], $0x5FFFF  }
0xb2: {  	[dreg:$0x1] =	wrdreg $0xFFFFFFFF  }
0xb3: {  	[dreg:$0x0] =	wrdreg $0x60  }
0xb4: {  	[dreg:$0x2] =	wrdreg s16  }
0xb5: {  	[dreg:$0x3] =	wrdreg s18  }
0xb6: {  	[dreg:$0x4] =	wrdreg s17  }
0xb7: {  	[dreg:$0x5] =	wrdreg $0x9  }
0xb8: {  	_ =	task.clear_ibuf [dreg:s9], $0x6FFFF;
	_ =	strace $0x90000046  }
0xb9: {  	s29 =	simm.s32 $0x9;
	_ =	strace $0x80000048  }
0xba: {  	_ =	swait.ge [sflag:s29], $0x1  }
0xbb: {  	[sflag:s29] =	ssyncadd.s32 $0xFFFFFFFF  }
0xbc: {  	_ =	strace $0x90000048  }
0xbd: {  	_ =	sfence  }
0xbe: {  	s30 =	sld [smem:$0x0];
	_ =	sdelay $0x2  }
0xbf: {  	s31 =	sshll.u32 s1, $0xD;
	s1 =	sshrl.u32 s1, $0x2  }
0xc0: {  	s3 =	sand.u32 $0x4000, s31;
	s1 =	sadd.s32 s1, s30  }
0xc1: {  	s0 =	sor.u32 s3, s0;
	s1 =	sshll.u32 s1, $0x11  }
0xc2: {  	s0 =	sor.u32 s1, s0  }
0xc3: {  	s0 =	sadd.s32 $0x8F2B, s0  }
0xc4: {  	[sflag:s0] =	ssyncadd.remote.s32 $0x1  }
0xc5: {  	_ =	sfence.sel $0xFFFF  }
0xc6: {  	[dreg:$0x0] =	wrdreg $0xFFFFFFFF;
	(pc) =	sbr.abs _section_cstart, $3  }
0xc7: {  	[dreg:$0x1] =	wrdreg $0xFFFFFFFF  }
0xc8: {  	_ =	task.clear_ibuf [dreg:s9], $0x2FFFF;
	_ =	strace $0x9FFFFFFF  }
0xc9: {  	(tm) =	ssettm $0x7FFFFFFF  }
tec
execute0_lowered:
.L_overlay_start_1:
0x0: {  	(tag) =	ssettag $0x1  }
0x1: {  	s0 =	srdreg.scid  }
0x2: {  	s5 =	stileid.u32;
	s1 =	rddreg [dreg:$0x0]  }
0x3: {  	s7 =	rddreg [dreg:$0x2];
	s6 =	simm.s32 $0x0;
	s28 =	simm.s32 $0x4000  }
0x4: {  	s30 =	simm.s32 $0x8000;
	s31 =	simm.s32 $0xA000;
	s10 =	simm.s32 $0x2000  }
0x5: {  	s11 =	simm.s32 $0x1;
	s12 =	simm.s32 $0x0;
	s0 =	sand.u32 $0x1, s0  }
0x6: {  	s2 =	sshll.u32 s5, $0x5;
	s19 =	sshll.u32 s5, $0x11;
	s3 =	sshll.u32 s0, $0x4  }
0x7: {  	[smem:$0x7FF] =	sst s6;
	s0 =	ssub.s32 $0x2, s0;
	s4 =	sor.u32 s3, s2  }
0x8: {  	s26 =	sshll.u32 s5, $0x10;
	s20 =	sshrl.u32 s0, $0x1;
	s2 =	sshll.u32 s4, $0xC  }
0x9: {  	s3 =	sand.u32 $0x1C0000, s19;
	s0 =	ssub.s32 s0, s20;
	s2 =	sand.u32 $0x30000, s2  }
0xa: {  	s16 =	sadd.s32 $0x10, s7;
	s0 =	smax.u32 s0, $0x1;
	s2 =	sor.u32 s3, s2  }
0xb: {  	_ =	strace $0x80000047;
	[dreg:$0xc] =	wrdreg s0;
	s8 =	sadd.s32 s1, s2  }
0xc: {  	s17 =	sadd.s32 $0x20, s7;
	s2 =	sadd.s32 $0x10, s8;
	[dreg:$0x4] =	wrdreg s8  }
0xd: {  	s18 =	sadd.s32 $0x30, s7;
	s21 =	sadd.s32 $0x20, s8;
	[dreg:$0x5] =	wrdreg s2  }
0xe: {  	s15 =	sand.u32 $0xE0000, s26;
	s22 =	sadd.s32 $0x30, s8;
	[dreg:$0x6] =	wrdreg s21  }
0xf: {  	s26 =	simm.s32 $0x400;
	s23 =	sadd.s32 $0x40, s8;
	[dreg:$0x7] =	wrdreg s22  }
0x10: {  	s19 =	sor.u32 $0xF, s4;
	s24 =	sadd.s32 $0x50, s8;
	[dreg:$0x8] =	wrdreg s23  }
0x11: {  	v1 =	vimm.s32 $0x1FFF;
	s20 =	sadd.s32 $0x40, s7;
	s25 =	sadd.s32 $0x60, s8;
	[dreg:$0x9] =	wrdreg s24  }
0x12: {  	s0 =	simm.s32 $0xE000;
	s29 =	sadd.s32 $0x70, s8;
	[dreg:$0xa] =	wrdreg s25  }
0x13: {  	s3 =	simm.s32 $0x10000;
	s8 =	simm.s32 $0x12000;
	[dreg:$0xb] =	wrdreg s29  }
0x14: {  	s21 =	sadd.s32 $0x50, s7;
	s22 =	sadd.s32 $0x60, s7;
	s23 =	sadd.s32 $0x70, s7  }
0x15: {  	v0 =	vlaneseq.u32;
	v2 =	vimm.s32 $0x2000;
	s25 =	simm.s32 $0x80;
	s2 =	simm.s32 $0xC000;
	s7 =	simm.s32 $0x2  }
.LBB2_1:
0x16: {  	[dreg:$0xd] =	wrdreg s12  }
0x17: {  	s5 =	rddreg [dreg:$0x4]  }
0x18: {  	[tilespmem:s28], [sflag:$0x1] =	stream.strided.gather [hbm4b:s5+s25], $0x2000, s26, s25, $0x38;
	[tilespmem:$0x1C000] =	vst v63  }
0x19: {  	s29 =	rddreg [dreg:$0x5];
	s9 =	simm.s32 $0x6000  }
0x1a: {  	[tilespmem:s9], [sflag:$0x1] =	stream.strided.gather [hbm4b:s29+s25], $0x2000, s26, s25, $0x38;
	[tilespmem:$0x1C000] =	vst v63  }
0x1b: {  	s9 =	rddreg [dreg:$0x6]  }
0x1c: {  	[tilespmem:s30], [sflag:$0x1] =	stream.strided.gather [hbm4b:s9+s25], $0x2000, s26, s25, $0x38;
	[tilespmem:$0x1C000] =	vst v63  }
0x1d: {  	s12 =	rddreg [dreg:$0x7]  }
0x1e: {  	[tilespmem:s31], [sflag:$0x1] =	stream.strided.gather [hbm4b:s12+s25], $0x2000, s26, s25, $0x38;
	[tilespmem:$0x1C000] =	vst v63  }
0x1f: {  	s13 =	rddreg [dreg:$0x8]  }
0x20: {  	[tilespmem:s2], [sflag:$0x2] =	stream.strided.gather [hbm4b:s13+s25], $0x2000, s26, s25, $0x38;
	[tilespmem:$0x1C000] =	vst v63  }
0x21: {  	s14 =	rddreg [dreg:$0x9]  }
0x22: {  	[tilespmem:s0], [sflag:$0x2] =	stream.strided.gather [hbm4b:s14+s25], $0x2000, s26, s25, $0x38;
	[tilespmem:$0x1C000] =	vst v63  }
0x23: {  	s24 =	rddreg [dreg:$0xa]  }
0x24: {  	[tilespmem:s3], [sflag:$0x2] =	stream.strided.gather [hbm4b:s24+s25], $0x2000, s26, s25, $0x38;
	[tilespmem:$0x1C000] =	vst v63  }
0x25: {  	s29 =	rddreg [dreg:$0xb]  }
0x26: {  	[tilespmem:s8], [sflag:$0x2] =	stream.strided.gather [hbm4b:s29+s25], $0x2000, s26, s25, $0x38;
	[tilespmem:$0x1C000] =	vst v63  }
0x27: {  	s9 =	rddreg [dreg:$0x1];
	s12 =	simm.s32 $0x5  }
0x28: {  	[tilespmem:s6], [sflag:$0x5] =	stream.linear.gather [hbm4b:s9+s6], $0x2000, $0x38;
	[tilespmem:$0x1C000] =	vst v63  }
0x29: {  	_ =	swait.ge [sflag:s12], $0x2000  }
0x2a: {  	[sflag:s12] =	ssyncset.done $0x0  }
0x2b: {  	[sflag:s12] =	ssyncadd.s32 $0xFFFFE000  }
0x2c: {  	v3 =	vld.idx.msk [tilespmem:v1+s6+$0x0], $0xffff;
	_ =	sdelay $0x2  }
0x2d: {  	s13 =	simm.s32 $0x10  }
0x2e: {  	v4 =	vor.u32 s13, v0  }
0x2f: {  	vm0 =	vgt.s32 v3, v4  }
0x30: {  	v6 =	vsel vm0, $0x0, v2  }
0x31: {  	v5 =	vor.u32 $0x1000, v6  }
0x32: {  	v7 =	vmin.u32 v5, $0x2000  }
0x33: {  	v5 =	vadd.s32 $0xFFFFFFFF, v7;
	_ =	sdelay $0x4  }
0x34: {  	s14 =	simm.s32 $0x0;
	v8 =	vld.idx.msk [tilespmem:v5+s6+$0x0], $0xffff  }
0x35: {  	v5 =	vor.u32 s14, v0  }
0x36: {  	vm0 =	vgt.s32 v3, v5  }
0x37: {  	v3 =	vsel vm0, $0x0, v2  }
0x38: {  	v9 =	vor.u32 $0x1000, v3  }
0x39: {  	v9 =	vmin.u32 v9, $0x2000;
	vm0 =	vgt.s32 v8, v4  }
0x3a: {  	v8 =	vadd.s32 $0xFFFFFFFF, v9;
	v6 =	vsel vm0, v6, v7  }
0x3b: {  	v7 =	vor.u32 $0x800, v6  }
0x3c: {  	v7 =	vmin.u32 v7, $0x2000  }
0x3d: {  	v10 =	vadd.s32 $0xFFFFFFFF, v7;
	_ =	sdelay $0x1  }
0x3e: {  	v8 =	vld.idx.msk [tilespmem:v8+s6+$0x0], $0xffff;
	_ =	sdelay $0x2  }
0x3f: {  	v10 =	vld.idx.msk [tilespmem:v10+s6+$0x0], $0xffff;
	_ =	sdelay $0x1  }
0x40: {  	vm0 =	vgt.s32 v8, v5  }
0x41: {  	v3 =	vsel vm0, v3, v9  }
0x42: {  	v8 =	vor.u32 $0x800, v3  }
0x43: {  	v8 =	vmin.u32 v8, $0x2000;
	vm0 =	vgt.s32 v10, v4  }
0x44: {  	v9 =	vadd.s32 $0xFFFFFFFF, v8;
	v6 =	vsel vm0, v6, v7  }
0x45: {  	v7 =	vmin.u32 v6, $0x1C00  }
0x46: {  	v10 =	vadd.s32 $0x3FF, v7;
	_ =	sdelay $0x2  }
0x47: {  	v9 =	vld.idx.msk [tilespmem:v9+s6+$0x0], $0xffff;
	_ =	sdelay $0x1  }
0x48: {  	v10 =	vld.idx.msk [tilespmem:v10+s6+$0x0], $0xffff  }
0x49: {  	v11 =	vld.idx.msk [tilespmem:v1+s6+$0x0], $0xffff;
	_ =	sdelay $0x1  }
0x4a: {  	vm0 =	vgt.s32 v9, v5  }
0x4b: {  	s14 =	simm.s32 $0x30;
	v7 =	vadd.s32 $0x400, v7;
	v8 =	vsel vm0, v3, v8  }
0x4c: {  	v3 =	vor.u32 s14, v0;
	v9 =	vmin.u32 v8, $0x1C00;
	vm0 =	vgt.s32 v10, v4  }
0x4d: {  	vm1 =	vgt.s32 v11, v3;
	v10 =	vadd.s32 $0x3FF, v9;
	v7 =	vsel vm0, v6, v7  }
0x4e: {  	v12 =	vsel vm1, $0x0, v2;
	v13 =	vmin.u32 v7, $0x1E00  }
0x4f: {  	v6 =	vor.u32 $0x1000, v12;
	v14 =	vadd.s32 $0x1FF, v13  }
0x50: {  	v15 =	vmin.u32 v6, $0x2000  }
0x51: {  	s24 =	simm.s32 $0x20;
	v16 =	vadd.s32 $0xFFFFFFFF, v15  }
0x52: {  	v6 =	vor.u32 s24, v0;
	v10 =	vld.idx.msk [tilespmem:v10+s6+$0x0], $0xffff  }
0x53: {  	vm0 =	vgt.s32 v11, v6  }
0x54: {  	v11 =	vsel vm0, $0x0, v2;
	v14 =	vld.idx.msk [tilespmem:v14+s6+$0x0], $0xffff  }
0x55: {  	v17 =	vor.u32 $0x1000, v11  }
0x56: {  	v17 =	vmin.u32 v17, $0x2000;
	v16 =	vld.idx.msk [tilespmem:v16+s6+$0x0], $0xffff  }
0x57: {  	v9 =	vadd.s32 $0x400, v9;
	vm0 =	vgt.s32 v10, v5;
	v10 =	vadd.s32 $0xFFFFFFFF, v17  }
0x58: {  	v8 =	vsel vm0, v8, v9  }
0x59: {  	v13 =	vadd.s32 $0x200, v13;
	v9 =	vmin.u32 v8, $0x1E00;
	vm0 =	vgt.s32 v14, v4  }
0x5a: {  	v14 =	vadd.s32 $0x1FF, v9;
	v7 =	vsel vm0, v7, v13  }
0x5b: {  	vm0 =	vgt.s32 v16, v3;
	v13 =	vmin.u32 v7, $0x1F00  }
0x5c: {  	v12 =	vsel vm0, v12, v15;
	v10 =	vld.idx.msk [tilespmem:v10+s6+$0x0], $0xffff;
	v15 =	vadd.s32 $0xFF, v13  }
0x5d: {  	v16 =	vor.u32 $0x800, v12  }
0x5e: {  	v16 =	vmin.u32 v16, $0x2000  }
0x5f: {  	v18 =	vadd.s32 $0xFFFFFFFF, v16;
	v14 =	vld.idx.msk [tilespmem:v14+s6+$0x0], $0xffff;
	_ =	sdelay $0x1  }
0x60: {  	vm0 =	vgt.s32 v10, v6;
	v10 =	vld.idx.msk [tilespmem:v15+s6+$0x0], $0xffff  }
0x61: {  	v11 =	vsel vm0, v11, v17  }
0x62: {  	v15 =	vor.u32 $0x800, v11  }
0x63: {  	v9 =	vadd.s32 $0x200, v9;
	v17 =	vld.idx.msk [tilespmem:v18+s6+$0x0], $0xffff;
	vm0 =	vgt.s32 v14, v5;
	v14 =	vmin.u32 v15, $0x2000  }
0x64: {  	v8 =	vsel vm0, v8, v9;
	v9 =	vadd.s32 $0xFFFFFFFF, v14  }
0x65: {  	v13 =	vadd.s32 $0x100, v13;
	v15 =	vmin.u32 v8, $0x1F00;
	vm0 =	vgt.s32 v10, v4  }
0x66: {  	v10 =	vadd.s32 $0xFF, v15;
	v7 =	vsel vm0, v7, v13  }
0x67: {  	v13 =	vmin.u32 v7, $0x1F80  }
0x68: {  	vm0 =	vgt.s32 v17, v3;
	v17 =	vadd.s32 $0x7F, v13  }
0x69: {  	v12 =	vsel vm0, v12, v16;
	v9 =	vld.idx.msk [tilespmem:v9+s6+$0x0], $0xffff  }
0x6a: {  	v16 =	vmin.u32 v12, $0x1C00  }
0x6b: {  	v18 =	vadd.s32 $0x3FF, v16;
	v10 =	vld.idx.msk [tilespmem:v10+s6+$0x0], $0xffff;
	_ =	sdelay $0x1  }
0x6c: {  	v17 =	vld.idx.msk [tilespmem:v17+s6+$0x0], $0xffff  }
0x6d: {  	vm0 =	vgt.s32 v9, v6  }
0x6e: {  	v9 =	vsel vm0, v11, v14  }
0x6f: {  	v14 =	vadd.s32 $0x100, v15;
	v11 =	vld.idx.msk [tilespmem:v18+s6+$0x0], $0xffff;
	v15 =	vmin.u32 v9, $0x1C00;
	vm0 =	vgt.s32 v10, v5  }
0x70: {  	v10 =	vld.idx.msk [tilespmem:v1+s6+$0x0], $0xffff;
	v18 =	vadd.s32 $0x3FF, v15;
	v14 =	vsel vm0, v8, v14  }
0x71: {  	v8 =	vadd.s32 $0x80, v13;
	v19 =	vmin.u32 v14, $0x1F80;
	vm0 =	vgt.s32 v17, v4  }
0x72: {  	s29 =	simm.s32 $0x50;
	v13 =	vadd.s32 $0x7F, v19;
	v17 =	vsel vm0, v7, v8  }
0x73: {  	v7 =	vor.u32 s29, v0;
	v20 =	vmin.u32 v17, $0x1FC0  }
0x74: {  	v8 =	vadd.s32 $0x400, v16;
	vm0 =	vgt.s32 v11, v3;
	v11 =	vadd.s32 $0x3F, v20  }
0x75: {  	vm1 =	vgt.s32 v10, v7;
	v12 =	vsel vm0, v12, v8  }
0x76: {  	s9 =	simm.s32 $0x40;
	v16 =	vsel vm1, $0x0, v2;
	v18 =	vld.idx.msk [tilespmem:v18+s6+$0x0], $0xffff;
	v21 =	vmin.u32 v12, $0x1E00  }
0x77: {  	v8 =	vor.u32 s9, v0;
	v22 =	vor.u32 $0x1000, v16;
	v13 =	vld.idx.msk [tilespmem:v13+s6+$0x0], $0xffff;
	v23 =	vadd.s32 $0x1FF, v21  }
0x78: {  	vm0 =	vgt.s32 v10, v8;
	v22 =	vmin.u32 v22, $0x2000  }
0x79: {  	v24 =	vsel vm0, $0x0, v2;
	v10 =	vadd.s32 $0xFFFFFFFF, v22;
	v11 =	vld.idx.msk [tilespmem:v11+s6+$0x0], $0xffff  }
0x7a: {  	v25 =	vor.u32 $0x1000, v24  }
0x7b: {  	v15 =	vadd.s32 $0x400, v15;
	v25 =	vmin.u32 v25, $0x2000;
	vm0 =	vgt.s32 v18, v6  }
0x7c: {  	v9 =	vsel vm0, v9, v15;
	vm1 =	vgt.s32 v13, v5;
	v13 =	vadd.s32 $0xFFFFFFFF, v25;
	v18 =	vld.idx.msk [tilespmem:v23+s6+$0x0], $0xffff  }
0x7d: {  	v19 =	vadd.s32 $0x80, v19;
	v15 =	vmin.u32 v9, $0x1E00  }
0x7e: {  	v14 =	vsel vm1, v14, v19;
	v10 =	vld.idx.msk [tilespmem:v10+s6+$0x0], $0xffff;
	v19 =	vadd.s32 $0x40, v20;
	vm0 =	vgt.s32 v11, v4  }
0x7f: {  	v20 =	vmin.u32 v14, $0x1FC0;
	v11 =	vadd.s32 $0x1FF, v15;
	v17 =	vsel vm0, v17, v19  }
0x80: {  	v19 =	vadd.s32 $0x3F, v20;
	v23 =	vmin.u32 v17, $0x1FE0  }
0x81: {  	v21 =	vadd.s32 $0x200, v21;
	v13 =	vld.idx.msk [tilespmem:v13+s6+$0x0], $0xffff;
	vm0 =	vgt.s32 v18, v3;
	v18 =	vadd.s32 $0x1F, v23  }
0x82: {  	v12 =	vsel vm0, v12, v21  }
0x83: {  	vm0 =	vgt.s32 v10, v7;
	v10 =	vmin.u32 v12, $0x1F00  }
0x84: {  	v16 =	vsel vm0, v16, v22;
	v11 =	vld.idx.msk [tilespmem:v11+s6+$0x0], $0xffff;
	v21 =	vadd.s32 $0xFF, v10  }
0x85: {  	v22 =	vor.u32 $0x800, v16;
	v19 =	vld.idx.msk [tilespmem:v19+s6+$0x0], $0xffff  }
0x86: {  	v22 =	vmin.u32 v22, $0x2000;
	vm0 =	vgt.s32 v13, v8;
	v13 =	vld.idx.msk [tilespmem:v18+s6+$0x0], $0xffff  }
0x87: {  	v18 =	vadd.s32 $0xFFFFFFFF, v22;
	v24 =	vsel vm0, v24, v25  }
0x88: {  	v25 =	vor.u32 $0x800, v24  }
0x89: {  	v15 =	vadd.s32 $0x200, v15;
	vm0 =	vgt.s32 v11, v6;
	v11 =	vmin.u32 v25, $0x2000;
	v21 =	vld.idx.msk [tilespmem:v21+s6+$0x0], $0xffff  }
0x8a: {  	v20 =	vadd.s32 $0x40, v20;
	v9 =	vsel vm0, v9, v15;
	v15 =	vadd.s32 $0xFFFFFFFF, v11  }
0x8b: {  	vm0 =	vgt.s32 v19, v5;
	v19 =	vadd.s32 $0x20, v23;
	vm1 =	vgt.s32 v13, v4  }
0x8c: {  	v10 =	vadd.s32 $0x100, v10;
	v18 =	vld.idx.msk [tilespmem:v18+s6+$0x0], $0xffff;
	v13 =	vmin.u32 v9, $0x1F00;
	v17 =	vsel vm1, v17, v19  }
0x8d: {  	v14 =	vsel vm0, v14, v20;
	v19 =	vadd.s32 $0xFF, v13;
	v23 =	vmin.u32 v17, $0x1FF0  }
0x8e: {  	v20 =	vmin.u32 v14, $0x1FE0;
	vm0 =	vgt.s32 v21, v3;
	v21 =	vadd.s32 $0xF, v23  }
0x8f: {  	v10 =	vsel vm0, v12, v10;
	v12 =	vadd.s32 $0x1F, v20  }
0x90: {  	v15 =	vld.idx.msk [tilespmem:v15+s6+$0x0], $0xffff;
	v25 =	vmin.u32 v10, $0x1F80  }
0x91: {  	vm0 =	vgt.s32 v18, v7;
	v18 =	vadd.s32 $0x7F, v25  }
0x92: {  	v16 =	vsel vm0, v16, v22;
	v19 =	vld.idx.msk [tilespmem:v19+s6+$0x0], $0xffff  }
0x93: {  	v22 =	vmin.u32 v16, $0x1C00;
	v21 =	vld.idx.msk [tilespmem:v21+s6+$0x0], $0xffff  }
0x94: {  	v26 =	vadd.s32 $0x3FF, v22;
	v12 =	vld.idx.msk [tilespmem:v12+s6+$0x0], $0xffff  }
0x95: {  	vm0 =	vgt.s32 v15, v8  }
0x96: {  	v13 =	vadd.s32 $0x100, v13;
	v20 =	vadd.s32 $0x20, v20;
	v11 =	vsel vm0, v24, v11;
	v18 =	vld.idx.msk [tilespmem:v18+s6+$0x0], $0xffff  }
0x97: {  	v23 =	vadd.s32 $0x10, v23;
	v15 =	vmin.u32 v11, $0x1C00;
	vm0 =	vgt.s32 v19, v6  }
0x98: {  	v22 =	vadd.s32 $0x400, v22;
	v24 =	vld.idx.msk [tilespmem:v1+s6+$0x0], $0xffff;
	v19 =	vadd.s32 $0x3FF, v15;
	v13 =	vsel vm0, v9, v13  }
0x99: {  	v9 =	vld.idx.msk [tilespmem:v26+s6+$0x0], $0xffff;
	vm0 =	vgt.s32 v21, v4;
	v21 =	vmin.u32 v13, $0x1F80;
	vm1 =	vgt.s32 v12, v5  }
0x9a: {  	v12 =	vsel vm0, v17, v23;
	v17 =	vadd.s32 $0x7F, v21;
	v14 =	vsel vm1, v14, v20  }
0x9b: {  	v23 =	vadd.s32 $0x80, v25;
	v20 =	vmin.u32 v12, $0x1FF8;
	vm0 =	vgt.s32 v18, v3  }
0x9c: {  	s12 =	simm.s32 $0x70;
	v25 =	vmin.u32 v14, $0x1FF0;
	v18 =	vadd.s32 $0x7, v20;
	v23 =	vsel vm0, v10, v23  }
0x9d: {  	v10 =	vor.u32 s12, v0;
	v27 =	vadd.s32 $0xF, v25;
	v26 =	vmin.u32 v23, $0x1FC0  }
0x9e: {  	s13 =	simm.s32 $0x60;
	vm1 =	vgt.s32 v24, v10;
	vm0 =	vgt.s32 v9, v7;
	v28 =	vadd.s32 $0x3F, v26  }
0x9f: {  	v19 =	vld.idx.msk [tilespmem:v19+s6+$0x0], $0xffff;
	v9 =	vor.u32 s13, v0;
	v16 =	vsel vm0, v16, v22;
	v22 =	vsel vm1, $0x0, v2  }
0xa0: {  	v17 =	vld.idx.msk [tilespmem:v17+s6+$0x0], $0xffff;
	vm0 =	vgt.s32 v24, v9;
	v24 =	vmin.u32 v16, $0x1E00;
	v29 =	vor.u32 $0x1000, v22  }
0xa1: {  	v30 =	vsel vm0, $0x0, v2;
	v18 =	vld.idx.msk [tilespmem:v18+s6+$0x0], $0xffff;
	v31 =	vadd.s32 $0x1FF, v24;
	v29 =	vmin.u32 v29, $0x2000  }
0xa2: {  	v32 =	vor.u32 $0x1000, v30;
	v33 =	vadd.s32 $0xFFFFFFFF, v29  }
0xa3: {  	v32 =	vmin.u32 v32, $0x2000;
	v28 =	vld.idx.msk [tilespmem:v28+s6+$0x0], $0xffff  }
0xa4: {  	v15 =	vadd.s32 $0x400, v15;
	vm0 =	vgt.s32 v19, v8;
	v19 =	vadd.s32 $0xFFFFFFFF, v32  }
0xa5: {  	v21 =	vadd.s32 $0x80, v21;
	v20 =	vadd.s32 $0x8, v20;
	v27 =	vld.idx.msk [tilespmem:v27+s6+$0x0], $0xffff;
	v11 =	vsel vm0, v11, v15  }
0xa6: {  	v15 =	vmin.u32 v11, $0x1E00;
	vm1 =	vgt.s32 v17, v6;
	v17 =	vld.idx.msk [tilespmem:v31+s6+$0x0], $0xffff;
	vm0 =	vgt.s32 v18, v4  }
0xa7: {  	v26 =	vadd.s32 $0x40, v26;
	v18 =	vadd.s32 $0x1FF, v15;
	v12 =	vsel vm0, v12, v20;
	v20 =	vld.idx.msk [tilespmem:v33+s6+$0x0], $0xffff  }
0xa8: {  	v13 =	vsel vm1, v13, v21;
	v21 =	vmin.u32 v12, $0x1FFC;
	vm0 =	vgt.s32 v28, v3  }
0xa9: {  	v28 =	vmin.u32 v13, $0x1FC0;
	v19 =	vld.idx.msk [tilespmem:v19+s6+$0x0], $0xffff;
	v31 =	vadd.s32 $0x3, v21;
	v23 =	vsel vm0, v23, v26  }
0xaa: {  	v24 =	vadd.s32 $0x200, v24;
	v26 =	vadd.s32 $0x3F, v28;
	v41 =	vmin.u32 v23, $0x1FE0  }
0xab: {  	v15 =	vadd.s32 $0x200, v15;
	vm0 =	vgt.s32 v17, v7;
	v17 =	vadd.s32 $0x1F, v41  }
0xac: {  	vm1 =	vgt.s32 v27, v5;
	v18 =	vld.idx.msk [tilespmem:v18+s6+$0x0], $0xffff;
	v16 =	vsel vm0, v16, v24;
	vm0 =	vgt.s32 v20, v10  }
0xad: {  	v20 =	vadd.s32 $0x10, v25;
	v24 =	vmin.u32 v16, $0x1F00;
	v22 =	vsel vm0, v22, v29  }
0xae: {  	vm0 =	vgt.s32 v19, v9;
	v25 =	vld.idx.msk [tilespmem:v31+s6+$0x0], $0xffff;
	v27 =	vadd.s32 $0xFF, v24;
	v19 =	vor.u32 $0x800, v22  }
0xaf: {  	v14 =	vsel vm1, v14, v20;
	v20 =	vld.idx.msk [tilespmem:v26+s6+$0x0], $0xffff;
	v26 =	vsel vm0, v30, v32;
	v19 =	vmin.u32 v19, $0x2000  }
0xb0: {  	v29 =	vmin.u32 v14, $0x1FF8;
	v30 =	vor.u32 $0x800, v26;
	v17 =	vld.idx.msk [tilespmem:v17+s6+$0x0], $0xffff;
	v31 =	vadd.s32 $0xFFFFFFFF, v19  }
0xb1: {  	v42 =	vadd.s32 $0x7, v29;
	vm0 =	vgt.s32 v18, v8;
	v18 =	vmin.u32 v30, $0x2000  }
0xb2: {  	v11 =	vsel vm0, v11, v15;
	v15 =	vadd.s32 $0xFFFFFFFF, v18  }
0xb3: {  	v21 =	vadd.s32 $0x4, v21;
	v27 =	vld.idx.msk [tilespmem:v27+s6+$0x0], $0xffff;
	vm0 =	vgt.s32 v25, v4;
	v25 =	vmin.u32 v11, $0x1F00  }
0xb4: {  	vm1 =	vgt.s32 v20, v6;
	v12 =	vsel vm0, v12, v21;
	v20 =	vadd.s32 $0xFF, v25  }
0xb5: {  	v21 =	vmin.u32 v12, $0x1FFE;
	v30 =	vld.idx.msk [tilespmem:v31+s6+$0x0], $0xffff;
	v31 =	vadd.s32 $0x20, v41;
	vm0 =	vgt.s32 v17, v3  }
0xb6: {  	v28 =	vadd.s32 $0x40, v28;
	v17 =	vld.idx.msk [tilespmem:v42+s6+$0x0], $0xffff;
	v43 =	vadd.s32 $0x1, v21;
	v23 =	vsel vm0, v23, v31  }
0xb7: {  	v24 =	vadd.s32 $0x100, v24;
	v13 =	vsel vm1, v13, v28;
	v15 =	vld.idx.msk [tilespmem:v15+s6+$0x0], $0xffff;
	v31 =	vmin.u32 v23, $0x1FF0  }
0xb8: {  	v28 =	vmin.u32 v13, $0x1FE0;
	vm0 =	vgt.s32 v27, v7;
	v27 =	vadd.s32 $0xF, v31  }
0xb9: {  	v29 =	vadd.s32 $0x8, v29;
	v16 =	vsel vm0, v16, v24;
	v24 =	vadd.s32 $0x1F, v28  }
0xba: {  	v25 =	vadd.s32 $0x100, v25;
	v20 =	vld.idx.msk [tilespmem:v20+s6+$0x0], $0xffff;
	v44 =	vmin.u32 v16, $0x1F80;
	vm0 =	vgt.s32 v30, v10  }
0xbb: {  	vm1 =	vgt.s32 v17, v5;
	v17 =	vld.idx.msk [tilespmem:v43+s6+$0x0], $0xffff;
	v30 =	vadd.s32 $0x7F, v44;
	v19 =	vsel vm0, v22, v19  }
0xbc: {  	v14 =	vsel vm1, v14, v29;
	vm0 =	vgt.s32 v15, v9;
	v15 =	vmin.u32 v19, $0x1C00  }
0xbd: {  	v22 =	vmin.u32 v14, $0x1FFC;
	v18 =	vsel vm0, v26, v18;
	v27 =	vld.idx.msk [tilespmem:v27+s6+$0x0], $0xffff;
	v26 =	vadd.s32 $0x3FF, v15  }
0xbe: {  	v21 =	vadd.s32 $0x2, v21;
	v28 =	vadd.s32 $0x20, v28;
	v29 =	vadd.s32 $0x3, v22;
	v24 =	vld.idx.msk [tilespmem:v24+s6+$0x0], $0xffff  }
0xbf: {  	v45 =	vmin.u32 v18, $0x1C00;
	v22 =	vadd.s32 $0x4, v22;
	v15 =	vadd.s32 $0x400, v15  }
0xc0: {  	vm0 =	vgt.s32 v20, v8;
	v20 =	vadd.s32 $0x3FF, v45;
	vm1 =	vgt.s32 v17, v4  }
0xc1: {  	v30 =	vld.idx.msk [tilespmem:v30+s6+$0x0], $0xffff;
	v17 =	vsel vm0, v11, v25;
	v25 =	vadd.s32 $0x400, v45;
	v21 =	vsel vm1, v12, v21  }
0xc2: {  	v11 =	vmin.u32 v17, $0x1F80;
	v46 =	vmin.u32 v21, $0x1FFF;
	v12 =	vld.idx.msk [tilespmem:v26+s6+$0x0], $0xffff;
	v26 =	vadd.s32 $0x10, v31  }
0xc3: {  	vm0 =	vgt.s32 v27, v3;
	v27 =	vadd.s32 $0x7F, v11;
	vm1 =	vgt.s32 v24, v6  }
0xc4: {  	v31 =	vld.idx.msk [tilespmem:v1+s6+$0x0], $0xffff;
	v23 =	vsel vm0, v23, v26;
	v24 =	vadd.s32 $0x80, v11;
	v11 =	vadd.s32 $0x80, v44  }
0xc5: {  	v32 =	vadd.s32 $0x1, v46;
	v13 =	vsel vm1, v13, v28;
	v26 =	vmin.u32 v23, $0x1FF8  }
0xc6: {  	s12 =	simm.s32 $0x90;
	vm0 =	vgt.s32 v30, v7;
	v28 =	vadd.s32 $0x7, v26;
	v30 =	vmin.u32 v13, $0x1FF0  }
0xc7: {  	v26 =	vadd.s32 $0x8, v26;
	v16 =	vsel vm0, v16, v11;
	v11 =	vor.u32 s12, v0  }
0xc8: {  	v35 =	vadd.s32 $0xF, v30;
	v30 =	vadd.s32 $0x10, v30;
	v47 =	vld.idx.msk [tilespmem:v46+s6+$0x0], $0xffff;
	v34 =	vmin.u32 v16, $0x1FC0  }
0xc9: {  	s24 =	simm.s32 $0x80;
	v20 =	vld.idx.msk [tilespmem:v20+s6+$0x0], $0xffff;
	vm0 =	vgt.s32 v12, v10;
	vm1 =	vgt.s32 v31, v11;
	v36 =	vadd.s32 $0x3F, v34  }
0xca: {  	v29 =	vld.idx.msk [tilespmem:v29+s6+$0x0], $0xffff;
	v12 =	vor.u32 s24, v0;
	v15 =	vsel vm0, v19, v15;
	v19 =	vsel vm1, $0x0, v2  }
0xcb: {  	v27 =	vld.idx.msk [tilespmem:v27+s6+$0x0], $0xffff;
	vm0 =	vgt.s32 v31, v12;
	v31 =	vmin.u32 v15, $0x1E00;
	v37 =	vor.u32 $0x1000, v19  }
0xcc: {  	v38 =	vsel vm0, $0x0, v2;
	v28 =	vld.idx.msk [tilespmem:v28+s6+$0x0], $0xffff;
	v39 =	vadd.s32 $0x1FF, v31;
	v37 =	vmin.u32 v37, $0x2000  }
0xcd: {  	v48 =	vor.u32 $0x1000, v38;
	v40 =	vadd.s32 $0xFFFFFFFF, v37;
	vm0 =	vgt.s32 v47, v4  }
0xce: {  	v36 =	vld.idx.msk [tilespmem:v36+s6+$0x0], $0xffff;
	v41 =	vsel vm0, v21, v32;
	vm0 =	vgt.s32 v20, v9;
	v21 =	vmin.u32 v48, $0x2000  }
0xcf: {  	vm2 =	vgt.s32 v29, v5;
	v20 =	vld.idx.msk [tilespmem:v35+s6+$0x0], $0xffff;
	v18 =	vsel vm0, v18, v25;
	v25 =	vadd.s32 $0xFFFFFFFF, v21  }
0xd0: {  	v34 =	vadd.s32 $0x40, v34;
	v14 =	vsel vm2, v14, v22;
	vm1 =	vgt.s32 v27, v8  }
0xd1: {  	v17 =	vsel vm1, v17, v24;
	v24 =	vmin.u32 v18, $0x1E00;
	v27 =	vld.idx.msk [tilespmem:v39+s6+$0x0], $0xffff;
	vm0 =	vgt.s32 v28, v3  }
0xd2: {  	v28 =	vadd.s32 $0x200, v24;
	v24 =	vadd.s32 $0x1FF, v24;
	v23 =	vsel vm0, v23, v26  }
0xd3: {  	v31 =	vadd.s32 $0x200, v31;
	v26 =	vmin.u32 v17, $0x1FC0;
	v49 =	vld.idx.msk [tilespmem:v40+s6+$0x0], $0xffff;
	v50 =	vmin.u32 v23, $0x1FFC  }
0xd4: {  	vm0 =	vgt.s32 v36, v7;
	vm1 =	vgt.s32 v20, v6;
	v20 =	vadd.s32 $0x3, v50;
	v25 =	vld.idx.msk [tilespmem:v25+s6+$0x0], $0xffff  }
0xd5: {  	v51 =	vadd.s32 $0x40, v26;
	v26 =	vadd.s32 $0x3F, v26;
	v16 =	vsel vm0, v16, v34  }
0xd6: {  	v13 =	vsel vm1, v13, v30;
	v52 =	vmin.u32 v16, $0x1FE0;
	vm0 =	vgt.s32 v27, v10  }
0xd7: {  	v29 =	vmin.u32 v13, $0x1FF8;
	v27 =	vadd.s32 $0x1F, v52;
	v15 =	vsel vm0, v15, v31;
	v24 =	vld.idx.msk [tilespmem:v24+s6+$0x0], $0xffff  }
0xd8: {  	vm0 =	vgt.s32 v49, v11;
	v31 =	vadd.s32 $0x7, v29;
	v22 =	vmin.u32 v15, $0x1F00  }
0xd9: {  	v19 =	vsel vm0, v19, v37;
	v20 =	vld.idx.msk [tilespmem:v20+s6+$0x0], $0xffff;
	v30 =	vadd.s32 $0xFF, v22;
	vm0 =	vgt.s32 v25, v12  }
0xda: {  	v53 =	vadd.s32 $0x8, v29;
	v25 =	vld.idx.msk [tilespmem:v26+s6+$0x0], $0xffff;
	v26 =	vor.u32 $0x800, v19;
	v21 =	vsel vm0, v38, v21  }
0xdb: {  	v29 =	vmin.u32 v14, $0x1FFE;
	v26 =	vmin.u32 v26, $0x2000;
	v54 =	vor.u32 $0x800, v21  }
0xdc: {  	v27 =	vld.idx.msk [tilespmem:v27+s6+$0x0], $0xffff;
	v55 =	vadd.s32 $0xFFFFFFFF, v26;
	vm0 =	vgt.s32 v24, v9;
	v24 =	vadd.s32 $0x4, v50  }
0xdd: {  	v36 =	vmin.u32 v54, $0x2000;
	v18 =	vsel vm0, v18, v28;
	v28 =	vadd.s32 $0x1, v29  }
0xde: {  	v56 =	vadd.s32 $0xFFFFFFFF, v36;
	v30 =	vld.idx.msk [tilespmem:v30+s6+$0x0], $0xffff;
	vm0 =	vgt.s32 v20, v3;
	v20 =	vmin.u32 v18, $0x1F00  }
0xdf: {  	vm1 =	vgt.s32 v25, v8;
	v57 =	vsel vm0, v23, v24;
	v58 =	vadd.s32 $0x100, v20  }
0xe0: {  	v31 =	vld.idx.msk [tilespmem:v31+s6+$0x0], $0xffff;
	v20 =	vadd.s32 $0xFF, v20;
	v23 =	vadd.s32 $0x20, v52;
	v59 =	vmin.u32 v57, $0x1FFE  }
0xe1: {  	v24 =	vsel vm1, v17, v51;
	v60 =	vld.idx.msk [tilespmem:v55+s6+$0x0], $0xffff;
	vm0 =	vgt.s32 v27, v7;
	v61 =	vadd.s32 $0x1, v59  }
0xe2: {  	v22 =	vadd.s32 $0x100, v22;
	v17 =	vmin.u32 v24, $0x1FE0;
	v23 =	vsel vm0, v16, v23;
	v28 =	vld.idx.msk [tilespmem:v28+s6+$0x0], $0xffff  }
0xe3: {  	v16 =	vadd.s32 $0x2, v29;
	v62 =	vld.idx.msk [tilespmem:v56+s6+$0x0], $0xffff;
	v42 =	vmin.u32 v23, $0x1FF0;
	vm0 =	vgt.s32 v30, v10  }
0xe4: {  	v25 =	vadd.s32 $0x20, v17;
	v30 =	vadd.s32 $0xF, v42;
	v27 =	vsel vm0, v15, v22  }
0xe5: {  	v15 =	vld.idx.msk [tilespmem:v20+s6+$0x0], $0xffff;
	v20 =	vadd.s32 $0x1F, v17;
	vm0 =	vgt.s32 v31, v6;
	v29 =	vmin.u32 v27, $0x1F80  }
0xe6: {  	v17 =	vsel vm0, v13, v53;
	v22 =	vld.idx.msk [tilespmem:v61+s6+$0x0], $0xffff;
	vm1 =	vgt.s32 v60, v11;
	v31 =	vadd.s32 $0x7F, v29  }
0xe7: {  	v13 =	vmin.u32 v17, $0x1FFC;
	v32 =	vsel vm1, v19, v26;
	vm0 =	vgt.s32 v28, v5  }
0xe8: {  	v43 =	vadd.s32 $0x3, v13;
	vm1 =	vgt.s32 v62, v12;
	v34 =	vmin.u32 v32, $0x1C00  }
0xe9: {  	v19 =	vadd.s32 $0x4, v13;
	v44 =	vld.idx.msk [tilespmem:v30+s6+$0x0], $0xffff;
	v30 =	vsel vm1, v21, v36;
	v63 =	vadd.s32 $0x3FF, v34  }
0xea: {  	v14 =	vsel vm0, v14, v16;
	vm1 =	vgt.s32 v15, v9;
	v26 =	vld.idx.msk [tilespmem:v20+s6+$0x0], $0xffff;
	v13 =	vmin.u32 v30, $0x1C00  }
0xeb: {  	v15 =	vadd.s32 $0x2, v59;
	v38 =	vadd.s32 $0x3FF, v13;
	vm0 =	vgt.s32 v22, v3  }
0xec: {  	s29 =	simm.s32 $0x2010;
	v21 =	vmin.u32 v14, $0x1FFF;
	v28 =	vsel vm1, v18, v58;
	v35 =	vld.idx.msk [tilespmem:v31+s6+$0x0], $0xffff;
	v18 =	vsel vm0, v57, v15  }
0xed: {  	s5 =	simm.s32 $0x2010;
	[tilespmem:s29+$0x0] =	vst v41;
	v16 =	vmovc v3;
	v33 =	vadd.s32 $0x400, v13;
	v37 =	vmin.u32 v28, $0x1F80;
	v22 =	vld.idx.msk [tilespmem:v43+s6+$0x0], $0xffff;
	v20 =	vmin.u32 v18, $0x1FFF  }
0xee: {  	s9 =	simm.s32 $0x4;
	s13 =	simm.s32 $0x8;
	s24 =	simm.s32 $0x2010;
	v31 =	vadd.s32 $0x10, v42;
	v36 =	vadd.s32 $0x7F, v37;
	v15 =	vmovc v5;
	v13 =	vmovc v6;
	v39 =	vld.idx.msk [tilespmem:v63+s6+$0x0], $0xffff;
	vm0 =	vgt.s32 v44, v7  }
.LBB2_2:
0xef: {  	v40 =	vld.idx.msk [tilespmem:v1+s6+$0x0], $0xffff;
	s13 =	sadd.s32 $0x2, s13;
	v37 =	vadd.s32 $0x80, v37;
	vm1 =	vgt.s32 v26, v8;
	v23 =	vsel vm0, v23, v31  }
0xf0: {  	v26 =	vadd.s32 $0x1, v21;
	p0 =	slt.u32 s13, $0xFE;
	v31 =	vld.idx.msk [tilespmem:v38+s6+$0x0], $0xffff;
	v24 =	vsel vm1, v24, v25;
	v38 =	vmin.u32 v23, $0x1FF8  }
0xf1: {  	v25 =	vadd.s32 $0x80, v29;
	vm0 =	vgt.s32 v35, v10;
	v29 =	vadd.s32 $0x7, v38  }
0xf2: {  	s12 =	sadd.s32 $0x20, s12;
	v27 =	vsel vm0, v27, v25;
	v35 =	vmin.u32 v24, $0x1FF0;
	v41 =	vld.idx.msk [tilespmem:v20+s6+$0x0], $0xffff  }
0xf3: {  	s29 =	sadd.s32 $0xFFFFFFF0, s12;
	v42 =	vor.u32 s12, v0;
	v43 =	vmin.u32 v27, $0x1FC0;
	v44 =	vadd.s32 $0xF, v35;
	v36 =	vld.idx.msk [tilespmem:v36+s6+$0x0], $0xffff  }
0xf4: {  	v34 =	vadd.s32 $0x400, v34;
	vm0 =	vgt.s32 v39, v11;
	v39 =	vadd.s32 $0x3F, v43;
	v25 =	vld.idx.msk [tilespmem:v21+s6+$0x0], $0xffff  }
0xf5: {  	v21 =	vor.u32 s29, v0;
	vm1 =	vgt.s32 v40, v42;
	v32 =	vsel vm0, v32, v34  }
0xf6: {  	vm0 =	vgt.s32 v40, v21;
	v34 =	vsel vm1, $0x0, v2;
	v40 =	vmin.u32 v32, $0x1E00;
	v29 =	vld.idx.msk [tilespmem:v29+s6+$0x0], $0xffff  }
0xf7: {  	v45 =	vsel vm0, $0x0, v2;
	v46 =	vor.u32 $0x1000, v34;
	v47 =	vadd.s32 $0x1FF, v40  }
0xf8: {  	v20 =	vadd.s32 $0x1, v20;
	v46 =	vmin.u32 v46, $0x2000;
	vm0 =	vgt.s32 v41, v16;
	v16 =	vmovc v7;
	v7 =	vmovc v10;
	v44 =	vld.idx.msk [tilespmem:v44+s6+$0x0], $0xffff  }
0xf9: {  	s5 =	sadd.s32 $0x20, s5;
	v41 =	vor.u32 $0x1000, v45;
	v10 =	vmovc v11;
	v11 =	vmovc v42;
	v48 =	vadd.s32 $0xFFFFFFFF, v46;
	v18 =	vsel vm0, v18, v20;
	v39 =	vld.idx.msk [tilespmem:v39+s6+$0x0], $0xffff  }
0xfa: {  	v20 =	vmin.u32 v41, $0x2000;
	vm0 =	vgt.s32 v31, v12;
	vm1 =	vgt.s32 v36, v9;
	[tilespmem:s5+$0x0] =	vst v18  }
0xfb: {  	v30 =	vsel vm0, v30, v33;
	v28 =	vsel vm1, v28, v37;
	v18 =	vadd.s32 $0xFFFFFFFF, v20  }
0xfc: {  	v36 =	vadd.s32 $0x8, v38;
	v31 =	vmin.u32 v30, $0x1E00;
	vm0 =	vgt.s32 v29, v16;
	v33 =	vld.idx.msk [tilespmem:v47+s6+$0x0], $0xffff  }
0xfd: {  	v29 =	vadd.s32 $0x200, v31;
	v31 =	vadd.s32 $0x1FF, v31;
	v23 =	vsel vm0, v23, v36  }
0xfe: {  	v37 =	vmin.u32 v28, $0x1FC0;
	vm0 =	vgt.s32 v44, v8;
	v38 =	vmin.u32 v23, $0x1FFC;
	v36 =	vld.idx.msk [tilespmem:v48+s6+$0x0], $0xffff  }
0xff: {  	v41 =	vadd.s32 $0x40, v43;
	vm1 =	vgt.s32 v39, v7;
	v39 =	vadd.s32 $0x3, v38  }
0x100: {  	v42 =	vadd.s32 $0x40, v37;
	v37 =	vadd.s32 $0x3F, v37;
	v27 =	vsel vm1, v27, v41;
	v18 =	vld.idx.msk [tilespmem:v18+s6+$0x0], $0xffff  }
0x101: {  	v35 =	vadd.s32 $0x10, v35;
	vm1 =	vgt.s32 v22, v13;
	v41 =	vmin.u32 v27, $0x1FE0  }
0x102: {  	vm2 =	vgt.s32 v33, v10;
	v33 =	vadd.s32 $0x1F, v41;
	v22 =	vld.idx.msk [tilespmem:v31+s6+$0x0], $0xffff;
	v31 =	vadd.s32 $0x200, v40  }
0x103: {  	v31 =	vsel vm2, v32, v31;
	v32 =	vsel vm0, v24, v35;
	v35 =	vsel vm1, v17, v19  }
0x104: {  	vm0 =	vgt.s32 v36, v11;
	v17 =	vmin.u32 v31, $0x1F00;
	v19 =	vmin.u32 v32, $0x1FF8;
	v24 =	vld.idx.msk [tilespmem:v39+s6+$0x0], $0xffff  }
0x105: {  	v34 =	vsel vm0, v34, v46;
	v36 =	vadd.s32 $0xFF, v17;
	v37 =	vld.idx.msk [tilespmem:v37+s6+$0x0], $0xffff;
	v39 =	vadd.s32 $0x7, v19  }
0x106: {  	vm0 =	vgt.s32 v18, v21;
	v18 =	vor.u32 $0x800, v34;
	v19 =	vadd.s32 $0x8, v19  }
0x107: {  	v40 =	vmin.u32 v35, $0x1FFE;
	v20 =	vsel vm0, v45, v20;
	v18 =	vmin.u32 v18, $0x2000;
	v33 =	vld.idx.msk [tilespmem:v33+s6+$0x0], $0xffff  }
0x108: {  	v43 =	vor.u32 $0x800, v20;
	v44 =	vadd.s32 $0xFFFFFFFF, v18;
	vm0 =	vgt.s32 v22, v12  }
0x109: {  	v22 =	vmin.u32 v43, $0x2000;
	v43 =	vsel vm0, v30, v29;
	v29 =	vadd.s32 $0x1, v40  }
0x10a: {  	v38 =	vadd.s32 $0x4, v38;
	v30 =	vadd.s32 $0xFFFFFFFF, v22;
	vm0 =	vgt.s32 v24, v16;
	v36 =	vld.idx.msk [tilespmem:v36+s6+$0x0], $0xffff  }
0x10b: {  	v24 =	vmin.u32 v43, $0x1F00;
	vm1 =	vgt.s32 v37, v9;
	v37 =	vld.idx.msk [tilespmem:v39+s6+$0x0], $0xffff;
	v39 =	vsel vm0, v23, v38  }
0x10c: {  	v45 =	vadd.s32 $0x100, v24;
	v38 =	vadd.s32 $0xFF, v24;
	v46 =	vmin.u32 v39, $0x1FFE  }
0x10d: {  	v23 =	vadd.s32 $0x20, v41;
	vm0 =	vgt.s32 v33, v7;
	v44 =	vld.idx.msk [tilespmem:v44+s6+$0x0], $0xffff;
	v33 =	vadd.s32 $0x1, v46  }
0x10e: {  	v24 =	vsel vm1, v28, v42;
	v28 =	vadd.s32 $0x2, v40;
	v23 =	vsel vm0, v27, v23;
	v40 =	vld.idx.msk [tilespmem:v29+s6+$0x0], $0xffff  }
0x10f: {  	vm0 =	vgt.s32 v25, v15;
	v15 =	vmovc v13;
	v13 =	vmovc v8;
	v29 =	vmin.u32 v24, $0x1FE0;
	v41 =	vmin.u32 v23, $0x1FF0;
	v30 =	vld.idx.msk [tilespmem:v30+s6+$0x0], $0xffff  }
0x110: {  	v17 =	vadd.s32 $0x100, v17;
	v8 =	vmovc v9;
	v9 =	vmovc v12;
	vm1 =	vgt.s32 v36, v10;
	v36 =	vadd.s32 $0xF, v41  }
0x111: {  	v12 =	vmovc v21;
	v25 =	vadd.s32 $0x20, v29;
	v27 =	vsel vm1, v31, v17;
	v31 =	vadd.s32 $0x1F, v29;
	v38 =	vld.idx.msk [tilespmem:v38+s6+$0x0], $0xffff  }
0x112: {  	v14 =	vsel vm0, v14, v26;
	vm1 =	vgt.s32 v37, v13;
	v29 =	vmin.u32 v27, $0x1F80;
	v21 =	vld.idx.msk [tilespmem:v33+s6+$0x0], $0xffff  }
0x113: {  	v17 =	vsel vm1, v32, v19;
	vm0 =	vgt.s32 v44, v11;
	v33 =	vadd.s32 $0x7F, v29;
	[tilespmem:s24+$0xFFFFFFF0] =	vst v14;
	s24 =	smov.u32 s5  }
0x114: {  	v32 =	vsel vm0, v34, v18;
	v14 =	vmin.u32 v17, $0x1FFC;
	vm0 =	vgt.s32 v40, v15  }
0x115: {  	vm1 =	vgt.s32 v30, v12;
	v34 =	vmin.u32 v32, $0x1C00;
	v40 =	vld.idx.msk [tilespmem:v36+s6+$0x0], $0xffff;
	v36 =	vadd.s32 $0x3, v14  }
0x116: {  	v19 =	vadd.s32 $0x4, v14;
	v30 =	vsel vm1, v20, v22;
	v42 =	vadd.s32 $0x3FF, v34;
	v26 =	vld.idx.msk [tilespmem:v31+s6+$0x0], $0xffff  }
.Ltmp0:
0x117: {  	v14 =	vsel vm0, v35, v28;
	v18 =	vmin.u32 v30, $0x1C00;
	vm1 =	vgt.s32 v38, v9;
	(pc) =	sbr.rel @p0 .LBB2_2-.Ltmp0, $4  }
0x118: {  	v20 =	vadd.s32 $0x2, v46;
	v38 =	vadd.s32 $0x3FF, v18;
	vm0 =	vgt.s32 v21, v16;
	v35 =	vld.idx.msk [tilespmem:v33+s6+$0x0], $0xffff  }
0x119: {  	v28 =	vsel vm1, v43, v45;
	v33 =	vadd.s32 $0x400, v18;
	v18 =	vsel vm0, v39, v20  }
0x11a: {  	v21 =	vmin.u32 v14, $0x1FFF;
	v37 =	vmin.u32 v28, $0x1F80;
	v20 =	vmin.u32 v18, $0x1FFF;
	v22 =	vld.idx.msk [tilespmem:v36+s6+$0x0], $0xffff  }
0x11b: {  	v31 =	vadd.s32 $0x10, v41;
	v36 =	vadd.s32 $0x7F, v37;
	vm0 =	vgt.s32 v40, v7;
	v39 =	vld.idx.msk [tilespmem:v42+s6+$0x0], $0xffff  }
0x11c: {  	_ =	sdelay $0x3  }
0x11d: {  	v38 =	vld.idx.msk [tilespmem:v38+s6+$0x0], $0xffff;
	_ =	sdelay $0x2  }
0x11e: {  	v34 =	vadd.s32 $0x400, v34;
	vm1 =	vgt.s32 v39, v11  }
0x11f: {  	v32 =	vsel vm1, v32, v34  }
0x120: {  	vm1 =	vgt.s32 v38, v12;
	v34 =	vmin.u32 v32, $0x1E00  }
0x121: {  	v30 =	vsel vm1, v30, v33;
	v58 =	vadd.s32 $0x1FF, v34  }
0x122: {  	v33 =	vmin.u32 v30, $0x1E00  }
0x123: {  	v59 =	vadd.s32 $0x1FF, v33;
	_ =	sdelay $0x2  }
0x124: {  	v38 =	vld.idx.msk [tilespmem:v58+s6+$0x0], $0xffff;
	_ =	sdelay $0x1  }
0x125: {  	v39 =	vld.idx.msk [tilespmem:v59+s6+$0x0], $0xffff;
	_ =	sdelay $0x2  }
0x126: {  	v34 =	vadd.s32 $0x200, v34;
	vm1 =	vgt.s32 v38, v11  }
0x127: {  	v32 =	vsel vm1, v32, v34  }
0x128: {  	v33 =	vadd.s32 $0x200, v33;
	vm1 =	vgt.s32 v39, v12;
	v34 =	vmin.u32 v32, $0x1F00  }
0x129: {  	v30 =	vsel vm1, v30, v33;
	v60 =	vadd.s32 $0xFF, v34  }
0x12a: {  	v33 =	vmin.u32 v30, $0x1F00  }
0x12b: {  	v61 =	vadd.s32 $0xFF, v33;
	_ =	sdelay $0x2  }
0x12c: {  	v38 =	vld.idx.msk [tilespmem:v60+s6+$0x0], $0xffff;
	_ =	sdelay $0x1  }
0x12d: {  	v39 =	vld.idx.msk [tilespmem:v61+s6+$0x0], $0xffff;
	_ =	sdelay $0x2  }
0x12e: {  	v34 =	vadd.s32 $0x100, v34;
	vm1 =	vgt.s32 v38, v11  }
0x12f: {  	v32 =	vsel vm1, v32, v34  }
0x130: {  	v33 =	vadd.s32 $0x100, v33;
	vm1 =	vgt.s32 v39, v12;
	v34 =	vmin.u32 v32, $0x1F80  }
0x131: {  	v30 =	vsel vm1, v30, v33;
	v62 =	vadd.s32 $0x7F, v34  }
0x132: {  	v33 =	vmin.u32 v30, $0x1F80  }
0x133: {  	v63 =	vadd.s32 $0x7F, v33;
	_ =	sdelay $0x1  }
0x134: {  	v36 =	vld.idx.msk [tilespmem:v36+s6+$0x0], $0xffff  }
0x135: {  	v38 =	vld.idx.msk [tilespmem:v62+s6+$0x0], $0xffff;
	_ =	sdelay $0x1  }
0x136: {  	v29 =	vadd.s32 $0x80, v29;
	vm1 =	vgt.s32 v35, v10;
	v40 =	vld.idx.msk [tilespmem:v63+s6+$0x0], $0xffff  }
0x137: {  	v41 =	vadd.s32 $0x80, v37;
	v27 =	vsel vm1, v27, v29  }
0x138: {  	vm1 =	vgt.s32 v36, v9;
	v34 =	vadd.s32 $0x80, v34;
	v42 =	vmin.u32 v27, $0x1FC0  }
0x139: {  	v28 =	vsel vm1, v28, v41;
	v43 =	vadd.s32 $0x3F, v42;
	vm1 =	vgt.s32 v38, v11  }
0x13a: {  	v33 =	vadd.s32 $0x80, v33;
	v35 =	vmin.u32 v28, $0x1FC0;
	v32 =	vsel vm1, v32, v34  }
0x13b: {  	v44 =	vadd.s32 $0x3F, v35;
	vm1 =	vgt.s32 v40, v12;
	v34 =	vmin.u32 v32, $0x1FC0  }
0x13c: {  	v30 =	vsel vm1, v30, v33;
	v45 =	vadd.s32 $0x3F, v34  }
0x13d: {  	v47 =	vmin.u32 v30, $0x1FC0  }
0x13e: {  	v46 =	vld.idx.msk [tilespmem:v43+s6+$0x0], $0xffff;
	v48 =	vadd.s32 $0x3F, v47;
	_ =	sdelay $0x1  }
0x13f: {  	v38 =	vld.idx.msk [tilespmem:v44+s6+$0x0], $0xffff  }
0x140: {  	v29 =	vld.idx.msk [tilespmem:v45+s6+$0x0], $0xffff;
	_ =	sdelay $0x1  }
0x141: {  	v37 =	vadd.s32 $0x40, v42;
	vm1 =	vgt.s32 v46, v10;
	v49 =	vld.idx.msk [tilespmem:v48+s6+$0x0], $0xffff  }
0x142: {  	v35 =	vadd.s32 $0x40, v35;
	v27 =	vsel vm1, v27, v37  }
0x143: {  	v34 =	vadd.s32 $0x40, v34;
	v37 =	vmin.u32 v27, $0x1FE0;
	vm1 =	vgt.s32 v38, v9  }
0x144: {  	v50 =	vadd.s32 $0x1F, v37;
	v28 =	vsel vm1, v28, v35;
	vm1 =	vgt.s32 v29, v11  }
0x145: {  	v52 =	vadd.s32 $0x40, v47;
	v35 =	vmin.u32 v28, $0x1FE0;
	v32 =	vsel vm1, v32, v34  }
0x146: {  	v51 =	vadd.s32 $0x1F, v35;
	vm1 =	vgt.s32 v49, v12;
	v53 =	vmin.u32 v32, $0x1FE0  }
0x147: {  	v30 =	vsel vm1, v30, v52;
	v54 =	vadd.s32 $0x1F, v53  }
0x148: {  	v56 =	vmin.u32 v30, $0x1FE0  }
0x149: {  	v55 =	vld.idx.msk [tilespmem:v50+s6+$0x0], $0xffff;
	v57 =	vadd.s32 $0x1F, v56;
	_ =	sdelay $0x1  }
0x14a: {  	v29 =	vld.idx.msk [tilespmem:v51+s6+$0x0], $0xffff  }
0x14b: {  	v58 =	vld.idx.msk [tilespmem:v54+s6+$0x0], $0xffff  }
0x14c: {  	v60 =	vadd.s32 $0x20, v37;
	vm1 =	vgt.s32 v26, v8  }
0x14d: {  	v35 =	vadd.s32 $0x20, v35;
	v24 =	vsel vm1, v24, v25;
	vm1 =	vgt.s32 v55, v10;
	v62 =	vld.idx.msk [tilespmem:v57+s6+$0x0], $0xffff  }
0x14e: {  	v36 =	vadd.s32 $0x20, v53;
	v59 =	vmin.u32 v24, $0x1FF0;
	v27 =	vsel vm1, v27, v60  }
0x14f: {  	v61 =	vadd.s32 $0xF, v59;
	v63 =	vmin.u32 v27, $0x1FF0;
	vm1 =	vgt.s32 v29, v9  }
0x150: {  	v41 =	vadd.s32 $0xF, v63;
	v28 =	vsel vm1, v28, v35;
	vm1 =	vgt.s32 v58, v11  }
0x151: {  	v38 =	vadd.s32 $0x20, v56;
	v35 =	vmin.u32 v28, $0x1FF0;
	v32 =	vsel vm1, v32, v36  }
0x152: {  	v42 =	vadd.s32 $0xF, v35;
	vm1 =	vgt.s32 v62, v12;
	v36 =	vmin.u32 v32, $0x1FF0  }
0x153: {  	v30 =	vsel vm1, v30, v38;
	v43 =	vadd.s32 $0xF, v36  }
0x154: {  	v34 =	vld.idx.msk [tilespmem:v61+s6+$0x0], $0xffff;
	v38 =	vmin.u32 v30, $0x1FF0  }
0x155: {  	v29 =	vld.idx.msk [tilespmem:v41+s6+$0x0], $0xffff;
	v44 =	vadd.s32 $0xF, v38  }
0x156: {  	v23 =	vsel vm0, v23, v31  }
0x157: {  	v31 =	vmin.u32 v23, $0x1FF8;
	v25 =	vld.idx.msk [tilespmem:v42+s6+$0x0], $0xffff  }
0x158: {  	v45 =	vadd.s32 $0x7, v31;
	v46 =	vld.idx.msk [tilespmem:v43+s6+$0x0], $0xffff  }
0x159: {  	v26 =	vadd.s32 $0x10, v59;
	v37 =	vadd.s32 $0x10, v63;
	vm0 =	vgt.s32 v34, v8  }
0x15a: {  	v51 =	vadd.s32 $0x10, v35;
	v24 =	vsel vm0, v24, v26;
	vm0 =	vgt.s32 v29, v10;
	v49 =	vld.idx.msk [tilespmem:v44+s6+$0x0], $0xffff  }
0x15b: {  	v36 =	vadd.s32 $0x10, v36;
	v47 =	vmin.u32 v24, $0x1FF8;
	v27 =	vsel vm0, v27, v37  }
0x15c: {  	v48 =	vadd.s32 $0x7, v47;
	v50 =	vmin.u32 v27, $0x1FF8;
	vm0 =	vgt.s32 v25, v9  }
0x15d: {  	v52 =	vadd.s32 $0x7, v50;
	v25 =	vsel vm0, v28, v51;
	vm0 =	vgt.s32 v46, v11  }
0x15e: {  	v56 =	vadd.s32 $0x10, v38;
	v54 =	vmin.u32 v25, $0x1FF8;
	v32 =	vsel vm0, v32, v36  }
0x15f: {  	v55 =	vadd.s32 $0x7, v54;
	vm0 =	vgt.s32 v49, v12;
	v36 =	vmin.u32 v32, $0x1FF8  }
0x160: {  	v53 =	vld.idx.msk [tilespmem:v45+s6+$0x0], $0xffff;
	v30 =	vsel vm0, v30, v56;
	v57 =	vadd.s32 $0x7, v36  }
0x161: {  	v29 =	vld.idx.msk [tilespmem:v48+s6+$0x0], $0xffff;
	v37 =	vmin.u32 v30, $0x1FF8  }
0x162: {  	v35 =	vld.idx.msk [tilespmem:v52+s6+$0x0], $0xffff;
	v58 =	vadd.s32 $0x7, v37;
	_ =	sdelay $0x1  }
0x163: {  	v31 =	vadd.s32 $0x8, v31;
	v33 =	vadd.s32 $0x8, v47;
	v26 =	vld.idx.msk [tilespmem:v55+s6+$0x0], $0xffff  }
0x164: {  	v39 =	vadd.s32 $0x8, v50;
	v34 =	vadd.s32 $0x8, v54;
	vm0 =	vgt.s32 v53, v7;
	v60 =	vld.idx.msk [tilespmem:v57+s6+$0x0], $0xffff  }
0x165: {  	v23 =	vsel vm0, v23, v31;
	vm0 =	vgt.s32 v29, v8;
	v36 =	vadd.s32 $0x8, v36  }
0x166: {  	v31 =	vmin.u32 v23, $0x1FFC;
	v24 =	vsel vm0, v24, v33;
	vm0 =	vgt.s32 v35, v10;
	v28 =	vld.idx.msk [tilespmem:v58+s6+$0x0], $0xffff  }
0x167: {  	v59 =	vadd.s32 $0x3, v31;
	v61 =	vmin.u32 v24, $0x1FFC;
	v27 =	vsel vm0, v27, v39  }
0x168: {  	vm0 =	vgt.s32 v26, v9;
	v62 =	vadd.s32 $0x3, v61;
	v39 =	vmin.u32 v27, $0x1FFC  }
0x169: {  	v25 =	vsel vm0, v25, v34;
	v63 =	vadd.s32 $0x3, v39;
	vm0 =	vgt.s32 v60, v11  }
0x16a: {  	v37 =	vadd.s32 $0x8, v37;
	v34 =	vmin.u32 v25, $0x1FFC;
	v32 =	vsel vm0, v32, v36  }
0x16b: {  	v40 =	vadd.s32 $0x3, v34;
	vm0 =	vgt.s32 v28, v12;
	v36 =	vmin.u32 v32, $0x1FFC  }
0x16c: {  	v29 =	vld.idx.msk [tilespmem:v59+s6+$0x0], $0xffff;
	v30 =	vsel vm0, v30, v37;
	v42 =	vadd.s32 $0x3, v36  }
0x16d: {  	v41 =	vld.idx.msk [tilespmem:v62+s6+$0x0], $0xffff;
	v37 =	vmin.u32 v30, $0x1FFC  }
0x16e: {  	v26 =	vld.idx.msk [tilespmem:v63+s6+$0x0], $0xffff;
	vm0 =	vgt.s32 v22, v13;
	v22 =	vadd.s32 $0x3, v37;
	_ =	sdelay $0x1  }
0x16f: {  	v38 =	vadd.s32 $0x4, v61;
	v46 =	vadd.s32 $0x4, v39;
	v34 =	vadd.s32 $0x4, v34;
	v43 =	vld.idx.msk [tilespmem:v40+s6+$0x0], $0xffff  }
0x170: {  	v17 =	vsel vm0, v17, v19;
	v19 =	vadd.s32 $0x4, v31;
	vm0 =	vgt.s32 v29, v7;
	v35 =	vld.idx.msk [tilespmem:v42+s6+$0x0], $0xffff  }
0x171: {  	v36 =	vadd.s32 $0x4, v36;
	v44 =	vmin.u32 v17, $0x1FFE;
	v19 =	vsel vm0, v23, v19  }
0x172: {  	vm0 =	vgt.s32 v41, v8;
	vm1 =	vgt.s32 v26, v10;
	v23 =	vadd.s32 $0x1, v44;
	v22 =	vld.idx.msk [tilespmem:v22+s6+$0x0], $0xffff  }
0x173: {  	v45 =	vmin.u32 v19, $0x1FFE;
	v24 =	vsel vm0, v24, v38;
	v27 =	vsel vm1, v27, v46  }
0x174: {  	vm0 =	vgt.s32 v43, v9;
	v47 =	vadd.s32 $0x1, v45;
	v28 =	vmin.u32 v27, $0x1FFE  }
0x175: {  	v25 =	vsel vm0, v25, v34;
	v49 =	vadd.s32 $0x1, v28;
	vm0 =	vgt.s32 v35, v11  }
0x176: {  	v37 =	vadd.s32 $0x4, v37;
	v48 =	vmin.u32 v24, $0x1FFE;
	v32 =	vsel vm0, v32, v36  }
0x177: {  	v50 =	vadd.s32 $0x1, v48;
	vm0 =	vgt.s32 v22, v12;
	v36 =	vmin.u32 v32, $0x1FFE  }
0x178: {  	v34 =	vmin.u32 v25, $0x1FFE;
	v22 =	vld.idx.msk [tilespmem:v23+s6+$0x0], $0xffff;
	v30 =	vsel vm0, v30, v37;
	v23 =	vadd.s32 $0x1, v36  }
0x179: {  	v51 =	vadd.s32 $0x1, v34;
	v26 =	vld.idx.msk [tilespmem:v47+s6+$0x0], $0xffff;
	v37 =	vmin.u32 v30, $0x1FFE  }
0x17a: {  	v38 =	vld.idx.msk [tilespmem:v49+s6+$0x0], $0xffff;
	v40 =	vadd.s32 $0x1, v37;
	_ =	sdelay $0x1  }
0x17b: {  	v31 =	vadd.s32 $0x2, v44;
	v35 =	vld.idx.msk [tilespmem:v50+s6+$0x0], $0xffff  }
0x17c: {  	v33 =	vadd.s32 $0x2, v45;
	v28 =	vadd.s32 $0x2, v28;
	vm1 =	vgt.s32 v22, v13;
	v22 =	vld.idx.msk [tilespmem:v23+s6+$0x0], $0xffff  }
0x17d: {  	v29 =	vadd.s32 $0x2, v48;
	v54 =	vadd.s32 $0x2, v34;
	v52 =	vld.idx.msk [tilespmem:v51+s6+$0x0], $0xffff;
	vm0 =	vgt.s32 v26, v7  }
0x17e: {  	v55 =	vadd.s32 $0x2, v36;
	v19 =	vsel vm0, v19, v33;
	vm0 =	vgt.s32 v38, v10;
	v53 =	vld.idx.msk [tilespmem:v40+s6+$0x0], $0xffff  }
0x17f: {  	v58 =	vadd.s32 $0x2, v37;
	v17 =	vsel vm1, v17, v31;
	v23 =	vmin.u32 v19, $0x1FFF  }
0x180: {  	v27 =	vsel vm0, v27, v28;
	vm1 =	vgt.s32 v35, v8;
	v31 =	vmin.u32 v17, $0x1FFF  }
0x181: {  	v28 =	vmin.u32 v27, $0x1FFF;
	v24 =	vsel vm1, v24, v29;
	vm1 =	vgt.s32 v22, v11  }
0x182: {  	vm0 =	vgt.s32 v52, v9;
	v56 =	vmin.u32 v24, $0x1FFF;
	v22 =	vld.idx.msk [tilespmem:v20+s6+$0x0], $0xffff;
	v26 =	vsel vm1, v32, v55  }
0x183: {  	v57 =	vld.idx.msk [tilespmem:v21+s6+$0x0], $0xffff;
	v25 =	vsel vm0, v25, v54;
	vm0 =	vgt.s32 v53, v12;
	v32 =	vmin.u32 v26, $0x1FFF  }
0x184: {  	v60 =	vmin.u32 v25, $0x1FFF;
	v59 =	vld.idx.msk [tilespmem:v23+s6+$0x0], $0xffff;
	v30 =	vsel vm0, v30, v58  }
0x185: {  	v61 =	vld.idx.msk [tilespmem:v31+s6+$0x0], $0xffff;
	v62 =	vmin.u32 v30, $0x1FFF  }
0x186: {  	v63 =	vld.idx.msk [tilespmem:v28+s6+$0x0], $0xffff  }
0x187: {  	v20 =	vadd.s32 $0x1, v20;
	vm0 =	vgt.s32 v22, v16;
	v16 =	vld.idx.msk [tilespmem:v56+s6+$0x0], $0xffff  }
0x188: {  	s5 =	sadd.s32 $0x20, s5;
	v21 =	vadd.s32 $0x1, v21;
	v18 =	vsel vm0, v18, v20;
	vm0 =	vgt.s32 v57, v15;
	v15 =	vld.idx.msk [tilespmem:v32+s6+$0x0], $0xffff  }
0x189: {  	[tilespmem:s5+$0x0] =	vst v18;
	v14 =	vsel vm0, v14, v21;
	v18 =	vadd.s32 $0x1, v23;
	vm0 =	vgt.s32 v59, v7;
	v7 =	vld.idx.msk [tilespmem:v60+s6+$0x0], $0xffff  }
0x18a: {  	s12 =	sadd.s32 $0x20, s5;
	[tilespmem:s24+$0xFFFFFFF0] =	vst v14;
	v14 =	vadd.s32 $0x1, v31;
	v18 =	vsel vm0, v19, v18;
	vm0 =	vgt.s32 v61, v13;
	v13 =	vld.idx.msk [tilespmem:v62+s6+$0x0], $0xffff  }
0x18b: {  	[tilespmem:s12+$0x0] =	vst v18;
	v14 =	vsel vm0, v17, v14;
	v17 =	vadd.s32 $0x1, v28;
	vm0 =	vgt.s32 v63, v10  }
0x18c: {  	s24 =	sadd.s32 $0x20, s12;
	v10 =	vadd.s32 $0x1, v56;
	[tilespmem:s5+$0xFFFFFFF0] =	vst v14;
	v14 =	vsel vm0, v27, v17;
	vm0 =	vgt.s32 v16, v8  }
0x18d: {  	[tilespmem:s24+$0x0] =	vst v14;
	v8 =	vsel vm0, v24, v10;
	v10 =	vadd.s32 $0x1, v32;
	vm0 =	vgt.s32 v15, v11  }
0x18e: {  	s29 =	sadd.s32 $0x20, s24;
	[tilespmem:s12+$0xFFFFFFF0] =	vst v8;
	v8 =	vadd.s32 $0x1, v60;
	v10 =	vsel vm0, v26, v10;
	vm0 =	vgt.s32 v7, v9  }
0x18f: {  	[tilespmem:s29+$0x0] =	vst v10;
	v7 =	vsel vm0, v25, v8;
	v8 =	vadd.s32 $0x1, v62;
	vm0 =	vgt.s32 v13, v12  }
0x190: {  	[tilespmem:s24+$0xFFFFFFF0] =	vst v7;
	v7 =	vsel vm0, v30, v8  }
0x191: {  	s12 =	simm.s32 $0x2010;
	[tilespmem:s29+$0xFFFFFFF0] =	vst v7  }
0x192: {  	v15 =	vld [tilespmem:s12+$0xFFFFFFF0];
	_ =	sdelay $0x1  }
0x193: {  	v10 =	vld [tilespmem:s12+$0x0];
	_ =	sdelay $0x2  }
0x194: {  	s13 =	simm.s32 $0x2030;
	v7 =	vadd.s32 $0xFFFFFFFF, v15  }
0x195: {  	v8 =	vld [tilespmem:s13+$0xFFFFFFF0];
	vm0 =	vgt.s32 v7, $0x0  }
0x196: {  	v9 =	vadd.s32 $0xFFFFFFFF, v10;
	vm1 =	vlt.s32 v15, $0x1FFF;
	v11 =	vnsel vm0, $0x0, v7  }
0x197: {  	v12 =	vnsel vm1, $0x1FFF, v15;
	vm0 =	vgt.s32 v9, $0x0  }
0x198: {  	v9 =	vnsel vm0, $0x0, v9  }
0x199: {  	v7 =	vld [tilespmem:s13+$0x0];
	vm0 =	vlt.s32 v10, $0x1FFF  }
0x19a: {  	s24 =	simm.s32 $0x0;
	v13 =	vnsel vm0, $0x1FFF, v10;
	vm0 =	vlt.s32 v8, $0x1FFF  }
0x19b: {  	v14 =	vld.idx.msk [tilespmem:v11+s24+$0x0], $0xffff;
	v11 =	vnsel vm0, $0x1FFF, v8  }
0x19c: {  	v12 =	vld.idx.msk [tilespmem:v12+s24+$0x0], $0xffff  }
0x19d: {  	v16 =	vld.idx.msk [tilespmem:v9+s24+$0x0], $0xffff;
	v9 =	vadd.s32 $0xFFFFFFFF, v8  }
0x19e: {  	v17 =	vadd.s32 $0xFFFFFFFF, v7;
	vm0 =	vgt.s32 v9, $0x0  }
0x19f: {  	vm1 =	vgt.s32 v17, $0x0;
	v13 =	vld.idx.msk [tilespmem:v13+s24+$0x0], $0xffff;
	v18 =	vnsel vm0, $0x0, v9  }
0x1a0: {  	v9 =	vadd.s32 $0xFFFFFFFF, v14;
	v19 =	vld.idx.msk [tilespmem:v11+s24+$0x0], $0xffff;
	v11 =	vnsel vm1, $0x0, v17;
	vm1 =	vlt.s32 v7, $0x1FFF  }
0x1a1: {  	s29 =	simm.s32 $0x2050;
	vm6 =	veq.s32 v15, $0x2000;
	vm0 =	vgt.s32 v9, $0x0;
	v22 =	vnsel vm1, $0x1FFF, v7  }
0x1a2: {  	vm7 =	veq.s32 v10, $0x2000;
	v12 =	vsub.s32 v12, v5;
	v20 =	vnsel vm0, $0x0, v9;
	v9 =	vld [tilespmem:s29+$0xFFFFFFF0]  }
0x1a3: {  	v21 =	vsub.s32 v5, v14;
	v5 =	vld [tilespmem:s29+$0x0];
	vm8 =	veq.s32 v14, $0x0;
	v17 =	vadd.s32 $0xFFFFFFFF, v16  }
0x1a4: {  	v23 =	vsub.s32 v4, v16;
	vm0 =	vgt.s32 v17, $0x0;
	v13 =	vsub.s32 v13, v4;
	v4 =	vld.idx.msk [tilespmem:v18+s24+$0x0], $0xffff  }
0x1a5: {  	vm5 =	vle.s32 v21, v12;
	vm1 =	veq.s32 v15, $0x0;
	v12 =	vnsel vm0, $0x0, v17;
	v11 =	vld.idx.msk [tilespmem:v11+s24+$0x0], $0xffff  }
0x1a6: {  	vm2 =	veq.s32 v16, $0x0;
	vm3 =	vle.s32 v23, v13;
	v13 =	vsub.s32 v19, v6;
	v19 =	vld.idx.msk [tilespmem:v22+s24+$0x0], $0xffff  }
0x1a7: {  	vm5 =	vmor vm6, vm5;
	vm0 =	veq.s32 v10, $0x0;
	v17 =	vld.idx.msk [tilespmem:v20+s10+$0x0], $0xffff;
	vm4 =	vlt.s32 v9, $0x1FFF  }
0x1a8: {  	vm3 =	vmor vm7, vm3;
	v16 =	vadd.s32 $0xFFFFFFFF, v9;
	v21 =	vnsel vm4, $0x1FFF, v9  }
0x1a9: {  	v20 =	vadd.s32 $0xFFFFFFFF, v5;
	vm4 =	vlt.s32 v5, $0x1FFF;
	v14 =	vsub.s32 v6, v4  }
0x1aa: {  	vm6 =	vgt.s32 v16, $0x0;
	vm7 =	vgt.s32 v20, $0x0;
	v22 =	vadd.s32 $0xFFFFFFFF, v4;
	v12 =	vld.idx.msk [tilespmem:v12+s10+$0x0], $0xffff  }
0x1ab: {  	v16 =	vnsel vm6, $0x0, v16;
	vm6 =	vgt.s32 v22, $0x0;
	v18 =	vadd.s32 $0xFFFFFFFF, v11  }
0x1ac: {  	v19 =	vsub.s32 v19, v3;
	v6 =	vsel vm8, $0x0, v17;
	v17 =	vnsel vm7, $0x0, v20  }
0x1ad: {  	s5 =	simm.s32 $0x3010;
	s12 =	simm.s32 $0x3010;
	s13 =	simm.s32 $0x2070;
	v20 =	vsel vm5, v6, v15;
	v6 =	vld.idx.msk [tilespmem:v21+s24+$0x0], $0xffff;
	v15 =	vnsel vm6, $0x0, v22;
	vm6 =	vgt.s32 v18, $0x0  }
.LBB2_4:
0x1ae: {  	v21 =	vld [tilespmem:s13+$0xFFFFFFF0];
	s9 =	sadd.s32 $0x2, s9;
	vm5 =	vle.s32 v14, v13;
	v13 =	vnsel vm6, $0x0, v18;
	v14 =	vsel vm1, $0x0, v20;
	s5 =	sadd.s32 $0x20, s5  }
0x1af: {  	v20 =	vnsel vm4, $0x1FFF, v5;
	v3 =	vsub.s32 v3, v11;
	v12 =	vsel vm2, $0x0, v12;
	v18 =	vld [tilespmem:s13+$0x0];
	p0 =	slt.u32 s9, $0xFE;
	[tilespmem:s12+$0xFFFFFFF0] =	vst v14  }
0x1b0: {  	vm6 =	vle.s32 v3, v19;
	v3 =	vsel vm3, v12, v10;
	v10 =	vmovc v7;
	v7 =	vmov v5;
	v16 =	vld.idx.msk [tilespmem:v16+s24+$0x0], $0xffff  }
0x1b1: {  	vm1 =	veq.s32 v8, $0x0;
	s14 =	sadd.s32 $0x20, s14;
	v5 =	vsel vm0, $0x0, v3;
	vm0 =	veq.s32 v10, $0x0;
	v17 =	vld.idx.msk [tilespmem:v17+s24+$0x0], $0xffff  }
0x1b2: {  	vm7 =	veq.s32 v8, $0x2000;
	s29 =	sadd.s32 $0xFFFFFFF0, s14;
	v3 =	vor.u32 s14, v0;
	vm3 =	veq.s32 v10, $0x2000;
	v15 =	vld.idx.msk [tilespmem:v15+s10+$0x0], $0xffff;
	[tilespmem:s12+$0x0] =	vst v5;
	s12 =	smov.u32 s5  }
0x1b3: {  	vm2 =	veq.s32 v11, $0x0;
	v14 =	vor.u32 s29, v0;
	vm4 =	vlt.s32 v21, $0x1FFF;
	v12 =	vld.idx.msk [tilespmem:v13+s10+$0x0], $0xffff  }
0x1b4: {  	v13 =	vsub.s32 v6, v14;
	v19 =	vnsel vm4, $0x1FFF, v21;
	vm4 =	vlt.s32 v18, $0x1FFF;
	v22 =	vld.idx.msk [tilespmem:v20+s24+$0x0], $0xffff;
	v5 =	vmovc v18  }
0x1b5: {  	vm8 =	veq.s32 v4, $0x0;
	vm3 =	vmor vm3, vm6;
	v6 =	vadd.s32 $0xFFFFFFFF, v21  }
.Ltmp1:
0x1b6: {  	vm5 =	vmor vm7, vm5;
	v20 =	vadd.s32 $0xFFFFFFFF, v5;
	v14 =	vsub.s32 v14, v16;
	v4 =	vmovc v16;
	(pc) =	sbr.rel @p0 .LBB2_4-.Ltmp1, $4  }
0x1b7: {  	vm6 =	vgt.s32 v6, $0x0;
	vm7 =	vgt.s32 v20, $0x0;
	v18 =	vadd.s32 $0xFFFFFFFF, v17;
	v11 =	vmovc v17  }
0x1b8: {  	v16 =	vnsel vm6, $0x0, v6;
	v23 =	vadd.s32 $0xFFFFFFFF, v4;
	v15 =	vsel vm8, $0x0, v15  }
0x1b9: {  	v17 =	vnsel vm7, $0x0, v20;
	vm6 =	vgt.s32 v23, $0x0;
	v20 =	vsel vm5, v15, v8;
	v8 =	vmovc v9;
	v9 =	vmovc v21;
	v6 =	vld.idx.msk [tilespmem:v19+s24+$0x0], $0xffff  }
0x1ba: {  	s13 =	sadd.s32 $0x20, s13;
	v15 =	vnsel vm6, $0x0, v23;
	vm6 =	vgt.s32 v18, $0x0;
	v19 =	vsub.s32 v22, v3  }
0x1bb: {  	_ =	sdelay $0x3  }
0x1bc: {  	v16 =	vld.idx.msk [tilespmem:v16+s24+$0x0], $0xffff  }
0x1bd: {  	v17 =	vld.idx.msk [tilespmem:v17+s24+$0x0], $0xffff;
	_ =	sdelay $0x1  }
0x1be: {  	v18 =	vnsel vm6, $0x0, v18;
	v21 =	vnsel vm4, $0x1FFF, v5  }
0x1bf: {  	vm4 =	vle.s32 v14, v13;
	v48 =	vsel vm1, $0x0, v20;
	v3 =	vsub.s32 v3, v11  }
0x1c0: {  	v12 =	vsel vm2, $0x0, v12;
	vm15 =	vle.s32 v3, v19;
	v3 =	vadd.s32 $0xFFFFFFFF, v16  }
0x1c1: {  	vm10 =	veq.s32 v8, $0x0;
	v50 =	vadd.s32 $0xFFFFFFFF, v17;
	vm9 =	vgt.s32 v3, $0x0  }
0x1c2: {  	v49 =	vld.idx.msk [tilespmem:v15+s10+$0x0], $0xffff;
	vm5 =	veq.s32 v7, $0x0;
	vm11 =	vgt.s32 v50, $0x0;
	v3 =	vnsel vm9, $0x0, v3  }
0x1c3: {  	s9 =	sadd.s32 $0x20, s14;
	vm12 =	veq.s32 v8, $0x2000;
	vm13 =	veq.s32 v7, $0x2000;
	v14 =	vnsel vm11, $0x0, v50  }
0x1c4: {  	vm14 =	veq.s32 v11, $0x0;
	vm7 =	veq.s32 v4, $0x0;
	v10 =	vsel vm3, v12, v10;
	s13 =	sadd.s32 $0xFFFFFFF0, s9  }
0x1c5: {  	v53 =	vor.u32 s9, v0;
	v10 =	vsel vm0, $0x0, v10;
	v54 =	vor.u32 s13, v0;
	v51 =	vld.idx.msk [tilespmem:v18+s10+$0x0], $0xffff  }
0x1c6: {  	vm0 =	vmor vm12, vm4;
	vm1 =	vmor vm13, vm15;
	vm12 =	veq.s32 v5, $0x2000;
	v52 =	vld.idx.msk [tilespmem:v21+s24+$0x0], $0xffff  }
0x1c7: {  	v55 =	vsub.s32 v6, v54;
	v56 =	vsel vm7, $0x0, v49;
	v57 =	vsub.s32 v54, v16;
	v3 =	vld.idx.msk [tilespmem:v3+s10+$0x0], $0xffff  }
0x1c8: {  	v61 =	vsub.s32 v53, v17;
	vm13 =	veq.s32 v16, $0x0;
	v6 =	vsel vm0, v56, v8;
	v60 =	vld.idx.msk [tilespmem:v14+s10+$0x0], $0xffff  }
0x1c9: {  	vm15 =	vle.s32 v57, v55;
	v6 =	vsel vm10, $0x0, v6;
	vm11 =	veq.s32 v9, $0x2000  }
0x1ca: {  	vm10 =	veq.s32 v9, $0x0;
	vm0 =	vmor vm11, vm15;
	v59 =	vsel vm14, $0x0, v51  }
0x1cb: {  	[tilespmem:s12+$0xFFFFFFF0] =	vst v48;
	v58 =	vsub.s32 v52, v53;
	vm14 =	veq.s32 v17, $0x0;
	v4 =	vsel vm1, v59, v7  }
0x1cc: {  	s5 =	sadd.s32 $0x20, s5;
	[tilespmem:s12+$0x0] =	vst v10;
	vm9 =	vle.s32 v61, v58;
	v4 =	vsel vm5, $0x0, v4;
	v3 =	vsel vm13, $0x0, v3  }
0x1cd: {  	[tilespmem:s5+$0xFFFFFFF0] =	vst v6;
	vm1 =	vmor vm12, vm9;
	v62 =	vsel vm14, $0x0, v60;
	v3 =	vsel vm0, v3, v9  }
0x1ce: {  	s14 =	sadd.s32 $0x20, s5;
	vm15 =	veq.s32 v5, $0x0;
	[tilespmem:s5+$0x0] =	vst v4;
	v63 =	vsel vm1, v62, v5;
	v3 =	vsel vm10, $0x0, v3  }
0x1cf: {  	[tilespmem:s14+$0xFFFFFFF0] =	vst v3;
	v3 =	vsel vm15, $0x0, v63  }
0x1d0: {  	s29 =	rddreg [dreg:$0x2];
	[tilespmem:s14+$0x0] =	vst v3  }
.LBB2_6:
0x1d1: {  	_ =	swait.ge [sflag:s11], $0x2000  }
0x1d2: {  	[sflag:s11] =	ssyncset.done $0x0  }
0x1d3: {  	[sflag:s11] =	ssyncadd.s32 $0xFFFFE000  }
0x1d4: {  	_ =	swait.ge [sflag:s11], $0x2000  }
0x1d5: {  	[sflag:s11] =	ssyncset.done $0x0  }
0x1d6: {  	[sflag:s11] =	ssyncadd.s32 $0xFFFFE000  }
0x1d7: {  	_ =	swait.ge [sflag:s11], $0x2000  }
0x1d8: {  	[sflag:s11] =	ssyncset.done $0x0  }
0x1d9: {  	[sflag:s11] =	ssyncadd.s32 $0xFFFFE000  }
0x1da: {  	_ =	swait.ge [sflag:s11], $0x2000  }
0x1db: {  	p0 =	seq.s32 s24, $0x0;
	[sflag:s11] =	ssyncset.done $0x0  }
0x1dc: {  	s5 =	simm.s32 @!p0 $0x3;
	[sflag:s11] =	ssyncadd.s32 $0xFFFFE000  }
0x1dd: {  	_ =	swait.ge @!p0 [sflag:s5], $0x1000  }
0x1de: {  	[sflag:s5] =	ssyncset.done @!p0 $0x0  }
0x1df: {  	[sflag:s5] =	ssyncadd.s32 @!p0 $0xFFFFF000  }
0x1e0: {  	_ =	swait.ge @!p0 [sflag:s5], $0x1000  }
0x1e1: {  	[sflag:s5] =	ssyncset.done @!p0 $0x0  }
0x1e2: {  	[sflag:s5] =	ssyncadd.s32 @!p0 $0xFFFFF000  }
0x1e3: {  	_ =	swait.ge @!p0 [sflag:s5], $0x1000  }
0x1e4: {  	[sflag:s5] =	ssyncset.done @!p0 $0x0  }
0x1e5: {  	[sflag:s5] =	ssyncadd.s32 @!p0 $0xFFFFF000  }
0x1e6: {  	_ =	swait.ge @!p0 [sflag:s5], $0x1000  }
0x1e7: {  	[sflag:s5] =	ssyncset.done @!p0 $0x0  }
0x1e8: {  	s13 =	simm.s32 $0x3040;
	[sflag:s5] =	ssyncadd.s32 @!p0 $0xFFFFF000  }
0x1e9: {  	v3 =	vld [tilespmem:s13+$0x30]  }
0x1ea: {  	v4 =	vld [tilespmem:s13+$0xFFFFFFD0]  }
0x1eb: {  	v5 =	vld [tilespmem:s13+$0xFFFFFFE0]  }
0x1ec: {  	v6 =	vld [tilespmem:s13+$0xFFFFFFF0]  }
0x1ed: {  	v7 =	vld [tilespmem:s13+$0x0]  }
0x1ee: {  	v8 =	vld [tilespmem:s13+$0x10]  }
0x1ef: {  	v9 =	vld [tilespmem:s13+$0x20]  }
0x1f0: {  	v10 =	vld [tilespmem:s13+$0xFFFFFFC0]  }
0x1f1: {  	v11 =	vld.idx.msk [tilespmem:v3+s28+$0x0], $0xffff  }
0x1f2: {  	v12 =	vld.idx.msk [tilespmem:v4+s28+$0x0], $0xffff  }
0x1f3: {  	v13 =	vld.idx.msk [tilespmem:v5+s28+$0x0], $0xffff  }
0x1f4: {  	v14 =	vadd.s32 $0x2000, v3;
	v15 =	vld.idx.msk [tilespmem:v6+s28+$0x0], $0xffff  }
0x1f5: {  	v16 =	vadd.s32 $0x2000, v4;
	v17 =	vld.idx.msk [tilespmem:v7+s28+$0x0], $0xffff  }
0x1f6: {  	s12 =	simm.s32 $0x16000;
	v18 =	vadd.s32 $0x2000, v5;
	v19 =	vld.idx.msk [tilespmem:v8+s28+$0x0], $0xffff  }
0x1f7: {  	v20 =	vadd.s32 $0x2000, v6;
	v21 =	vld.idx.msk [tilespmem:v9+s28+$0x0], $0xffff;
	[tilespmem:s12+$0xFFFFE070] =	vst v11  }
0x1f8: {  	v47 =	vadd.s32 $0x2000, v8;
	v22 =	vld.idx.msk [tilespmem:v10+s28+$0x0], $0xffff;
	[tilespmem:s12+$0xFFFFE010] =	vst v12  }
0x1f9: {  	v50 =	vadd.s32 $0x2000, v10;
	[tilespmem:s12+$0xFFFFE020] =	vst v13;
	v46 =	vld.idx.msk [tilespmem:v14+s28+$0x0], $0xffff  }
0x1fa: {  	v51 =	vadd.s32 $0x2000, v9;
	[tilespmem:s12+$0xFFFFE030] =	vst v15;
	v48 =	vld.idx.msk [tilespmem:v16+s28+$0x0], $0xffff  }
0x1fb: {  	v11 =	vadd.s32 $0x2000, v7;
	[tilespmem:s12+$0xFFFFE040] =	vst v17;
	v18 =	vld.idx.msk [tilespmem:v18+s28+$0x0], $0xffff  }
0x1fc: {  	v49 =	vadd.s32 $0x4000, v3;
	[tilespmem:s12+$0xFFFFE050] =	vst v19;
	v20 =	vld.idx.msk [tilespmem:v20+s28+$0x0], $0xffff  }
0x1fd: {  	v52 =	vadd.s32 $0x4000, v4;
	[tilespmem:s12+$0xFFFFE000] =	vst v22;
	v14 =	vld.idx.msk [tilespmem:v47+s28+$0x0], $0xffff  }
0x1fe: {  	v53 =	vadd.s32 $0x4000, v5;
	[tilespmem:s12+$0xFFFFE060] =	vst v21;
	v16 =	vld.idx.msk [tilespmem:v50+s28+$0x0], $0xffff  }
0x1ff: {  	v54 =	vadd.s32 $0x4000, v6;
	v56 =	vld.idx.msk [tilespmem:v51+s28+$0x0], $0xffff;
	[tilespmem:s12+$0xFFFFF070] =	vst v46  }
0x200: {  	v57 =	vadd.s32 $0x4000, v10;
	v11 =	vld.idx.msk [tilespmem:v11+s28+$0x0], $0xffff;
	[tilespmem:s12+$0xFFFFF010] =	vst v48  }
0x201: {  	v59 =	vadd.s32 $0x4000, v8;
	[tilespmem:s12+$0xFFFFF020] =	vst v18;
	v15 =	vld.idx.msk [tilespmem:v49+s28+$0x0], $0xffff  }
0x202: {  	v55 =	vadd.s32 $0x4000, v7;
	[tilespmem:s12+$0xFFFFF030] =	vst v20;
	v58 =	vld.idx.msk [tilespmem:v52+s28+$0x0], $0xffff  }
0x203: {  	v3 =	vadd.s32 $0x6000, v3;
	[tilespmem:s12+$0xFFFFF050] =	vst v14;
	v60 =	vld.idx.msk [tilespmem:v53+s28+$0x0], $0xffff  }
0x204: {  	v4 =	vadd.s32 $0x6000, v4;
	[tilespmem:s12+$0xFFFFF000] =	vst v16;
	v12 =	vld.idx.msk [tilespmem:v54+s28+$0x0], $0xffff  }
0x205: {  	v16 =	vld.idx.msk [tilespmem:v57+s28+$0x0], $0xffff;
	[tilespmem:s12+$0xFFFFF040] =	vst v11;
	v11 =	vadd.s32 $0x4000, v9  }
0x206: {  	v5 =	vadd.s32 $0x6000, v5;
	[tilespmem:s12+$0xFFFFF060] =	vst v56;
	v62 =	vld.idx.msk [tilespmem:v59+s28+$0x0], $0xffff  }
0x207: {  	v6 =	vadd.s32 $0x6000, v6;
	v61 =	vld.idx.msk [tilespmem:v55+s28+$0x0], $0xffff;
	[tilespmem:s12+$0x70] =	vst v15  }
0x208: {  	v10 =	vadd.s32 $0x6000, v10;
	[tilespmem:s12+$0x10] =	vst v58;
	v15 =	vld.idx.msk [tilespmem:v3+s28+$0x0], $0xffff  }
0x209: {  	v7 =	vadd.s32 $0x6000, v7;
	[tilespmem:s12+$0x20] =	vst v60;
	v63 =	vld.idx.msk [tilespmem:v4+s28+$0x0], $0xffff  }
0x20a: {  	v8 =	vadd.s32 $0x6000, v8;
	[tilespmem:s12+$0x30] =	vst v12;
	v11 =	vld.idx.msk [tilespmem:v11+s28+$0x0], $0xffff  }
0x20b: {  	v9 =	vadd.s32 $0x6000, v9;
	[tilespmem:s12+$0x0] =	vst v16;
	v3 =	vld.idx.msk [tilespmem:v5+s28+$0x0], $0xffff  }
0x20c: {  	[tilespmem:s12+$0x50] =	vst v62;
	v4 =	vld.idx.msk [tilespmem:v6+s28+$0x0], $0xffff  }
0x20d: {  	v5 =	vld.idx.msk [tilespmem:v10+s28+$0x0], $0xffff;
	[tilespmem:s12+$0x40] =	vst v61  }
0x20e: {  	v7 =	vld.idx.msk [tilespmem:v7+s28+$0x0], $0xffff;
	[tilespmem:s12+$0x1070] =	vst v15  }
0x20f: {  	s14 =	sshll.u32 s24, $0x1;
	v6 =	vld.idx.msk [tilespmem:v8+s28+$0x0], $0xffff;
	[tilespmem:s12+$0x60] =	vst v11  }
0x210: {  	s9 =	simm.s32 $0x0;
	s5 =	sadd.s32 s4, s14;
	s13 =	simm.s32 $0x30C0;
	[tilespmem:s12+$0x1010] =	vst v63;
	v8 =	vld.idx.msk [tilespmem:v9+s28+$0x0], $0xffff  }
.LBB2_7:
0x211: {  	v9 =	vld [tilespmem:s13+$0x30];
	s9 =	sadd.s32 $0x8, s9;
	[tilespmem:s12+$0x1020] =	vst v3  }
0x212: {  	v3 =	vld [tilespmem:s13+$0xFFFFFFD0];
	p1 =	slt.u32 s9, $0xF8;
	[tilespmem:s12+$0x1030] =	vst v4  }
0x213: {  	v4 =	vld [tilespmem:s13+$0xFFFFFFE0];
	[tilespmem:s12+$0x1040] =	vst v7  }
0x214: {  	v7 =	vld [tilespmem:s13+$0xFFFFFFF0];
	[tilespmem:s12+$0x1000] =	vst v5  }
0x215: {  	v5 =	vld [tilespmem:s13+$0x0];
	[tilespmem:s12+$0x1050] =	vst v6  }
0x216: {  	v6 =	vld [tilespmem:s13+$0x10];
	[tilespmem:s12+$0x1060] =	vst v8  }
0x217: {  	v8 =	vadd.s32 $0x2000, v3;
	v10 =	vadd.s32 $0x4000, v3;
	v11 =	vadd.s32 $0x6000, v3;
	v12 =	vld [tilespmem:s13+$0x20]  }
0x218: {  	v13 =	vld [tilespmem:s13+$0xFFFFFFC0];
	v14 =	vadd.s32 $0x2000, v4;
	v15 =	vadd.s32 $0x4000, v4;
	v16 =	vadd.s32 $0x6000, v4  }
0x219: {  	v17 =	vadd.s32 $0x2000, v7;
	v18 =	vadd.s32 $0x4000, v7;
	v19 =	vadd.s32 $0x6000, v7;
	v20 =	vld.idx.msk [tilespmem:v9+s28+$0x0], $0xffff  }
0x21a: {  	v3 =	vld.idx.msk [tilespmem:v3+s28+$0x0], $0xffff;
	v21 =	vadd.s32 $0x2000, v5;
	v22 =	vadd.s32 $0x4000, v5;
	v23 =	vadd.s32 $0x6000, v5  }
0x21b: {  	v26 =	vadd.s32 $0x2000, v9;
	v4 =	vld.idx.msk [tilespmem:v4+s28+$0x0], $0xffff;
	v24 =	vadd.s32 $0x2000, v6;
	v25 =	vadd.s32 $0x4000, v6  }
0x21c: {  	v27 =	vadd.s32 $0x6000, v6;
	v7 =	vld.idx.msk [tilespmem:v7+s28+$0x0], $0xffff;
	v28 =	vadd.s32 $0x2000, v12;
	v29 =	vadd.s32 $0x4000, v12  }
0x21d: {  	v30 =	vadd.s32 $0x2000, v13;
	v31 =	vadd.s32 $0x4000, v13;
	v32 =	vadd.s32 $0x6000, v13;
	v5 =	vld.idx.msk [tilespmem:v5+s28+$0x0], $0xffff  }
0x21e: {  	s12 =	sadd.s32 $0x80, s12;
	v33 =	vadd.s32 $0x6000, v12;
	v6 =	vld.idx.msk [tilespmem:v6+s28+$0x0], $0xffff  }
0x21f: {  	v12 =	vld.idx.msk [tilespmem:v12+s28+$0x0], $0xffff;
	[tilespmem:s12+$0xFFFFE070] =	vst v20  }
0x220: {  	[tilespmem:s12+$0xFFFFE010] =	vst v3;
	v3 =	vld.idx.msk [tilespmem:v26+s28+$0x0], $0xffff  }
0x221: {  	v13 =	vld.idx.msk [tilespmem:v13+s28+$0x0], $0xffff;
	[tilespmem:s12+$0xFFFFE020] =	vst v4  }
0x222: {  	v4 =	vld.idx.msk [tilespmem:v8+s28+$0x0], $0xffff;
	[tilespmem:s12+$0xFFFFE030] =	vst v7;
	v7 =	vadd.s32 $0x4000, v9  }
0x223: {  	v8 =	vld.idx.msk [tilespmem:v14+s28+$0x0], $0xffff;
	[tilespmem:s12+$0xFFFFE040] =	vst v5  }
0x224: {  	v5 =	vld.idx.msk [tilespmem:v17+s28+$0x0], $0xffff;
	[tilespmem:s12+$0xFFFFE050] =	vst v6  }
0x225: {  	v6 =	vld.idx.msk [tilespmem:v21+s28+$0x0], $0xffff;
	[tilespmem:s12+$0xFFFFE060] =	vst v12  }
0x226: {  	v12 =	vld.idx.msk [tilespmem:v24+s28+$0x0], $0xffff;
	[tilespmem:s12+$0xFFFFF070] =	vst v3  }
0x227: {  	[tilespmem:s12+$0xFFFFE000] =	vst v13;
	v3 =	vld.idx.msk [tilespmem:v7+s28+$0x0], $0xffff  }
0x228: {  	v7 =	vld.idx.msk [tilespmem:v30+s28+$0x0], $0xffff;
	[tilespmem:s12+$0xFFFFF010] =	vst v4  }
0x229: {  	[tilespmem:s12+$0xFFFFF020] =	vst v8;
	v4 =	vld.idx.msk [tilespmem:v28+s28+$0x0], $0xffff;
	v8 =	vadd.s32 $0x6000, v9  }
0x22a: {  	v9 =	vld.idx.msk [tilespmem:v10+s28+$0x0], $0xffff;
	[tilespmem:s12+$0xFFFFF030] =	vst v5  }
0x22b: {  	v5 =	vld.idx.msk [tilespmem:v15+s28+$0x0], $0xffff;
	[tilespmem:s12+$0xFFFFF040] =	vst v6  }
0x22c: {  	v6 =	vld.idx.msk [tilespmem:v18+s28+$0x0], $0xffff;
	[tilespmem:s12+$0xFFFFF050] =	vst v12  }
0x22d: {  	v10 =	vld.idx.msk [tilespmem:v22+s28+$0x0], $0xffff;
	[tilespmem:s12+$0x70] =	vst v3  }
0x22e: {  	[tilespmem:s12+$0xFFFFF000] =	vst v7;
	v7 =	vld.idx.msk [tilespmem:v8+s28+$0x0], $0xffff  }
0x22f: {  	v8 =	vld.idx.msk [tilespmem:v31+s28+$0x0], $0xffff;
	[tilespmem:s12+$0xFFFFF060] =	vst v4  }
0x230: {  	[tilespmem:s12+$0x10] =	vst v9;
	v9 =	vld.idx.msk [tilespmem:v25+s28+$0x0], $0xffff  }
0x231: {  	[tilespmem:s12+$0x20] =	vst v5;
	v12 =	vld.idx.msk [tilespmem:v29+s28+$0x0], $0xffff  }
0x232: {  	v11 =	vld.idx.msk [tilespmem:v11+s28+$0x0], $0xffff;
	[tilespmem:s12+$0x30] =	vst v6  }
0x233: {  	v3 =	vld.idx.msk [tilespmem:v16+s28+$0x0], $0xffff;
	[tilespmem:s12+$0x40] =	vst v10  }
.Ltmp2:
0x234: {  	v4 =	vld.idx.msk [tilespmem:v19+s28+$0x0], $0xffff;
	[tilespmem:s12+$0x1070] =	vst v7;
	(pc) =	sbr.rel @p1 .LBB2_7-.Ltmp2, $4  }
0x235: {  	[tilespmem:s12+$0x0] =	vst v8;
	v7 =	vld.idx.msk [tilespmem:v23+s28+$0x0], $0xffff  }
0x236: {  	v5 =	vld.idx.msk [tilespmem:v32+s28+$0x0], $0xffff;
	[tilespmem:s12+$0x50] =	vst v9  }
0x237: {  	v6 =	vld.idx.msk [tilespmem:v27+s28+$0x0], $0xffff;
	[tilespmem:s12+$0x60] =	vst v12  }
0x238: {  	s13 =	sadd.s32 $0x80, s13;
	[tilespmem:s12+$0x1010] =	vst v11;
	v8 =	vld.idx.msk [tilespmem:v33+s28+$0x0], $0xffff  }
0x239: {  	[tilespmem:s12+$0x1020] =	vst v3  }
0x23a: {  	[tilespmem:s12+$0x1030] =	vst v4  }
0x23b: {  	s9 =	sshll.u32 s5, $0xB;
	[tilespmem:s12+$0x1040] =	vst v7  }
0x23c: {  	s9 =	sand.u32 $0x1F000, s9;
	[tilespmem:s12+$0x1000] =	vst v5  }
0x23d: {  	s9 =	sor.u32 s15, s9;
	[tilespmem:s12+$0x1050] =	vst v6  }
0x23e: {  	s13 =	simm.s32 $0x14000;
	s14 =	sadd.s32 s29, s9;
	[tilespmem:s12+$0x1060] =	vst v8  }
0x23f: {  	[hbm4b:s14+s25] =	stream.strided.scatter [tilespmem:s13], [sflag:$0x3], $0x1000, s26, s25, $0x38;
	[tilespmem:$0x1C000] =	vst v63  }
0x240: {  	s13 =	sadd.s32 s9, s16;
	s14 =	simm.s32 $0x15000  }
0x241: {  	[hbm4b:s13+s25] =	stream.strided.scatter [tilespmem:s14], [sflag:$0x3], $0x1000, s26, s25, $0x38;
	[tilespmem:$0x1C000] =	vst v63  }
0x242: {  	s13 =	sadd.s32 s9, s17;
	s14 =	simm.s32 $0x16000  }
0x243: {  	[hbm4b:s13+s25] =	stream.strided.scatter [tilespmem:s14], [sflag:$0x3], $0x1000, s26, s25, $0x38;
	[tilespmem:$0x1C000] =	vst v63  }
0x244: {  	s13 =	sadd.s32 s9, s18;
	s14 =	simm.s32 $0x17000  }
0x245: {  	[hbm4b:s13+s25] =	stream.strided.scatter [tilespmem:s14], [sflag:$0x3], $0x1000, s26, s25, $0x38;
	[tilespmem:$0x1C000] =	vst v63  }
0x246: {  	s13 =	sadd.s32 $0x2, s5  }
0x247: {  	s12 =	smin.u32 s13, s19  }
0x248: {  	s14 =	sshll.u32 s12, $0xC;
	s12 =	sshll.u32 s12, $0x6  }
0x249: {  	s12 =	sand.u32 $0x40, s12;
	s13 =	sand.u32 $0x1FE000, s14  }
0x24a: {  	s12 =	sor.u32 s12, s13  }
0x24b: {  	s12 =	sadd.s32 s1, s12  }
0x24c: {  	[tilespmem:s28], [sflag:$0x1] =	stream.strided.gather [hbm4b:s12+s25], $0x2000, s26, s25, $0x38;
	[tilespmem:$0x1C000] =	vst v63  }
0x24d: {  	s14 =	simm.s32 $0x6000;
	s13 =	sadd.s32 $0x10, s12  }
0x24e: {  	[tilespmem:s14], [sflag:$0x1] =	stream.strided.gather [hbm4b:s13+s25], $0x2000, s26, s25, $0x38;
	[tilespmem:$0x1C000] =	vst v63  }
0x24f: {  	s14 =	sadd.s32 $0x20, s12  }
0x250: {  	[tilespmem:s30], [sflag:$0x1] =	stream.strided.gather [hbm4b:s14+s25], $0x2000, s26, s25, $0x38;
	[tilespmem:$0x1C000] =	vst v63  }
0x251: {  	s12 =	sadd.s32 $0x30, s12  }
0x252: {  	[tilespmem:s31], [sflag:$0x1] =	stream.strided.gather [hbm4b:s12+s25], $0x2000, s26, s25, $0x38;
	[tilespmem:$0x1C000] =	vst v63  }
0x253: {  	_ =	swait.ge [sflag:s7], $0x2000  }
0x254: {  	[sflag:s7] =	ssyncset.done $0x0  }
0x255: {  	[sflag:s7] =	ssyncadd.s32 $0xFFFFE000  }
0x256: {  	_ =	swait.ge [sflag:s7], $0x2000  }
0x257: {  	[sflag:s7] =	ssyncset.done $0x0  }
0x258: {  	[sflag:s7] =	ssyncadd.s32 $0xFFFFE000  }
0x259: {  	_ =	swait.ge [sflag:s7], $0x2000  }
0x25a: {  	[sflag:s7] =	ssyncset.done $0x0  }
0x25b: {  	[sflag:s7] =	ssyncadd.s32 $0xFFFFE000  }
0x25c: {  	_ =	swait.ge [sflag:s7], $0x2000  }
0x25d: {  	[sflag:s7] =	ssyncset.done $0x0  }
0x25e: {  	s12 =	simm.s32 @!p0 $0x4;
	[sflag:s7] =	ssyncadd.s32 $0xFFFFE000  }
0x25f: {  	_ =	swait.ge @!p0 [sflag:s12], $0x1000  }
0x260: {  	[sflag:s12] =	ssyncset.done @!p0 $0x0  }
0x261: {  	[sflag:s12] =	ssyncadd.s32 @!p0 $0xFFFFF000  }
0x262: {  	_ =	swait.ge @!p0 [sflag:s12], $0x1000  }
0x263: {  	[sflag:s12] =	ssyncset.done @!p0 $0x0  }
0x264: {  	[sflag:s12] =	ssyncadd.s32 @!p0 $0xFFFFF000  }
0x265: {  	_ =	swait.ge @!p0 [sflag:s12], $0x1000  }
0x266: {  	[sflag:s12] =	ssyncset.done @!p0 $0x0  }
0x267: {  	[sflag:s12] =	ssyncadd.s32 @!p0 $0xFFFFF000  }
0x268: {  	_ =	swait.ge @!p0 [sflag:s12], $0x1000  }
0x269: {  	[sflag:s12] =	ssyncset.done @!p0 $0x0  }
0x26a: {  	s14 =	simm.s32 $0x3040;
	[sflag:s12] =	ssyncadd.s32 @!p0 $0xFFFFF000  }
0x26b: {  	v3 =	vld [tilespmem:s14+$0x30]  }
0x26c: {  	v4 =	vld [tilespmem:s14+$0xFFFFFFD0]  }
0x26d: {  	v5 =	vld [tilespmem:s14+$0xFFFFFFE0]  }
0x26e: {  	v6 =	vld [tilespmem:s14+$0xFFFFFFF0]  }
0x26f: {  	v7 =	vld [tilespmem:s14+$0x0]  }
0x270: {  	v8 =	vld [tilespmem:s14+$0x10]  }
0x271: {  	v9 =	vld [tilespmem:s14+$0x20]  }
0x272: {  	v10 =	vld [tilespmem:s14+$0xFFFFFFC0]  }
0x273: {  	v11 =	vld.idx.msk [tilespmem:v3+s2+$0x0], $0xffff  }
0x274: {  	v12 =	vld.idx.msk [tilespmem:v4+s2+$0x0], $0xffff  }
0x275: {  	v13 =	vld.idx.msk [tilespmem:v5+s2+$0x0], $0xffff  }
0x276: {  	v14 =	vadd.s32 $0x2000, v3;
	v15 =	vld.idx.msk [tilespmem:v6+s2+$0x0], $0xffff  }
0x277: {  	v16 =	vadd.s32 $0x2000, v4;
	v17 =	vld.idx.msk [tilespmem:v7+s2+$0x0], $0xffff  }
0x278: {  	s12 =	simm.s32 $0x1A000;
	v18 =	vadd.s32 $0x2000, v5;
	v19 =	vld.idx.msk [tilespmem:v8+s2+$0x0], $0xffff  }
0x279: {  	v20 =	vadd.s32 $0x2000, v6;
	v21 =	vld.idx.msk [tilespmem:v9+s2+$0x0], $0xffff;
	[tilespmem:s12+$0xFFFFE070] =	vst v11  }
0x27a: {  	v47 =	vadd.s32 $0x2000, v8;
	v22 =	vld.idx.msk [tilespmem:v10+s2+$0x0], $0xffff;
	[tilespmem:s12+$0xFFFFE010] =	vst v12  }
0x27b: {  	v50 =	vadd.s32 $0x2000, v10;
	[tilespmem:s12+$0xFFFFE020] =	vst v13;
	v46 =	vld.idx.msk [tilespmem:v14+s2+$0x0], $0xffff  }
0x27c: {  	v51 =	vadd.s32 $0x2000, v9;
	[tilespmem:s12+$0xFFFFE030] =	vst v15;
	v48 =	vld.idx.msk [tilespmem:v16+s2+$0x0], $0xffff  }
0x27d: {  	v11 =	vadd.s32 $0x2000, v7;
	[tilespmem:s12+$0xFFFFE040] =	vst v17;
	v18 =	vld.idx.msk [tilespmem:v18+s2+$0x0], $0xffff  }
0x27e: {  	v49 =	vadd.s32 $0x4000, v3;
	[tilespmem:s12+$0xFFFFE050] =	vst v19;
	v20 =	vld.idx.msk [tilespmem:v20+s2+$0x0], $0xffff  }
0x27f: {  	v52 =	vadd.s32 $0x4000, v4;
	[tilespmem:s12+$0xFFFFE000] =	vst v22;
	v14 =	vld.idx.msk [tilespmem:v47+s2+$0x0], $0xffff  }
0x280: {  	v53 =	vadd.s32 $0x4000, v5;
	[tilespmem:s12+$0xFFFFE060] =	vst v21;
	v16 =	vld.idx.msk [tilespmem:v50+s2+$0x0], $0xffff  }
0x281: {  	v54 =	vadd.s32 $0x4000, v6;
	v56 =	vld.idx.msk [tilespmem:v51+s2+$0x0], $0xffff;
	[tilespmem:s12+$0xFFFFF070] =	vst v46  }
0x282: {  	v57 =	vadd.s32 $0x4000, v10;
	v11 =	vld.idx.msk [tilespmem:v11+s2+$0x0], $0xffff;
	[tilespmem:s12+$0xFFFFF010] =	vst v48  }
0x283: {  	v59 =	vadd.s32 $0x4000, v8;
	[tilespmem:s12+$0xFFFFF020] =	vst v18;
	v15 =	vld.idx.msk [tilespmem:v49+s2+$0x0], $0xffff  }
0x284: {  	v55 =	vadd.s32 $0x4000, v7;
	[tilespmem:s12+$0xFFFFF030] =	vst v20;
	v58 =	vld.idx.msk [tilespmem:v52+s2+$0x0], $0xffff  }
0x285: {  	v3 =	vadd.s32 $0x6000, v3;
	[tilespmem:s12+$0xFFFFF050] =	vst v14;
	v60 =	vld.idx.msk [tilespmem:v53+s2+$0x0], $0xffff  }
0x286: {  	v4 =	vadd.s32 $0x6000, v4;
	[tilespmem:s12+$0xFFFFF000] =	vst v16;
	v12 =	vld.idx.msk [tilespmem:v54+s2+$0x0], $0xffff  }
0x287: {  	v16 =	vld.idx.msk [tilespmem:v57+s2+$0x0], $0xffff;
	[tilespmem:s12+$0xFFFFF040] =	vst v11;
	v11 =	vadd.s32 $0x4000, v9  }
0x288: {  	v5 =	vadd.s32 $0x6000, v5;
	[tilespmem:s12+$0xFFFFF060] =	vst v56;
	v62 =	vld.idx.msk [tilespmem:v59+s2+$0x0], $0xffff  }
0x289: {  	v6 =	vadd.s32 $0x6000, v6;
	v61 =	vld.idx.msk [tilespmem:v55+s2+$0x0], $0xffff;
	[tilespmem:s12+$0x70] =	vst v15  }
0x28a: {  	v10 =	vadd.s32 $0x6000, v10;
	[tilespmem:s12+$0x10] =	vst v58;
	v15 =	vld.idx.msk [tilespmem:v3+s2+$0x0], $0xffff  }
0x28b: {  	v7 =	vadd.s32 $0x6000, v7;
	[tilespmem:s12+$0x20] =	vst v60;
	v63 =	vld.idx.msk [tilespmem:v4+s2+$0x0], $0xffff  }
0x28c: {  	v8 =	vadd.s32 $0x6000, v8;
	[tilespmem:s12+$0x30] =	vst v12;
	v11 =	vld.idx.msk [tilespmem:v11+s2+$0x0], $0xffff  }
0x28d: {  	v9 =	vadd.s32 $0x6000, v9;
	[tilespmem:s12+$0x0] =	vst v16;
	v3 =	vld.idx.msk [tilespmem:v5+s2+$0x0], $0xffff  }
0x28e: {  	[tilespmem:s12+$0x50] =	vst v62;
	v4 =	vld.idx.msk [tilespmem:v6+s2+$0x0], $0xffff  }
0x28f: {  	v5 =	vld.idx.msk [tilespmem:v10+s2+$0x0], $0xffff;
	[tilespmem:s12+$0x40] =	vst v61  }
0x290: {  	v6 =	vld.idx.msk [tilespmem:v7+s2+$0x0], $0xffff;
	[tilespmem:s12+$0x1070] =	vst v15  }
0x291: {  	v7 =	vld.idx.msk [tilespmem:v8+s2+$0x0], $0xffff;
	[tilespmem:s12+$0x60] =	vst v11  }
0x292: {  	s13 =	simm.s32 $0x0;
	s14 =	simm.s32 $0x30C0;
	[tilespmem:s12+$0x1010] =	vst v63;
	v8 =	vld.idx.msk [tilespmem:v9+s2+$0x0], $0xffff  }
.LBB2_9:
0x293: {  	v9 =	vld [tilespmem:s14+$0x30];
	s13 =	sadd.s32 $0x8, s13;
	[tilespmem:s12+$0x1020] =	vst v3  }
0x294: {  	v3 =	vld [tilespmem:s14+$0xFFFFFFD0];
	p0 =	slt.u32 s13, $0xF8;
	[tilespmem:s12+$0x1030] =	vst v4  }
0x295: {  	v4 =	vld [tilespmem:s14+$0xFFFFFFE0];
	[tilespmem:s12+$0x1040] =	vst v6  }
0x296: {  	v6 =	vld [tilespmem:s14+$0xFFFFFFF0];
	[tilespmem:s12+$0x1000] =	vst v5  }
0x297: {  	v5 =	vld [tilespmem:s14+$0x0];
	[tilespmem:s12+$0x1050] =	vst v7  }
0x298: {  	v7 =	vld [tilespmem:s14+$0x10];
	[tilespmem:s12+$0x1060] =	vst v8  }
0x299: {  	v8 =	vadd.s32 $0x2000, v3;
	v10 =	vadd.s32 $0x4000, v3;
	v11 =	vadd.s32 $0x6000, v3;
	v12 =	vld [tilespmem:s14+$0x20]  }
0x29a: {  	v13 =	vld [tilespmem:s14+$0xFFFFFFC0];
	v14 =	vadd.s32 $0x2000, v4;
	v15 =	vadd.s32 $0x4000, v4;
	v16 =	vadd.s32 $0x6000, v4  }
0x29b: {  	v17 =	vadd.s32 $0x2000, v6;
	v18 =	vadd.s32 $0x4000, v6;
	v19 =	vadd.s32 $0x6000, v6;
	v20 =	vld.idx.msk [tilespmem:v9+s2+$0x0], $0xffff  }
0x29c: {  	v3 =	vld.idx.msk [tilespmem:v3+s2+$0x0], $0xffff;
	v21 =	vadd.s32 $0x2000, v5;
	v22 =	vadd.s32 $0x4000, v5;
	v23 =	vadd.s32 $0x6000, v5  }
0x29d: {  	v26 =	vadd.s32 $0x2000, v9;
	v4 =	vld.idx.msk [tilespmem:v4+s2+$0x0], $0xffff;
	v24 =	vadd.s32 $0x2000, v7;
	v25 =	vadd.s32 $0x4000, v7  }
0x29e: {  	v27 =	vadd.s32 $0x6000, v7;
	v6 =	vld.idx.msk [tilespmem:v6+s2+$0x0], $0xffff;
	v28 =	vadd.s32 $0x2000, v12;
	v29 =	vadd.s32 $0x4000, v12  }
0x29f: {  	v30 =	vadd.s32 $0x2000, v13;
	v31 =	vadd.s32 $0x4000, v13;
	v32 =	vadd.s32 $0x6000, v13;
	v5 =	vld.idx.msk [tilespmem:v5+s2+$0x0], $0xffff  }
0x2a0: {  	s12 =	sadd.s32 $0x80, s12;
	v33 =	vadd.s32 $0x6000, v12;
	v7 =	vld.idx.msk [tilespmem:v7+s2+$0x0], $0xffff  }
0x2a1: {  	v12 =	vld.idx.msk [tilespmem:v12+s2+$0x0], $0xffff;
	[tilespmem:s12+$0xFFFFE070] =	vst v20  }
0x2a2: {  	[tilespmem:s12+$0xFFFFE010] =	vst v3;
	v3 =	vld.idx.msk [tilespmem:v26+s2+$0x0], $0xffff  }
0x2a3: {  	v13 =	vld.idx.msk [tilespmem:v13+s2+$0x0], $0xffff;
	[tilespmem:s12+$0xFFFFE020] =	vst v4  }
0x2a4: {  	v4 =	vld.idx.msk [tilespmem:v8+s2+$0x0], $0xffff;
	[tilespmem:s12+$0xFFFFE030] =	vst v6;
	v6 =	vadd.s32 $0x4000, v9  }
0x2a5: {  	v8 =	vld.idx.msk [tilespmem:v14+s2+$0x0], $0xffff;
	[tilespmem:s12+$0xFFFFE040] =	vst v5  }
0x2a6: {  	v5 =	vld.idx.msk [tilespmem:v17+s2+$0x0], $0xffff;
	[tilespmem:s12+$0xFFFFE050] =	vst v7  }
0x2a7: {  	v7 =	vld.idx.msk [tilespmem:v21+s2+$0x0], $0xffff;
	[tilespmem:s12+$0xFFFFE060] =	vst v12  }
0x2a8: {  	v12 =	vld.idx.msk [tilespmem:v24+s2+$0x0], $0xffff;
	[tilespmem:s12+$0xFFFFF070] =	vst v3  }
0x2a9: {  	[tilespmem:s12+$0xFFFFE000] =	vst v13;
	v3 =	vld.idx.msk [tilespmem:v6+s2+$0x0], $0xffff  }
0x2aa: {  	v6 =	vld.idx.msk [tilespmem:v30+s2+$0x0], $0xffff;
	[tilespmem:s12+$0xFFFFF010] =	vst v4  }
0x2ab: {  	[tilespmem:s12+$0xFFFFF020] =	vst v8;
	v4 =	vld.idx.msk [tilespmem:v28+s2+$0x0], $0xffff;
	v8 =	vadd.s32 $0x6000, v9  }
0x2ac: {  	v9 =	vld.idx.msk [tilespmem:v10+s2+$0x0], $0xffff;
	[tilespmem:s12+$0xFFFFF030] =	vst v5  }
0x2ad: {  	v5 =	vld.idx.msk [tilespmem:v15+s2+$0x0], $0xffff;
	[tilespmem:s12+$0xFFFFF040] =	vst v7  }
0x2ae: {  	v7 =	vld.idx.msk [tilespmem:v18+s2+$0x0], $0xffff;
	[tilespmem:s12+$0xFFFFF050] =	vst v12  }
0x2af: {  	v10 =	vld.idx.msk [tilespmem:v22+s2+$0x0], $0xffff;
	[tilespmem:s12+$0x70] =	vst v3  }
0x2b0: {  	[tilespmem:s12+$0xFFFFF000] =	vst v6;
	v6 =	vld.idx.msk [tilespmem:v8+s2+$0x0], $0xffff  }
0x2b1: {  	v8 =	vld.idx.msk [tilespmem:v31+s2+$0x0], $0xffff;
	[tilespmem:s12+$0xFFFFF060] =	vst v4  }
0x2b2: {  	[tilespmem:s12+$0x10] =	vst v9;
	v9 =	vld.idx.msk [tilespmem:v25+s2+$0x0], $0xffff  }
0x2b3: {  	[tilespmem:s12+$0x20] =	vst v5;
	v12 =	vld.idx.msk [tilespmem:v29+s2+$0x0], $0xffff  }
0x2b4: {  	v11 =	vld.idx.msk [tilespmem:v11+s2+$0x0], $0xffff;
	[tilespmem:s12+$0x30] =	vst v7  }
0x2b5: {  	v3 =	vld.idx.msk [tilespmem:v16+s2+$0x0], $0xffff;
	[tilespmem:s12+$0x40] =	vst v10  }
.Ltmp3:
0x2b6: {  	v4 =	vld.idx.msk [tilespmem:v19+s2+$0x0], $0xffff;
	[tilespmem:s12+$0x1070] =	vst v6;
	(pc) =	sbr.rel @p0 .LBB2_9-.Ltmp3, $4  }
0x2b7: {  	[tilespmem:s12+$0x0] =	vst v8;
	v6 =	vld.idx.msk [tilespmem:v23+s2+$0x0], $0xffff  }
0x2b8: {  	v5 =	vld.idx.msk [tilespmem:v32+s2+$0x0], $0xffff;
	[tilespmem:s12+$0x50] =	vst v9  }
0x2b9: {  	v7 =	vld.idx.msk [tilespmem:v27+s2+$0x0], $0xffff;
	[tilespmem:s12+$0x60] =	vst v12  }
0x2ba: {  	s14 =	sadd.s32 $0x80, s14;
	[tilespmem:s12+$0x1010] =	vst v11;
	v8 =	vld.idx.msk [tilespmem:v33+s2+$0x0], $0xffff  }
0x2bb: {  	[tilespmem:s12+$0x1020] =	vst v3  }
0x2bc: {  	[tilespmem:s12+$0x1030] =	vst v4  }
0x2bd: {  	[tilespmem:s12+$0x1040] =	vst v6  }
0x2be: {  	[tilespmem:s12+$0x1000] =	vst v5  }
0x2bf: {  	s5 =	sadd.s32 $0x3, s5;
	[tilespmem:s12+$0x1050] =	vst v7  }
0x2c0: {  	s14 =	sadd.s32 s9, s20;
	s13 =	simm.s32 $0x18000;
	s5 =	smin.u32 s5, s19;
	[tilespmem:s12+$0x1060] =	vst v8  }
0x2c1: {  	[hbm4b:s14+s25] =	stream.strided.scatter [tilespmem:s13], [sflag:$0x4], $0x1000, s26, s25, $0x38;
	[tilespmem:$0x1C000] =	vst v63  }
0x2c2: {  	s12 =	sshll.u32 s5, $0xC;
	s13 =	sadd.s32 s9, s21;
	s14 =	simm.s32 $0x19000  }
0x2c3: {  	[hbm4b:s13+s25] =	stream.strided.scatter [tilespmem:s14], [sflag:$0x4], $0x1000, s26, s25, $0x38;
	[tilespmem:$0x1C000] =	vst v63  }
0x2c4: {  	s5 =	sshll.u32 s5, $0x6;
	s13 =	sadd.s32 s9, s22;
	s14 =	simm.s32 $0x1A000  }
0x2c5: {  	[hbm4b:s13+s25] =	stream.strided.scatter [tilespmem:s14], [sflag:$0x4], $0x1000, s26, s25, $0x38;
	[tilespmem:$0x1C000] =	vst v63  }
0x2c6: {  	s5 =	sand.u32 $0x40, s5;
	s13 =	sadd.s32 s9, s23;
	s9 =	sand.u32 $0x1FE000, s12  }
0x2c7: {  	s14 =	simm.s32 $0x1B000;
	s5 =	sor.u32 s5, s9  }
0x2c8: {  	[hbm4b:s13+s25] =	stream.strided.scatter [tilespmem:s14], [sflag:$0x4], $0x1000, s26, s25, $0x38;
	[tilespmem:$0x1C000] =	vst v63  }
0x2c9: {  	s24 =	sadd.s32 $0x1, s24;
	s5 =	sadd.s32 s1, s5  }
0x2ca: {  	[tilespmem:s2], [sflag:$0x2] =	stream.strided.gather [hbm4b:s5+s25], $0x2000, s26, s25, $0x38;
	[tilespmem:$0x1C000] =	vst v63  }
0x2cb: {  	p0 =	sne.s32 s24, $0x8;
	s13 =	sadd.s32 $0x10, s5  }
0x2cc: {  	[tilespmem:s0], [sflag:$0x2] =	stream.strided.gather [hbm4b:s13+s25], $0x2000, s26, s25, $0x38;
	[tilespmem:$0x1C000] =	vst v63  }
.Ltmp4:
0x2cd: {  	_ = 	snop;
	(pc) =	sbr.rel @p0 .LBB2_6-.Ltmp4, $4  }
0x2ce: {  	s14 =	sadd.s32 $0x20, s5  }
0x2cf: {  	[tilespmem:s3], [sflag:$0x2] =	stream.strided.gather [hbm4b:s14+s25], $0x2000, s26, s25, $0x38;
	[tilespmem:$0x1C000] =	vst v63  }
0x2d0: {  	s5 =	sadd.s32 $0x30, s5  }
0x2d1: {  	[tilespmem:s8], [sflag:$0x2] =	stream.strided.gather [hbm4b:s5+s25], $0x2000, s26, s25, $0x38;
	[tilespmem:$0x1C000] =	vst v63  }
0x2d2: {  	_ =	swait.ge [sflag:s11], $0x2000  }
0x2d3: {  	[sflag:s11] =	ssyncset.done $0x0  }
0x2d4: {  	[sflag:s11] =	ssyncadd.s32 $0xFFFFE000  }
0x2d5: {  	_ =	swait.ge [sflag:s11], $0x2000  }
0x2d6: {  	[sflag:s11] =	ssyncset.done $0x0  }
0x2d7: {  	[sflag:s11] =	ssyncadd.s32 $0xFFFFE000  }
0x2d8: {  	_ =	swait.ge [sflag:s11], $0x2000  }
0x2d9: {  	[sflag:s11] =	ssyncset.done $0x0  }
0x2da: {  	[sflag:s11] =	ssyncadd.s32 $0xFFFFE000  }
0x2db: {  	_ =	swait.ge [sflag:s11], $0x2000  }
0x2dc: {  	[sflag:s11] =	ssyncset.done $0x0  }
0x2dd: {  	s5 =	simm.s32 $0x3;
	[sflag:s11] =	ssyncadd.s32 $0xFFFFE000  }
0x2de: {  	_ =	swait.ge [sflag:s5], $0x1000  }
0x2df: {  	[sflag:s5] =	ssyncset.done $0x0  }
0x2e0: {  	[sflag:s5] =	ssyncadd.s32 $0xFFFFF000  }
0x2e1: {  	_ =	swait.ge [sflag:s5], $0x1000  }
0x2e2: {  	[sflag:s5] =	ssyncset.done $0x0  }
0x2e3: {  	[sflag:s5] =	ssyncadd.s32 $0xFFFFF000  }
0x2e4: {  	_ =	swait.ge [sflag:s5], $0x1000  }
0x2e5: {  	[sflag:s5] =	ssyncset.done $0x0  }
0x2e6: {  	[sflag:s5] =	ssyncadd.s32 $0xFFFFF000  }
0x2e7: {  	_ =	swait.ge [sflag:s5], $0x1000  }
0x2e8: {  	[sflag:s5] =	ssyncset.done $0x0  }
0x2e9: {  	[sflag:s5] =	ssyncadd.s32 $0xFFFFF000  }
0x2ea: {  	_ =	swait.ge [sflag:s7], $0x2000  }
0x2eb: {  	[sflag:s7] =	ssyncset.done $0x0  }
0x2ec: {  	[sflag:s7] =	ssyncadd.s32 $0xFFFFE000  }
0x2ed: {  	_ =	swait.ge [sflag:s7], $0x2000  }
0x2ee: {  	[sflag:s7] =	ssyncset.done $0x0  }
0x2ef: {  	[sflag:s7] =	ssyncadd.s32 $0xFFFFE000  }
0x2f0: {  	_ =	swait.ge [sflag:s7], $0x2000  }
0x2f1: {  	[sflag:s7] =	ssyncset.done $0x0  }
0x2f2: {  	[sflag:s7] =	ssyncadd.s32 $0xFFFFE000  }
0x2f3: {  	_ =	swait.ge [sflag:s7], $0x2000  }
0x2f4: {  	[sflag:s7] =	ssyncset.done $0x0  }
0x2f5: {  	s9 =	simm.s32 $0x4;
	[sflag:s7] =	ssyncadd.s32 $0xFFFFE000  }
0x2f6: {  	_ =	swait.ge [sflag:s9], $0x1000  }
0x2f7: {  	[sflag:s9] =	ssyncset.done $0x0  }
0x2f8: {  	[sflag:s9] =	ssyncadd.s32 $0xFFFFF000  }
0x2f9: {  	_ =	swait.ge [sflag:s9], $0x1000  }
0x2fa: {  	[sflag:s9] =	ssyncset.done $0x0  }
0x2fb: {  	[sflag:s9] =	ssyncadd.s32 $0xFFFFF000  }
0x2fc: {  	_ =	swait.ge [sflag:s9], $0x1000  }
0x2fd: {  	[sflag:s9] =	ssyncset.done $0x0  }
0x2fe: {  	[sflag:s9] =	ssyncadd.s32 $0xFFFFF000  }
0x2ff: {  	_ =	swait.ge [sflag:s9], $0x1000  }
0x300: {  	s12 =	rddreg [dreg:$0xd]  }
0x301: {  	s29 =	rddreg [dreg:$0xc];
	s12 =	sadd.s32 $0x1, s12  }
0x302: {  	p0 =	sne.s32 s12, s29  }
.Ltmp5:
0x303: {  	_ = 	snop;
	(pc) =	sbr.rel @p0 .LBB2_1-.Ltmp5, $3  }
0x304: {  	_ =	sdelay $0x1  }
0x305: {  	[sflag:s9] =	ssyncset.done $0x0  }
0x306: {  	[sflag:s9] =	ssyncadd.s32 $0xFFFFF000  }
0x307: {  	_ =	sfence.sel $0x180000  }
0x308: {  	[bflag:$0x0] =	sbarrier.arrive $0xFFFF  }
0x309: {  	_ =	strace $0x90000047  }
0x30a: {  	s0 =	stileid.u32;
	[bflag:$0x2] =	sbarrier.arrive $0xFFFF  }
0x30b: {  	p0 =	sne.s32 s0, $0x0;
	s0 =	rddreg [dreg:$0x3]  }
0x30c: {  	s0 =	sadd.s32 @!p0 $0x100000, s0  }
0x30d: {  	[sflag:s0] =	ssyncadd.tile.s32 @!p0 $0x1;
	_ =	shalt  }
.Lfunc_end2:
_tile_overlayer_lowered:
.L_overlay_start_2:
0x30e: {  	(tag) =	ssettag $0x2  }
0x30f: {  	s0 =	rddreg [dreg:$0x0];
	s2 =	stileid.u32  }
0x310: {  	s1 =	rddreg [dreg:$0x1];
	p0 =	sne.s32 s2, $0x0  }
0x311: {  	s3 =	rddreg [dreg:$0x2];
	[bflag:$0x3] =	sbarrier.arrive $0xFFFF;
	s2 =	simm.s32 @!p0 $0x1C05  }
0x312: {  	[timem:s3], [sflag:s2] =	dma.local @!p0 [hbm:s0], s1  }
0x313: {  	s0 =	simm.s32 @!p0 $0x5  }
0x314: {  	_ =	swait.ge @!p0 [sflag:s0], s1  }
0x315: {  	s1 =	ssub.s32 @!p0 $0x0, s1;
	[sflag:s0] =	ssyncset.done @!p0 $0x0  }
0x316: {  	[sflag:s0] =	ssyncadd.s32 @!p0 s1  }
0x317: {  	[bflag:$0x3] =	sbarrier.arrive $0xFFFF  }
0x318: {  	_ =	shalt  }

</sc_bundles>
